<compile_context>
chip_gen: v7x
topology: tpu7x:2x2x1
jax: 0.10.2.dev20260603
libtpu: 0.0.44.dev20260713+nightly
codegen_flags: <defaults>
</compile_context>

<pallas_src>
import jax
import jax.numpy as jnp
from jax import lax
from jax.experimental import pallas as pl
from jax.experimental.pallas import tpu as pltpu
from jax.experimental.pallas import tpu_sc as plsc

N_NODES = 10000
N_PAD = 10240
ROWS_PER_TILE = N_PAD // 16
TAIL_ROWS = N_NODES - 640 * 15
D_FEAT = 128
D_Q = 32
NQ = 4
N_CLASSES = 64
NC = 2
NS = 16
LANE = 128

_MESH = plsc.VectorSubcoreMesh(core_axis_name="c", subcore_axis_name="s")
_SC_PARAMS = pltpu.CompilerParams(use_tc_tiling_on_sc=False)



def _deg_body(dst_hbm, out_hbm, idx_v, ones_v, zeros_v, deg_sh):
    c = lax.axis_index("c")
    s = lax.axis_index("s")
    w = c * NS + s
    t_rows = dst_hbm.shape[1]

    for i in range(LANE // 16):
        ones_v[pl.ds(i * 16, 16)] = jnp.ones((16,), jnp.float32)
    for i in range(ROWS_PER_TILE // 16):
        zeros_v[pl.ds(i * 16, 16)] = jnp.zeros((16,), jnp.float32)

    pltpu.sync_copy(zeros_v, deg_sh.at[pl.ds(s * ROWS_PER_TILE, ROWS_PER_TILE)])

    pltpu.sync_copy(dst_hbm.at[w], idx_v)
    plsc.subcore_barrier()

    def body(j, carry):
        pltpu.sync_copy(ones_v, deg_sh.at[idx_v.at[j]], add=True)
        return carry

    lax.fori_loop(0, t_rows, body, 0)
    plsc.subcore_barrier()

    pltpu.sync_copy(deg_sh.at[pl.ds(s * ROWS_PER_TILE, ROWS_PER_TILE)],
                    out_hbm.at[c, pl.ds(s * ROWS_PER_TILE, ROWS_PER_TILE)])


def _deg_call(dst_p):
    t_rows = dst_p.shape[1]
    f = pl.kernel(
        _deg_body,
        out_type=jax.ShapeDtypeStruct((NC, N_PAD), jnp.float32),
        mesh=_MESH,
        scratch_types=[
            pltpu.VMEM((t_rows, LANE), jnp.int32),
            pltpu.VMEM((LANE,), jnp.float32),
            pltpu.VMEM((ROWS_PER_TILE,), jnp.float32),
            pltpu.VMEM_SHARED((N_PAD,), jnp.float32),
        ],
        compiler_params=_SC_PARAMS,
    )
    return f(dst_p)



_NBUF = 4


def _prop_body(g_hbm, src_hbm, dst_hbm, out_hbm,
               sidx, didx, rows_v, zbuf, gsems, ssems, g_sh, acc_sh):
    c = lax.axis_index("c")
    s = lax.axis_index("s")
    t_rows = src_hbm.shape[1]
    n_groups = t_rows // _NBUF

    def zrow(r, carry):
        for i in range(D_Q // 16):
            zbuf[r, pl.ds(i * 16, 16)] = jnp.zeros((16,), jnp.float32)
        return carry

    lax.fori_loop(0, LANE, zrow, 0)

    pltpu.sync_copy(src_hbm.at[s], sidx)
    pltpu.sync_copy(dst_hbm.at[s], didx)

    def g_issue(j, b):
        pltpu.async_copy(g_sh.at[sidx.at[j]], rows_v.at[b], gsems.at[b])

    def g_wait(j, b):
        pltpu.make_async_copy(
            g_sh.at[sidx.at[j]], rows_v.at[b], gsems.at[b]).wait()

    def s_issue(j, b):
        pltpu.async_copy(rows_v.at[b], acc_sh.at[didx.at[j]], ssems.at[b],
                         add=True)

    def s_wait(j, b):
        pltpu.make_async_copy(
            rows_v.at[b], acc_sh.at[didx.at[j]], ssems.at[b]).wait()

    for q in range(2):
        qbase = (2 * c + q) * N_NODES

        @pl.when(s < NS - 1)
        def _():
            pltpu.sync_copy(
                g_hbm.at[pl.ds(qbase + s * ROWS_PER_TILE, ROWS_PER_TILE)],
                g_sh.at[pl.ds(s * ROWS_PER_TILE, ROWS_PER_TILE)])

        @pl.when(s == NS - 1)
        def _():
            pltpu.sync_copy(
                g_hbm.at[pl.ds(qbase + (NS - 1) * ROWS_PER_TILE, TAIL_ROWS)],
                g_sh.at[pl.ds((NS - 1) * ROWS_PER_TILE, TAIL_ROWS)])

        for i in range(ROWS_PER_TILE // LANE):
            pltpu.sync_copy(
                zbuf, acc_sh.at[pl.ds(s * ROWS_PER_TILE + i * LANE, LANE)])

        plsc.subcore_barrier()

        for b in range(_NBUF):
            g_issue(b, b)

        def group(g, carry):
            for b in range(_NBUF):
                j = g * _NBUF + b
                g_wait(j, b)
                s_issue(j, b)
                pb = (b - 1) % _NBUF
                if b == 0:
                    @pl.when(g > 0)
                    def _():
                        s_wait(j - 1, pb)
                        g_issue(j - 1 + _NBUF, pb)
                else:
                    s_wait(j - 1, pb)

                    @pl.when(g < n_groups - 1)
                    def _():
                        g_issue(j - 1 + _NBUF, pb)
            return carry

        lax.fori_loop(0, n_groups, group, 0)
        s_wait(t_rows - 1, (t_rows - 1) % _NBUF)
        plsc.subcore_barrier()

        @pl.when(s < NS - 1)
        def _():
            pltpu.sync_copy(
                acc_sh.at[pl.ds(s * ROWS_PER_TILE, ROWS_PER_TILE)],
                out_hbm.at[pl.ds(qbase + s * ROWS_PER_TILE, ROWS_PER_TILE)])

        @pl.when(s == NS - 1)
        def _():
            pltpu.sync_copy(
                acc_sh.at[pl.ds((NS - 1) * ROWS_PER_TILE, TAIL_ROWS)],
                out_hbm.at[pl.ds(qbase + (NS - 1) * ROWS_PER_TILE,
                                 TAIL_ROWS)])


def _prop_call(g_flat, src_p, dst_p):
    t_rows = src_p.shape[1]
    f = pl.kernel(
        _prop_body,
        out_type=jax.ShapeDtypeStruct((NQ * N_NODES, D_Q), jnp.float32),
        mesh=_MESH,
        scratch_types=[
            pltpu.VMEM((t_rows, LANE), jnp.int32),
            pltpu.VMEM((t_rows, LANE), jnp.int32),
            pltpu.VMEM((_NBUF, LANE, D_Q), jnp.float32),
            pltpu.VMEM((LANE, D_Q), jnp.float32),
            pltpu.SemaphoreType.DMA((_NBUF,)),
            pltpu.SemaphoreType.DMA((_NBUF,)),
            pltpu.VMEM_SHARED((N_PAD, D_Q), jnp.float32),
            pltpu.VMEM_SHARED((N_PAD, D_Q), jnp.float32),
        ],
        compiler_params=_SC_PARAMS,
    )
    return f(g_flat, src_p, dst_p)



def _scale_x_body(x_ref, p_ref, g_ref, d_ref):
    deg = p_ref[0] + p_ref[1] + 1.0
    d = lax.rsqrt(deg)
    d_ref[...] = d
    for k in range(NQ):
        g_ref[k] = x_ref[:, k * D_Q:(k + 1) * D_Q] * d


def _scale_x_call(x, partials3):
    bn = 2000
    grid = N_NODES // bn
    return pl.pallas_call(
        _scale_x_body,
        grid=(grid,),
        in_specs=[
            pl.BlockSpec((bn, D_FEAT), lambda i: (i, 0)),
            pl.BlockSpec((NC, bn, 1), lambda i: (0, i, 0)),
        ],
        out_specs=[
            pl.BlockSpec((NQ, bn, D_Q), lambda i: (0, i, 0)),
            pl.BlockSpec((bn, 1), lambda i: (i, 0)),
        ],
        out_shape=[
            jax.ShapeDtypeStruct((NQ, N_NODES, D_Q), jnp.float32),
            jax.ShapeDtypeStruct((N_NODES, 1), jnp.float32),
        ],
    )(x, partials3)


def _mid_body(s_ref, g_ref, d_ref, o_ref):
    d = d_ref[...]
    o_ref[...] = (s_ref[...] + g_ref[...]) * (d * d)


def _mid_call(s1, g0, dcol):
    bn = 2000
    grid = N_NODES // bn
    return pl.pallas_call(
        _mid_body,
        grid=(grid,),
        in_specs=[
            pl.BlockSpec((NQ, bn, D_Q), lambda i: (0, i, 0)),
            pl.BlockSpec((NQ, bn, D_Q), lambda i: (0, i, 0)),
            pl.BlockSpec((bn, 1), lambda i: (i, 0)),
        ],
        out_specs=pl.BlockSpec((NQ, bn, D_Q), lambda i: (0, i, 0)),
        out_shape=jax.ShapeDtypeStruct((NQ, N_NODES, D_Q), jnp.float32),
    )(s1, g0, dcol)


def _final_body(s_ref, g_ref, d_ref, w_ref, b_ref, o_ref):
    d = d_ref[...]
    h2 = jnp.concatenate(
        [(s_ref[k] + g_ref[k]) * d for k in range(NQ)], axis=1)
    o = lax.dot_general(h2, w_ref[...],
                        dimension_numbers=(((1,), (1,)), ((), ())),
                        preferred_element_type=jnp.float32,
                        precision=lax.Precision.HIGHEST)
    o = o + b_ref[...]
    m = jnp.max(o, axis=1, keepdims=True)
    e = jnp.exp(o - m)
    lse = jnp.log(jnp.sum(e, axis=1, keepdims=True)) + m
    o_ref[...] = o - lse


def _final_call(s2, g1, dcol, W, b2):
    bn = 2000
    grid = N_NODES // bn
    return pl.pallas_call(
        _final_body,
        grid=(grid,),
        in_specs=[
            pl.BlockSpec((NQ, bn, D_Q), lambda i: (0, i, 0)),
            pl.BlockSpec((NQ, bn, D_Q), lambda i: (0, i, 0)),
            pl.BlockSpec((bn, 1), lambda i: (i, 0)),
            pl.BlockSpec((N_CLASSES, D_FEAT), lambda i: (0, 0)),
            pl.BlockSpec((1, N_CLASSES), lambda i: (0, 0)),
        ],
        out_specs=pl.BlockSpec((bn, N_CLASSES), lambda i: (i, 0)),
        out_shape=jax.ShapeDtypeStruct((N_NODES, N_CLASSES), jnp.float32),
    )(s2, g1, dcol, W, b2)



def kernel(x, edge_index, W, b):
    src = edge_index[0].astype(jnp.int32)
    dst = edge_index[1].astype(jnp.int32)
    e = src.shape[0]

    t1 = -(-e // (NC * NS * LANE))
    e1 = NC * NS * t1 * LANE
    dst_p1 = jnp.concatenate(
        [dst, jnp.full((e1 - e,), N_NODES, jnp.int32)]).reshape(
            NC * NS, t1, LANE)
    partials = _deg_call(dst_p1)

    partials3 = partials[:, :N_NODES].reshape(NC, N_NODES, 1)
    g0, dcol = _scale_x_call(x, partials3)

    t2 = -(-e // (NS * LANE))
    t2 = -(-t2 // _NBUF) * _NBUF
    e2 = NS * t2 * LANE
    src_p = jnp.concatenate(
        [src, jnp.zeros((e2 - e,), jnp.int32)]).reshape(NS, t2, LANE)
    dst_p = jnp.concatenate(
        [dst, jnp.full((e2 - e,), N_NODES, jnp.int32)]).reshape(NS, t2, LANE)

    s1 = _prop_call(g0.reshape(NQ * N_NODES, D_Q), src_p, dst_p)
    g1 = _mid_call(s1.reshape(NQ, N_NODES, D_Q), g0, dcol)
    s2 = _prop_call(g1.reshape(NQ * N_NODES, D_Q), src_p, dst_p)

    return _final_call(s2.reshape(NQ, N_NODES, D_Q), g1, dcol, W,
                       b.reshape(1, N_CLASSES))

# --- scband reference (transcript-rebuilt; emitter-appended) ---
"""Pipeline reference for scband-sgc-65283502899216 (READ-ONLY COPY).

The authoritative reference and input builder live on the scoring server;
editing this copy changes nothing except your own understanding.
"""

import jax, jax.numpy as jnp
import numpy as np

N = 10000
E = 320000
D = 128
C = 64
K = 2


def setup_inputs(seed: int = 0) -> dict:
    key = jax.random.key(seed)
    k1, k2, k3 = jax.random.split(key, 3)
    x = jax.random.normal(k1, (N, D), dtype=jnp.float32)
    edge_index = jax.random.randint(k2, (2, E), 0, N)
    W = jax.random.normal(k3, (C, D), dtype=jnp.float32) * (1.0 / np.sqrt(D))
    b = jnp.zeros((C,), dtype=jnp.float32)
    return {"x": x, "edge_index": edge_index, "W": W, "b": b}


def reference(x, edge_index, W, b):
    # SGConv with K=2, GCN normalization with self-loops (cached norm recomputed here)
    src = edge_index[0]
    dst = edge_index[1]
    loop = jnp.arange(N, dtype=src.dtype)
    src = jnp.concatenate([src, loop])
    dst = jnp.concatenate([dst, loop])
    ones = jnp.ones(src.shape[0], dtype=x.dtype)
    deg = jax.ops.segment_sum(ones, dst, num_segments=N)
    dinv = jnp.where(deg > 0, 1.0 / jnp.sqrt(deg), 0.0)
    norm = dinv[src] * dinv[dst]
    h = x
    for _ in range(K):
        msgs = norm[:, None] * h[src]
        h = jax.ops.segment_sum(msgs, dst, num_segments=N)
    out = h @ W.T + b
    return jax.nn.log_softmax(out, axis=1)

if __name__ == "__main__":
    import jax
    _d = setup_inputs()
    print(jax.jit(kernel)(*tuple(_d.values())))

</pallas_src>

<mosaic_0001>
#map = affine_map<(d0, d1) -> (0, 0)>
#map1 = affine_map<(d0, d1) -> (0, 0, 0)>
module attributes {stable_mosaic.version = 14 : i64} {
  func.func @_prop_body(%arg0: i32, %arg1: i32, %arg2: memref<40000x32xf32, #tpu.memory_space<hbm>>, %arg3: memref<16x160x128xi32, #tpu.memory_space<hbm>>, %arg4: memref<16x160x128xi32, #tpu.memory_space<hbm>>, %arg5: memref<40000x32xf32, #tpu.memory_space<hbm>>, %arg6: memref<160x128xi32, #tpu.memory_space<vmem>>, %arg7: memref<160x128xi32, #tpu.memory_space<vmem>>, %arg8: memref<4x128x32xf32, #tpu.memory_space<vmem>>, %arg9: memref<128x32xf32, #tpu.memory_space<vmem>>, %arg10: memref<4x!tpu.dma_semaphore, #tpu.memory_space<semaphore_mem>>, %arg11: memref<4x!tpu.dma_semaphore, #tpu.memory_space<semaphore_mem>>, %arg12: memref<10240x32xf32, #tpu.memory_space<vmem_shared>>, %arg13: memref<10240x32xf32, #tpu.memory_space<vmem_shared>>) attributes {dimension_semantics = [#tpu.dimension_semantics<core_parallel>, #tpu.dimension_semantics<subcore_parallel>], iteration_bounds = array<i64: 2, 16>, scalar_prefetch = 0 : i64, scratch_operands = 8 : i64, tpu.core_type = #tpu.core_type<sc_vector_subcore>, window_params = [{transform_indices = #map}, {transform_indices = #map1}, {transform_indices = #map1}, {transform_indices = #map}]} {
    %scan3A = arith.constant 0 : i32
    %scan3A_0 = arith.constant 0 : i32
    %scan3A_1 = arith.constant 128 : i32
    %scan3A_2 = arith.addi %scan3A_0, %scan3A_1 : i32
    %scan3A_3 = arith.constant 1 : i32
    scf.for %scan3A_254 = %scan3A_0 to %scan3A_2 step %scan3A_3  : i32 {
      %broadcast_in_dim3A = arith.constant 0.000000e+00 : f32
      %broadcast_in_dim3A_255 = vector.broadcast %broadcast_in_dim3A : f32 to vector<16xf32>
      %swap3A = arith.index_cast %scan3A_254 : i32 to index
      %swap3A_256 = arith.constant 0 : index
      %swap3A_257 = tpu.vector_load %arg9[%swap3A, %swap3A_256] {strides = array<i32>} : memref<128x32xf32, #tpu.memory_space<vmem>>, vector<1x16xf32>,
      %swap3A_258 = vector.shape_cast %swap3A_257 : vector<1x16xf32> to vector<16xf32>
      %swap3A_259 = vector.shape_cast %broadcast_in_dim3A_255 : vector<16xf32> to vector<1x16xf32>
      tpu.vector_store %arg9[%swap3A, %swap3A_256], %swap3A_259 {strides = array<i32>} : memref<128x32xf32, #tpu.memory_space<vmem>>, vector<1x16xf32>,
      %broadcast_in_dim3A_260 = arith.constant 0.000000e+00 : f32
      %broadcast_in_dim3A_261 = vector.broadcast %broadcast_in_dim3A_260 : f32 to vector<16xf32>
      %swap3A_262 = arith.index_cast %scan3A_254 : i32 to index
      %swap3A_263 = arith.constant 16 : index
      %swap3A_264 = tpu.vector_load %arg9[%swap3A_262, %swap3A_263] {strides = array<i32>} : memref<128x32xf32, #tpu.memory_space<vmem>>, vector<1x16xf32>,
      %swap3A_265 = vector.shape_cast %swap3A_264 : vector<1x16xf32> to vector<16xf32>
      %swap3A_266 = vector.shape_cast %broadcast_in_dim3A_261 : vector<16xf32> to vector<1x16xf32>
      tpu.vector_store %arg9[%swap3A_262, %swap3A_263], %swap3A_266 {strides = array<i32>} : memref<128x32xf32, #tpu.memory_space<vmem>>, vector<1x16xf32>,
    }
    %scan3A_4 = arith.constant 128 : i32
    "tpu.region"() ({
      %run_scoped3A = tpu.sem_alloc : memref<!tpu.dma_semaphore, #tpu.memory_space<semaphore_mem>>
      %dma_start3A_254 = arith.constant 0 : i32
      %dma_start3A_255 = arith.constant 0 : i32
      %dma_start3A_256 = tpu.memref_slice %arg3[%arg1, %dma_start3A_254, %dma_start3A_255] : memref<16x160x128xi32, #tpu.memory_space<hbm>> -> memref<1x160x128xi32, #tpu.memory_space<hbm>>
      %dma_start3A_257 = tpu.memref_squeeze %dma_start3A_256 : memref<1x160x128xi32, #tpu.memory_space<hbm>> -> memref<160x128xi32, #tpu.memory_space<hbm>>
      %dma_start3A_258 = arith.constant 0 : i32
      %dma_start3A_259 = arith.constant 0 : i32
      %dma_start3A_260 = tpu.memref_slice %arg3[%arg1, %dma_start3A_258, %dma_start3A_259] : memref<16x160x128xi32, #tpu.memory_space<hbm>> -> memref<1x160x128xi32, #tpu.memory_space<hbm>>
      %dma_start3A_261 = tpu.memref_squeeze %dma_start3A_260 : memref<1x160x128xi32, #tpu.memory_space<hbm>> -> memref<160x128xi32, #tpu.memory_space<hbm>>
      tpu.enqueue_dma source(%dma_start3A_261 : memref<160x128xi32, #tpu.memory_space<hbm>>) target(%arg6 : memref<160x128xi32, #tpu.memory_space<vmem>>) target_semaphore(%run_scoped3A : memref<!tpu.dma_semaphore, #tpu.memory_space<semaphore_mem>>)
      %dma_wait3A_262 = arith.constant 0 : i32
      %dma_wait3A_263 = arith.constant 0 : i32
      %dma_wait3A_264 = tpu.memref_slice %arg3[%arg1, %dma_wait3A_262, %dma_wait3A_263] : memref<16x160x128xi32, #tpu.memory_space<hbm>> -> memref<1x160x128xi32, #tpu.memory_space<hbm>>
      %dma_wait3A_265 = tpu.memref_squeeze %dma_wait3A_264 : memref<1x160x128xi32, #tpu.memory_space<hbm>> -> memref<160x128xi32, #tpu.memory_space<hbm>>
      %dma_wait3A_266 = arith.constant 0 : i32
      %dma_wait3A_267 = arith.constant 0 : i32
      %dma_wait3A_268 = tpu.memref_slice %arg3[%arg1, %dma_wait3A_266, %dma_wait3A_267] : memref<16x160x128xi32, #tpu.memory_space<hbm>> -> memref<1x160x128xi32, #tpu.memory_space<hbm>>
      %dma_wait3A_269 = tpu.memref_squeeze %dma_wait3A_268 : memref<1x160x128xi32, #tpu.memory_space<hbm>> -> memref<160x128xi32, #tpu.memory_space<hbm>>
      tpu.wait_dma2 semaphore(%run_scoped3A : memref<!tpu.dma_semaphore, #tpu.memory_space<semaphore_mem>>) src(%dma_wait3A_269 : memref<160x128xi32, #tpu.memory_space<hbm>>) dst(%arg6 : memref<160x128xi32, #tpu.memory_space<vmem>>)
      tpu.yield
    }) : () -> ()
    "tpu.region"() ({
      %run_scoped3A = tpu.sem_alloc : memref<!tpu.dma_semaphore, #tpu.memory_space<semaphore_mem>>
      %dma_start3A_254 = arith.constant 0 : i32
      %dma_start3A_255 = arith.constant 0 : i32
      %dma_start3A_256 = tpu.memref_slice %arg4[%arg1, %dma_start3A_254, %dma_start3A_255] : memref<16x160x128xi32, #tpu.memory_space<hbm>> -> memref<1x160x128xi32, #tpu.memory_space<hbm>>
      %dma_start3A_257 = tpu.memref_squeeze %dma_start3A_256 : memref<1x160x128xi32, #tpu.memory_space<hbm>> -> memref<160x128xi32, #tpu.memory_space<hbm>>
      %dma_start3A_258 = arith.constant 0 : i32
      %dma_start3A_259 = arith.constant 0 : i32
      %dma_start3A_260 = tpu.memref_slice %arg4[%arg1, %dma_start3A_258, %dma_start3A_259] : memref<16x160x128xi32, #tpu.memory_space<hbm>> -> memref<1x160x128xi32, #tpu.memory_space<hbm>>
      %dma_start3A_261 = tpu.memref_squeeze %dma_start3A_260 : memref<1x160x128xi32, #tpu.memory_space<hbm>> -> memref<160x128xi32, #tpu.memory_space<hbm>>
      tpu.enqueue_dma source(%dma_start3A_261 : memref<160x128xi32, #tpu.memory_space<hbm>>) target(%arg7 : memref<160x128xi32, #tpu.memory_space<vmem>>) target_semaphore(%run_scoped3A : memref<!tpu.dma_semaphore, #tpu.memory_space<semaphore_mem>>)
      %dma_wait3A_262 = arith.constant 0 : i32
      %dma_wait3A_263 = arith.constant 0 : i32
      %dma_wait3A_264 = tpu.memref_slice %arg4[%arg1, %dma_wait3A_262, %dma_wait3A_263] : memref<16x160x128xi32, #tpu.memory_space<hbm>> -> memref<1x160x128xi32, #tpu.memory_space<hbm>>
      %dma_wait3A_265 = tpu.memref_squeeze %dma_wait3A_264 : memref<1x160x128xi32, #tpu.memory_space<hbm>> -> memref<160x128xi32, #tpu.memory_space<hbm>>
      %dma_wait3A_266 = arith.constant 0 : i32
      %dma_wait3A_267 = arith.constant 0 : i32
      %dma_wait3A_268 = tpu.memref_slice %arg4[%arg1, %dma_wait3A_266, %dma_wait3A_267] : memref<16x160x128xi32, #tpu.memory_space<hbm>> -> memref<1x160x128xi32, #tpu.memory_space<hbm>>
      %dma_wait3A_269 = tpu.memref_squeeze %dma_wait3A_268 : memref<1x160x128xi32, #tpu.memory_space<hbm>> -> memref<160x128xi32, #tpu.memory_space<hbm>>
      tpu.wait_dma2 semaphore(%run_scoped3A : memref<!tpu.dma_semaphore, #tpu.memory_space<semaphore_mem>>) src(%dma_wait3A_269 : memref<160x128xi32, #tpu.memory_space<hbm>>) dst(%arg7 : memref<160x128xi32, #tpu.memory_space<vmem>>)
      tpu.yield
    }) : () -> ()
    %mul3A = arith.constant 2 : i32
    %mul3A_5 = arith.muli %mul3A, %arg0 : i32
    %add3A = arith.constant 0 : i32
    %add3A_6 = arith.addi %mul3A_5, %add3A : i32
    %mul3A_7 = arith.constant 10000 : i32
    %mul3A_8 = arith.muli %add3A_6, %mul3A_7 : i32
    %lt3A = arith.constant 15 : i32
    %lt3A_9 = arith.cmpi slt, %arg1, %lt3A : i32
    %convert_element_type3A = arith.extui %lt3A_9 : i1 to i32
    %cond3A = arith.constant 0 : i32
    %cond3A_10 = arith.cmpi ne, %convert_element_type3A, %cond3A : i32
    scf.if %cond3A_10 {
      %mul3A_254 = arith.constant 640 : i32
      %mul3A_255 = arith.muli %arg1, %mul3A_254 : i32
      %add3A_256 = arith.addi %mul3A_8, %mul3A_255 : i32
      %mul3A_257 = arith.constant 640 : i32
      %mul3A_258 = arith.muli %arg1, %mul3A_257 : i32
      "tpu.region"() ({
        %run_scoped3A = tpu.sem_alloc : memref<!tpu.dma_semaphore, #tpu.memory_space<semaphore_mem>>
        %dma_start3A_259 = arith.constant 0 : i32
        %dma_start3A_260 = tpu.memref_slice %arg12[%mul3A_258, %dma_start3A_259] : memref<10240x32xf32, #tpu.memory_space<vmem_shared>> -> memref<640x32xf32, #tpu.memory_space<vmem_shared>>
        %dma_start3A_261 = arith.constant 0 : i32
        %dma_start3A_262 = tpu.memref_slice %arg2[%add3A_256, %dma_start3A_261] : memref<40000x32xf32, #tpu.memory_space<hbm>> -> memref<640x32xf32, #tpu.memory_space<hbm>>
        tpu.enqueue_dma source(%dma_start3A_262 : memref<640x32xf32, #tpu.memory_space<hbm>>) target(%dma_start3A_260 : memref<640x32xf32, #tpu.memory_space<vmem_shared>>) target_semaphore(%run_scoped3A : memref<!tpu.dma_semaphore, #tpu.memory_space<semaphore_mem>>)
        %dma_wait3A_263 = arith.constant 0 : i32
        %dma_wait3A_264 = tpu.memref_slice %arg12[%mul3A_258, %dma_wait3A_263] : memref<10240x32xf32, #tpu.memory_space<vmem_shared>> -> memref<640x32xf32, #tpu.memory_space<vmem_shared>>
        %dma_wait3A_265 = arith.constant 0 : i32
        %dma_wait3A_266 = tpu.memref_slice %arg2[%add3A_256, %dma_wait3A_265] : memref<40000x32xf32, #tpu.memory_space<hbm>> -> memref<640x32xf32, #tpu.memory_space<hbm>>
        tpu.wait_dma2 semaphore(%run_scoped3A : memref<!tpu.dma_semaphore, #tpu.memory_space<semaphore_mem>>) src(%dma_wait3A_266 : memref<640x32xf32, #tpu.memory_space<hbm>>) dst(%dma_wait3A_264 : memref<640x32xf32, #tpu.memory_space<vmem_shared>>)
        tpu.yield
      }) : () -> ()
    } else {
    }
    %eq3A = arith.constant 15 : i32
    %eq3A_11 = arith.cmpi eq, %arg1, %eq3A : i32
    %convert_element_type3A_12 = arith.extui %eq3A_11 : i1 to i32
    %cond3A_13 = arith.constant 0 : i32
    %cond3A_14 = arith.cmpi ne, %convert_element_type3A_12, %cond3A_13 : i32
    scf.if %cond3A_14 {
      %add3A_254 = arith.constant 9600 : i32
      %add3A_255 = arith.addi %mul3A_8, %add3A_254 : i32
      "tpu.region"() ({
        %run_scoped3A = tpu.sem_alloc : memref<!tpu.dma_semaphore, #tpu.memory_space<semaphore_mem>>
        %dma_start3A_256 = arith.constant 9600 : i32
        %dma_start3A_257 = arith.constant 0 : i32
        %dma_start3A_258 = tpu.memref_slice %arg12[%dma_start3A_256, %dma_start3A_257] : memref<10240x32xf32, #tpu.memory_space<vmem_shared>> -> memref<400x32xf32, #tpu.memory_space<vmem_shared>>
        %dma_start3A_259 = arith.constant 0 : i32
        %dma_start3A_260 = tpu.memref_slice %arg2[%add3A_255, %dma_start3A_259] : memref<40000x32xf32, #tpu.memory_space<hbm>> -> memref<400x32xf32, #tpu.memory_space<hbm>>
        tpu.enqueue_dma source(%dma_start3A_260 : memref<400x32xf32, #tpu.memory_space<hbm>>) target(%dma_start3A_258 : memref<400x32xf32, #tpu.memory_space<vmem_shared>>) target_semaphore(%run_scoped3A : memref<!tpu.dma_semaphore, #tpu.memory_space<semaphore_mem>>)
        %dma_wait3A_261 = arith.constant 9600 : i32
        %dma_wait3A_262 = arith.constant 0 : i32
        %dma_wait3A_263 = tpu.memref_slice %arg12[%dma_wait3A_261, %dma_wait3A_262] : memref<10240x32xf32, #tpu.memory_space<vmem_shared>> -> memref<400x32xf32, #tpu.memory_space<vmem_shared>>
        %dma_wait3A_264 = arith.constant 0 : i32
        %dma_wait3A_265 = tpu.memref_slice %arg2[%add3A_255, %dma_wait3A_264] : memref<40000x32xf32, #tpu.memory_space<hbm>> -> memref<400x32xf32, #tpu.memory_space<hbm>>
        tpu.wait_dma2 semaphore(%run_scoped3A : memref<!tpu.dma_semaphore, #tpu.memory_space<semaphore_mem>>) src(%dma_wait3A_265 : memref<400x32xf32, #tpu.memory_space<hbm>>) dst(%dma_wait3A_263 : memref<400x32xf32, #tpu.memory_space<vmem_shared>>)
        tpu.yield
      }) : () -> ()
    } else {
    }
    %mul3A_15 = arith.constant 640 : i32
    %mul3A_16 = arith.muli %arg1, %mul3A_15 : i32
    %add3A_17 = arith.constant 0 : i32
    %add3A_18 = arith.addi %mul3A_16, %add3A_17 : i32
    "tpu.region"() ({
      %run_scoped3A = tpu.sem_alloc : memref<!tpu.dma_semaphore, #tpu.memory_space<semaphore_mem>>
      %dma_start3A_254 = arith.constant 0 : i32
      %dma_start3A_255 = tpu.memref_slice %arg13[%add3A_18, %dma_start3A_254] : memref<10240x32xf32, #tpu.memory_space<vmem_shared>> -> memref<128x32xf32, #tpu.memory_space<vmem_shared>>
      %dma_start3A_256 = arith.constant 0 : i32
      %dma_start3A_257 = tpu.memref_slice %arg13[%add3A_18, %dma_start3A_256] : memref<10240x32xf32, #tpu.memory_space<vmem_shared>> -> memref<128x32xf32, #tpu.memory_space<vmem_shared>>
      tpu.enqueue_dma source(%arg9 : memref<128x32xf32, #tpu.memory_space<vmem>>) target(%dma_start3A_257 : memref<128x32xf32, #tpu.memory_space<vmem_shared>>) target_semaphore(%run_scoped3A : memref<!tpu.dma_semaphore, #tpu.memory_space<semaphore_mem>>)
      %dma_wait3A_258 = arith.constant 0 : i32
      %dma_wait3A_259 = tpu.memref_slice %arg13[%add3A_18, %dma_wait3A_258] : memref<10240x32xf32, #tpu.memory_space<vmem_shared>> -> memref<128x32xf32, #tpu.memory_space<vmem_shared>>
      %dma_wait3A_260 = arith.constant 0 : i32
      %dma_wait3A_261 = tpu.memref_slice %arg13[%add3A_18, %dma_wait3A_260] : memref<10240x32xf32, #tpu.memory_space<vmem_shared>> -> memref<128x32xf32, #tpu.memory_space<vmem_shared>>
      tpu.wait_dma2 semaphore(%run_scoped3A : memref<!tpu.dma_semaphore, #tpu.memory_space<semaphore_mem>>) src(%arg9 : memref<128x32xf32, #tpu.memory_space<vmem>>) dst(%dma_wait3A_261 : memref<128x32xf32, #tpu.memory_space<vmem_shared>>)
      tpu.yield
    }) : () -> ()
    %mul3A_19 = arith.constant 640 : i32
    %mul3A_20 = arith.muli %arg1, %mul3A_19 : i32
    %add3A_21 = arith.constant 128 : i32
    %add3A_22 = arith.addi %mul3A_20, %add3A_21 : i32
    "tpu.region"() ({
      %run_scoped3A = tpu.sem_alloc : memref<!tpu.dma_semaphore, #tpu.memory_space<semaphore_mem>>
      %dma_start3A_254 = arith.constant 0 : i32
      %dma_start3A_255 = tpu.memref_slice %arg13[%add3A_22, %dma_start3A_254] : memref<10240x32xf32, #tpu.memory_space<vmem_shared>> -> memref<128x32xf32, #tpu.memory_space<vmem_shared>>
      %dma_start3A_256 = arith.constant 0 : i32
      %dma_start3A_257 = tpu.memref_slice %arg13[%add3A_22, %dma_start3A_256] : memref<10240x32xf32, #tpu.memory_space<vmem_shared>> -> memref<128x32xf32, #tpu.memory_space<vmem_shared>>
      tpu.enqueue_dma source(%arg9 : memref<128x32xf32, #tpu.memory_space<vmem>>) target(%dma_start3A_257 : memref<128x32xf32, #tpu.memory_space<vmem_shared>>) target_semaphore(%run_scoped3A : memref<!tpu.dma_semaphore, #tpu.memory_space<semaphore_mem>>)
      %dma_wait3A_258 = arith.constant 0 : i32
      %dma_wait3A_259 = tpu.memref_slice %arg13[%add3A_22, %dma_wait3A_258] : memref<10240x32xf32, #tpu.memory_space<vmem_shared>> -> memref<128x32xf32, #tpu.memory_space<vmem_shared>>
      %dma_wait3A_260 = arith.constant 0 : i32
      %dma_wait3A_261 = tpu.memref_slice %arg13[%add3A_22, %dma_wait3A_260] : memref<10240x32xf32, #tpu.memory_space<vmem_shared>> -> memref<128x32xf32, #tpu.memory_space<vmem_shared>>
      tpu.wait_dma2 semaphore(%run_scoped3A : memref<!tpu.dma_semaphore, #tpu.memory_space<semaphore_mem>>) src(%arg9 : memref<128x32xf32, #tpu.memory_space<vmem>>) dst(%dma_wait3A_261 : memref<128x32xf32, #tpu.memory_space<vmem_shared>>)
      tpu.yield
    }) : () -> ()
    %mul3A_23 = arith.constant 640 : i32
    %mul3A_24 = arith.muli %arg1, %mul3A_23 : i32
    %add3A_25 = arith.constant 256 : i32
    %add3A_26 = arith.addi %mul3A_24, %add3A_25 : i32
    "tpu.region"() ({
      %run_scoped3A = tpu.sem_alloc : memref<!tpu.dma_semaphore, #tpu.memory_space<semaphore_mem>>
      %dma_start3A_254 = arith.constant 0 : i32
      %dma_start3A_255 = tpu.memref_slice %arg13[%add3A_26, %dma_start3A_254] : memref<10240x32xf32, #tpu.memory_space<vmem_shared>> -> memref<128x32xf32, #tpu.memory_space<vmem_shared>>
      %dma_start3A_256 = arith.constant 0 : i32
      %dma_start3A_257 = tpu.memref_slice %arg13[%add3A_26, %dma_start3A_256] : memref<10240x32xf32, #tpu.memory_space<vmem_shared>> -> memref<128x32xf32, #tpu.memory_space<vmem_shared>>
      tpu.enqueue_dma source(%arg9 : memref<128x32xf32, #tpu.memory_space<vmem>>) target(%dma_start3A_257 : memref<128x32xf32, #tpu.memory_space<vmem_shared>>) target_semaphore(%run_scoped3A : memref<!tpu.dma_semaphore, #tpu.memory_space<semaphore_mem>>)
      %dma_wait3A_258 = arith.constant 0 : i32
      %dma_wait3A_259 = tpu.memref_slice %arg13[%add3A_26, %dma_wait3A_258] : memref<10240x32xf32, #tpu.memory_space<vmem_shared>> -> memref<128x32xf32, #tpu.memory_space<vmem_shared>>
      %dma_wait3A_260 = arith.constant 0 : i32
      %dma_wait3A_261 = tpu.memref_slice %arg13[%add3A_26, %dma_wait3A_260] : memref<10240x32xf32, #tpu.memory_space<vmem_shared>> -> memref<128x32xf32, #tpu.memory_space<vmem_shared>>
      tpu.wait_dma2 semaphore(%run_scoped3A : memref<!tpu.dma_semaphore, #tpu.memory_space<semaphore_mem>>) src(%arg9 : memref<128x32xf32, #tpu.memory_space<vmem>>) dst(%dma_wait3A_261 : memref<128x32xf32, #tpu.memory_space<vmem_shared>>)
      tpu.yield
    }) : () -> ()
    %mul3A_27 = arith.constant 640 : i32
    %mul3A_28 = arith.muli %arg1, %mul3A_27 : i32
    %add3A_29 = arith.constant 384 : i32
    %add3A_30 = arith.addi %mul3A_28, %add3A_29 : i32
    "tpu.region"() ({
      %run_scoped3A = tpu.sem_alloc : memref<!tpu.dma_semaphore, #tpu.memory_space<semaphore_mem>>
      %dma_start3A_254 = arith.constant 0 : i32
      %dma_start3A_255 = tpu.memref_slice %arg13[%add3A_30, %dma_start3A_254] : memref<10240x32xf32, #tpu.memory_space<vmem_shared>> -> memref<128x32xf32, #tpu.memory_space<vmem_shared>>
      %dma_start3A_256 = arith.constant 0 : i32
      %dma_start3A_257 = tpu.memref_slice %arg13[%add3A_30, %dma_start3A_256] : memref<10240x32xf32, #tpu.memory_space<vmem_shared>> -> memref<128x32xf32, #tpu.memory_space<vmem_shared>>
      tpu.enqueue_dma source(%arg9 : memref<128x32xf32, #tpu.memory_space<vmem>>) target(%dma_start3A_257 : memref<128x32xf32, #tpu.memory_space<vmem_shared>>) target_semaphore(%run_scoped3A : memref<!tpu.dma_semaphore, #tpu.memory_space<semaphore_mem>>)
      %dma_wait3A_258 = arith.constant 0 : i32
      %dma_wait3A_259 = tpu.memref_slice %arg13[%add3A_30, %dma_wait3A_258] : memref<10240x32xf32, #tpu.memory_space<vmem_shared>> -> memref<128x32xf32, #tpu.memory_space<vmem_shared>>
      %dma_wait3A_260 = arith.constant 0 : i32
      %dma_wait3A_261 = tpu.memref_slice %arg13[%add3A_30, %dma_wait3A_260] : memref<10240x32xf32, #tpu.memory_space<vmem_shared>> -> memref<128x32xf32, #tpu.memory_space<vmem_shared>>
      tpu.wait_dma2 semaphore(%run_scoped3A : memref<!tpu.dma_semaphore, #tpu.memory_space<semaphore_mem>>) src(%arg9 : memref<128x32xf32, #tpu.memory_space<vmem>>) dst(%dma_wait3A_261 : memref<128x32xf32, #tpu.memory_space<vmem_shared>>)
      tpu.yield
    }) : () -> ()
    %mul3A_31 = arith.constant 640 : i32
    %mul3A_32 = arith.muli %arg1, %mul3A_31 : i32
    %add3A_33 = arith.constant 512 : i32
    %add3A_34 = arith.addi %mul3A_32, %add3A_33 : i32
    "tpu.region"() ({
      %run_scoped3A = tpu.sem_alloc : memref<!tpu.dma_semaphore, #tpu.memory_space<semaphore_mem>>
      %dma_start3A_254 = arith.constant 0 : i32
      %dma_start3A_255 = tpu.memref_slice %arg13[%add3A_34, %dma_start3A_254] : memref<10240x32xf32, #tpu.memory_space<vmem_shared>> -> memref<128x32xf32, #tpu.memory_space<vmem_shared>>
      %dma_start3A_256 = arith.constant 0 : i32
      %dma_start3A_257 = tpu.memref_slice %arg13[%add3A_34, %dma_start3A_256] : memref<10240x32xf32, #tpu.memory_space<vmem_shared>> -> memref<128x32xf32, #tpu.memory_space<vmem_shared>>
      tpu.enqueue_dma source(%arg9 : memref<128x32xf32, #tpu.memory_space<vmem>>) target(%dma_start3A_257 : memref<128x32xf32, #tpu.memory_space<vmem_shared>>) target_semaphore(%run_scoped3A : memref<!tpu.dma_semaphore, #tpu.memory_space<semaphore_mem>>)
      %dma_wait3A_258 = arith.constant 0 : i32
      %dma_wait3A_259 = tpu.memref_slice %arg13[%add3A_34, %dma_wait3A_258] : memref<10240x32xf32, #tpu.memory_space<vmem_shared>> -> memref<128x32xf32, #tpu.memory_space<vmem_shared>>
      %dma_wait3A_260 = arith.constant 0 : i32
      %dma_wait3A_261 = tpu.memref_slice %arg13[%add3A_34, %dma_wait3A_260] : memref<10240x32xf32, #tpu.memory_space<vmem_shared>> -> memref<128x32xf32, #tpu.memory_space<vmem_shared>>
      tpu.wait_dma2 semaphore(%run_scoped3A : memref<!tpu.dma_semaphore, #tpu.memory_space<semaphore_mem>>) src(%arg9 : memref<128x32xf32, #tpu.memory_space<vmem>>) dst(%dma_wait3A_261 : memref<128x32xf32, #tpu.memory_space<vmem_shared>>)
      tpu.yield
    }) : () -> ()
    %barrier3A = arith.constant 0 : index
    tpu.barrier barrier_id(%barrier3A)
    %dma_start3A = arith.constant 0 : i32
    %dma_start3A_35 = arith.constant 0 : i32
    %dma_start3A_36 = arith.constant 0 : i32
    %dma_start3A_37 = arith.constant 0 : i32
    %dma_start3A_38 = arith.constant 0 : i32
    %dma_start3A_39 = tpu.memref_slice %arg8[%dma_start3A_35, %dma_start3A_37, %dma_start3A_38] : memref<4x128x32xf32, #tpu.memory_space<vmem>> -> memref<1x128x32xf32, #tpu.memory_space<vmem>>
    %dma_start3A_40 = tpu.memref_squeeze %dma_start3A_39 : memref<1x128x32xf32, #tpu.memory_space<vmem>> -> memref<128x32xf32, #tpu.memory_space<vmem>>
    %dma_start3A_41 = arith.constant 0 : i32
    %dma_start3A_42 = tpu.memref_slice %arg6[%dma_start3A, %dma_start3A_41] : memref<160x128xi32, #tpu.memory_space<vmem>> -> memref<1x128xi32, #tpu.memory_space<vmem>>
    %dma_start3A_43 = tpu.memref_squeeze %dma_start3A_42 : memref<1x128xi32, #tpu.memory_space<vmem>> -> memref<128xi32, #tpu.memory_space<vmem>>
    %dma_start3A_44 = arith.constant 0 : i32
    %dma_start3A_45 = arith.constant 0 : i32
    %dma_start3A_46 = tpu.memref_slice %arg12[%dma_start3A_44, %dma_start3A_45] : memref<10240x32xf32, #tpu.memory_space<vmem_shared>> -> memref<10240x32xf32, #tpu.memory_space<vmem_shared>>
    %dma_start3A_47 = tpu.memref_slice %arg10[%dma_start3A_36] : memref<4x!tpu.dma_semaphore, #tpu.memory_space<semaphore_mem>> -> memref<1x!tpu.dma_semaphore, #tpu.memory_space<semaphore_mem>>
    %dma_start3A_48 = tpu.memref_squeeze %dma_start3A_47 : memref<1x!tpu.dma_semaphore, #tpu.memory_space<semaphore_mem>> -> memref<!tpu.dma_semaphore, #tpu.memory_space<semaphore_mem>>
    tpu.enqueue_indirect_dma source(%dma_start3A_46 : memref<10240x32xf32, #tpu.memory_space<vmem_shared>>) target(%dma_start3A_40 : memref<128x32xf32, #tpu.memory_space<vmem>>) offsets(%dma_start3A_43 : memref<128xi32, #tpu.memory_space<vmem>>) semaphore(%dma_start3A_48 : memref<!tpu.dma_semaphore, #tpu.memory_space<semaphore_mem>>)
    %dma_start3A_49 = arith.constant 1 : i32
    %dma_start3A_50 = arith.constant 1 : i32
    %dma_start3A_51 = arith.constant 1 : i32
    %dma_start3A_52 = arith.constant 0 : i32
    %dma_start3A_53 = arith.constant 0 : i32
    %dma_start3A_54 = tpu.memref_slice %arg8[%dma_start3A_50, %dma_start3A_52, %dma_start3A_53] : memref<4x128x32xf32, #tpu.memory_space<vmem>> -> memref<1x128x32xf32, #tpu.memory_space<vmem>>
    %dma_start3A_55 = tpu.memref_squeeze %dma_start3A_54 : memref<1x128x32xf32, #tpu.memory_space<vmem>> -> memref<128x32xf32, #tpu.memory_space<vmem>>
    %dma_start3A_56 = arith.constant 0 : i32
    %dma_start3A_57 = tpu.memref_slice %arg6[%dma_start3A_49, %dma_start3A_56] : memref<160x128xi32, #tpu.memory_space<vmem>> -> memref<1x128xi32, #tpu.memory_space<vmem>>
    %dma_start3A_58 = tpu.memref_squeeze %dma_start3A_57 : memref<1x128xi32, #tpu.memory_space<vmem>> -> memref<128xi32, #tpu.memory_space<vmem>>
    %dma_start3A_59 = arith.constant 0 : i32
    %dma_start3A_60 = arith.constant 0 : i32
    %dma_start3A_61 = tpu.memref_slice %arg12[%dma_start3A_59, %dma_start3A_60] : memref<10240x32xf32, #tpu.memory_space<vmem_shared>> -> memref<10240x32xf32, #tpu.memory_space<vmem_shared>>
    %dma_start3A_62 = tpu.memref_slice %arg10[%dma_start3A_51] : memref<4x!tpu.dma_semaphore, #tpu.memory_space<semaphore_mem>> -> memref<1x!tpu.dma_semaphore, #tpu.memory_space<semaphore_mem>>
    %dma_start3A_63 = tpu.memref_squeeze %dma_start3A_62 : memref<1x!tpu.dma_semaphore, #tpu.memory_space<semaphore_mem>> -> memref<!tpu.dma_semaphore, #tpu.memory_space<semaphore_mem>>
    tpu.enqueue_indirect_dma source(%dma_start3A_61 : memref<10240x32xf32, #tpu.memory_space<vmem_shared>>) target(%dma_start3A_55 : memref<128x32xf32, #tpu.memory_space<vmem>>) offsets(%dma_start3A_58 : memref<128xi32, #tpu.memory_space<vmem>>) semaphore(%dma_start3A_63 : memref<!tpu.dma_semaphore, #tpu.memory_space<semaphore_mem>>)
    %dma_start3A_64 = arith.constant 2 : i32
    %dma_start3A_65 = arith.constant 2 : i32
    %dma_start3A_66 = arith.constant 2 : i32
    %dma_start3A_67 = arith.constant 0 : i32
    %dma_start3A_68 = arith.constant 0 : i32
    %dma_start3A_69 = tpu.memref_slice %arg8[%dma_start3A_65, %dma_start3A_67, %dma_start3A_68] : memref<4x128x32xf32, #tpu.memory_space<vmem>> -> memref<1x128x32xf32, #tpu.memory_space<vmem>>
    %dma_start3A_70 = tpu.memref_squeeze %dma_start3A_69 : memref<1x128x32xf32, #tpu.memory_space<vmem>> -> memref<128x32xf32, #tpu.memory_space<vmem>>
    %dma_start3A_71 = arith.constant 0 : i32
    %dma_start3A_72 = tpu.memref_slice %arg6[%dma_start3A_64, %dma_start3A_71] : memref<160x128xi32, #tpu.memory_space<vmem>> -> memref<1x128xi32, #tpu.memory_space<vmem>>
    %dma_start3A_73 = tpu.memref_squeeze %dma_start3A_72 : memref<1x128xi32, #tpu.memory_space<vmem>> -> memref<128xi32, #tpu.memory_space<vmem>>
    %dma_start3A_74 = arith.constant 0 : i32
    %dma_start3A_75 = arith.constant 0 : i32
    %dma_start3A_76 = tpu.memref_slice %arg12[%dma_start3A_74, %dma_start3A_75] : memref<10240x32xf32, #tpu.memory_space<vmem_shared>> -> memref<10240x32xf32, #tpu.memory_space<vmem_shared>>
    %dma_start3A_77 = tpu.memref_slice %arg10[%dma_start3A_66] : memref<4x!tpu.dma_semaphore, #tpu.memory_space<semaphore_mem>> -> memref<1x!tpu.dma_semaphore, #tpu.memory_space<semaphore_mem>>
    %dma_start3A_78 = tpu.memref_squeeze %dma_start3A_77 : memref<1x!tpu.dma_semaphore, #tpu.memory_space<semaphore_mem>> -> memref<!tpu.dma_semaphore, #tpu.memory_space<semaphore_mem>>
    tpu.enqueue_indirect_dma source(%dma_start3A_76 : memref<10240x32xf32, #tpu.memory_space<vmem_shared>>) target(%dma_start3A_70 : memref<128x32xf32, #tpu.memory_space<vmem>>) offsets(%dma_start3A_73 : memref<128xi32, #tpu.memory_space<vmem>>) semaphore(%dma_start3A_78 : memref<!tpu.dma_semaphore, #tpu.memory_space<semaphore_mem>>)
    %dma_start3A_79 = arith.constant 3 : i32
    %dma_start3A_80 = arith.constant 3 : i32
    %dma_start3A_81 = arith.constant 3 : i32
    %dma_start3A_82 = arith.constant 0 : i32
    %dma_start3A_83 = arith.constant 0 : i32
    %dma_start3A_84 = tpu.memref_slice %arg8[%dma_start3A_80, %dma_start3A_82, %dma_start3A_83] : memref<4x128x32xf32, #tpu.memory_space<vmem>> -> memref<1x128x32xf32, #tpu.memory_space<vmem>>
    %dma_start3A_85 = tpu.memref_squeeze %dma_start3A_84 : memref<1x128x32xf32, #tpu.memory_space<vmem>> -> memref<128x32xf32, #tpu.memory_space<vmem>>
    %dma_start3A_86 = arith.constant 0 : i32
    %dma_start3A_87 = tpu.memref_slice %arg6[%dma_start3A_79, %dma_start3A_86] : memref<160x128xi32, #tpu.memory_space<vmem>> -> memref<1x128xi32, #tpu.memory_space<vmem>>
    %dma_start3A_88 = tpu.memref_squeeze %dma_start3A_87 : memref<1x128xi32, #tpu.memory_space<vmem>> -> memref<128xi32, #tpu.memory_space<vmem>>
    %dma_start3A_89 = arith.constant 0 : i32
    %dma_start3A_90 = arith.constant 0 : i32
    %dma_start3A_91 = tpu.memref_slice %arg12[%dma_start3A_89, %dma_start3A_90] : memref<10240x32xf32, #tpu.memory_space<vmem_shared>> -> memref<10240x32xf32, #tpu.memory_space<vmem_shared>>
    %dma_start3A_92 = tpu.memref_slice %arg10[%dma_start3A_81] : memref<4x!tpu.dma_semaphore, #tpu.memory_space<semaphore_mem>> -> memref<1x!tpu.dma_semaphore, #tpu.memory_space<semaphore_mem>>
    %dma_start3A_93 = tpu.memref_squeeze %dma_start3A_92 : memref<1x!tpu.dma_semaphore, #tpu.memory_space<semaphore_mem>> -> memref<!tpu.dma_semaphore, #tpu.memory_space<semaphore_mem>>
    tpu.enqueue_indirect_dma source(%dma_start3A_91 : memref<10240x32xf32, #tpu.memory_space<vmem_shared>>) target(%dma_start3A_85 : memref<128x32xf32, #tpu.memory_space<vmem>>) offsets(%dma_start3A_88 : memref<128xi32, #tpu.memory_space<vmem>>) semaphore(%dma_start3A_93 : memref<!tpu.dma_semaphore, #tpu.memory_space<semaphore_mem>>)
    %scan3A_94 = arith.constant 0 : i32
    %scan3A_95 = arith.constant 0 : i32
    %scan3A_96 = arith.constant 40 : i32
    %scan3A_97 = arith.addi %scan3A_95, %scan3A_96 : i32
    %scan3A_98 = arith.constant 1 : i32
    scf.for %scan3A_254 = %scan3A_95 to %scan3A_97 step %scan3A_98  : i32 {
      %mul3A_255 = arith.constant 4 : i32
      %mul3A_256 = arith.muli %scan3A_254, %mul3A_255 : i32
      %add3A_257 = arith.constant 0 : i32
      %add3A_258 = arith.addi %mul3A_256, %add3A_257 : i32
      %dma_wait3A_259 = arith.constant 0 : i32
      %dma_wait3A_260 = arith.constant 0 : i32
      %dma_wait3A_261 = arith.constant 0 : i32
      %dma_wait3A_262 = arith.constant 0 : i32
      %dma_wait3A_263 = tpu.memref_slice %arg8[%dma_wait3A_259, %dma_wait3A_261, %dma_wait3A_262] : memref<4x128x32xf32, #tpu.memory_space<vmem>> -> memref<1x128x32xf32, #tpu.memory_space<vmem>>
      %dma_wait3A_264 = tpu.memref_squeeze %dma_wait3A_263 : memref<1x128x32xf32, #tpu.memory_space<vmem>> -> memref<128x32xf32, #tpu.memory_space<vmem>>
      %dma_wait3A_265 = arith.constant 0 : i32
      %dma_wait3A_266 = tpu.memref_slice %arg6[%add3A_258, %dma_wait3A_265] : memref<160x128xi32, #tpu.memory_space<vmem>> -> memref<1x128xi32, #tpu.memory_space<vmem>>
      %dma_wait3A_267 = tpu.memref_squeeze %dma_wait3A_266 : memref<1x128xi32, #tpu.memory_space<vmem>> -> memref<128xi32, #tpu.memory_space<vmem>>
      %dma_wait3A_268 = arith.constant 0 : i32
      %dma_wait3A_269 = arith.constant 0 : i32
      %dma_wait3A_270 = tpu.memref_slice %arg12[%dma_wait3A_268, %dma_wait3A_269] : memref<10240x32xf32, #tpu.memory_space<vmem_shared>> -> memref<10240x32xf32, #tpu.memory_space<vmem_shared>>
      %dma_wait3A_271 = tpu.memref_slice %arg10[%dma_wait3A_260] : memref<4x!tpu.dma_semaphore, #tpu.memory_space<semaphore_mem>> -> memref<1x!tpu.dma_semaphore, #tpu.memory_space<semaphore_mem>>
      %dma_wait3A_272 = tpu.memref_squeeze %dma_wait3A_271 : memref<1x!tpu.dma_semaphore, #tpu.memory_space<semaphore_mem>> -> memref<!tpu.dma_semaphore, #tpu.memory_space<semaphore_mem>>
      tpu.wait_indirect_dma semaphore(%dma_wait3A_272 : memref<!tpu.dma_semaphore, #tpu.memory_space<semaphore_mem>>) src(%dma_wait3A_270 : memref<10240x32xf32, #tpu.memory_space<vmem_shared>>) dst(%dma_wait3A_264 : memref<128x32xf32, #tpu.memory_space<vmem>>)
      %dma_start3A_273 = arith.constant 0 : i32
      %dma_start3A_274 = arith.constant 0 : i32
      %dma_start3A_275 = arith.constant 0 : i32
      %dma_start3A_276 = arith.constant 0 : i32
      %dma_start3A_277 = tpu.memref_slice %arg8[%dma_start3A_273, %dma_start3A_275, %dma_start3A_276] : memref<4x128x32xf32, #tpu.memory_space<vmem>> -> memref<1x128x32xf32, #tpu.memory_space<vmem>>
      %dma_start3A_278 = tpu.memref_squeeze %dma_start3A_277 : memref<1x128x32xf32, #tpu.memory_space<vmem>> -> memref<128x32xf32, #tpu.memory_space<vmem>>
      %dma_start3A_279 = arith.constant 0 : i32
      %dma_start3A_280 = tpu.memref_slice %arg7[%add3A_258, %dma_start3A_279] : memref<160x128xi32, #tpu.memory_space<vmem>> -> memref<1x128xi32, #tpu.memory_space<vmem>>
      %dma_start3A_281 = tpu.memref_squeeze %dma_start3A_280 : memref<1x128xi32, #tpu.memory_space<vmem>> -> memref<128xi32, #tpu.memory_space<vmem>>
      %dma_start3A_282 = arith.constant 0 : i32
      %dma_start3A_283 = arith.constant 0 : i32
      %dma_start3A_284 = tpu.memref_slice %arg13[%dma_start3A_282, %dma_start3A_283] : memref<10240x32xf32, #tpu.memory_space<vmem_shared>> -> memref<10240x32xf32, #tpu.memory_space<vmem_shared>>
      %dma_start3A_285 = tpu.memref_slice %arg11[%dma_start3A_274] : memref<4x!tpu.dma_semaphore, #tpu.memory_space<semaphore_mem>> -> memref<1x!tpu.dma_semaphore, #tpu.memory_space<semaphore_mem>>
      %dma_start3A_286 = tpu.memref_squeeze %dma_start3A_285 : memref<1x!tpu.dma_semaphore, #tpu.memory_space<semaphore_mem>> -> memref<!tpu.dma_semaphore, #tpu.memory_space<semaphore_mem>>
      tpu.enqueue_indirect_dma source(%dma_start3A_278 : memref<128x32xf32, #tpu.memory_space<vmem>>) target(%dma_start3A_284 : memref<10240x32xf32, #tpu.memory_space<vmem_shared>>) offsets(%dma_start3A_281 : memref<128xi32, #tpu.memory_space<vmem>>) semaphore(%dma_start3A_286 : memref<!tpu.dma_semaphore, #tpu.memory_space<semaphore_mem>>) {add = true}
      %gt3A = arith.constant 0 : i32
      %gt3A_287 = arith.cmpi sgt, %scan3A_254, %gt3A : i32
      %convert_element_type3A_288 = arith.extui %gt3A_287 : i1 to i32
      %cond3A_289 = arith.constant 0 : i32
      %cond3A_290 = arith.cmpi ne, %convert_element_type3A_288, %cond3A_289 : i32
      scf.if %cond3A_290 {
        %sub3A_449 = arith.constant 1 : i32
        %sub3A_450 = arith.subi %add3A_258, %sub3A_449 : i32
        %dma_wait3A_451 = arith.constant 3 : i32
        %dma_wait3A_452 = arith.constant 3 : i32
        %dma_wait3A_453 = arith.constant 0 : i32
        %dma_wait3A_454 = arith.constant 0 : i32
        %dma_wait3A_455 = tpu.memref_slice %arg8[%dma_wait3A_451, %dma_wait3A_453, %dma_wait3A_454] : memref<4x128x32xf32, #tpu.memory_space<vmem>> -> memref<1x128x32xf32, #tpu.memory_space<vmem>>
        %dma_wait3A_456 = tpu.memref_squeeze %dma_wait3A_455 : memref<1x128x32xf32, #tpu.memory_space<vmem>> -> memref<128x32xf32, #tpu.memory_space<vmem>>
        %dma_wait3A_457 = arith.constant 0 : i32
        %dma_wait3A_458 = tpu.memref_slice %arg7[%sub3A_450, %dma_wait3A_457] : memref<160x128xi32, #tpu.memory_space<vmem>> -> memref<1x128xi32, #tpu.memory_space<vmem>>
        %dma_wait3A_459 = tpu.memref_squeeze %dma_wait3A_458 : memref<1x128xi32, #tpu.memory_space<vmem>> -> memref<128xi32, #tpu.memory_space<vmem>>
        %dma_wait3A_460 = arith.constant 0 : i32
        %dma_wait3A_461 = arith.constant 0 : i32
        %dma_wait3A_462 = tpu.memref_slice %arg13[%dma_wait3A_460, %dma_wait3A_461] : memref<10240x32xf32, #tpu.memory_space<vmem_shared>> -> memref<10240x32xf32, #tpu.memory_space<vmem_shared>>
        %dma_wait3A_463 = tpu.memref_slice %arg11[%dma_wait3A_452] : memref<4x!tpu.dma_semaphore, #tpu.memory_space<semaphore_mem>> -> memref<1x!tpu.dma_semaphore, #tpu.memory_space<semaphore_mem>>
        %dma_wait3A_464 = tpu.memref_squeeze %dma_wait3A_463 : memref<1x!tpu.dma_semaphore, #tpu.memory_space<semaphore_mem>> -> memref<!tpu.dma_semaphore, #tpu.memory_space<semaphore_mem>>
        tpu.wait_indirect_dma semaphore(%dma_wait3A_464 : memref<!tpu.dma_semaphore, #tpu.memory_space<semaphore_mem>>) src(%dma_wait3A_456 : memref<128x32xf32, #tpu.memory_space<vmem>>) dst(%dma_wait3A_462 : memref<10240x32xf32, #tpu.memory_space<vmem_shared>>)
        %sub3A_465 = arith.constant 1 : i32
        %sub3A_466 = arith.subi %add3A_258, %sub3A_465 : i32
        %add3A_467 = arith.constant 4 : i32
        %add3A_468 = arith.addi %sub3A_466, %add3A_467 : i32
        %dma_start3A_469 = arith.constant 3 : i32
        %dma_start3A_470 = arith.constant 3 : i32
        %dma_start3A_471 = arith.constant 0 : i32
        %dma_start3A_472 = arith.constant 0 : i32
        %dma_start3A_473 = tpu.memref_slice %arg8[%dma_start3A_469, %dma_start3A_471, %dma_start3A_472] : memref<4x128x32xf32, #tpu.memory_space<vmem>> -> memref<1x128x32xf32, #tpu.memory_space<vmem>>
        %dma_start3A_474 = tpu.memref_squeeze %dma_start3A_473 : memref<1x128x32xf32, #tpu.memory_space<vmem>> -> memref<128x32xf32, #tpu.memory_space<vmem>>
        %dma_start3A_475 = arith.constant 0 : i32
        %dma_start3A_476 = tpu.memref_slice %arg6[%add3A_468, %dma_start3A_475] : memref<160x128xi32, #tpu.memory_space<vmem>> -> memref<1x128xi32, #tpu.memory_space<vmem>>
        %dma_start3A_477 = tpu.memref_squeeze %dma_start3A_476 : memref<1x128xi32, #tpu.memory_space<vmem>> -> memref<128xi32, #tpu.memory_space<vmem>>
        %dma_start3A_478 = arith.constant 0 : i32
        %dma_start3A_479 = arith.constant 0 : i32
        %dma_start3A_480 = tpu.memref_slice %arg12[%dma_start3A_478, %dma_start3A_479] : memref<10240x32xf32, #tpu.memory_space<vmem_shared>> -> memref<10240x32xf32, #tpu.memory_space<vmem_shared>>
        %dma_start3A_481 = tpu.memref_slice %arg10[%dma_start3A_470] : memref<4x!tpu.dma_semaphore, #tpu.memory_space<semaphore_mem>> -> memref<1x!tpu.dma_semaphore, #tpu.memory_space<semaphore_mem>>
        %dma_start3A_482 = tpu.memref_squeeze %dma_start3A_481 : memref<1x!tpu.dma_semaphore, #tpu.memory_space<semaphore_mem>> -> memref<!tpu.dma_semaphore, #tpu.memory_space<semaphore_mem>>
        tpu.enqueue_indirect_dma source(%dma_start3A_480 : memref<10240x32xf32, #tpu.memory_space<vmem_shared>>) target(%dma_start3A_474 : memref<128x32xf32, #tpu.memory_space<vmem>>) offsets(%dma_start3A_477 : memref<128xi32, #tpu.memory_space<vmem>>) semaphore(%dma_start3A_482 : memref<!tpu.dma_semaphore, #tpu.memory_space<semaphore_mem>>)
      } else {
      }
      %mul3A_291 = arith.constant 4 : i32
      %mul3A_292 = arith.muli %scan3A_254, %mul3A_291 : i32
      %add3A_293 = arith.constant 1 : i32
      %add3A_294 = arith.addi %mul3A_292, %add3A_293 : i32
      %dma_wait3A_295 = arith.constant 1 : i32
      %dma_wait3A_296 = arith.constant 1 : i32
      %dma_wait3A_297 = arith.constant 0 : i32
      %dma_wait3A_298 = arith.constant 0 : i32
      %dma_wait3A_299 = tpu.memref_slice %arg8[%dma_wait3A_295, %dma_wait3A_297, %dma_wait3A_298] : memref<4x128x32xf32, #tpu.memory_space<vmem>> -> memref<1x128x32xf32, #tpu.memory_space<vmem>>
      %dma_wait3A_300 = tpu.memref_squeeze %dma_wait3A_299 : memref<1x128x32xf32, #tpu.memory_space<vmem>> -> memref<128x32xf32, #tpu.memory_space<vmem>>
      %dma_wait3A_301 = arith.constant 0 : i32
      %dma_wait3A_302 = tpu.memref_slice %arg6[%add3A_294, %dma_wait3A_301] : memref<160x128xi32, #tpu.memory_space<vmem>> -> memref<1x128xi32, #tpu.memory_space<vmem>>
      %dma_wait3A_303 = tpu.memref_squeeze %dma_wait3A_302 : memref<1x128xi32, #tpu.memory_space<vmem>> -> memref<128xi32, #tpu.memory_space<vmem>>
      %dma_wait3A_304 = arith.constant 0 : i32
      %dma_wait3A_305 = arith.constant 0 : i32
      %dma_wait3A_306 = tpu.memref_slice %arg12[%dma_wait3A_304, %dma_wait3A_305] : memref<10240x32xf32, #tpu.memory_space<vmem_shared>> -> memref<10240x32xf32, #tpu.memory_space<vmem_shared>>
      %dma_wait3A_307 = tpu.memref_slice %arg10[%dma_wait3A_296] : memref<4x!tpu.dma_semaphore, #tpu.memory_space<semaphore_mem>> -> memref<1x!tpu.dma_semaphore, #tpu.memory_space<semaphore_mem>>
      %dma_wait3A_308 = tpu.memref_squeeze %dma_wait3A_307 : memref<1x!tpu.dma_semaphore, #tpu.memory_space<semaphore_mem>> -> memref<!tpu.dma_semaphore, #tpu.memory_space<semaphore_mem>>
      tpu.wait_indirect_dma semaphore(%dma_wait3A_308 : memref<!tpu.dma_semaphore, #tpu.memory_space<semaphore_mem>>) src(%dma_wait3A_306 : memref<10240x32xf32, #tpu.memory_space<vmem_shared>>) dst(%dma_wait3A_300 : memref<128x32xf32, #tpu.memory_space<vmem>>)
      %dma_start3A_309 = arith.constant 1 : i32
      %dma_start3A_310 = arith.constant 1 : i32
      %dma_start3A_311 = arith.constant 0 : i32
      %dma_start3A_312 = arith.constant 0 : i32
      %dma_start3A_313 = tpu.memref_slice %arg8[%dma_start3A_309, %dma_start3A_311, %dma_start3A_312] : memref<4x128x32xf32, #tpu.memory_space<vmem>> -> memref<1x128x32xf32, #tpu.memory_space<vmem>>
      %dma_start3A_314 = tpu.memref_squeeze %dma_start3A_313 : memref<1x128x32xf32, #tpu.memory_space<vmem>> -> memref<128x32xf32, #tpu.memory_space<vmem>>
      %dma_start3A_315 = arith.constant 0 : i32
      %dma_start3A_316 = tpu.memref_slice %arg7[%add3A_294, %dma_start3A_315] : memref<160x128xi32, #tpu.memory_space<vmem>> -> memref<1x128xi32, #tpu.memory_space<vmem>>
      %dma_start3A_317 = tpu.memref_squeeze %dma_start3A_316 : memref<1x128xi32, #tpu.memory_space<vmem>> -> memref<128xi32, #tpu.memory_space<vmem>>
      %dma_start3A_318 = arith.constant 0 : i32
      %dma_start3A_319 = arith.constant 0 : i32
      %dma_start3A_320 = tpu.memref_slice %arg13[%dma_start3A_318, %dma_start3A_319] : memref<10240x32xf32, #tpu.memory_space<vmem_shared>> -> memref<10240x32xf32, #tpu.memory_space<vmem_shared>>
      %dma_start3A_321 = tpu.memref_slice %arg11[%dma_start3A_310] : memref<4x!tpu.dma_semaphore, #tpu.memory_space<semaphore_mem>> -> memref<1x!tpu.dma_semaphore, #tpu.memory_space<semaphore_mem>>
      %dma_start3A_322 = tpu.memref_squeeze %dma_start3A_321 : memref<1x!tpu.dma_semaphore, #tpu.memory_space<semaphore_mem>> -> memref<!tpu.dma_semaphore, #tpu.memory_space<semaphore_mem>>
      tpu.enqueue_indirect_dma source(%dma_start3A_314 : memref<128x32xf32, #tpu.memory_space<vmem>>) target(%dma_start3A_320 : memref<10240x32xf32, #tpu.memory_space<vmem_shared>>) offsets(%dma_start3A_317 : memref<128xi32, #tpu.memory_space<vmem>>) semaphore(%dma_start3A_322 : memref<!tpu.dma_semaphore, #tpu.memory_space<semaphore_mem>>) {add = true}
      %sub3A = arith.constant 1 : i32
      %sub3A_323 = arith.subi %add3A_294, %sub3A : i32
      %dma_wait3A_324 = arith.constant 0 : i32
      %dma_wait3A_325 = arith.constant 0 : i32
      %dma_wait3A_326 = arith.constant 0 : i32
      %dma_wait3A_327 = arith.constant 0 : i32
      %dma_wait3A_328 = tpu.memref_slice %arg8[%dma_wait3A_324, %dma_wait3A_326, %dma_wait3A_327] : memref<4x128x32xf32, #tpu.memory_space<vmem>> -> memref<1x128x32xf32, #tpu.memory_space<vmem>>
      %dma_wait3A_329 = tpu.memref_squeeze %dma_wait3A_328 : memref<1x128x32xf32, #tpu.memory_space<vmem>> -> memref<128x32xf32, #tpu.memory_space<vmem>>
      %dma_wait3A_330 = arith.constant 0 : i32
      %dma_wait3A_331 = tpu.memref_slice %arg7[%sub3A_323, %dma_wait3A_330] : memref<160x128xi32, #tpu.memory_space<vmem>> -> memref<1x128xi32, #tpu.memory_space<vmem>>
      %dma_wait3A_332 = tpu.memref_squeeze %dma_wait3A_331 : memref<1x128xi32, #tpu.memory_space<vmem>> -> memref<128xi32, #tpu.memory_space<vmem>>
      %dma_wait3A_333 = arith.constant 0 : i32
      %dma_wait3A_334 = arith.constant 0 : i32
      %dma_wait3A_335 = tpu.memref_slice %arg13[%dma_wait3A_333, %dma_wait3A_334] : memref<10240x32xf32, #tpu.memory_space<vmem_shared>> -> memref<10240x32xf32, #tpu.memory_space<vmem_shared>>
      %dma_wait3A_336 = tpu.memref_slice %arg11[%dma_wait3A_325] : memref<4x!tpu.dma_semaphore, #tpu.memory_space<semaphore_mem>> -> memref<1x!tpu.dma_semaphore, #tpu.memory_space<semaphore_mem>>
      %dma_wait3A_337 = tpu.memref_squeeze %dma_wait3A_336 : memref<1x!tpu.dma_semaphore, #tpu.memory_space<semaphore_mem>> -> memref<!tpu.dma_semaphore, #tpu.memory_space<semaphore_mem>>
      tpu.wait_indirect_dma semaphore(%dma_wait3A_337 : memref<!tpu.dma_semaphore, #tpu.memory_space<semaphore_mem>>) src(%dma_wait3A_329 : memref<128x32xf32, #tpu.memory_space<vmem>>) dst(%dma_wait3A_335 : memref<10240x32xf32, #tpu.memory_space<vmem_shared>>)
      %lt3A_338 = arith.constant 39 : i32
      %lt3A_339 = arith.cmpi slt, %scan3A_254, %lt3A_338 : i32
      %convert_element_type3A_340 = arith.extui %lt3A_339 : i1 to i32
      %cond3A_341 = arith.constant 0 : i32
      %cond3A_342 = arith.cmpi ne, %convert_element_type3A_340, %cond3A_341 : i32
      scf.if %cond3A_342 {
        %sub3A_449 = arith.constant 1 : i32
        %sub3A_450 = arith.subi %add3A_294, %sub3A_449 : i32
        %add3A_451 = arith.constant 4 : i32
        %add3A_452 = arith.addi %sub3A_450, %add3A_451 : i32
        %dma_start3A_453 = arith.constant 0 : i32
        %dma_start3A_454 = arith.constant 0 : i32
        %dma_start3A_455 = arith.constant 0 : i32
        %dma_start3A_456 = arith.constant 0 : i32
        %dma_start3A_457 = tpu.memref_slice %arg8[%dma_start3A_453, %dma_start3A_455, %dma_start3A_456] : memref<4x128x32xf32, #tpu.memory_space<vmem>> -> memref<1x128x32xf32, #tpu.memory_space<vmem>>
        %dma_start3A_458 = tpu.memref_squeeze %dma_start3A_457 : memref<1x128x32xf32, #tpu.memory_space<vmem>> -> memref<128x32xf32, #tpu.memory_space<vmem>>
        %dma_start3A_459 = arith.constant 0 : i32
        %dma_start3A_460 = tpu.memref_slice %arg6[%add3A_452, %dma_start3A_459] : memref<160x128xi32, #tpu.memory_space<vmem>> -> memref<1x128xi32, #tpu.memory_space<vmem>>
        %dma_start3A_461 = tpu.memref_squeeze %dma_start3A_460 : memref<1x128xi32, #tpu.memory_space<vmem>> -> memref<128xi32, #tpu.memory_space<vmem>>
        %dma_start3A_462 = arith.constant 0 : i32
        %dma_start3A_463 = arith.constant 0 : i32
        %dma_start3A_464 = tpu.memref_slice %arg12[%dma_start3A_462, %dma_start3A_463] : memref<10240x32xf32, #tpu.memory_space<vmem_shared>> -> memref<10240x32xf32, #tpu.memory_space<vmem_shared>>
        %dma_start3A_465 = tpu.memref_slice %arg10[%dma_start3A_454] : memref<4x!tpu.dma_semaphore, #tpu.memory_space<semaphore_mem>> -> memref<1x!tpu.dma_semaphore, #tpu.memory_space<semaphore_mem>>
        %dma_start3A_466 = tpu.memref_squeeze %dma_start3A_465 : memref<1x!tpu.dma_semaphore, #tpu.memory_space<semaphore_mem>> -> memref<!tpu.dma_semaphore, #tpu.memory_space<semaphore_mem>>
        tpu.enqueue_indirect_dma source(%dma_start3A_464 : memref<10240x32xf32, #tpu.memory_space<vmem_shared>>) target(%dma_start3A_458 : memref<128x32xf32, #tpu.memory_space<vmem>>) offsets(%dma_start3A_461 : memref<128xi32, #tpu.memory_space<vmem>>) semaphore(%dma_start3A_466 : memref<!tpu.dma_semaphore, #tpu.memory_space<semaphore_mem>>)
      } else {
      }
      %mul3A_343 = arith.constant 4 : i32
      %mul3A_344 = arith.muli %scan3A_254, %mul3A_343 : i32
      %add3A_345 = arith.constant 2 : i32
      %add3A_346 = arith.addi %mul3A_344, %add3A_345 : i32
      %dma_wait3A_347 = arith.constant 2 : i32
      %dma_wait3A_348 = arith.constant 2 : i32
      %dma_wait3A_349 = arith.constant 0 : i32
      %dma_wait3A_350 = arith.constant 0 : i32
      %dma_wait3A_351 = tpu.memref_slice %arg8[%dma_wait3A_347, %dma_wait3A_349, %dma_wait3A_350] : memref<4x128x32xf32, #tpu.memory_space<vmem>> -> memref<1x128x32xf32, #tpu.memory_space<vmem>>
      %dma_wait3A_352 = tpu.memref_squeeze %dma_wait3A_351 : memref<1x128x32xf32, #tpu.memory_space<vmem>> -> memref<128x32xf32, #tpu.memory_space<vmem>>
      %dma_wait3A_353 = arith.constant 0 : i32
      %dma_wait3A_354 = tpu.memref_slice %arg6[%add3A_346, %dma_wait3A_353] : memref<160x128xi32, #tpu.memory_space<vmem>> -> memref<1x128xi32, #tpu.memory_space<vmem>>
      %dma_wait3A_355 = tpu.memref_squeeze %dma_wait3A_354 : memref<1x128xi32, #tpu.memory_space<vmem>> -> memref<128xi32, #tpu.memory_space<vmem>>
      %dma_wait3A_356 = arith.constant 0 : i32
      %dma_wait3A_357 = arith.constant 0 : i32
      %dma_wait3A_358 = tpu.memref_slice %arg12[%dma_wait3A_356, %dma_wait3A_357] : memref<10240x32xf32, #tpu.memory_space<vmem_shared>> -> memref<10240x32xf32, #tpu.memory_space<vmem_shared>>
      %dma_wait3A_359 = tpu.memref_slice %arg10[%dma_wait3A_348] : memref<4x!tpu.dma_semaphore, #tpu.memory_space<semaphore_mem>> -> memref<1x!tpu.dma_semaphore, #tpu.memory_space<semaphore_mem>>
      %dma_wait3A_360 = tpu.memref_squeeze %dma_wait3A_359 : memref<1x!tpu.dma_semaphore, #tpu.memory_space<semaphore_mem>> -> memref<!tpu.dma_semaphore, #tpu.memory_space<semaphore_mem>>
      tpu.wait_indirect_dma semaphore(%dma_wait3A_360 : memref<!tpu.dma_semaphore, #tpu.memory_space<semaphore_mem>>) src(%dma_wait3A_358 : memref<10240x32xf32, #tpu.memory_space<vmem_shared>>) dst(%dma_wait3A_352 : memref<128x32xf32, #tpu.memory_space<vmem>>)
      %dma_start3A_361 = arith.constant 2 : i32
      %dma_start3A_362 = arith.constant 2 : i32
      %dma_start3A_363 = arith.constant 0 : i32
      %dma_start3A_364 = arith.constant 0 : i32
      %dma_start3A_365 = tpu.memref_slice %arg8[%dma_start3A_361, %dma_start3A_363, %dma_start3A_364] : memref<4x128x32xf32, #tpu.memory_space<vmem>> -> memref<1x128x32xf32, #tpu.memory_space<vmem>>
      %dma_start3A_366 = tpu.memref_squeeze %dma_start3A_365 : memref<1x128x32xf32, #tpu.memory_space<vmem>> -> memref<128x32xf32, #tpu.memory_space<vmem>>
      %dma_start3A_367 = arith.constant 0 : i32
      %dma_start3A_368 = tpu.memref_slice %arg7[%add3A_346, %dma_start3A_367] : memref<160x128xi32, #tpu.memory_space<vmem>> -> memref<1x128xi32, #tpu.memory_space<vmem>>
      %dma_start3A_369 = tpu.memref_squeeze %dma_start3A_368 : memref<1x128xi32, #tpu.memory_space<vmem>> -> memref<128xi32, #tpu.memory_space<vmem>>
      %dma_start3A_370 = arith.constant 0 : i32
      %dma_start3A_371 = arith.constant 0 : i32
      %dma_start3A_372 = tpu.memref_slice %arg13[%dma_start3A_370, %dma_start3A_371] : memref<10240x32xf32, #tpu.memory_space<vmem_shared>> -> memref<10240x32xf32, #tpu.memory_space<vmem_shared>>
      %dma_start3A_373 = tpu.memref_slice %arg11[%dma_start3A_362] : memref<4x!tpu.dma_semaphore, #tpu.memory_space<semaphore_mem>> -> memref<1x!tpu.dma_semaphore, #tpu.memory_space<semaphore_mem>>
      %dma_start3A_374 = tpu.memref_squeeze %dma_start3A_373 : memref<1x!tpu.dma_semaphore, #tpu.memory_space<semaphore_mem>> -> memref<!tpu.dma_semaphore, #tpu.memory_space<semaphore_mem>>
      tpu.enqueue_indirect_dma source(%dma_start3A_366 : memref<128x32xf32, #tpu.memory_space<vmem>>) target(%dma_start3A_372 : memref<10240x32xf32, #tpu.memory_space<vmem_shared>>) offsets(%dma_start3A_369 : memref<128xi32, #tpu.memory_space<vmem>>) semaphore(%dma_start3A_374 : memref<!tpu.dma_semaphore, #tpu.memory_space<semaphore_mem>>) {add = true}
      %sub3A_375 = arith.constant 1 : i32
      %sub3A_376 = arith.subi %add3A_346, %sub3A_375 : i32
      %dma_wait3A_377 = arith.constant 1 : i32
      %dma_wait3A_378 = arith.constant 1 : i32
      %dma_wait3A_379 = arith.constant 0 : i32
      %dma_wait3A_380 = arith.constant 0 : i32
      %dma_wait3A_381 = tpu.memref_slice %arg8[%dma_wait3A_377, %dma_wait3A_379, %dma_wait3A_380] : memref<4x128x32xf32, #tpu.memory_space<vmem>> -> memref<1x128x32xf32, #tpu.memory_space<vmem>>
      %dma_wait3A_382 = tpu.memref_squeeze %dma_wait3A_381 : memref<1x128x32xf32, #tpu.memory_space<vmem>> -> memref<128x32xf32, #tpu.memory_space<vmem>>
      %dma_wait3A_383 = arith.constant 0 : i32
      %dma_wait3A_384 = tpu.memref_slice %arg7[%sub3A_376, %dma_wait3A_383] : memref<160x128xi32, #tpu.memory_space<vmem>> -> memref<1x128xi32, #tpu.memory_space<vmem>>
      %dma_wait3A_385 = tpu.memref_squeeze %dma_wait3A_384 : memref<1x128xi32, #tpu.memory_space<vmem>> -> memref<128xi32, #tpu.memory_space<vmem>>
      %dma_wait3A_386 = arith.constant 0 : i32
      %dma_wait3A_387 = arith.constant 0 : i32
      %dma_wait3A_388 = tpu.memref_slice %arg13[%dma_wait3A_386, %dma_wait3A_387] : memref<10240x32xf32, #tpu.memory_space<vmem_shared>> -> memref<10240x32xf32, #tpu.memory_space<vmem_shared>>
      %dma_wait3A_389 = tpu.memref_slice %arg11[%dma_wait3A_378] : memref<4x!tpu.dma_semaphore, #tpu.memory_space<semaphore_mem>> -> memref<1x!tpu.dma_semaphore, #tpu.memory_space<semaphore_mem>>
      %dma_wait3A_390 = tpu.memref_squeeze %dma_wait3A_389 : memref<1x!tpu.dma_semaphore, #tpu.memory_space<semaphore_mem>> -> memref<!tpu.dma_semaphore, #tpu.memory_space<semaphore_mem>>
      tpu.wait_indirect_dma semaphore(%dma_wait3A_390 : memref<!tpu.dma_semaphore, #tpu.memory_space<semaphore_mem>>) src(%dma_wait3A_382 : memref<128x32xf32, #tpu.memory_space<vmem>>) dst(%dma_wait3A_388 : memref<10240x32xf32, #tpu.memory_space<vmem_shared>>)
      %lt3A_391 = arith.constant 39 : i32
      %lt3A_392 = arith.cmpi slt, %scan3A_254, %lt3A_391 : i32
      %convert_element_type3A_393 = arith.extui %lt3A_392 : i1 to i32
      %cond3A_394 = arith.constant 0 : i32
      %cond3A_395 = arith.cmpi ne, %convert_element_type3A_393, %cond3A_394 : i32
      scf.if %cond3A_395 {
        %sub3A_449 = arith.constant 1 : i32
        %sub3A_450 = arith.subi %add3A_346, %sub3A_449 : i32
        %add3A_451 = arith.constant 4 : i32
        %add3A_452 = arith.addi %sub3A_450, %add3A_451 : i32
        %dma_start3A_453 = arith.constant 1 : i32
        %dma_start3A_454 = arith.constant 1 : i32
        %dma_start3A_455 = arith.constant 0 : i32
        %dma_start3A_456 = arith.constant 0 : i32
        %dma_start3A_457 = tpu.memref_slice %arg8[%dma_start3A_453, %dma_start3A_455, %dma_start3A_456] : memref<4x128x32xf32, #tpu.memory_space<vmem>> -> memref<1x128x32xf32, #tpu.memory_space<vmem>>
        %dma_start3A_458 = tpu.memref_squeeze %dma_start3A_457 : memref<1x128x32xf32, #tpu.memory_space<vmem>> -> memref<128x32xf32, #tpu.memory_space<vmem>>
        %dma_start3A_459 = arith.constant 0 : i32
        %dma_start3A_460 = tpu.memref_slice %arg6[%add3A_452, %dma_start3A_459] : memref<160x128xi32, #tpu.memory_space<vmem>> -> memref<1x128xi32, #tpu.memory_space<vmem>>
        %dma_start3A_461 = tpu.memref_squeeze %dma_start3A_460 : memref<1x128xi32, #tpu.memory_space<vmem>> -> memref<128xi32, #tpu.memory_space<vmem>>
        %dma_start3A_462 = arith.constant 0 : i32
        %dma_start3A_463 = arith.constant 0 : i32
        %dma_start3A_464 = tpu.memref_slice %arg12[%dma_start3A_462, %dma_start3A_463] : memref<10240x32xf32, #tpu.memory_space<vmem_shared>> -> memref<10240x32xf32, #tpu.memory_space<vmem_shared>>
        %dma_start3A_465 = tpu.memref_slice %arg10[%dma_start3A_454] : memref<4x!tpu.dma_semaphore, #tpu.memory_space<semaphore_mem>> -> memref<1x!tpu.dma_semaphore, #tpu.memory_space<semaphore_mem>>
        %dma_start3A_466 = tpu.memref_squeeze %dma_start3A_465 : memref<1x!tpu.dma_semaphore, #tpu.memory_space<semaphore_mem>> -> memref<!tpu.dma_semaphore, #tpu.memory_space<semaphore_mem>>
        tpu.enqueue_indirect_dma source(%dma_start3A_464 : memref<10240x32xf32, #tpu.memory_space<vmem_shared>>) target(%dma_start3A_458 : memref<128x32xf32, #tpu.memory_space<vmem>>) offsets(%dma_start3A_461 : memref<128xi32, #tpu.memory_space<vmem>>) semaphore(%dma_start3A_466 : memref<!tpu.dma_semaphore, #tpu.memory_space<semaphore_mem>>)
      } else {
      }
      %mul3A_396 = arith.constant 4 : i32
      %mul3A_397 = arith.muli %scan3A_254, %mul3A_396 : i32
      %add3A_398 = arith.constant 3 : i32
      %add3A_399 = arith.addi %mul3A_397, %add3A_398 : i32
      %dma_wait3A_400 = arith.constant 3 : i32
      %dma_wait3A_401 = arith.constant 3 : i32
      %dma_wait3A_402 = arith.constant 0 : i32
      %dma_wait3A_403 = arith.constant 0 : i32
      %dma_wait3A_404 = tpu.memref_slice %arg8[%dma_wait3A_400, %dma_wait3A_402, %dma_wait3A_403] : memref<4x128x32xf32, #tpu.memory_space<vmem>> -> memref<1x128x32xf32, #tpu.memory_space<vmem>>
      %dma_wait3A_405 = tpu.memref_squeeze %dma_wait3A_404 : memref<1x128x32xf32, #tpu.memory_space<vmem>> -> memref<128x32xf32, #tpu.memory_space<vmem>>
      %dma_wait3A_406 = arith.constant 0 : i32
      %dma_wait3A_407 = tpu.memref_slice %arg6[%add3A_399, %dma_wait3A_406] : memref<160x128xi32, #tpu.memory_space<vmem>> -> memref<1x128xi32, #tpu.memory_space<vmem>>
      %dma_wait3A_408 = tpu.memref_squeeze %dma_wait3A_407 : memref<1x128xi32, #tpu.memory_space<vmem>> -> memref<128xi32, #tpu.memory_space<vmem>>
      %dma_wait3A_409 = arith.constant 0 : i32
      %dma_wait3A_410 = arith.constant 0 : i32
      %dma_wait3A_411 = tpu.memref_slice %arg12[%dma_wait3A_409, %dma_wait3A_410] : memref<10240x32xf32, #tpu.memory_space<vmem_shared>> -> memref<10240x32xf32, #tpu.memory_space<vmem_shared>>
      %dma_wait3A_412 = tpu.memref_slice %arg10[%dma_wait3A_401] : memref<4x!tpu.dma_semaphore, #tpu.memory_space<semaphore_mem>> -> memref<1x!tpu.dma_semaphore, #tpu.memory_space<semaphore_mem>>
      %dma_wait3A_413 = tpu.memref_squeeze %dma_wait3A_412 : memref<1x!tpu.dma_semaphore, #tpu.memory_space<semaphore_mem>> -> memref<!tpu.dma_semaphore, #tpu.memory_space<semaphore_mem>>
      tpu.wait_indirect_dma semaphore(%dma_wait3A_413 : memref<!tpu.dma_semaphore, #tpu.memory_space<semaphore_mem>>) src(%dma_wait3A_411 : memref<10240x32xf32, #tpu.memory_space<vmem_shared>>) dst(%dma_wait3A_405 : memref<128x32xf32, #tpu.memory_space<vmem>>)
      %dma_start3A_414 = arith.constant 3 : i32
      %dma_start3A_415 = arith.constant 3 : i32
      %dma_start3A_416 = arith.constant 0 : i32
      %dma_start3A_417 = arith.constant 0 : i32
      %dma_start3A_418 = tpu.memref_slice %arg8[%dma_start3A_414, %dma_start3A_416, %dma_start3A_417] : memref<4x128x32xf32, #tpu.memory_space<vmem>> -> memref<1x128x32xf32, #tpu.memory_space<vmem>>
      %dma_start3A_419 = tpu.memref_squeeze %dma_start3A_418 : memref<1x128x32xf32, #tpu.memory_space<vmem>> -> memref<128x32xf32, #tpu.memory_space<vmem>>
      %dma_start3A_420 = arith.constant 0 : i32
      %dma_start3A_421 = tpu.memref_slice %arg7[%add3A_399, %dma_start3A_420] : memref<160x128xi32, #tpu.memory_space<vmem>> -> memref<1x128xi32, #tpu.memory_space<vmem>>
      %dma_start3A_422 = tpu.memref_squeeze %dma_start3A_421 : memref<1x128xi32, #tpu.memory_space<vmem>> -> memref<128xi32, #tpu.memory_space<vmem>>
      %dma_start3A_423 = arith.constant 0 : i32
      %dma_start3A_424 = arith.constant 0 : i32
      %dma_start3A_425 = tpu.memref_slice %arg13[%dma_start3A_423, %dma_start3A_424] : memref<10240x32xf32, #tpu.memory_space<vmem_shared>> -> memref<10240x32xf32, #tpu.memory_space<vmem_shared>>
      %dma_start3A_426 = tpu.memref_slice %arg11[%dma_start3A_415] : memref<4x!tpu.dma_semaphore, #tpu.memory_space<semaphore_mem>> -> memref<1x!tpu.dma_semaphore, #tpu.memory_space<semaphore_mem>>
      %dma_start3A_427 = tpu.memref_squeeze %dma_start3A_426 : memref<1x!tpu.dma_semaphore, #tpu.memory_space<semaphore_mem>> -> memref<!tpu.dma_semaphore, #tpu.memory_space<semaphore_mem>>
      tpu.enqueue_indirect_dma source(%dma_start3A_419 : memref<128x32xf32, #tpu.memory_space<vmem>>) target(%dma_start3A_425 : memref<10240x32xf32, #tpu.memory_space<vmem_shared>>) offsets(%dma_start3A_422 : memref<128xi32, #tpu.memory_space<vmem>>) semaphore(%dma_start3A_427 : memref<!tpu.dma_semaphore, #tpu.memory_space<semaphore_mem>>) {add = true}
      %sub3A_428 = arith.constant 1 : i32
      %sub3A_429 = arith.subi %add3A_399, %sub3A_428 : i32
      %dma_wait3A_430 = arith.constant 2 : i32
      %dma_wait3A_431 = arith.constant 2 : i32
      %dma_wait3A_432 = arith.constant 0 : i32
      %dma_wait3A_433 = arith.constant 0 : i32
      %dma_wait3A_434 = tpu.memref_slice %arg8[%dma_wait3A_430, %dma_wait3A_432, %dma_wait3A_433] : memref<4x128x32xf32, #tpu.memory_space<vmem>> -> memref<1x128x32xf32, #tpu.memory_space<vmem>>
      %dma_wait3A_435 = tpu.memref_squeeze %dma_wait3A_434 : memref<1x128x32xf32, #tpu.memory_space<vmem>> -> memref<128x32xf32, #tpu.memory_space<vmem>>
      %dma_wait3A_436 = arith.constant 0 : i32
      %dma_wait3A_437 = tpu.memref_slice %arg7[%sub3A_429, %dma_wait3A_436] : memref<160x128xi32, #tpu.memory_space<vmem>> -> memref<1x128xi32, #tpu.memory_space<vmem>>
      %dma_wait3A_438 = tpu.memref_squeeze %dma_wait3A_437 : memref<1x128xi32, #tpu.memory_space<vmem>> -> memref<128xi32, #tpu.memory_space<vmem>>
      %dma_wait3A_439 = arith.constant 0 : i32
      %dma_wait3A_440 = arith.constant 0 : i32
      %dma_wait3A_441 = tpu.memref_slice %arg13[%dma_wait3A_439, %dma_wait3A_440] : memref<10240x32xf32, #tpu.memory_space<vmem_shared>> -> memref<10240x32xf32, #tpu.memory_space<vmem_shared>>
      %dma_wait3A_442 = tpu.memref_slice %arg11[%dma_wait3A_431] : memref<4x!tpu.dma_semaphore, #tpu.memory_space<semaphore_mem>> -> memref<1x!tpu.dma_semaphore, #tpu.memory_space<semaphore_mem>>
      %dma_wait3A_443 = tpu.memref_squeeze %dma_wait3A_442 : memref<1x!tpu.dma_semaphore, #tpu.memory_space<semaphore_mem>> -> memref<!tpu.dma_semaphore, #tpu.memory_space<semaphore_mem>>
      tpu.wait_indirect_dma semaphore(%dma_wait3A_443 : memref<!tpu.dma_semaphore, #tpu.memory_space<semaphore_mem>>) src(%dma_wait3A_435 : memref<128x32xf32, #tpu.memory_space<vmem>>) dst(%dma_wait3A_441 : memref<10240x32xf32, #tpu.memory_space<vmem_shared>>)
      %lt3A_444 = arith.constant 39 : i32
      %lt3A_445 = arith.cmpi slt, %scan3A_254, %lt3A_444 : i32
      %convert_element_type3A_446 = arith.extui %lt3A_445 : i1 to i32
      %cond3A_447 = arith.constant 0 : i32
      %cond3A_448 = arith.cmpi ne, %convert_element_type3A_446, %cond3A_447 : i32
      scf.if %cond3A_448 {
        %sub3A_449 = arith.constant 1 : i32
        %sub3A_450 = arith.subi %add3A_399, %sub3A_449 : i32
        %add3A_451 = arith.constant 4 : i32
        %add3A_452 = arith.addi %sub3A_450, %add3A_451 : i32
        %dma_start3A_453 = arith.constant 2 : i32
        %dma_start3A_454 = arith.constant 2 : i32
        %dma_start3A_455 = arith.constant 0 : i32
        %dma_start3A_456 = arith.constant 0 : i32
        %dma_start3A_457 = tpu.memref_slice %arg8[%dma_start3A_453, %dma_start3A_455, %dma_start3A_456] : memref<4x128x32xf32, #tpu.memory_space<vmem>> -> memref<1x128x32xf32, #tpu.memory_space<vmem>>
        %dma_start3A_458 = tpu.memref_squeeze %dma_start3A_457 : memref<1x128x32xf32, #tpu.memory_space<vmem>> -> memref<128x32xf32, #tpu.memory_space<vmem>>
        %dma_start3A_459 = arith.constant 0 : i32
        %dma_start3A_460 = tpu.memref_slice %arg6[%add3A_452, %dma_start3A_459] : memref<160x128xi32, #tpu.memory_space<vmem>> -> memref<1x128xi32, #tpu.memory_space<vmem>>
        %dma_start3A_461 = tpu.memref_squeeze %dma_start3A_460 : memref<1x128xi32, #tpu.memory_space<vmem>> -> memref<128xi32, #tpu.memory_space<vmem>>
        %dma_start3A_462 = arith.constant 0 : i32
        %dma_start3A_463 = arith.constant 0 : i32
        %dma_start3A_464 = tpu.memref_slice %arg12[%dma_start3A_462, %dma_start3A_463] : memref<10240x32xf32, #tpu.memory_space<vmem_shared>> -> memref<10240x32xf32, #tpu.memory_space<vmem_shared>>
        %dma_start3A_465 = tpu.memref_slice %arg10[%dma_start3A_454] : memref<4x!tpu.dma_semaphore, #tpu.memory_space<semaphore_mem>> -> memref<1x!tpu.dma_semaphore, #tpu.memory_space<semaphore_mem>>
        %dma_start3A_466 = tpu.memref_squeeze %dma_start3A_465 : memref<1x!tpu.dma_semaphore, #tpu.memory_space<semaphore_mem>> -> memref<!tpu.dma_semaphore, #tpu.memory_space<semaphore_mem>>
        tpu.enqueue_indirect_dma source(%dma_start3A_464 : memref<10240x32xf32, #tpu.memory_space<vmem_shared>>) target(%dma_start3A_458 : memref<128x32xf32, #tpu.memory_space<vmem>>) offsets(%dma_start3A_461 : memref<128xi32, #tpu.memory_space<vmem>>) semaphore(%dma_start3A_466 : memref<!tpu.dma_semaphore, #tpu.memory_space<semaphore_mem>>)
      } else {
      }
    }
    %scan3A_99 = arith.constant 40 : i32
    %dma_wait3A = arith.constant 3 : i32
    %dma_wait3A_100 = arith.constant 159 : i32
    %dma_wait3A_101 = arith.constant 3 : i32
    %dma_wait3A_102 = arith.constant 0 : i32
    %dma_wait3A_103 = arith.constant 0 : i32
    %dma_wait3A_104 = tpu.memref_slice %arg8[%dma_wait3A, %dma_wait3A_102, %dma_wait3A_103] : memref<4x128x32xf32, #tpu.memory_space<vmem>> -> memref<1x128x32xf32, #tpu.memory_space<vmem>>
    %dma_wait3A_105 = tpu.memref_squeeze %dma_wait3A_104 : memref<1x128x32xf32, #tpu.memory_space<vmem>> -> memref<128x32xf32, #tpu.memory_space<vmem>>
    %dma_wait3A_106 = arith.constant 0 : i32
    %dma_wait3A_107 = tpu.memref_slice %arg7[%dma_wait3A_100, %dma_wait3A_106] : memref<160x128xi32, #tpu.memory_space<vmem>> -> memref<1x128xi32, #tpu.memory_space<vmem>>
    %dma_wait3A_108 = tpu.memref_squeeze %dma_wait3A_107 : memref<1x128xi32, #tpu.memory_space<vmem>> -> memref<128xi32, #tpu.memory_space<vmem>>
    %dma_wait3A_109 = arith.constant 0 : i32
    %dma_wait3A_110 = arith.constant 0 : i32
    %dma_wait3A_111 = tpu.memref_slice %arg13[%dma_wait3A_109, %dma_wait3A_110] : memref<10240x32xf32, #tpu.memory_space<vmem_shared>> -> memref<10240x32xf32, #tpu.memory_space<vmem_shared>>
    %dma_wait3A_112 = tpu.memref_slice %arg11[%dma_wait3A_101] : memref<4x!tpu.dma_semaphore, #tpu.memory_space<semaphore_mem>> -> memref<1x!tpu.dma_semaphore, #tpu.memory_space<semaphore_mem>>
    %dma_wait3A_113 = tpu.memref_squeeze %dma_wait3A_112 : memref<1x!tpu.dma_semaphore, #tpu.memory_space<semaphore_mem>> -> memref<!tpu.dma_semaphore, #tpu.memory_space<semaphore_mem>>
    tpu.wait_indirect_dma semaphore(%dma_wait3A_113 : memref<!tpu.dma_semaphore, #tpu.memory_space<semaphore_mem>>) src(%dma_wait3A_105 : memref<128x32xf32, #tpu.memory_space<vmem>>) dst(%dma_wait3A_111 : memref<10240x32xf32, #tpu.memory_space<vmem_shared>>)
    %barrier3A_114 = arith.constant 0 : index
    tpu.barrier barrier_id(%barrier3A_114)
    %lt3A_115 = arith.constant 15 : i32
    %lt3A_116 = arith.cmpi slt, %arg1, %lt3A_115 : i32
    %convert_element_type3A_117 = arith.extui %lt3A_116 : i1 to i32
    %cond3A_118 = arith.constant 0 : i32
    %cond3A_119 = arith.cmpi ne, %convert_element_type3A_117, %cond3A_118 : i32
    scf.if %cond3A_119 {
      %mul3A_254 = arith.constant 640 : i32
      %mul3A_255 = arith.muli %arg1, %mul3A_254 : i32
      %mul3A_256 = arith.constant 640 : i32
      %mul3A_257 = arith.muli %arg1, %mul3A_256 : i32
      %add3A_258 = arith.addi %mul3A_8, %mul3A_257 : i32
      "tpu.region"() ({
        %run_scoped3A = tpu.sem_alloc : memref<!tpu.dma_semaphore, #tpu.memory_space<semaphore_mem>>
        %dma_start3A_259 = arith.constant 0 : i32
        %dma_start3A_260 = tpu.memref_slice %arg5[%add3A_258, %dma_start3A_259] : memref<40000x32xf32, #tpu.memory_space<hbm>> -> memref<640x32xf32, #tpu.memory_space<hbm>>
        %dma_start3A_261 = arith.constant 0 : i32
        %dma_start3A_262 = tpu.memref_slice %arg13[%mul3A_255, %dma_start3A_261] : memref<10240x32xf32, #tpu.memory_space<vmem_shared>> -> memref<640x32xf32, #tpu.memory_space<vmem_shared>>
        tpu.enqueue_dma source(%dma_start3A_262 : memref<640x32xf32, #tpu.memory_space<vmem_shared>>) target(%dma_start3A_260 : memref<640x32xf32, #tpu.memory_space<hbm>>) target_semaphore(%run_scoped3A : memref<!tpu.dma_semaphore, #tpu.memory_space<semaphore_mem>>)
        %dma_wait3A_263 = arith.constant 0 : i32
        %dma_wait3A_264 = tpu.memref_slice %arg5[%add3A_258, %dma_wait3A_263] : memref<40000x32xf32, #tpu.memory_space<hbm>> -> memref<640x32xf32, #tpu.memory_space<hbm>>
        %dma_wait3A_265 = arith.constant 0 : i32
        %dma_wait3A_266 = tpu.memref_slice %arg13[%mul3A_255, %dma_wait3A_265] : memref<10240x32xf32, #tpu.memory_space<vmem_shared>> -> memref<640x32xf32, #tpu.memory_space<vmem_shared>>
        tpu.wait_dma2 semaphore(%run_scoped3A : memref<!tpu.dma_semaphore, #tpu.memory_space<semaphore_mem>>) src(%dma_wait3A_266 : memref<640x32xf32, #tpu.memory_space<vmem_shared>>) dst(%dma_wait3A_264 : memref<640x32xf32, #tpu.memory_space<hbm>>)
        tpu.yield
      }) : () -> ()
    } else {
    }
    %eq3A_120 = arith.constant 15 : i32
    %eq3A_121 = arith.cmpi eq, %arg1, %eq3A_120 : i32
    %convert_element_type3A_122 = arith.extui %eq3A_121 : i1 to i32
    %cond3A_123 = arith.constant 0 : i32
    %cond3A_124 = arith.cmpi ne, %convert_element_type3A_122, %cond3A_123 : i32
    scf.if %cond3A_124 {
      %add3A_254 = arith.constant 9600 : i32
      %add3A_255 = arith.addi %mul3A_8, %add3A_254 : i32
      "tpu.region"() ({
        %run_scoped3A = tpu.sem_alloc : memref<!tpu.dma_semaphore, #tpu.memory_space<semaphore_mem>>
        %dma_start3A_256 = arith.constant 0 : i32
        %dma_start3A_257 = tpu.memref_slice %arg5[%add3A_255, %dma_start3A_256] : memref<40000x32xf32, #tpu.memory_space<hbm>> -> memref<400x32xf32, #tpu.memory_space<hbm>>
        %dma_start3A_258 = arith.constant 9600 : i32
        %dma_start3A_259 = arith.constant 0 : i32
        %dma_start3A_260 = tpu.memref_slice %arg13[%dma_start3A_258, %dma_start3A_259] : memref<10240x32xf32, #tpu.memory_space<vmem_shared>> -> memref<400x32xf32, #tpu.memory_space<vmem_shared>>
        tpu.enqueue_dma source(%dma_start3A_260 : memref<400x32xf32, #tpu.memory_space<vmem_shared>>) target(%dma_start3A_257 : memref<400x32xf32, #tpu.memory_space<hbm>>) target_semaphore(%run_scoped3A : memref<!tpu.dma_semaphore, #tpu.memory_space<semaphore_mem>>)
        %dma_wait3A_261 = arith.constant 0 : i32
        %dma_wait3A_262 = tpu.memref_slice %arg5[%add3A_255, %dma_wait3A_261] : memref<40000x32xf32, #tpu.memory_space<hbm>> -> memref<400x32xf32, #tpu.memory_space<hbm>>
        %dma_wait3A_263 = arith.constant 9600 : i32
        %dma_wait3A_264 = arith.constant 0 : i32
        %dma_wait3A_265 = tpu.memref_slice %arg13[%dma_wait3A_263, %dma_wait3A_264] : memref<10240x32xf32, #tpu.memory_space<vmem_shared>> -> memref<400x32xf32, #tpu.memory_space<vmem_shared>>
        tpu.wait_dma2 semaphore(%run_scoped3A : memref<!tpu.dma_semaphore, #tpu.memory_space<semaphore_mem>>) src(%dma_wait3A_265 : memref<400x32xf32, #tpu.memory_space<vmem_shared>>) dst(%dma_wait3A_262 : memref<400x32xf32, #tpu.memory_space<hbm>>)
        tpu.yield
      }) : () -> ()
    } else {
    }
    %mul3A_125 = arith.constant 2 : i32
    %mul3A_126 = arith.muli %mul3A_125, %arg0 : i32
    %add3A_127 = arith.constant 1 : i32
    %add3A_128 = arith.addi %mul3A_126, %add3A_127 : i32
    %mul3A_129 = arith.constant 10000 : i32
    %mul3A_130 = arith.muli %add3A_128, %mul3A_129 : i32
    %lt3A_131 = arith.constant 15 : i32
    %lt3A_132 = arith.cmpi slt, %arg1, %lt3A_131 : i32
    %convert_element_type3A_133 = arith.extui %lt3A_132 : i1 to i32
    %cond3A_134 = arith.constant 0 : i32
    %cond3A_135 = arith.cmpi ne, %convert_element_type3A_133, %cond3A_134 : i32
    scf.if %cond3A_135 {
      %mul3A_254 = arith.constant 640 : i32
      %mul3A_255 = arith.muli %arg1, %mul3A_254 : i32
      %add3A_256 = arith.addi %mul3A_130, %mul3A_255 : i32
      %mul3A_257 = arith.constant 640 : i32
      %mul3A_258 = arith.muli %arg1, %mul3A_257 : i32
      "tpu.region"() ({
        %run_scoped3A = tpu.sem_alloc : memref<!tpu.dma_semaphore, #tpu.memory_space<semaphore_mem>>
        %dma_start3A_259 = arith.constant 0 : i32
        %dma_start3A_260 = tpu.memref_slice %arg12[%mul3A_258, %dma_start3A_259] : memref<10240x32xf32, #tpu.memory_space<vmem_shared>> -> memref<640x32xf32, #tpu.memory_space<vmem_shared>>
        %dma_start3A_261 = arith.constant 0 : i32
        %dma_start3A_262 = tpu.memref_slice %arg2[%add3A_256, %dma_start3A_261] : memref<40000x32xf32, #tpu.memory_space<hbm>> -> memref<640x32xf32, #tpu.memory_space<hbm>>
        tpu.enqueue_dma source(%dma_start3A_262 : memref<640x32xf32, #tpu.memory_space<hbm>>) target(%dma_start3A_260 : memref<640x32xf32, #tpu.memory_space<vmem_shared>>) target_semaphore(%run_scoped3A : memref<!tpu.dma_semaphore, #tpu.memory_space<semaphore_mem>>)
        %dma_wait3A_263 = arith.constant 0 : i32
        %dma_wait3A_264 = tpu.memref_slice %arg12[%mul3A_258, %dma_wait3A_263] : memref<10240x32xf32, #tpu.memory_space<vmem_shared>> -> memref<640x32xf32, #tpu.memory_space<vmem_shared>>
        %dma_wait3A_265 = arith.constant 0 : i32
        %dma_wait3A_266 = tpu.memref_slice %arg2[%add3A_256, %dma_wait3A_265] : memref<40000x32xf32, #tpu.memory_space<hbm>> -> memref<640x32xf32, #tpu.memory_space<hbm>>
        tpu.wait_dma2 semaphore(%run_scoped3A : memref<!tpu.dma_semaphore, #tpu.memory_space<semaphore_mem>>) src(%dma_wait3A_266 : memref<640x32xf32, #tpu.memory_space<hbm>>) dst(%dma_wait3A_264 : memref<640x32xf32, #tpu.memory_space<vmem_shared>>)
        tpu.yield
      }) : () -> ()
    } else {
    }
    %eq3A_136 = arith.constant 15 : i32
    %eq3A_137 = arith.cmpi eq, %arg1, %eq3A_136 : i32
    %convert_element_type3A_138 = arith.extui %eq3A_137 : i1 to i32
    %cond3A_139 = arith.constant 0 : i32
    %cond3A_140 = arith.cmpi ne, %convert_element_type3A_138, %cond3A_139 : i32
    scf.if %cond3A_140 {
      %add3A_254 = arith.constant 9600 : i32
      %add3A_255 = arith.addi %mul3A_130, %add3A_254 : i32
      "tpu.region"() ({
        %run_scoped3A = tpu.sem_alloc : memref<!tpu.dma_semaphore, #tpu.memory_space<semaphore_mem>>
        %dma_start3A_256 = arith.constant 9600 : i32
        %dma_start3A_257 = arith.constant 0 : i32
        %dma_start3A_258 = tpu.memref_slice %arg12[%dma_start3A_256, %dma_start3A_257] : memref<10240x32xf32, #tpu.memory_space<vmem_shared>> -> memref<400x32xf32, #tpu.memory_space<vmem_shared>>
        %dma_start3A_259 = arith.constant 0 : i32
        %dma_start3A_260 = tpu.memref_slice %arg2[%add3A_255, %dma_start3A_259] : memref<40000x32xf32, #tpu.memory_space<hbm>> -> memref<400x32xf32, #tpu.memory_space<hbm>>
        tpu.enqueue_dma source(%dma_start3A_260 : memref<400x32xf32, #tpu.memory_space<hbm>>) target(%dma_start3A_258 : memref<400x32xf32, #tpu.memory_space<vmem_shared>>) target_semaphore(%run_scoped3A : memref<!tpu.dma_semaphore, #tpu.memory_space<semaphore_mem>>)
        %dma_wait3A_261 = arith.constant 9600 : i32
        %dma_wait3A_262 = arith.constant 0 : i32
        %dma_wait3A_263 = tpu.memref_slice %arg12[%dma_wait3A_261, %dma_wait3A_262] : memref<10240x32xf32, #tpu.memory_space<vmem_shared>> -> memref<400x32xf32, #tpu.memory_space<vmem_shared>>
        %dma_wait3A_264 = arith.constant 0 : i32
        %dma_wait3A_265 = tpu.memref_slice %arg2[%add3A_255, %dma_wait3A_264] : memref<40000x32xf32, #tpu.memory_space<hbm>> -> memref<400x32xf32, #tpu.memory_space<hbm>>
        tpu.wait_dma2 semaphore(%run_scoped3A : memref<!tpu.dma_semaphore, #tpu.memory_space<semaphore_mem>>) src(%dma_wait3A_265 : memref<400x32xf32, #tpu.memory_space<hbm>>) dst(%dma_wait3A_263 : memref<400x32xf32, #tpu.memory_space<vmem_shared>>)
        tpu.yield
      }) : () -> ()
    } else {
    }
    %mul3A_141 = arith.constant 640 : i32
    %mul3A_142 = arith.muli %arg1, %mul3A_141 : i32
    %add3A_143 = arith.constant 0 : i32
    %add3A_144 = arith.addi %mul3A_142, %add3A_143 : i32
    "tpu.region"() ({
      %run_scoped3A = tpu.sem_alloc : memref<!tpu.dma_semaphore, #tpu.memory_space<semaphore_mem>>
      %dma_start3A_254 = arith.constant 0 : i32
      %dma_start3A_255 = tpu.memref_slice %arg13[%add3A_144, %dma_start3A_254] : memref<10240x32xf32, #tpu.memory_space<vmem_shared>> -> memref<128x32xf32, #tpu.memory_space<vmem_shared>>
      %dma_start3A_256 = arith.constant 0 : i32
      %dma_start3A_257 = tpu.memref_slice %arg13[%add3A_144, %dma_start3A_256] : memref<10240x32xf32, #tpu.memory_space<vmem_shared>> -> memref<128x32xf32, #tpu.memory_space<vmem_shared>>
      tpu.enqueue_dma source(%arg9 : memref<128x32xf32, #tpu.memory_space<vmem>>) target(%dma_start3A_257 : memref<128x32xf32, #tpu.memory_space<vmem_shared>>) target_semaphore(%run_scoped3A : memref<!tpu.dma_semaphore, #tpu.memory_space<semaphore_mem>>)
      %dma_wait3A_258 = arith.constant 0 : i32
      %dma_wait3A_259 = tpu.memref_slice %arg13[%add3A_144, %dma_wait3A_258] : memref<10240x32xf32, #tpu.memory_space<vmem_shared>> -> memref<128x32xf32, #tpu.memory_space<vmem_shared>>
      %dma_wait3A_260 = arith.constant 0 : i32
      %dma_wait3A_261 = tpu.memref_slice %arg13[%add3A_144, %dma_wait3A_260] : memref<10240x32xf32, #tpu.memory_space<vmem_shared>> -> memref<128x32xf32, #tpu.memory_space<vmem_shared>>
      tpu.wait_dma2 semaphore(%run_scoped3A : memref<!tpu.dma_semaphore, #tpu.memory_space<semaphore_mem>>) src(%arg9 : memref<128x32xf32, #tpu.memory_space<vmem>>) dst(%dma_wait3A_261 : memref<128x32xf32, #tpu.memory_space<vmem_shared>>)
      tpu.yield
    }) : () -> ()
    %mul3A_145 = arith.constant 640 : i32
    %mul3A_146 = arith.muli %arg1, %mul3A_145 : i32
    %add3A_147 = arith.constant 128 : i32
    %add3A_148 = arith.addi %mul3A_146, %add3A_147 : i32
    "tpu.region"() ({
      %run_scoped3A = tpu.sem_alloc : memref<!tpu.dma_semaphore, #tpu.memory_space<semaphore_mem>>
      %dma_start3A_254 = arith.constant 0 : i32
      %dma_start3A_255 = tpu.memref_slice %arg13[%add3A_148, %dma_start3A_254] : memref<10240x32xf32, #tpu.memory_space<vmem_shared>> -> memref<128x32xf32, #tpu.memory_space<vmem_shared>>
      %dma_start3A_256 = arith.constant 0 : i32
      %dma_start3A_257 = tpu.memref_slice %arg13[%add3A_148, %dma_start3A_256] : memref<10240x32xf32, #tpu.memory_space<vmem_shared>> -> memref<128x32xf32, #tpu.memory_space<vmem_shared>>
      tpu.enqueue_dma source(%arg9 : memref<128x32xf32, #tpu.memory_space<vmem>>) target(%dma_start3A_257 : memref<128x32xf32, #tpu.memory_space<vmem_shared>>) target_semaphore(%run_scoped3A : memref<!tpu.dma_semaphore, #tpu.memory_space<semaphore_mem>>)
      %dma_wait3A_258 = arith.constant 0 : i32
      %dma_wait3A_259 = tpu.memref_slice %arg13[%add3A_148, %dma_wait3A_258] : memref<10240x32xf32, #tpu.memory_space<vmem_shared>> -> memref<128x32xf32, #tpu.memory_space<vmem_shared>>
      %dma_wait3A_260 = arith.constant 0 : i32
      %dma_wait3A_261 = tpu.memref_slice %arg13[%add3A_148, %dma_wait3A_260] : memref<10240x32xf32, #tpu.memory_space<vmem_shared>> -> memref<128x32xf32, #tpu.memory_space<vmem_shared>>
      tpu.wait_dma2 semaphore(%run_scoped3A : memref<!tpu.dma_semaphore, #tpu.memory_space<semaphore_mem>>) src(%arg9 : memref<128x32xf32, #tpu.memory_space<vmem>>) dst(%dma_wait3A_261 : memref<128x32xf32, #tpu.memory_space<vmem_shared>>)
      tpu.yield
    }) : () -> ()
    %mul3A_149 = arith.constant 640 : i32
    %mul3A_150 = arith.muli %arg1, %mul3A_149 : i32
    %add3A_151 = arith.constant 256 : i32
    %add3A_152 = arith.addi %mul3A_150, %add3A_151 : i32
    "tpu.region"() ({
      %run_scoped3A = tpu.sem_alloc : memref<!tpu.dma_semaphore, #tpu.memory_space<semaphore_mem>>
      %dma_start3A_254 = arith.constant 0 : i32
      %dma_start3A_255 = tpu.memref_slice %arg13[%add3A_152, %dma_start3A_254] : memref<10240x32xf32, #tpu.memory_space<vmem_shared>> -> memref<128x32xf32, #tpu.memory_space<vmem_shared>>
      %dma_start3A_256 = arith.constant 0 : i32
      %dma_start3A_257 = tpu.memref_slice %arg13[%add3A_152, %dma_start3A_256] : memref<10240x32xf32, #tpu.memory_space<vmem_shared>> -> memref<128x32xf32, #tpu.memory_space<vmem_shared>>
      tpu.enqueue_dma source(%arg9 : memref<128x32xf32, #tpu.memory_space<vmem>>) target(%dma_start3A_257 : memref<128x32xf32, #tpu.memory_space<vmem_shared>>) target_semaphore(%run_scoped3A : memref<!tpu.dma_semaphore, #tpu.memory_space<semaphore_mem>>)
      %dma_wait3A_258 = arith.constant 0 : i32
      %dma_wait3A_259 = tpu.memref_slice %arg13[%add3A_152, %dma_wait3A_258] : memref<10240x32xf32, #tpu.memory_space<vmem_shared>> -> memref<128x32xf32, #tpu.memory_space<vmem_shared>>
      %dma_wait3A_260 = arith.constant 0 : i32
      %dma_wait3A_261 = tpu.memref_slice %arg13[%add3A_152, %dma_wait3A_260] : memref<10240x32xf32, #tpu.memory_space<vmem_shared>> -> memref<128x32xf32, #tpu.memory_space<vmem_shared>>
      tpu.wait_dma2 semaphore(%run_scoped3A : memref<!tpu.dma_semaphore, #tpu.memory_space<semaphore_mem>>) src(%arg9 : memref<128x32xf32, #tpu.memory_space<vmem>>) dst(%dma_wait3A_261 : memref<128x32xf32, #tpu.memory_space<vmem_shared>>)
      tpu.yield
    }) : () -> ()
    %mul3A_153 = arith.constant 640 : i32
    %mul3A_154 = arith.muli %arg1, %mul3A_153 : i32
    %add3A_155 = arith.constant 384 : i32
    %add3A_156 = arith.addi %mul3A_154, %add3A_155 : i32
    "tpu.region"() ({
      %run_scoped3A = tpu.sem_alloc : memref<!tpu.dma_semaphore, #tpu.memory_space<semaphore_mem>>
      %dma_start3A_254 = arith.constant 0 : i32
      %dma_start3A_255 = tpu.memref_slice %arg13[%add3A_156, %dma_start3A_254] : memref<10240x32xf32, #tpu.memory_space<vmem_shared>> -> memref<128x32xf32, #tpu.memory_space<vmem_shared>>
      %dma_start3A_256 = arith.constant 0 : i32
      %dma_start3A_257 = tpu.memref_slice %arg13[%add3A_156, %dma_start3A_256] : memref<10240x32xf32, #tpu.memory_space<vmem_shared>> -> memref<128x32xf32, #tpu.memory_space<vmem_shared>>
      tpu.enqueue_dma source(%arg9 : memref<128x32xf32, #tpu.memory_space<vmem>>) target(%dma_start3A_257 : memref<128x32xf32, #tpu.memory_space<vmem_shared>>) target_semaphore(%run_scoped3A : memref<!tpu.dma_semaphore, #tpu.memory_space<semaphore_mem>>)
      %dma_wait3A_258 = arith.constant 0 : i32
      %dma_wait3A_259 = tpu.memref_slice %arg13[%add3A_156, %dma_wait3A_258] : memref<10240x32xf32, #tpu.memory_space<vmem_shared>> -> memref<128x32xf32, #tpu.memory_space<vmem_shared>>
      %dma_wait3A_260 = arith.constant 0 : i32
      %dma_wait3A_261 = tpu.memref_slice %arg13[%add3A_156, %dma_wait3A_260] : memref<10240x32xf32, #tpu.memory_space<vmem_shared>> -> memref<128x32xf32, #tpu.memory_space<vmem_shared>>
      tpu.wait_dma2 semaphore(%run_scoped3A : memref<!tpu.dma_semaphore, #tpu.memory_space<semaphore_mem>>) src(%arg9 : memref<128x32xf32, #tpu.memory_space<vmem>>) dst(%dma_wait3A_261 : memref<128x32xf32, #tpu.memory_space<vmem_shared>>)
      tpu.yield
    }) : () -> ()
    %mul3A_157 = arith.constant 640 : i32
    %mul3A_158 = arith.muli %arg1, %mul3A_157 : i32
    %add3A_159 = arith.constant 512 : i32
    %add3A_160 = arith.addi %mul3A_158, %add3A_159 : i32
    "tpu.region"() ({
      %run_scoped3A = tpu.sem_alloc : memref<!tpu.dma_semaphore, #tpu.memory_space<semaphore_mem>>
      %dma_start3A_254 = arith.constant 0 : i32
      %dma_start3A_255 = tpu.memref_slice %arg13[%add3A_160, %dma_start3A_254] : memref<10240x32xf32, #tpu.memory_space<vmem_shared>> -> memref<128x32xf32, #tpu.memory_space<vmem_shared>>
      %dma_start3A_256 = arith.constant 0 : i32
      %dma_start3A_257 = tpu.memref_slice %arg13[%add3A_160, %dma_start3A_256] : memref<10240x32xf32, #tpu.memory_space<vmem_shared>> -> memref<128x32xf32, #tpu.memory_space<vmem_shared>>
      tpu.enqueue_dma source(%arg9 : memref<128x32xf32, #tpu.memory_space<vmem>>) target(%dma_start3A_257 : memref<128x32xf32, #tpu.memory_space<vmem_shared>>) target_semaphore(%run_scoped3A : memref<!tpu.dma_semaphore, #tpu.memory_space<semaphore_mem>>)
      %dma_wait3A_258 = arith.constant 0 : i32
      %dma_wait3A_259 = tpu.memref_slice %arg13[%add3A_160, %dma_wait3A_258] : memref<10240x32xf32, #tpu.memory_space<vmem_shared>> -> memref<128x32xf32, #tpu.memory_space<vmem_shared>>
      %dma_wait3A_260 = arith.constant 0 : i32
      %dma_wait3A_261 = tpu.memref_slice %arg13[%add3A_160, %dma_wait3A_260] : memref<10240x32xf32, #tpu.memory_space<vmem_shared>> -> memref<128x32xf32, #tpu.memory_space<vmem_shared>>
      tpu.wait_dma2 semaphore(%run_scoped3A : memref<!tpu.dma_semaphore, #tpu.memory_space<semaphore_mem>>) src(%arg9 : memref<128x32xf32, #tpu.memory_space<vmem>>) dst(%dma_wait3A_261 : memref<128x32xf32, #tpu.memory_space<vmem_shared>>)
      tpu.yield
    }) : () -> ()
    %barrier3A_161 = arith.constant 0 : index
    tpu.barrier barrier_id(%barrier3A_161)
    %dma_start3A_162 = arith.constant 0 : i32
    %dma_start3A_163 = arith.constant 0 : i32
    %dma_start3A_164 = arith.constant 0 : i32
    %dma_start3A_165 = arith.constant 0 : i32
    %dma_start3A_166 = arith.constant 0 : i32
    %dma_start3A_167 = tpu.memref_slice %arg8[%dma_start3A_163, %dma_start3A_165, %dma_start3A_166] : memref<4x128x32xf32, #tpu.memory_space<vmem>> -> memref<1x128x32xf32, #tpu.memory_space<vmem>>
    %dma_start3A_168 = tpu.memref_squeeze %dma_start3A_167 : memref<1x128x32xf32, #tpu.memory_space<vmem>> -> memref<128x32xf32, #tpu.memory_space<vmem>>
    %dma_start3A_169 = arith.constant 0 : i32
    %dma_start3A_170 = tpu.memref_slice %arg6[%dma_start3A_162, %dma_start3A_169] : memref<160x128xi32, #tpu.memory_space<vmem>> -> memref<1x128xi32, #tpu.memory_space<vmem>>
    %dma_start3A_171 = tpu.memref_squeeze %dma_start3A_170 : memref<1x128xi32, #tpu.memory_space<vmem>> -> memref<128xi32, #tpu.memory_space<vmem>>
    %dma_start3A_172 = arith.constant 0 : i32
    %dma_start3A_173 = arith.constant 0 : i32
    %dma_start3A_174 = tpu.memref_slice %arg12[%dma_start3A_172, %dma_start3A_173] : memref<10240x32xf32, #tpu.memory_space<vmem_shared>> -> memref<10240x32xf32, #tpu.memory_space<vmem_shared>>
    %dma_start3A_175 = tpu.memref_slice %arg10[%dma_start3A_164] : memref<4x!tpu.dma_semaphore, #tpu.memory_space<semaphore_mem>> -> memref<1x!tpu.dma_semaphore, #tpu.memory_space<semaphore_mem>>
    %dma_start3A_176 = tpu.memref_squeeze %dma_start3A_175 : memref<1x!tpu.dma_semaphore, #tpu.memory_space<semaphore_mem>> -> memref<!tpu.dma_semaphore, #tpu.memory_space<semaphore_mem>>
    tpu.enqueue_indirect_dma source(%dma_start3A_174 : memref<10240x32xf32, #tpu.memory_space<vmem_shared>>) target(%dma_start3A_168 : memref<128x32xf32, #tpu.memory_space<vmem>>) offsets(%dma_start3A_171 : memref<128xi32, #tpu.memory_space<vmem>>) semaphore(%dma_start3A_176 : memref<!tpu.dma_semaphore, #tpu.memory_space<semaphore_mem>>)
    %dma_start3A_177 = arith.constant 1 : i32
    %dma_start3A_178 = arith.constant 1 : i32
    %dma_start3A_179 = arith.constant 1 : i32
    %dma_start3A_180 = arith.constant 0 : i32
    %dma_start3A_181 = arith.constant 0 : i32
    %dma_start3A_182 = tpu.memref_slice %arg8[%dma_start3A_178, %dma_start3A_180, %dma_start3A_181] : memref<4x128x32xf32, #tpu.memory_space<vmem>> -> memref<1x128x32xf32, #tpu.memory_space<vmem>>
    %dma_start3A_183 = tpu.memref_squeeze %dma_start3A_182 : memref<1x128x32xf32, #tpu.memory_space<vmem>> -> memref<128x32xf32, #tpu.memory_space<vmem>>
    %dma_start3A_184 = arith.constant 0 : i32
    %dma_start3A_185 = tpu.memref_slice %arg6[%dma_start3A_177, %dma_start3A_184] : memref<160x128xi32, #tpu.memory_space<vmem>> -> memref<1x128xi32, #tpu.memory_space<vmem>>
    %dma_start3A_186 = tpu.memref_squeeze %dma_start3A_185 : memref<1x128xi32, #tpu.memory_space<vmem>> -> memref<128xi32, #tpu.memory_space<vmem>>
    %dma_start3A_187 = arith.constant 0 : i32
    %dma_start3A_188 = arith.constant 0 : i32
    %dma_start3A_189 = tpu.memref_slice %arg12[%dma_start3A_187, %dma_start3A_188] : memref<10240x32xf32, #tpu.memory_space<vmem_shared>> -> memref<10240x32xf32, #tpu.memory_space<vmem_shared>>
    %dma_start3A_190 = tpu.memref_slice %arg10[%dma_start3A_179] : memref<4x!tpu.dma_semaphore, #tpu.memory_space<semaphore_mem>> -> memref<1x!tpu.dma_semaphore, #tpu.memory_space<semaphore_mem>>
    %dma_start3A_191 = tpu.memref_squeeze %dma_start3A_190 : memref<1x!tpu.dma_semaphore, #tpu.memory_space<semaphore_mem>> -> memref<!tpu.dma_semaphore, #tpu.memory_space<semaphore_mem>>
    tpu.enqueue_indirect_dma source(%dma_start3A_189 : memref<10240x32xf32, #tpu.memory_space<vmem_shared>>) target(%dma_start3A_183 : memref<128x32xf32, #tpu.memory_space<vmem>>) offsets(%dma_start3A_186 : memref<128xi32, #tpu.memory_space<vmem>>) semaphore(%dma_start3A_191 : memref<!tpu.dma_semaphore, #tpu.memory_space<semaphore_mem>>)
    %dma_start3A_192 = arith.constant 2 : i32
    %dma_start3A_193 = arith.constant 2 : i32
    %dma_start3A_194 = arith.constant 2 : i32
    %dma_start3A_195 = arith.constant 0 : i32
    %dma_start3A_196 = arith.constant 0 : i32
    %dma_start3A_197 = tpu.memref_slice %arg8[%dma_start3A_193, %dma_start3A_195, %dma_start3A_196] : memref<4x128x32xf32, #tpu.memory_space<vmem>> -> memref<1x128x32xf32, #tpu.memory_space<vmem>>
    %dma_start3A_198 = tpu.memref_squeeze %dma_start3A_197 : memref<1x128x32xf32, #tpu.memory_space<vmem>> -> memref<128x32xf32, #tpu.memory_space<vmem>>
    %dma_start3A_199 = arith.constant 0 : i32
    %dma_start3A_200 = tpu.memref_slice %arg6[%dma_start3A_192, %dma_start3A_199] : memref<160x128xi32, #tpu.memory_space<vmem>> -> memref<1x128xi32, #tpu.memory_space<vmem>>
    %dma_start3A_201 = tpu.memref_squeeze %dma_start3A_200 : memref<1x128xi32, #tpu.memory_space<vmem>> -> memref<128xi32, #tpu.memory_space<vmem>>
    %dma_start3A_202 = arith.constant 0 : i32
    %dma_start3A_203 = arith.constant 0 : i32
    %dma_start3A_204 = tpu.memref_slice %arg12[%dma_start3A_202, %dma_start3A_203] : memref<10240x32xf32, #tpu.memory_space<vmem_shared>> -> memref<10240x32xf32, #tpu.memory_space<vmem_shared>>
    %dma_start3A_205 = tpu.memref_slice %arg10[%dma_start3A_194] : memref<4x!tpu.dma_semaphore, #tpu.memory_space<semaphore_mem>> -> memref<1x!tpu.dma_semaphore, #tpu.memory_space<semaphore_mem>>
    %dma_start3A_206 = tpu.memref_squeeze %dma_start3A_205 : memref<1x!tpu.dma_semaphore, #tpu.memory_space<semaphore_mem>> -> memref<!tpu.dma_semaphore, #tpu.memory_space<semaphore_mem>>
    tpu.enqueue_indirect_dma source(%dma_start3A_204 : memref<10240x32xf32, #tpu.memory_space<vmem_shared>>) target(%dma_start3A_198 : memref<128x32xf32, #tpu.memory_space<vmem>>) offsets(%dma_start3A_201 : memref<128xi32, #tpu.memory_space<vmem>>) semaphore(%dma_start3A_206 : memref<!tpu.dma_semaphore, #tpu.memory_space<semaphore_mem>>)
    %dma_start3A_207 = arith.constant 3 : i32
    %dma_start3A_208 = arith.constant 3 : i32
    %dma_start3A_209 = arith.constant 3 : i32
    %dma_start3A_210 = arith.constant 0 : i32
    %dma_start3A_211 = arith.constant 0 : i32
    %dma_start3A_212 = tpu.memref_slice %arg8[%dma_start3A_208, %dma_start3A_210, %dma_start3A_211] : memref<4x128x32xf32, #tpu.memory_space<vmem>> -> memref<1x128x32xf32, #tpu.memory_space<vmem>>
    %dma_start3A_213 = tpu.memref_squeeze %dma_start3A_212 : memref<1x128x32xf32, #tpu.memory_space<vmem>> -> memref<128x32xf32, #tpu.memory_space<vmem>>
    %dma_start3A_214 = arith.constant 0 : i32
    %dma_start3A_215 = tpu.memref_slice %arg6[%dma_start3A_207, %dma_start3A_214] : memref<160x128xi32, #tpu.memory_space<vmem>> -> memref<1x128xi32, #tpu.memory_space<vmem>>
    %dma_start3A_216 = tpu.memref_squeeze %dma_start3A_215 : memref<1x128xi32, #tpu.memory_space<vmem>> -> memref<128xi32, #tpu.memory_space<vmem>>
    %dma_start3A_217 = arith.constant 0 : i32
    %dma_start3A_218 = arith.constant 0 : i32
    %dma_start3A_219 = tpu.memref_slice %arg12[%dma_start3A_217, %dma_start3A_218] : memref<10240x32xf32, #tpu.memory_space<vmem_shared>> -> memref<10240x32xf32, #tpu.memory_space<vmem_shared>>
    %dma_start3A_220 = tpu.memref_slice %arg10[%dma_start3A_209] : memref<4x!tpu.dma_semaphore, #tpu.memory_space<semaphore_mem>> -> memref<1x!tpu.dma_semaphore, #tpu.memory_space<semaphore_mem>>
    %dma_start3A_221 = tpu.memref_squeeze %dma_start3A_220 : memref<1x!tpu.dma_semaphore, #tpu.memory_space<semaphore_mem>> -> memref<!tpu.dma_semaphore, #tpu.memory_space<semaphore_mem>>
    tpu.enqueue_indirect_dma source(%dma_start3A_219 : memref<10240x32xf32, #tpu.memory_space<vmem_shared>>) target(%dma_start3A_213 : memref<128x32xf32, #tpu.memory_space<vmem>>) offsets(%dma_start3A_216 : memref<128xi32, #tpu.memory_space<vmem>>) semaphore(%dma_start3A_221 : memref<!tpu.dma_semaphore, #tpu.memory_space<semaphore_mem>>)
    %scan3A_222 = arith.constant 0 : i32
    %scan3A_223 = arith.constant 0 : i32
    %scan3A_224 = arith.constant 40 : i32
    %scan3A_225 = arith.addi %scan3A_223, %scan3A_224 : i32
    %scan3A_226 = arith.constant 1 : i32
    scf.for %scan3A_254 = %scan3A_223 to %scan3A_225 step %scan3A_226  : i32 {
      %mul3A_255 = arith.constant 4 : i32
      %mul3A_256 = arith.muli %scan3A_254, %mul3A_255 : i32
      %add3A_257 = arith.constant 0 : i32
      %add3A_258 = arith.addi %mul3A_256, %add3A_257 : i32
      %dma_wait3A_259 = arith.constant 0 : i32
      %dma_wait3A_260 = arith.constant 0 : i32
      %dma_wait3A_261 = arith.constant 0 : i32
      %dma_wait3A_262 = arith.constant 0 : i32
      %dma_wait3A_263 = tpu.memref_slice %arg8[%dma_wait3A_259, %dma_wait3A_261, %dma_wait3A_262] : memref<4x128x32xf32, #tpu.memory_space<vmem>> -> memref<1x128x32xf32, #tpu.memory_space<vmem>>
      %dma_wait3A_264 = tpu.memref_squeeze %dma_wait3A_263 : memref<1x128x32xf32, #tpu.memory_space<vmem>> -> memref<128x32xf32, #tpu.memory_space<vmem>>
      %dma_wait3A_265 = arith.constant 0 : i32
      %dma_wait3A_266 = tpu.memref_slice %arg6[%add3A_258, %dma_wait3A_265] : memref<160x128xi32, #tpu.memory_space<vmem>> -> memref<1x128xi32, #tpu.memory_space<vmem>>
      %dma_wait3A_267 = tpu.memref_squeeze %dma_wait3A_266 : memref<1x128xi32, #tpu.memory_space<vmem>> -> memref<128xi32, #tpu.memory_space<vmem>>
      %dma_wait3A_268 = arith.constant 0 : i32
      %dma_wait3A_269 = arith.constant 0 : i32
      %dma_wait3A_270 = tpu.memref_slice %arg12[%dma_wait3A_268, %dma_wait3A_269] : memref<10240x32xf32, #tpu.memory_space<vmem_shared>> -> memref<10240x32xf32, #tpu.memory_space<vmem_shared>>
      %dma_wait3A_271 = tpu.memref_slice %arg10[%dma_wait3A_260] : memref<4x!tpu.dma_semaphore, #tpu.memory_space<semaphore_mem>> -> memref<1x!tpu.dma_semaphore, #tpu.memory_space<semaphore_mem>>
      %dma_wait3A_272 = tpu.memref_squeeze %dma_wait3A_271 : memref<1x!tpu.dma_semaphore, #tpu.memory_space<semaphore_mem>> -> memref<!tpu.dma_semaphore, #tpu.memory_space<semaphore_mem>>
      tpu.wait_indirect_dma semaphore(%dma_wait3A_272 : memref<!tpu.dma_semaphore, #tpu.memory_space<semaphore_mem>>) src(%dma_wait3A_270 : memref<10240x32xf32, #tpu.memory_space<vmem_shared>>) dst(%dma_wait3A_264 : memref<128x32xf32, #tpu.memory_space<vmem>>)
      %dma_start3A_273 = arith.constant 0 : i32
      %dma_start3A_274 = arith.constant 0 : i32
      %dma_start3A_275 = arith.constant 0 : i32
      %dma_start3A_276 = arith.constant 0 : i32
      %dma_start3A_277 = tpu.memref_slice %arg8[%dma_start3A_273, %dma_start3A_275, %dma_start3A_276] : memref<4x128x32xf32, #tpu.memory_space<vmem>> -> memref<1x128x32xf32, #tpu.memory_space<vmem>>
      %dma_start3A_278 = tpu.memref_squeeze %dma_start3A_277 : memref<1x128x32xf32, #tpu.memory_space<vmem>> -> memref<128x32xf32, #tpu.memory_space<vmem>>
      %dma_start3A_279 = arith.constant 0 : i32
      %dma_start3A_280 = tpu.memref_slice %arg7[%add3A_258, %dma_start3A_279] : memref<160x128xi32, #tpu.memory_space<vmem>> -> memref<1x128xi32, #tpu.memory_space<vmem>>
      %dma_start3A_281 = tpu.memref_squeeze %dma_start3A_280 : memref<1x128xi32, #tpu.memory_space<vmem>> -> memref<128xi32, #tpu.memory_space<vmem>>
      %dma_start3A_282 = arith.constant 0 : i32
      %dma_start3A_283 = arith.constant 0 : i32
      %dma_start3A_284 = tpu.memref_slice %arg13[%dma_start3A_282, %dma_start3A_283] : memref<10240x32xf32, #tpu.memory_space<vmem_shared>> -> memref<10240x32xf32, #tpu.memory_space<vmem_shared>>
      %dma_start3A_285 = tpu.memref_slice %arg11[%dma_start3A_274] : memref<4x!tpu.dma_semaphore, #tpu.memory_space<semaphore_mem>> -> memref<1x!tpu.dma_semaphore, #tpu.memory_space<semaphore_mem>>
      %dma_start3A_286 = tpu.memref_squeeze %dma_start3A_285 : memref<1x!tpu.dma_semaphore, #tpu.memory_space<semaphore_mem>> -> memref<!tpu.dma_semaphore, #tpu.memory_space<semaphore_mem>>
      tpu.enqueue_indirect_dma source(%dma_start3A_278 : memref<128x32xf32, #tpu.memory_space<vmem>>) target(%dma_start3A_284 : memref<10240x32xf32, #tpu.memory_space<vmem_shared>>) offsets(%dma_start3A_281 : memref<128xi32, #tpu.memory_space<vmem>>) semaphore(%dma_start3A_286 : memref<!tpu.dma_semaphore, #tpu.memory_space<semaphore_mem>>) {add = true}
      %gt3A = arith.constant 0 : i32
      %gt3A_287 = arith.cmpi sgt, %scan3A_254, %gt3A : i32
      %convert_element_type3A_288 = arith.extui %gt3A_287 : i1 to i32
      %cond3A_289 = arith.constant 0 : i32
      %cond3A_290 = arith.cmpi ne, %convert_element_type3A_288, %cond3A_289 : i32
      scf.if %cond3A_290 {
        %sub3A_449 = arith.constant 1 : i32
        %sub3A_450 = arith.subi %add3A_258, %sub3A_449 : i32
        %dma_wait3A_451 = arith.constant 3 : i32
        %dma_wait3A_452 = arith.constant 3 : i32
        %dma_wait3A_453 = arith.constant 0 : i32
        %dma_wait3A_454 = arith.constant 0 : i32
        %dma_wait3A_455 = tpu.memref_slice %arg8[%dma_wait3A_451, %dma_wait3A_453, %dma_wait3A_454] : memref<4x128x32xf32, #tpu.memory_space<vmem>> -> memref<1x128x32xf32, #tpu.memory_space<vmem>>
        %dma_wait3A_456 = tpu.memref_squeeze %dma_wait3A_455 : memref<1x128x32xf32, #tpu.memory_space<vmem>> -> memref<128x32xf32, #tpu.memory_space<vmem>>
        %dma_wait3A_457 = arith.constant 0 : i32
        %dma_wait3A_458 = tpu.memref_slice %arg7[%sub3A_450, %dma_wait3A_457] : memref<160x128xi32, #tpu.memory_space<vmem>> -> memref<1x128xi32, #tpu.memory_space<vmem>>
        %dma_wait3A_459 = tpu.memref_squeeze %dma_wait3A_458 : memref<1x128xi32, #tpu.memory_space<vmem>> -> memref<128xi32, #tpu.memory_space<vmem>>
        %dma_wait3A_460 = arith.constant 0 : i32
        %dma_wait3A_461 = arith.constant 0 : i32
        %dma_wait3A_462 = tpu.memref_slice %arg13[%dma_wait3A_460, %dma_wait3A_461] : memref<10240x32xf32, #tpu.memory_space<vmem_shared>> -> memref<10240x32xf32, #tpu.memory_space<vmem_shared>>
        %dma_wait3A_463 = tpu.memref_slice %arg11[%dma_wait3A_452] : memref<4x!tpu.dma_semaphore, #tpu.memory_space<semaphore_mem>> -> memref<1x!tpu.dma_semaphore, #tpu.memory_space<semaphore_mem>>
        %dma_wait3A_464 = tpu.memref_squeeze %dma_wait3A_463 : memref<1x!tpu.dma_semaphore, #tpu.memory_space<semaphore_mem>> -> memref<!tpu.dma_semaphore, #tpu.memory_space<semaphore_mem>>
        tpu.wait_indirect_dma semaphore(%dma_wait3A_464 : memref<!tpu.dma_semaphore, #tpu.memory_space<semaphore_mem>>) src(%dma_wait3A_456 : memref<128x32xf32, #tpu.memory_space<vmem>>) dst(%dma_wait3A_462 : memref<10240x32xf32, #tpu.memory_space<vmem_shared>>)
        %sub3A_465 = arith.constant 1 : i32
        %sub3A_466 = arith.subi %add3A_258, %sub3A_465 : i32
        %add3A_467 = arith.constant 4 : i32
        %add3A_468 = arith.addi %sub3A_466, %add3A_467 : i32
        %dma_start3A_469 = arith.constant 3 : i32
        %dma_start3A_470 = arith.constant 3 : i32
        %dma_start3A_471 = arith.constant 0 : i32
        %dma_start3A_472 = arith.constant 0 : i32
        %dma_start3A_473 = tpu.memref_slice %arg8[%dma_start3A_469, %dma_start3A_471, %dma_start3A_472] : memref<4x128x32xf32, #tpu.memory_space<vmem>> -> memref<1x128x32xf32, #tpu.memory_space<vmem>>
        %dma_start3A_474 = tpu.memref_squeeze %dma_start3A_473 : memref<1x128x32xf32, #tpu.memory_space<vmem>> -> memref<128x32xf32, #tpu.memory_space<vmem>>
        %dma_start3A_475 = arith.constant 0 : i32
        %dma_start3A_476 = tpu.memref_slice %arg6[%add3A_468, %dma_start3A_475] : memref<160x128xi32, #tpu.memory_space<vmem>> -> memref<1x128xi32, #tpu.memory_space<vmem>>
        %dma_start3A_477 = tpu.memref_squeeze %dma_start3A_476 : memref<1x128xi32, #tpu.memory_space<vmem>> -> memref<128xi32, #tpu.memory_space<vmem>>
        %dma_start3A_478 = arith.constant 0 : i32
        %dma_start3A_479 = arith.constant 0 : i32
        %dma_start3A_480 = tpu.memref_slice %arg12[%dma_start3A_478, %dma_start3A_479] : memref<10240x32xf32, #tpu.memory_space<vmem_shared>> -> memref<10240x32xf32, #tpu.memory_space<vmem_shared>>
        %dma_start3A_481 = tpu.memref_slice %arg10[%dma_start3A_470] : memref<4x!tpu.dma_semaphore, #tpu.memory_space<semaphore_mem>> -> memref<1x!tpu.dma_semaphore, #tpu.memory_space<semaphore_mem>>
        %dma_start3A_482 = tpu.memref_squeeze %dma_start3A_481 : memref<1x!tpu.dma_semaphore, #tpu.memory_space<semaphore_mem>> -> memref<!tpu.dma_semaphore, #tpu.memory_space<semaphore_mem>>
        tpu.enqueue_indirect_dma source(%dma_start3A_480 : memref<10240x32xf32, #tpu.memory_space<vmem_shared>>) target(%dma_start3A_474 : memref<128x32xf32, #tpu.memory_space<vmem>>) offsets(%dma_start3A_477 : memref<128xi32, #tpu.memory_space<vmem>>) semaphore(%dma_start3A_482 : memref<!tpu.dma_semaphore, #tpu.memory_space<semaphore_mem>>)
      } else {
      }
      %mul3A_291 = arith.constant 4 : i32
      %mul3A_292 = arith.muli %scan3A_254, %mul3A_291 : i32
      %add3A_293 = arith.constant 1 : i32
      %add3A_294 = arith.addi %mul3A_292, %add3A_293 : i32
      %dma_wait3A_295 = arith.constant 1 : i32
      %dma_wait3A_296 = arith.constant 1 : i32
      %dma_wait3A_297 = arith.constant 0 : i32
      %dma_wait3A_298 = arith.constant 0 : i32
      %dma_wait3A_299 = tpu.memref_slice %arg8[%dma_wait3A_295, %dma_wait3A_297, %dma_wait3A_298] : memref<4x128x32xf32, #tpu.memory_space<vmem>> -> memref<1x128x32xf32, #tpu.memory_space<vmem>>
      %dma_wait3A_300 = tpu.memref_squeeze %dma_wait3A_299 : memref<1x128x32xf32, #tpu.memory_space<vmem>> -> memref<128x32xf32, #tpu.memory_space<vmem>>
      %dma_wait3A_301 = arith.constant 0 : i32
      %dma_wait3A_302 = tpu.memref_slice %arg6[%add3A_294, %dma_wait3A_301] : memref<160x128xi32, #tpu.memory_space<vmem>> -> memref<1x128xi32, #tpu.memory_space<vmem>>
      %dma_wait3A_303 = tpu.memref_squeeze %dma_wait3A_302 : memref<1x128xi32, #tpu.memory_space<vmem>> -> memref<128xi32, #tpu.memory_space<vmem>>
      %dma_wait3A_304 = arith.constant 0 : i32
      %dma_wait3A_305 = arith.constant 0 : i32
      %dma_wait3A_306 = tpu.memref_slice %arg12[%dma_wait3A_304, %dma_wait3A_305] : memref<10240x32xf32, #tpu.memory_space<vmem_shared>> -> memref<10240x32xf32, #tpu.memory_space<vmem_shared>>
      %dma_wait3A_307 = tpu.memref_slice %arg10[%dma_wait3A_296] : memref<4x!tpu.dma_semaphore, #tpu.memory_space<semaphore_mem>> -> memref<1x!tpu.dma_semaphore, #tpu.memory_space<semaphore_mem>>
      %dma_wait3A_308 = tpu.memref_squeeze %dma_wait3A_307 : memref<1x!tpu.dma_semaphore, #tpu.memory_space<semaphore_mem>> -> memref<!tpu.dma_semaphore, #tpu.memory_space<semaphore_mem>>
      tpu.wait_indirect_dma semaphore(%dma_wait3A_308 : memref<!tpu.dma_semaphore, #tpu.memory_space<semaphore_mem>>) src(%dma_wait3A_306 : memref<10240x32xf32, #tpu.memory_space<vmem_shared>>) dst(%dma_wait3A_300 : memref<128x32xf32, #tpu.memory_space<vmem>>)
      %dma_start3A_309 = arith.constant 1 : i32
      %dma_start3A_310 = arith.constant 1 : i32
      %dma_start3A_311 = arith.constant 0 : i32
      %dma_start3A_312 = arith.constant 0 : i32
      %dma_start3A_313 = tpu.memref_slice %arg8[%dma_start3A_309, %dma_start3A_311, %dma_start3A_312] : memref<4x128x32xf32, #tpu.memory_space<vmem>> -> memref<1x128x32xf32, #tpu.memory_space<vmem>>
      %dma_start3A_314 = tpu.memref_squeeze %dma_start3A_313 : memref<1x128x32xf32, #tpu.memory_space<vmem>> -> memref<128x32xf32, #tpu.memory_space<vmem>>
      %dma_start3A_315 = arith.constant 0 : i32
      %dma_start3A_316 = tpu.memref_slice %arg7[%add3A_294, %dma_start3A_315] : memref<160x128xi32, #tpu.memory_space<vmem>> -> memref<1x128xi32, #tpu.memory_space<vmem>>
      %dma_start3A_317 = tpu.memref_squeeze %dma_start3A_316 : memref<1x128xi32, #tpu.memory_space<vmem>> -> memref<128xi32, #tpu.memory_space<vmem>>
      %dma_start3A_318 = arith.constant 0 : i32
      %dma_start3A_319 = arith.constant 0 : i32
      %dma_start3A_320 = tpu.memref_slice %arg13[%dma_start3A_318, %dma_start3A_319] : memref<10240x32xf32, #tpu.memory_space<vmem_shared>> -> memref<10240x32xf32, #tpu.memory_space<vmem_shared>>
      %dma_start3A_321 = tpu.memref_slice %arg11[%dma_start3A_310] : memref<4x!tpu.dma_semaphore, #tpu.memory_space<semaphore_mem>> -> memref<1x!tpu.dma_semaphore, #tpu.memory_space<semaphore_mem>>
      %dma_start3A_322 = tpu.memref_squeeze %dma_start3A_321 : memref<1x!tpu.dma_semaphore, #tpu.memory_space<semaphore_mem>> -> memref<!tpu.dma_semaphore, #tpu.memory_space<semaphore_mem>>
      tpu.enqueue_indirect_dma source(%dma_start3A_314 : memref<128x32xf32, #tpu.memory_space<vmem>>) target(%dma_start3A_320 : memref<10240x32xf32, #tpu.memory_space<vmem_shared>>) offsets(%dma_start3A_317 : memref<128xi32, #tpu.memory_space<vmem>>) semaphore(%dma_start3A_322 : memref<!tpu.dma_semaphore, #tpu.memory_space<semaphore_mem>>) {add = true}
      %sub3A = arith.constant 1 : i32
      %sub3A_323 = arith.subi %add3A_294, %sub3A : i32
      %dma_wait3A_324 = arith.constant 0 : i32
      %dma_wait3A_325 = arith.constant 0 : i32
      %dma_wait3A_326 = arith.constant 0 : i32
      %dma_wait3A_327 = arith.constant 0 : i32
      %dma_wait3A_328 = tpu.memref_slice %arg8[%dma_wait3A_324, %dma_wait3A_326, %dma_wait3A_327] : memref<4x128x32xf32, #tpu.memory_space<vmem>> -> memref<1x128x32xf32, #tpu.memory_space<vmem>>
      %dma_wait3A_329 = tpu.memref_squeeze %dma_wait3A_328 : memref<1x128x32xf32, #tpu.memory_space<vmem>> -> memref<128x32xf32, #tpu.memory_space<vmem>>
      %dma_wait3A_330 = arith.constant 0 : i32
      %dma_wait3A_331 = tpu.memref_slice %arg7[%sub3A_323, %dma_wait3A_330] : memref<160x128xi32, #tpu.memory_space<vmem>> -> memref<1x128xi32, #tpu.memory_space<vmem>>
      %dma_wait3A_332 = tpu.memref_squeeze %dma_wait3A_331 : memref<1x128xi32, #tpu.memory_space<vmem>> -> memref<128xi32, #tpu.memory_space<vmem>>
      %dma_wait3A_333 = arith.constant 0 : i32
      %dma_wait3A_334 = arith.constant 0 : i32
      %dma_wait3A_335 = tpu.memref_slice %arg13[%dma_wait3A_333, %dma_wait3A_334] : memref<10240x32xf32, #tpu.memory_space<vmem_shared>> -> memref<10240x32xf32, #tpu.memory_space<vmem_shared>>
      %dma_wait3A_336 = tpu.memref_slice %arg11[%dma_wait3A_325] : memref<4x!tpu.dma_semaphore, #tpu.memory_space<semaphore_mem>> -> memref<1x!tpu.dma_semaphore, #tpu.memory_space<semaphore_mem>>
      %dma_wait3A_337 = tpu.memref_squeeze %dma_wait3A_336 : memref<1x!tpu.dma_semaphore, #tpu.memory_space<semaphore_mem>> -> memref<!tpu.dma_semaphore, #tpu.memory_space<semaphore_mem>>
      tpu.wait_indirect_dma semaphore(%dma_wait3A_337 : memref<!tpu.dma_semaphore, #tpu.memory_space<semaphore_mem>>) src(%dma_wait3A_329 : memref<128x32xf32, #tpu.memory_space<vmem>>) dst(%dma_wait3A_335 : memref<10240x32xf32, #tpu.memory_space<vmem_shared>>)
      %lt3A_338 = arith.constant 39 : i32
      %lt3A_339 = arith.cmpi slt, %scan3A_254, %lt3A_338 : i32
      %convert_element_type3A_340 = arith.extui %lt3A_339 : i1 to i32
      %cond3A_341 = arith.constant 0 : i32
      %cond3A_342 = arith.cmpi ne, %convert_element_type3A_340, %cond3A_341 : i32
      scf.if %cond3A_342 {
        %sub3A_449 = arith.constant 1 : i32
        %sub3A_450 = arith.subi %add3A_294, %sub3A_449 : i32
        %add3A_451 = arith.constant 4 : i32
        %add3A_452 = arith.addi %sub3A_450, %add3A_451 : i32
        %dma_start3A_453 = arith.constant 0 : i32
        %dma_start3A_454 = arith.constant 0 : i32
        %dma_start3A_455 = arith.constant 0 : i32
        %dma_start3A_456 = arith.constant 0 : i32
        %dma_start3A_457 = tpu.memref_slice %arg8[%dma_start3A_453, %dma_start3A_455, %dma_start3A_456] : memref<4x128x32xf32, #tpu.memory_space<vmem>> -> memref<1x128x32xf32, #tpu.memory_space<vmem>>
        %dma_start3A_458 = tpu.memref_squeeze %dma_start3A_457 : memref<1x128x32xf32, #tpu.memory_space<vmem>> -> memref<128x32xf32, #tpu.memory_space<vmem>>
        %dma_start3A_459 = arith.constant 0 : i32
        %dma_start3A_460 = tpu.memref_slice %arg6[%add3A_452, %dma_start3A_459] : memref<160x128xi32, #tpu.memory_space<vmem>> -> memref<1x128xi32, #tpu.memory_space<vmem>>
        %dma_start3A_461 = tpu.memref_squeeze %dma_start3A_460 : memref<1x128xi32, #tpu.memory_space<vmem>> -> memref<128xi32, #tpu.memory_space<vmem>>
        %dma_start3A_462 = arith.constant 0 : i32
        %dma_start3A_463 = arith.constant 0 : i32
        %dma_start3A_464 = tpu.memref_slice %arg12[%dma_start3A_462, %dma_start3A_463] : memref<10240x32xf32, #tpu.memory_space<vmem_shared>> -> memref<10240x32xf32, #tpu.memory_space<vmem_shared>>
        %dma_start3A_465 = tpu.memref_slice %arg10[%dma_start3A_454] : memref<4x!tpu.dma_semaphore, #tpu.memory_space<semaphore_mem>> -> memref<1x!tpu.dma_semaphore, #tpu.memory_space<semaphore_mem>>
        %dma_start3A_466 = tpu.memref_squeeze %dma_start3A_465 : memref<1x!tpu.dma_semaphore, #tpu.memory_space<semaphore_mem>> -> memref<!tpu.dma_semaphore, #tpu.memory_space<semaphore_mem>>
        tpu.enqueue_indirect_dma source(%dma_start3A_464 : memref<10240x32xf32, #tpu.memory_space<vmem_shared>>) target(%dma_start3A_458 : memref<128x32xf32, #tpu.memory_space<vmem>>) offsets(%dma_start3A_461 : memref<128xi32, #tpu.memory_space<vmem>>) semaphore(%dma_start3A_466 : memref<!tpu.dma_semaphore, #tpu.memory_space<semaphore_mem>>)
      } else {
      }
      %mul3A_343 = arith.constant 4 : i32
      %mul3A_344 = arith.muli %scan3A_254, %mul3A_343 : i32
      %add3A_345 = arith.constant 2 : i32
      %add3A_346 = arith.addi %mul3A_344, %add3A_345 : i32
      %dma_wait3A_347 = arith.constant 2 : i32
      %dma_wait3A_348 = arith.constant 2 : i32
      %dma_wait3A_349 = arith.constant 0 : i32
      %dma_wait3A_350 = arith.constant 0 : i32
      %dma_wait3A_351 = tpu.memref_slice %arg8[%dma_wait3A_347, %dma_wait3A_349, %dma_wait3A_350] : memref<4x128x32xf32, #tpu.memory_space<vmem>> -> memref<1x128x32xf32, #tpu.memory_space<vmem>>
      %dma_wait3A_352 = tpu.memref_squeeze %dma_wait3A_351 : memref<1x128x32xf32, #tpu.memory_space<vmem>> -> memref<128x32xf32, #tpu.memory_space<vmem>>
      %dma_wait3A_353 = arith.constant 0 : i32
      %dma_wait3A_354 = tpu.memref_slice %arg6[%add3A_346, %dma_wait3A_353] : memref<160x128xi32, #tpu.memory_space<vmem>> -> memref<1x128xi32, #tpu.memory_space<vmem>>
      %dma_wait3A_355 = tpu.memref_squeeze %dma_wait3A_354 : memref<1x128xi32, #tpu.memory_space<vmem>> -> memref<128xi32, #tpu.memory_space<vmem>>
      %dma_wait3A_356 = arith.constant 0 : i32
      %dma_wait3A_357 = arith.constant 0 : i32
      %dma_wait3A_358 = tpu.memref_slice %arg12[%dma_wait3A_356, %dma_wait3A_357] : memref<10240x32xf32, #tpu.memory_space<vmem_shared>> -> memref<10240x32xf32, #tpu.memory_space<vmem_shared>>
      %dma_wait3A_359 = tpu.memref_slice %arg10[%dma_wait3A_348] : memref<4x!tpu.dma_semaphore, #tpu.memory_space<semaphore_mem>> -> memref<1x!tpu.dma_semaphore, #tpu.memory_space<semaphore_mem>>
      %dma_wait3A_360 = tpu.memref_squeeze %dma_wait3A_359 : memref<1x!tpu.dma_semaphore, #tpu.memory_space<semaphore_mem>> -> memref<!tpu.dma_semaphore, #tpu.memory_space<semaphore_mem>>
      tpu.wait_indirect_dma semaphore(%dma_wait3A_360 : memref<!tpu.dma_semaphore, #tpu.memory_space<semaphore_mem>>) src(%dma_wait3A_358 : memref<10240x32xf32, #tpu.memory_space<vmem_shared>>) dst(%dma_wait3A_352 : memref<128x32xf32, #tpu.memory_space<vmem>>)
      %dma_start3A_361 = arith.constant 2 : i32
      %dma_start3A_362 = arith.constant 2 : i32
      %dma_start3A_363 = arith.constant 0 : i32
      %dma_start3A_364 = arith.constant 0 : i32
      %dma_start3A_365 = tpu.memref_slice %arg8[%dma_start3A_361, %dma_start3A_363, %dma_start3A_364] : memref<4x128x32xf32, #tpu.memory_space<vmem>> -> memref<1x128x32xf32, #tpu.memory_space<vmem>>
      %dma_start3A_366 = tpu.memref_squeeze %dma_start3A_365 : memref<1x128x32xf32, #tpu.memory_space<vmem>> -> memref<128x32xf32, #tpu.memory_space<vmem>>
      %dma_start3A_367 = arith.constant 0 : i32
      %dma_start3A_368 = tpu.memref_slice %arg7[%add3A_346, %dma_start3A_367] : memref<160x128xi32, #tpu.memory_space<vmem>> -> memref<1x128xi32, #tpu.memory_space<vmem>>
      %dma_start3A_369 = tpu.memref_squeeze %dma_start3A_368 : memref<1x128xi32, #tpu.memory_space<vmem>> -> memref<128xi32, #tpu.memory_space<vmem>>
      %dma_start3A_370 = arith.constant 0 : i32
      %dma_start3A_371 = arith.constant 0 : i32
      %dma_start3A_372 = tpu.memref_slice %arg13[%dma_start3A_370, %dma_start3A_371] : memref<10240x32xf32, #tpu.memory_space<vmem_shared>> -> memref<10240x32xf32, #tpu.memory_space<vmem_shared>>
      %dma_start3A_373 = tpu.memref_slice %arg11[%dma_start3A_362] : memref<4x!tpu.dma_semaphore, #tpu.memory_space<semaphore_mem>> -> memref<1x!tpu.dma_semaphore, #tpu.memory_space<semaphore_mem>>
      %dma_start3A_374 = tpu.memref_squeeze %dma_start3A_373 : memref<1x!tpu.dma_semaphore, #tpu.memory_space<semaphore_mem>> -> memref<!tpu.dma_semaphore, #tpu.memory_space<semaphore_mem>>
      tpu.enqueue_indirect_dma source(%dma_start3A_366 : memref<128x32xf32, #tpu.memory_space<vmem>>) target(%dma_start3A_372 : memref<10240x32xf32, #tpu.memory_space<vmem_shared>>) offsets(%dma_start3A_369 : memref<128xi32, #tpu.memory_space<vmem>>) semaphore(%dma_start3A_374 : memref<!tpu.dma_semaphore, #tpu.memory_space<semaphore_mem>>) {add = true}
      %sub3A_375 = arith.constant 1 : i32
      %sub3A_376 = arith.subi %add3A_346, %sub3A_375 : i32
      %dma_wait3A_377 = arith.constant 1 : i32
      %dma_wait3A_378 = arith.constant 1 : i32
      %dma_wait3A_379 = arith.constant 0 : i32
      %dma_wait3A_380 = arith.constant 0 : i32
      %dma_wait3A_381 = tpu.memref_slice %arg8[%dma_wait3A_377, %dma_wait3A_379, %dma_wait3A_380] : memref<4x128x32xf32, #tpu.memory_space<vmem>> -> memref<1x128x32xf32, #tpu.memory_space<vmem>>
      %dma_wait3A_382 = tpu.memref_squeeze %dma_wait3A_381 : memref<1x128x32xf32, #tpu.memory_space<vmem>> -> memref<128x32xf32, #tpu.memory_space<vmem>>
      %dma_wait3A_383 = arith.constant 0 : i32
      %dma_wait3A_384 = tpu.memref_slice %arg7[%sub3A_376, %dma_wait3A_383] : memref<160x128xi32, #tpu.memory_space<vmem>> -> memref<1x128xi32, #tpu.memory_space<vmem>>
      %dma_wait3A_385 = tpu.memref_squeeze %dma_wait3A_384 : memref<1x128xi32, #tpu.memory_space<vmem>> -> memref<128xi32, #tpu.memory_space<vmem>>
      %dma_wait3A_386 = arith.constant 0 : i32
      %dma_wait3A_387 = arith.constant 0 : i32
      %dma_wait3A_388 = tpu.memref_slice %arg13[%dma_wait3A_386, %dma_wait3A_387] : memref<10240x32xf32, #tpu.memory_space<vmem_shared>> -> memref<10240x32xf32, #tpu.memory_space<vmem_shared>>
      %dma_wait3A_389 = tpu.memref_slice %arg11[%dma_wait3A_378] : memref<4x!tpu.dma_semaphore, #tpu.memory_space<semaphore_mem>> -> memref<1x!tpu.dma_semaphore, #tpu.memory_space<semaphore_mem>>
      %dma_wait3A_390 = tpu.memref_squeeze %dma_wait3A_389 : memref<1x!tpu.dma_semaphore, #tpu.memory_space<semaphore_mem>> -> memref<!tpu.dma_semaphore, #tpu.memory_space<semaphore_mem>>
      tpu.wait_indirect_dma semaphore(%dma_wait3A_390 : memref<!tpu.dma_semaphore, #tpu.memory_space<semaphore_mem>>) src(%dma_wait3A_382 : memref<128x32xf32, #tpu.memory_space<vmem>>) dst(%dma_wait3A_388 : memref<10240x32xf32, #tpu.memory_space<vmem_shared>>)
      %lt3A_391 = arith.constant 39 : i32
      %lt3A_392 = arith.cmpi slt, %scan3A_254, %lt3A_391 : i32
      %convert_element_type3A_393 = arith.extui %lt3A_392 : i1 to i32
      %cond3A_394 = arith.constant 0 : i32
      %cond3A_395 = arith.cmpi ne, %convert_element_type3A_393, %cond3A_394 : i32
      scf.if %cond3A_395 {
        %sub3A_449 = arith.constant 1 : i32
        %sub3A_450 = arith.subi %add3A_346, %sub3A_449 : i32
        %add3A_451 = arith.constant 4 : i32
        %add3A_452 = arith.addi %sub3A_450, %add3A_451 : i32
        %dma_start3A_453 = arith.constant 1 : i32
        %dma_start3A_454 = arith.constant 1 : i32
        %dma_start3A_455 = arith.constant 0 : i32
        %dma_start3A_456 = arith.constant 0 : i32
        %dma_start3A_457 = tpu.memref_slice %arg8[%dma_start3A_453, %dma_start3A_455, %dma_start3A_456] : memref<4x128x32xf32, #tpu.memory_space<vmem>> -> memref<1x128x32xf32, #tpu.memory_space<vmem>>
        %dma_start3A_458 = tpu.memref_squeeze %dma_start3A_457 : memref<1x128x32xf32, #tpu.memory_space<vmem>> -> memref<128x32xf32, #tpu.memory_space<vmem>>
        %dma_start3A_459 = arith.constant 0 : i32
        %dma_start3A_460 = tpu.memref_slice %arg6[%add3A_452, %dma_start3A_459] : memref<160x128xi32, #tpu.memory_space<vmem>> -> memref<1x128xi32, #tpu.memory_space<vmem>>
        %dma_start3A_461 = tpu.memref_squeeze %dma_start3A_460 : memref<1x128xi32, #tpu.memory_space<vmem>> -> memref<128xi32, #tpu.memory_space<vmem>>
        %dma_start3A_462 = arith.constant 0 : i32
        %dma_start3A_463 = arith.constant 0 : i32
        %dma_start3A_464 = tpu.memref_slice %arg12[%dma_start3A_462, %dma_start3A_463] : memref<10240x32xf32, #tpu.memory_space<vmem_shared>> -> memref<10240x32xf32, #tpu.memory_space<vmem_shared>>
        %dma_start3A_465 = tpu.memref_slice %arg10[%dma_start3A_454] : memref<4x!tpu.dma_semaphore, #tpu.memory_space<semaphore_mem>> -> memref<1x!tpu.dma_semaphore, #tpu.memory_space<semaphore_mem>>
        %dma_start3A_466 = tpu.memref_squeeze %dma_start3A_465 : memref<1x!tpu.dma_semaphore, #tpu.memory_space<semaphore_mem>> -> memref<!tpu.dma_semaphore, #tpu.memory_space<semaphore_mem>>
        tpu.enqueue_indirect_dma source(%dma_start3A_464 : memref<10240x32xf32, #tpu.memory_space<vmem_shared>>) target(%dma_start3A_458 : memref<128x32xf32, #tpu.memory_space<vmem>>) offsets(%dma_start3A_461 : memref<128xi32, #tpu.memory_space<vmem>>) semaphore(%dma_start3A_466 : memref<!tpu.dma_semaphore, #tpu.memory_space<semaphore_mem>>)
      } else {
      }
      %mul3A_396 = arith.constant 4 : i32
      %mul3A_397 = arith.muli %scan3A_254, %mul3A_396 : i32
      %add3A_398 = arith.constant 3 : i32
      %add3A_399 = arith.addi %mul3A_397, %add3A_398 : i32
      %dma_wait3A_400 = arith.constant 3 : i32
      %dma_wait3A_401 = arith.constant 3 : i32
      %dma_wait3A_402 = arith.constant 0 : i32
      %dma_wait3A_403 = arith.constant 0 : i32
      %dma_wait3A_404 = tpu.memref_slice %arg8[%dma_wait3A_400, %dma_wait3A_402, %dma_wait3A_403] : memref<4x128x32xf32, #tpu.memory_space<vmem>> -> memref<1x128x32xf32, #tpu.memory_space<vmem>>
      %dma_wait3A_405 = tpu.memref_squeeze %dma_wait3A_404 : memref<1x128x32xf32, #tpu.memory_space<vmem>> -> memref<128x32xf32, #tpu.memory_space<vmem>>
      %dma_wait3A_406 = arith.constant 0 : i32
      %dma_wait3A_407 = tpu.memref_slice %arg6[%add3A_399, %dma_wait3A_406] : memref<160x128xi32, #tpu.memory_space<vmem>> -> memref<1x128xi32, #tpu.memory_space<vmem>>
      %dma_wait3A_408 = tpu.memref_squeeze %dma_wait3A_407 : memref<1x128xi32, #tpu.memory_space<vmem>> -> memref<128xi32, #tpu.memory_space<vmem>>
      %dma_wait3A_409 = arith.constant 0 : i32
      %dma_wait3A_410 = arith.constant 0 : i32
      %dma_wait3A_411 = tpu.memref_slice %arg12[%dma_wait3A_409, %dma_wait3A_410] : memref<10240x32xf32, #tpu.memory_space<vmem_shared>> -> memref<10240x32xf32, #tpu.memory_space<vmem_shared>>
      %dma_wait3A_412 = tpu.memref_slice %arg10[%dma_wait3A_401] : memref<4x!tpu.dma_semaphore, #tpu.memory_space<semaphore_mem>> -> memref<1x!tpu.dma_semaphore, #tpu.memory_space<semaphore_mem>>
      %dma_wait3A_413 = tpu.memref_squeeze %dma_wait3A_412 : memref<1x!tpu.dma_semaphore, #tpu.memory_space<semaphore_mem>> -> memref<!tpu.dma_semaphore, #tpu.memory_space<semaphore_mem>>
      tpu.wait_indirect_dma semaphore(%dma_wait3A_413 : memref<!tpu.dma_semaphore, #tpu.memory_space<semaphore_mem>>) src(%dma_wait3A_411 : memref<10240x32xf32, #tpu.memory_space<vmem_shared>>) dst(%dma_wait3A_405 : memref<128x32xf32, #tpu.memory_space<vmem>>)
      %dma_start3A_414 = arith.constant 3 : i32
      %dma_start3A_415 = arith.constant 3 : i32
      %dma_start3A_416 = arith.constant 0 : i32
      %dma_start3A_417 = arith.constant 0 : i32
      %dma_start3A_418 = tpu.memref_slice %arg8[%dma_start3A_414, %dma_start3A_416, %dma_start3A_417] : memref<4x128x32xf32, #tpu.memory_space<vmem>> -> memref<1x128x32xf32, #tpu.memory_space<vmem>>
      %dma_start3A_419 = tpu.memref_squeeze %dma_start3A_418 : memref<1x128x32xf32, #tpu.memory_space<vmem>> -> memref<128x32xf32, #tpu.memory_space<vmem>>
      %dma_start3A_420 = arith.constant 0 : i32
      %dma_start3A_421 = tpu.memref_slice %arg7[%add3A_399, %dma_start3A_420] : memref<160x128xi32, #tpu.memory_space<vmem>> -> memref<1x128xi32, #tpu.memory_space<vmem>>
      %dma_start3A_422 = tpu.memref_squeeze %dma_start3A_421 : memref<1x128xi32, #tpu.memory_space<vmem>> -> memref<128xi32, #tpu.memory_space<vmem>>
      %dma_start3A_423 = arith.constant 0 : i32
      %dma_start3A_424 = arith.constant 0 : i32
      %dma_start3A_425 = tpu.memref_slice %arg13[%dma_start3A_423, %dma_start3A_424] : memref<10240x32xf32, #tpu.memory_space<vmem_shared>> -> memref<10240x32xf32, #tpu.memory_space<vmem_shared>>
      %dma_start3A_426 = tpu.memref_slice %arg11[%dma_start3A_415] : memref<4x!tpu.dma_semaphore, #tpu.memory_space<semaphore_mem>> -> memref<1x!tpu.dma_semaphore, #tpu.memory_space<semaphore_mem>>
      %dma_start3A_427 = tpu.memref_squeeze %dma_start3A_426 : memref<1x!tpu.dma_semaphore, #tpu.memory_space<semaphore_mem>> -> memref<!tpu.dma_semaphore, #tpu.memory_space<semaphore_mem>>
      tpu.enqueue_indirect_dma source(%dma_start3A_419 : memref<128x32xf32, #tpu.memory_space<vmem>>) target(%dma_start3A_425 : memref<10240x32xf32, #tpu.memory_space<vmem_shared>>) offsets(%dma_start3A_422 : memref<128xi32, #tpu.memory_space<vmem>>) semaphore(%dma_start3A_427 : memref<!tpu.dma_semaphore, #tpu.memory_space<semaphore_mem>>) {add = true}
      %sub3A_428 = arith.constant 1 : i32
      %sub3A_429 = arith.subi %add3A_399, %sub3A_428 : i32
      %dma_wait3A_430 = arith.constant 2 : i32
      %dma_wait3A_431 = arith.constant 2 : i32
      %dma_wait3A_432 = arith.constant 0 : i32
      %dma_wait3A_433 = arith.constant 0 : i32
      %dma_wait3A_434 = tpu.memref_slice %arg8[%dma_wait3A_430, %dma_wait3A_432, %dma_wait3A_433] : memref<4x128x32xf32, #tpu.memory_space<vmem>> -> memref<1x128x32xf32, #tpu.memory_space<vmem>>
      %dma_wait3A_435 = tpu.memref_squeeze %dma_wait3A_434 : memref<1x128x32xf32, #tpu.memory_space<vmem>> -> memref<128x32xf32, #tpu.memory_space<vmem>>
      %dma_wait3A_436 = arith.constant 0 : i32
      %dma_wait3A_437 = tpu.memref_slice %arg7[%sub3A_429, %dma_wait3A_436] : memref<160x128xi32, #tpu.memory_space<vmem>> -> memref<1x128xi32, #tpu.memory_space<vmem>>
      %dma_wait3A_438 = tpu.memref_squeeze %dma_wait3A_437 : memref<1x128xi32, #tpu.memory_space<vmem>> -> memref<128xi32, #tpu.memory_space<vmem>>
      %dma_wait3A_439 = arith.constant 0 : i32
      %dma_wait3A_440 = arith.constant 0 : i32
      %dma_wait3A_441 = tpu.memref_slice %arg13[%dma_wait3A_439, %dma_wait3A_440] : memref<10240x32xf32, #tpu.memory_space<vmem_shared>> -> memref<10240x32xf32, #tpu.memory_space<vmem_shared>>
      %dma_wait3A_442 = tpu.memref_slice %arg11[%dma_wait3A_431] : memref<4x!tpu.dma_semaphore, #tpu.memory_space<semaphore_mem>> -> memref<1x!tpu.dma_semaphore, #tpu.memory_space<semaphore_mem>>
      %dma_wait3A_443 = tpu.memref_squeeze %dma_wait3A_442 : memref<1x!tpu.dma_semaphore, #tpu.memory_space<semaphore_mem>> -> memref<!tpu.dma_semaphore, #tpu.memory_space<semaphore_mem>>
      tpu.wait_indirect_dma semaphore(%dma_wait3A_443 : memref<!tpu.dma_semaphore, #tpu.memory_space<semaphore_mem>>) src(%dma_wait3A_435 : memref<128x32xf32, #tpu.memory_space<vmem>>) dst(%dma_wait3A_441 : memref<10240x32xf32, #tpu.memory_space<vmem_shared>>)
      %lt3A_444 = arith.constant 39 : i32
      %lt3A_445 = arith.cmpi slt, %scan3A_254, %lt3A_444 : i32
      %convert_element_type3A_446 = arith.extui %lt3A_445 : i1 to i32
      %cond3A_447 = arith.constant 0 : i32
      %cond3A_448 = arith.cmpi ne, %convert_element_type3A_446, %cond3A_447 : i32
      scf.if %cond3A_448 {
        %sub3A_449 = arith.constant 1 : i32
        %sub3A_450 = arith.subi %add3A_399, %sub3A_449 : i32
        %add3A_451 = arith.constant 4 : i32
        %add3A_452 = arith.addi %sub3A_450, %add3A_451 : i32
        %dma_start3A_453 = arith.constant 2 : i32
        %dma_start3A_454 = arith.constant 2 : i32
        %dma_start3A_455 = arith.constant 0 : i32
        %dma_start3A_456 = arith.constant 0 : i32
        %dma_start3A_457 = tpu.memref_slice %arg8[%dma_start3A_453, %dma_start3A_455, %dma_start3A_456] : memref<4x128x32xf32, #tpu.memory_space<vmem>> -> memref<1x128x32xf32, #tpu.memory_space<vmem>>
        %dma_start3A_458 = tpu.memref_squeeze %dma_start3A_457 : memref<1x128x32xf32, #tpu.memory_space<vmem>> -> memref<128x32xf32, #tpu.memory_space<vmem>>
        %dma_start3A_459 = arith.constant 0 : i32
        %dma_start3A_460 = tpu.memref_slice %arg6[%add3A_452, %dma_start3A_459] : memref<160x128xi32, #tpu.memory_space<vmem>> -> memref<1x128xi32, #tpu.memory_space<vmem>>
        %dma_start3A_461 = tpu.memref_squeeze %dma_start3A_460 : memref<1x128xi32, #tpu.memory_space<vmem>> -> memref<128xi32, #tpu.memory_space<vmem>>
        %dma_start3A_462 = arith.constant 0 : i32
        %dma_start3A_463 = arith.constant 0 : i32
        %dma_start3A_464 = tpu.memref_slice %arg12[%dma_start3A_462, %dma_start3A_463] : memref<10240x32xf32, #tpu.memory_space<vmem_shared>> -> memref<10240x32xf32, #tpu.memory_space<vmem_shared>>
        %dma_start3A_465 = tpu.memref_slice %arg10[%dma_start3A_454] : memref<4x!tpu.dma_semaphore, #tpu.memory_space<semaphore_mem>> -> memref<1x!tpu.dma_semaphore, #tpu.memory_space<semaphore_mem>>
        %dma_start3A_466 = tpu.memref_squeeze %dma_start3A_465 : memref<1x!tpu.dma_semaphore, #tpu.memory_space<semaphore_mem>> -> memref<!tpu.dma_semaphore, #tpu.memory_space<semaphore_mem>>
        tpu.enqueue_indirect_dma source(%dma_start3A_464 : memref<10240x32xf32, #tpu.memory_space<vmem_shared>>) target(%dma_start3A_458 : memref<128x32xf32, #tpu.memory_space<vmem>>) offsets(%dma_start3A_461 : memref<128xi32, #tpu.memory_space<vmem>>) semaphore(%dma_start3A_466 : memref<!tpu.dma_semaphore, #tpu.memory_space<semaphore_mem>>)
      } else {
      }
    }
    %scan3A_227 = arith.constant 40 : i32
    %dma_wait3A_228 = arith.constant 3 : i32
    %dma_wait3A_229 = arith.constant 159 : i32
    %dma_wait3A_230 = arith.constant 3 : i32
    %dma_wait3A_231 = arith.constant 0 : i32
    %dma_wait3A_232 = arith.constant 0 : i32
    %dma_wait3A_233 = tpu.memref_slice %arg8[%dma_wait3A_228, %dma_wait3A_231, %dma_wait3A_232] : memref<4x128x32xf32, #tpu.memory_space<vmem>> -> memref<1x128x32xf32, #tpu.memory_space<vmem>>
    %dma_wait3A_234 = tpu.memref_squeeze %dma_wait3A_233 : memref<1x128x32xf32, #tpu.memory_space<vmem>> -> memref<128x32xf32, #tpu.memory_space<vmem>>
    %dma_wait3A_235 = arith.constant 0 : i32
    %dma_wait3A_236 = tpu.memref_slice %arg7[%dma_wait3A_229, %dma_wait3A_235] : memref<160x128xi32, #tpu.memory_space<vmem>> -> memref<1x128xi32, #tpu.memory_space<vmem>>
    %dma_wait3A_237 = tpu.memref_squeeze %dma_wait3A_236 : memref<1x128xi32, #tpu.memory_space<vmem>> -> memref<128xi32, #tpu.memory_space<vmem>>
    %dma_wait3A_238 = arith.constant 0 : i32
    %dma_wait3A_239 = arith.constant 0 : i32
    %dma_wait3A_240 = tpu.memref_slice %arg13[%dma_wait3A_238, %dma_wait3A_239] : memref<10240x32xf32, #tpu.memory_space<vmem_shared>> -> memref<10240x32xf32, #tpu.memory_space<vmem_shared>>
    %dma_wait3A_241 = tpu.memref_slice %arg11[%dma_wait3A_230] : memref<4x!tpu.dma_semaphore, #tpu.memory_space<semaphore_mem>> -> memref<1x!tpu.dma_semaphore, #tpu.memory_space<semaphore_mem>>
    %dma_wait3A_242 = tpu.memref_squeeze %dma_wait3A_241 : memref<1x!tpu.dma_semaphore, #tpu.memory_space<semaphore_mem>> -> memref<!tpu.dma_semaphore, #tpu.memory_space<semaphore_mem>>
    tpu.wait_indirect_dma semaphore(%dma_wait3A_242 : memref<!tpu.dma_semaphore, #tpu.memory_space<semaphore_mem>>) src(%dma_wait3A_234 : memref<128x32xf32, #tpu.memory_space<vmem>>) dst(%dma_wait3A_240 : memref<10240x32xf32, #tpu.memory_space<vmem_shared>>)
    %barrier3A_243 = arith.constant 0 : index
    tpu.barrier barrier_id(%barrier3A_243)
    %lt3A_244 = arith.constant 15 : i32
    %lt3A_245 = arith.cmpi slt, %arg1, %lt3A_244 : i32
    %convert_element_type3A_246 = arith.extui %lt3A_245 : i1 to i32
    %cond3A_247 = arith.constant 0 : i32
    %cond3A_248 = arith.cmpi ne, %convert_element_type3A_246, %cond3A_247 : i32
    scf.if %cond3A_248 {
      %mul3A_254 = arith.constant 640 : i32
      %mul3A_255 = arith.muli %arg1, %mul3A_254 : i32
      %mul3A_256 = arith.constant 640 : i32
      %mul3A_257 = arith.muli %arg1, %mul3A_256 : i32
      %add3A_258 = arith.addi %mul3A_130, %mul3A_257 : i32
      "tpu.region"() ({
        %run_scoped3A = tpu.sem_alloc : memref<!tpu.dma_semaphore, #tpu.memory_space<semaphore_mem>>
        %dma_start3A_259 = arith.constant 0 : i32
        %dma_start3A_260 = tpu.memref_slice %arg5[%add3A_258, %dma_start3A_259] : memref<40000x32xf32, #tpu.memory_space<hbm>> -> memref<640x32xf32, #tpu.memory_space<hbm>>
        %dma_start3A_261 = arith.constant 0 : i32
        %dma_start3A_262 = tpu.memref_slice %arg13[%mul3A_255, %dma_start3A_261] : memref<10240x32xf32, #tpu.memory_space<vmem_shared>> -> memref<640x32xf32, #tpu.memory_space<vmem_shared>>
        tpu.enqueue_dma source(%dma_start3A_262 : memref<640x32xf32, #tpu.memory_space<vmem_shared>>) target(%dma_start3A_260 : memref<640x32xf32, #tpu.memory_space<hbm>>) target_semaphore(%run_scoped3A : memref<!tpu.dma_semaphore, #tpu.memory_space<semaphore_mem>>)
        %dma_wait3A_263 = arith.constant 0 : i32
        %dma_wait3A_264 = tpu.memref_slice %arg5[%add3A_258, %dma_wait3A_263] : memref<40000x32xf32, #tpu.memory_space<hbm>> -> memref<640x32xf32, #tpu.memory_space<hbm>>
        %dma_wait3A_265 = arith.constant 0 : i32
        %dma_wait3A_266 = tpu.memref_slice %arg13[%mul3A_255, %dma_wait3A_265] : memref<10240x32xf32, #tpu.memory_space<vmem_shared>> -> memref<640x32xf32, #tpu.memory_space<vmem_shared>>
        tpu.wait_dma2 semaphore(%run_scoped3A : memref<!tpu.dma_semaphore, #tpu.memory_space<semaphore_mem>>) src(%dma_wait3A_266 : memref<640x32xf32, #tpu.memory_space<vmem_shared>>) dst(%dma_wait3A_264 : memref<640x32xf32, #tpu.memory_space<hbm>>)
        tpu.yield
      }) : () -> ()
    } else {
    }
    %eq3A_249 = arith.constant 15 : i32
    %eq3A_250 = arith.cmpi eq, %arg1, %eq3A_249 : i32
    %convert_element_type3A_251 = arith.extui %eq3A_250 : i1 to i32
    %cond3A_252 = arith.constant 0 : i32
    %cond3A_253 = arith.cmpi ne, %convert_element_type3A_251, %cond3A_252 : i32
    scf.if %cond3A_253 {
      %add3A_254 = arith.constant 9600 : i32
      %add3A_255 = arith.addi %mul3A_130, %add3A_254 : i32
      "tpu.region"() ({
        %run_scoped3A = tpu.sem_alloc : memref<!tpu.dma_semaphore, #tpu.memory_space<semaphore_mem>>
        %dma_start3A_256 = arith.constant 0 : i32
        %dma_start3A_257 = tpu.memref_slice %arg5[%add3A_255, %dma_start3A_256] : memref<40000x32xf32, #tpu.memory_space<hbm>> -> memref<400x32xf32, #tpu.memory_space<hbm>>
        %dma_start3A_258 = arith.constant 9600 : i32
        %dma_start3A_259 = arith.constant 0 : i32
        %dma_start3A_260 = tpu.memref_slice %arg13[%dma_start3A_258, %dma_start3A_259] : memref<10240x32xf32, #tpu.memory_space<vmem_shared>> -> memref<400x32xf32, #tpu.memory_space<vmem_shared>>
        tpu.enqueue_dma source(%dma_start3A_260 : memref<400x32xf32, #tpu.memory_space<vmem_shared>>) target(%dma_start3A_257 : memref<400x32xf32, #tpu.memory_space<hbm>>) target_semaphore(%run_scoped3A : memref<!tpu.dma_semaphore, #tpu.memory_space<semaphore_mem>>)
        %dma_wait3A_261 = arith.constant 0 : i32
        %dma_wait3A_262 = tpu.memref_slice %arg5[%add3A_255, %dma_wait3A_261] : memref<40000x32xf32, #tpu.memory_space<hbm>> -> memref<400x32xf32, #tpu.memory_space<hbm>>
        %dma_wait3A_263 = arith.constant 9600 : i32
        %dma_wait3A_264 = arith.constant 0 : i32
        %dma_wait3A_265 = tpu.memref_slice %arg13[%dma_wait3A_263, %dma_wait3A_264] : memref<10240x32xf32, #tpu.memory_space<vmem_shared>> -> memref<400x32xf32, #tpu.memory_space<vmem_shared>>
        tpu.wait_dma2 semaphore(%run_scoped3A : memref<!tpu.dma_semaphore, #tpu.memory_space<semaphore_mem>>) src(%dma_wait3A_265 : memref<400x32xf32, #tpu.memory_space<vmem_shared>>) dst(%dma_wait3A_262 : memref<400x32xf32, #tpu.memory_space<hbm>>)
        tpu.yield
      }) : () -> ()
    } else {
    }
    return
  }
}

#map = affine_map<(d0, d1) -> (0, 0, 0)>
#map1 = affine_map<(d0, d1) -> (0, 0)>
module attributes {stable_mosaic.version = 14 : i64} {
  func.func @_deg_body(%arg0: i32, %arg1: i32, %arg2: memref<32x79x128xi32, #tpu.memory_space<hbm>>, %arg3: memref<2x10240xf32, #tpu.memory_space<hbm>>, %arg4: memref<79x128xi32, #tpu.memory_space<vmem>>, %arg5: memref<128xf32, #tpu.memory_space<vmem>>, %arg6: memref<640xf32, #tpu.memory_space<vmem>>, %arg7: memref<10240xf32, #tpu.memory_space<vmem_shared>>) attributes {dimension_semantics = [#tpu.dimension_semantics<core_parallel>, #tpu.dimension_semantics<subcore_parallel>], iteration_bounds = array<i64: 2, 16>, scalar_prefetch = 0 : i64, scratch_operands = 4 : i64, tpu.core_type = #tpu.core_type<sc_vector_subcore>, window_params = [{transform_indices = #map}, {transform_indices = #map1}]} {
    %mul3A = arith.constant 16 : i32
    %mul3A_0 = arith.muli %arg0, %mul3A : i32
    %add3A = arith.addi %mul3A_0, %arg1 : i32
    %broadcast_in_dim3A = arith.constant 1.000000e+00 : f32
    %broadcast_in_dim3A_1 = vector.broadcast %broadcast_in_dim3A : f32 to vector<16xf32>
    %swap3A = arith.constant 0 : index
    %swap3A_2 = tpu.vector_load %arg5[%swap3A] {strides = array<i32>} : memref<128xf32, #tpu.memory_space<vmem>>, vector<16xf32>,
    %swap3A_3 = vector.shape_cast %swap3A_2 : vector<16xf32> to vector<16xf32>
    %swap3A_4 = vector.shape_cast %broadcast_in_dim3A_1 : vector<16xf32> to vector<16xf32>
    tpu.vector_store %arg5[%swap3A], %swap3A_4 {strides = array<i32>} : memref<128xf32, #tpu.memory_space<vmem>>, vector<16xf32>,
    %broadcast_in_dim3A_5 = arith.constant 1.000000e+00 : f32
    %broadcast_in_dim3A_6 = vector.broadcast %broadcast_in_dim3A_5 : f32 to vector<16xf32>
    %swap3A_7 = arith.constant 16 : index
    %swap3A_8 = tpu.vector_load %arg5[%swap3A_7] {strides = array<i32>} : memref<128xf32, #tpu.memory_space<vmem>>, vector<16xf32>,
    %swap3A_9 = vector.shape_cast %swap3A_8 : vector<16xf32> to vector<16xf32>
    %swap3A_10 = vector.shape_cast %broadcast_in_dim3A_6 : vector<16xf32> to vector<16xf32>
    tpu.vector_store %arg5[%swap3A_7], %swap3A_10 {strides = array<i32>} : memref<128xf32, #tpu.memory_space<vmem>>, vector<16xf32>,
    %broadcast_in_dim3A_11 = arith.constant 1.000000e+00 : f32
    %broadcast_in_dim3A_12 = vector.broadcast %broadcast_in_dim3A_11 : f32 to vector<16xf32>
    %swap3A_13 = arith.constant 32 : index
    %swap3A_14 = tpu.vector_load %arg5[%swap3A_13] {strides = array<i32>} : memref<128xf32, #tpu.memory_space<vmem>>, vector<16xf32>,
    %swap3A_15 = vector.shape_cast %swap3A_14 : vector<16xf32> to vector<16xf32>
    %swap3A_16 = vector.shape_cast %broadcast_in_dim3A_12 : vector<16xf32> to vector<16xf32>
    tpu.vector_store %arg5[%swap3A_13], %swap3A_16 {strides = array<i32>} : memref<128xf32, #tpu.memory_space<vmem>>, vector<16xf32>,
    %broadcast_in_dim3A_17 = arith.constant 1.000000e+00 : f32
    %broadcast_in_dim3A_18 = vector.broadcast %broadcast_in_dim3A_17 : f32 to vector<16xf32>
    %swap3A_19 = arith.constant 48 : index
    %swap3A_20 = tpu.vector_load %arg5[%swap3A_19] {strides = array<i32>} : memref<128xf32, #tpu.memory_space<vmem>>, vector<16xf32>,
    %swap3A_21 = vector.shape_cast %swap3A_20 : vector<16xf32> to vector<16xf32>
    %swap3A_22 = vector.shape_cast %broadcast_in_dim3A_18 : vector<16xf32> to vector<16xf32>
    tpu.vector_store %arg5[%swap3A_19], %swap3A_22 {strides = array<i32>} : memref<128xf32, #tpu.memory_space<vmem>>, vector<16xf32>,
    %broadcast_in_dim3A_23 = arith.constant 1.000000e+00 : f32
    %broadcast_in_dim3A_24 = vector.broadcast %broadcast_in_dim3A_23 : f32 to vector<16xf32>
    %swap3A_25 = arith.constant 64 : index
    %swap3A_26 = tpu.vector_load %arg5[%swap3A_25] {strides = array<i32>} : memref<128xf32, #tpu.memory_space<vmem>>, vector<16xf32>,
    %swap3A_27 = vector.shape_cast %swap3A_26 : vector<16xf32> to vector<16xf32>
    %swap3A_28 = vector.shape_cast %broadcast_in_dim3A_24 : vector<16xf32> to vector<16xf32>
    tpu.vector_store %arg5[%swap3A_25], %swap3A_28 {strides = array<i32>} : memref<128xf32, #tpu.memory_space<vmem>>, vector<16xf32>,
    %broadcast_in_dim3A_29 = arith.constant 1.000000e+00 : f32
    %broadcast_in_dim3A_30 = vector.broadcast %broadcast_in_dim3A_29 : f32 to vector<16xf32>
    %swap3A_31 = arith.constant 80 : index
    %swap3A_32 = tpu.vector_load %arg5[%swap3A_31] {strides = array<i32>} : memref<128xf32, #tpu.memory_space<vmem>>, vector<16xf32>,
    %swap3A_33 = vector.shape_cast %swap3A_32 : vector<16xf32> to vector<16xf32>
    %swap3A_34 = vector.shape_cast %broadcast_in_dim3A_30 : vector<16xf32> to vector<16xf32>
    tpu.vector_store %arg5[%swap3A_31], %swap3A_34 {strides = array<i32>} : memref<128xf32, #tpu.memory_space<vmem>>, vector<16xf32>,
    %broadcast_in_dim3A_35 = arith.constant 1.000000e+00 : f32
    %broadcast_in_dim3A_36 = vector.broadcast %broadcast_in_dim3A_35 : f32 to vector<16xf32>
    %swap3A_37 = arith.constant 96 : index
    %swap3A_38 = tpu.vector_load %arg5[%swap3A_37] {strides = array<i32>} : memref<128xf32, #tpu.memory_space<vmem>>, vector<16xf32>,
    %swap3A_39 = vector.shape_cast %swap3A_38 : vector<16xf32> to vector<16xf32>
    %swap3A_40 = vector.shape_cast %broadcast_in_dim3A_36 : vector<16xf32> to vector<16xf32>
    tpu.vector_store %arg5[%swap3A_37], %swap3A_40 {strides = array<i32>} : memref<128xf32, #tpu.memory_space<vmem>>, vector<16xf32>,
    %broadcast_in_dim3A_41 = arith.constant 1.000000e+00 : f32
    %broadcast_in_dim3A_42 = vector.broadcast %broadcast_in_dim3A_41 : f32 to vector<16xf32>
    %swap3A_43 = arith.constant 112 : index
    %swap3A_44 = tpu.vector_load %arg5[%swap3A_43] {strides = array<i32>} : memref<128xf32, #tpu.memory_space<vmem>>, vector<16xf32>,
    %swap3A_45 = vector.shape_cast %swap3A_44 : vector<16xf32> to vector<16xf32>
    %swap3A_46 = vector.shape_cast %broadcast_in_dim3A_42 : vector<16xf32> to vector<16xf32>
    tpu.vector_store %arg5[%swap3A_43], %swap3A_46 {strides = array<i32>} : memref<128xf32, #tpu.memory_space<vmem>>, vector<16xf32>,
    %broadcast_in_dim3A_47 = arith.constant 0.000000e+00 : f32
    %broadcast_in_dim3A_48 = vector.broadcast %broadcast_in_dim3A_47 : f32 to vector<16xf32>
    %swap3A_49 = arith.constant 0 : index
    %swap3A_50 = tpu.vector_load %arg6[%swap3A_49] {strides = array<i32>} : memref<640xf32, #tpu.memory_space<vmem>>, vector<16xf32>,
    %swap3A_51 = vector.shape_cast %swap3A_50 : vector<16xf32> to vector<16xf32>
    %swap3A_52 = vector.shape_cast %broadcast_in_dim3A_48 : vector<16xf32> to vector<16xf32>
    tpu.vector_store %arg6[%swap3A_49], %swap3A_52 {strides = array<i32>} : memref<640xf32, #tpu.memory_space<vmem>>, vector<16xf32>,
    %broadcast_in_dim3A_53 = arith.constant 0.000000e+00 : f32
    %broadcast_in_dim3A_54 = vector.broadcast %broadcast_in_dim3A_53 : f32 to vector<16xf32>
    %swap3A_55 = arith.constant 16 : index
    %swap3A_56 = tpu.vector_load %arg6[%swap3A_55] {strides = array<i32>} : memref<640xf32, #tpu.memory_space<vmem>>, vector<16xf32>,
    %swap3A_57 = vector.shape_cast %swap3A_56 : vector<16xf32> to vector<16xf32>
    %swap3A_58 = vector.shape_cast %broadcast_in_dim3A_54 : vector<16xf32> to vector<16xf32>
    tpu.vector_store %arg6[%swap3A_55], %swap3A_58 {strides = array<i32>} : memref<640xf32, #tpu.memory_space<vmem>>, vector<16xf32>,
    %broadcast_in_dim3A_59 = arith.constant 0.000000e+00 : f32
    %broadcast_in_dim3A_60 = vector.broadcast %broadcast_in_dim3A_59 : f32 to vector<16xf32>
    %swap3A_61 = arith.constant 32 : index
    %swap3A_62 = tpu.vector_load %arg6[%swap3A_61] {strides = array<i32>} : memref<640xf32, #tpu.memory_space<vmem>>, vector<16xf32>,
    %swap3A_63 = vector.shape_cast %swap3A_62 : vector<16xf32> to vector<16xf32>
    %swap3A_64 = vector.shape_cast %broadcast_in_dim3A_60 : vector<16xf32> to vector<16xf32>
    tpu.vector_store %arg6[%swap3A_61], %swap3A_64 {strides = array<i32>} : memref<640xf32, #tpu.memory_space<vmem>>, vector<16xf32>,
    %broadcast_in_dim3A_65 = arith.constant 0.000000e+00 : f32
    %broadcast_in_dim3A_66 = vector.broadcast %broadcast_in_dim3A_65 : f32 to vector<16xf32>
    %swap3A_67 = arith.constant 48 : index
    %swap3A_68 = tpu.vector_load %arg6[%swap3A_67] {strides = array<i32>} : memref<640xf32, #tpu.memory_space<vmem>>, vector<16xf32>,
    %swap3A_69 = vector.shape_cast %swap3A_68 : vector<16xf32> to vector<16xf32>
    %swap3A_70 = vector.shape_cast %broadcast_in_dim3A_66 : vector<16xf32> to vector<16xf32>
    tpu.vector_store %arg6[%swap3A_67], %swap3A_70 {strides = array<i32>} : memref<640xf32, #tpu.memory_space<vmem>>, vector<16xf32>,
    %broadcast_in_dim3A_71 = arith.constant 0.000000e+00 : f32
    %broadcast_in_dim3A_72 = vector.broadcast %broadcast_in_dim3A_71 : f32 to vector<16xf32>
    %swap3A_73 = arith.constant 64 : index
    %swap3A_74 = tpu.vector_load %arg6[%swap3A_73] {strides = array<i32>} : memref<640xf32, #tpu.memory_space<vmem>>, vector<16xf32>,
    %swap3A_75 = vector.shape_cast %swap3A_74 : vector<16xf32> to vector<16xf32>
    %swap3A_76 = vector.shape_cast %broadcast_in_dim3A_72 : vector<16xf32> to vector<16xf32>
    tpu.vector_store %arg6[%swap3A_73], %swap3A_76 {strides = array<i32>} : memref<640xf32, #tpu.memory_space<vmem>>, vector<16xf32>,
    %broadcast_in_dim3A_77 = arith.constant 0.000000e+00 : f32
    %broadcast_in_dim3A_78 = vector.broadcast %broadcast_in_dim3A_77 : f32 to vector<16xf32>
    %swap3A_79 = arith.constant 80 : index
    %swap3A_80 = tpu.vector_load %arg6[%swap3A_79] {strides = array<i32>} : memref<640xf32, #tpu.memory_space<vmem>>, vector<16xf32>,
    %swap3A_81 = vector.shape_cast %swap3A_80 : vector<16xf32> to vector<16xf32>
    %swap3A_82 = vector.shape_cast %broadcast_in_dim3A_78 : vector<16xf32> to vector<16xf32>
    tpu.vector_store %arg6[%swap3A_79], %swap3A_82 {strides = array<i32>} : memref<640xf32, #tpu.memory_space<vmem>>, vector<16xf32>,
    %broadcast_in_dim3A_83 = arith.constant 0.000000e+00 : f32
    %broadcast_in_dim3A_84 = vector.broadcast %broadcast_in_dim3A_83 : f32 to vector<16xf32>
    %swap3A_85 = arith.constant 96 : index
    %swap3A_86 = tpu.vector_load %arg6[%swap3A_85] {strides = array<i32>} : memref<640xf32, #tpu.memory_space<vmem>>, vector<16xf32>,
    %swap3A_87 = vector.shape_cast %swap3A_86 : vector<16xf32> to vector<16xf32>
    %swap3A_88 = vector.shape_cast %broadcast_in_dim3A_84 : vector<16xf32> to vector<16xf32>
    tpu.vector_store %arg6[%swap3A_85], %swap3A_88 {strides = array<i32>} : memref<640xf32, #tpu.memory_space<vmem>>, vector<16xf32>,
    %broadcast_in_dim3A_89 = arith.constant 0.000000e+00 : f32
    %broadcast_in_dim3A_90 = vector.broadcast %broadcast_in_dim3A_89 : f32 to vector<16xf32>
    %swap3A_91 = arith.constant 112 : index
    %swap3A_92 = tpu.vector_load %arg6[%swap3A_91] {strides = array<i32>} : memref<640xf32, #tpu.memory_space<vmem>>, vector<16xf32>,
    %swap3A_93 = vector.shape_cast %swap3A_92 : vector<16xf32> to vector<16xf32>
    %swap3A_94 = vector.shape_cast %broadcast_in_dim3A_90 : vector<16xf32> to vector<16xf32>
    tpu.vector_store %arg6[%swap3A_91], %swap3A_94 {strides = array<i32>} : memref<640xf32, #tpu.memory_space<vmem>>, vector<16xf32>,
    %broadcast_in_dim3A_95 = arith.constant 0.000000e+00 : f32
    %broadcast_in_dim3A_96 = vector.broadcast %broadcast_in_dim3A_95 : f32 to vector<16xf32>
    %swap3A_97 = arith.constant 128 : index
    %swap3A_98 = tpu.vector_load %arg6[%swap3A_97] {strides = array<i32>} : memref<640xf32, #tpu.memory_space<vmem>>, vector<16xf32>,
    %swap3A_99 = vector.shape_cast %swap3A_98 : vector<16xf32> to vector<16xf32>
    %swap3A_100 = vector.shape_cast %broadcast_in_dim3A_96 : vector<16xf32> to vector<16xf32>
    tpu.vector_store %arg6[%swap3A_97], %swap3A_100 {strides = array<i32>} : memref<640xf32, #tpu.memory_space<vmem>>, vector<16xf32>,
    %broadcast_in_dim3A_101 = arith.constant 0.000000e+00 : f32
    %broadcast_in_dim3A_102 = vector.broadcast %broadcast_in_dim3A_101 : f32 to vector<16xf32>
    %swap3A_103 = arith.constant 144 : index
    %swap3A_104 = tpu.vector_load %arg6[%swap3A_103] {strides = array<i32>} : memref<640xf32, #tpu.memory_space<vmem>>, vector<16xf32>,
    %swap3A_105 = vector.shape_cast %swap3A_104 : vector<16xf32> to vector<16xf32>
    %swap3A_106 = vector.shape_cast %broadcast_in_dim3A_102 : vector<16xf32> to vector<16xf32>
    tpu.vector_store %arg6[%swap3A_103], %swap3A_106 {strides = array<i32>} : memref<640xf32, #tpu.memory_space<vmem>>, vector<16xf32>,
    %broadcast_in_dim3A_107 = arith.constant 0.000000e+00 : f32
    %broadcast_in_dim3A_108 = vector.broadcast %broadcast_in_dim3A_107 : f32 to vector<16xf32>
    %swap3A_109 = arith.constant 160 : index
    %swap3A_110 = tpu.vector_load %arg6[%swap3A_109] {strides = array<i32>} : memref<640xf32, #tpu.memory_space<vmem>>, vector<16xf32>,
    %swap3A_111 = vector.shape_cast %swap3A_110 : vector<16xf32> to vector<16xf32>
    %swap3A_112 = vector.shape_cast %broadcast_in_dim3A_108 : vector<16xf32> to vector<16xf32>
    tpu.vector_store %arg6[%swap3A_109], %swap3A_112 {strides = array<i32>} : memref<640xf32, #tpu.memory_space<vmem>>, vector<16xf32>,
    %broadcast_in_dim3A_113 = arith.constant 0.000000e+00 : f32
    %broadcast_in_dim3A_114 = vector.broadcast %broadcast_in_dim3A_113 : f32 to vector<16xf32>
    %swap3A_115 = arith.constant 176 : index
    %swap3A_116 = tpu.vector_load %arg6[%swap3A_115] {strides = array<i32>} : memref<640xf32, #tpu.memory_space<vmem>>, vector<16xf32>,
    %swap3A_117 = vector.shape_cast %swap3A_116 : vector<16xf32> to vector<16xf32>
    %swap3A_118 = vector.shape_cast %broadcast_in_dim3A_114 : vector<16xf32> to vector<16xf32>
    tpu.vector_store %arg6[%swap3A_115], %swap3A_118 {strides = array<i32>} : memref<640xf32, #tpu.memory_space<vmem>>, vector<16xf32>,
    %broadcast_in_dim3A_119 = arith.constant 0.000000e+00 : f32
    %broadcast_in_dim3A_120 = vector.broadcast %broadcast_in_dim3A_119 : f32 to vector<16xf32>
    %swap3A_121 = arith.constant 192 : index
    %swap3A_122 = tpu.vector_load %arg6[%swap3A_121] {strides = array<i32>} : memref<640xf32, #tpu.memory_space<vmem>>, vector<16xf32>,
    %swap3A_123 = vector.shape_cast %swap3A_122 : vector<16xf32> to vector<16xf32>
    %swap3A_124 = vector.shape_cast %broadcast_in_dim3A_120 : vector<16xf32> to vector<16xf32>
    tpu.vector_store %arg6[%swap3A_121], %swap3A_124 {strides = array<i32>} : memref<640xf32, #tpu.memory_space<vmem>>, vector<16xf32>,
    %broadcast_in_dim3A_125 = arith.constant 0.000000e+00 : f32
    %broadcast_in_dim3A_126 = vector.broadcast %broadcast_in_dim3A_125 : f32 to vector<16xf32>
    %swap3A_127 = arith.constant 208 : index
    %swap3A_128 = tpu.vector_load %arg6[%swap3A_127] {strides = array<i32>} : memref<640xf32, #tpu.memory_space<vmem>>, vector<16xf32>,
    %swap3A_129 = vector.shape_cast %swap3A_128 : vector<16xf32> to vector<16xf32>
    %swap3A_130 = vector.shape_cast %broadcast_in_dim3A_126 : vector<16xf32> to vector<16xf32>
    tpu.vector_store %arg6[%swap3A_127], %swap3A_130 {strides = array<i32>} : memref<640xf32, #tpu.memory_space<vmem>>, vector<16xf32>,
    %broadcast_in_dim3A_131 = arith.constant 0.000000e+00 : f32
    %broadcast_in_dim3A_132 = vector.broadcast %broadcast_in_dim3A_131 : f32 to vector<16xf32>
    %swap3A_133 = arith.constant 224 : index
    %swap3A_134 = tpu.vector_load %arg6[%swap3A_133] {strides = array<i32>} : memref<640xf32, #tpu.memory_space<vmem>>, vector<16xf32>,
    %swap3A_135 = vector.shape_cast %swap3A_134 : vector<16xf32> to vector<16xf32>
    %swap3A_136 = vector.shape_cast %broadcast_in_dim3A_132 : vector<16xf32> to vector<16xf32>
    tpu.vector_store %arg6[%swap3A_133], %swap3A_136 {strides = array<i32>} : memref<640xf32, #tpu.memory_space<vmem>>, vector<16xf32>,
    %broadcast_in_dim3A_137 = arith.constant 0.000000e+00 : f32
    %broadcast_in_dim3A_138 = vector.broadcast %broadcast_in_dim3A_137 : f32 to vector<16xf32>
    %swap3A_139 = arith.constant 240 : index
    %swap3A_140 = tpu.vector_load %arg6[%swap3A_139] {strides = array<i32>} : memref<640xf32, #tpu.memory_space<vmem>>, vector<16xf32>,
    %swap3A_141 = vector.shape_cast %swap3A_140 : vector<16xf32> to vector<16xf32>
    %swap3A_142 = vector.shape_cast %broadcast_in_dim3A_138 : vector<16xf32> to vector<16xf32>
    tpu.vector_store %arg6[%swap3A_139], %swap3A_142 {strides = array<i32>} : memref<640xf32, #tpu.memory_space<vmem>>, vector<16xf32>,
    %broadcast_in_dim3A_143 = arith.constant 0.000000e+00 : f32
    %broadcast_in_dim3A_144 = vector.broadcast %broadcast_in_dim3A_143 : f32 to vector<16xf32>
    %swap3A_145 = arith.constant 256 : index
    %swap3A_146 = tpu.vector_load %arg6[%swap3A_145] {strides = array<i32>} : memref<640xf32, #tpu.memory_space<vmem>>, vector<16xf32>,
    %swap3A_147 = vector.shape_cast %swap3A_146 : vector<16xf32> to vector<16xf32>
    %swap3A_148 = vector.shape_cast %broadcast_in_dim3A_144 : vector<16xf32> to vector<16xf32>
    tpu.vector_store %arg6[%swap3A_145], %swap3A_148 {strides = array<i32>} : memref<640xf32, #tpu.memory_space<vmem>>, vector<16xf32>,
    %broadcast_in_dim3A_149 = arith.constant 0.000000e+00 : f32
    %broadcast_in_dim3A_150 = vector.broadcast %broadcast_in_dim3A_149 : f32 to vector<16xf32>
    %swap3A_151 = arith.constant 272 : index
    %swap3A_152 = tpu.vector_load %arg6[%swap3A_151] {strides = array<i32>} : memref<640xf32, #tpu.memory_space<vmem>>, vector<16xf32>,
    %swap3A_153 = vector.shape_cast %swap3A_152 : vector<16xf32> to vector<16xf32>
    %swap3A_154 = vector.shape_cast %broadcast_in_dim3A_150 : vector<16xf32> to vector<16xf32>
    tpu.vector_store %arg6[%swap3A_151], %swap3A_154 {strides = array<i32>} : memref<640xf32, #tpu.memory_space<vmem>>, vector<16xf32>,
    %broadcast_in_dim3A_155 = arith.constant 0.000000e+00 : f32
    %broadcast_in_dim3A_156 = vector.broadcast %broadcast_in_dim3A_155 : f32 to vector<16xf32>
    %swap3A_157 = arith.constant 288 : index
    %swap3A_158 = tpu.vector_load %arg6[%swap3A_157] {strides = array<i32>} : memref<640xf32, #tpu.memory_space<vmem>>, vector<16xf32>,
    %swap3A_159 = vector.shape_cast %swap3A_158 : vector<16xf32> to vector<16xf32>
    %swap3A_160 = vector.shape_cast %broadcast_in_dim3A_156 : vector<16xf32> to vector<16xf32>
    tpu.vector_store %arg6[%swap3A_157], %swap3A_160 {strides = array<i32>} : memref<640xf32, #tpu.memory_space<vmem>>, vector<16xf32>,
    %broadcast_in_dim3A_161 = arith.constant 0.000000e+00 : f32
    %broadcast_in_dim3A_162 = vector.broadcast %broadcast_in_dim3A_161 : f32 to vector<16xf32>
    %swap3A_163 = arith.constant 304 : index
    %swap3A_164 = tpu.vector_load %arg6[%swap3A_163] {strides = array<i32>} : memref<640xf32, #tpu.memory_space<vmem>>, vector<16xf32>,
    %swap3A_165 = vector.shape_cast %swap3A_164 : vector<16xf32> to vector<16xf32>
    %swap3A_166 = vector.shape_cast %broadcast_in_dim3A_162 : vector<16xf32> to vector<16xf32>
    tpu.vector_store %arg6[%swap3A_163], %swap3A_166 {strides = array<i32>} : memref<640xf32, #tpu.memory_space<vmem>>, vector<16xf32>,
    %broadcast_in_dim3A_167 = arith.constant 0.000000e+00 : f32
    %broadcast_in_dim3A_168 = vector.broadcast %broadcast_in_dim3A_167 : f32 to vector<16xf32>
    %swap3A_169 = arith.constant 320 : index
    %swap3A_170 = tpu.vector_load %arg6[%swap3A_169] {strides = array<i32>} : memref<640xf32, #tpu.memory_space<vmem>>, vector<16xf32>,
    %swap3A_171 = vector.shape_cast %swap3A_170 : vector<16xf32> to vector<16xf32>
    %swap3A_172 = vector.shape_cast %broadcast_in_dim3A_168 : vector<16xf32> to vector<16xf32>
    tpu.vector_store %arg6[%swap3A_169], %swap3A_172 {strides = array<i32>} : memref<640xf32, #tpu.memory_space<vmem>>, vector<16xf32>,
    %broadcast_in_dim3A_173 = arith.constant 0.000000e+00 : f32
    %broadcast_in_dim3A_174 = vector.broadcast %broadcast_in_dim3A_173 : f32 to vector<16xf32>
    %swap3A_175 = arith.constant 336 : index
    %swap3A_176 = tpu.vector_load %arg6[%swap3A_175] {strides = array<i32>} : memref<640xf32, #tpu.memory_space<vmem>>, vector<16xf32>,
    %swap3A_177 = vector.shape_cast %swap3A_176 : vector<16xf32> to vector<16xf32>
    %swap3A_178 = vector.shape_cast %broadcast_in_dim3A_174 : vector<16xf32> to vector<16xf32>
    tpu.vector_store %arg6[%swap3A_175], %swap3A_178 {strides = array<i32>} : memref<640xf32, #tpu.memory_space<vmem>>, vector<16xf32>,
    %broadcast_in_dim3A_179 = arith.constant 0.000000e+00 : f32
    %broadcast_in_dim3A_180 = vector.broadcast %broadcast_in_dim3A_179 : f32 to vector<16xf32>
    %swap3A_181 = arith.constant 352 : index
    %swap3A_182 = tpu.vector_load %arg6[%swap3A_181] {strides = array<i32>} : memref<640xf32, #tpu.memory_space<vmem>>, vector<16xf32>,
    %swap3A_183 = vector.shape_cast %swap3A_182 : vector<16xf32> to vector<16xf32>
    %swap3A_184 = vector.shape_cast %broadcast_in_dim3A_180 : vector<16xf32> to vector<16xf32>
    tpu.vector_store %arg6[%swap3A_181], %swap3A_184 {strides = array<i32>} : memref<640xf32, #tpu.memory_space<vmem>>, vector<16xf32>,
    %broadcast_in_dim3A_185 = arith.constant 0.000000e+00 : f32
    %broadcast_in_dim3A_186 = vector.broadcast %broadcast_in_dim3A_185 : f32 to vector<16xf32>
    %swap3A_187 = arith.constant 368 : index
    %swap3A_188 = tpu.vector_load %arg6[%swap3A_187] {strides = array<i32>} : memref<640xf32, #tpu.memory_space<vmem>>, vector<16xf32>,
    %swap3A_189 = vector.shape_cast %swap3A_188 : vector<16xf32> to vector<16xf32>
    %swap3A_190 = vector.shape_cast %broadcast_in_dim3A_186 : vector<16xf32> to vector<16xf32>
    tpu.vector_store %arg6[%swap3A_187], %swap3A_190 {strides = array<i32>} : memref<640xf32, #tpu.memory_space<vmem>>, vector<16xf32>,
    %broadcast_in_dim3A_191 = arith.constant 0.000000e+00 : f32
    %broadcast_in_dim3A_192 = vector.broadcast %broadcast_in_dim3A_191 : f32 to vector<16xf32>
    %swap3A_193 = arith.constant 384 : index
    %swap3A_194 = tpu.vector_load %arg6[%swap3A_193] {strides = array<i32>} : memref<640xf32, #tpu.memory_space<vmem>>, vector<16xf32>,
    %swap3A_195 = vector.shape_cast %swap3A_194 : vector<16xf32> to vector<16xf32>
    %swap3A_196 = vector.shape_cast %broadcast_in_dim3A_192 : vector<16xf32> to vector<16xf32>
    tpu.vector_store %arg6[%swap3A_193], %swap3A_196 {strides = array<i32>} : memref<640xf32, #tpu.memory_space<vmem>>, vector<16xf32>,
    %broadcast_in_dim3A_197 = arith.constant 0.000000e+00 : f32
    %broadcast_in_dim3A_198 = vector.broadcast %broadcast_in_dim3A_197 : f32 to vector<16xf32>
    %swap3A_199 = arith.constant 400 : index
    %swap3A_200 = tpu.vector_load %arg6[%swap3A_199] {strides = array<i32>} : memref<640xf32, #tpu.memory_space<vmem>>, vector<16xf32>,
    %swap3A_201 = vector.shape_cast %swap3A_200 : vector<16xf32> to vector<16xf32>
    %swap3A_202 = vector.shape_cast %broadcast_in_dim3A_198 : vector<16xf32> to vector<16xf32>
    tpu.vector_store %arg6[%swap3A_199], %swap3A_202 {strides = array<i32>} : memref<640xf32, #tpu.memory_space<vmem>>, vector<16xf32>,
    %broadcast_in_dim3A_203 = arith.constant 0.000000e+00 : f32
    %broadcast_in_dim3A_204 = vector.broadcast %broadcast_in_dim3A_203 : f32 to vector<16xf32>
    %swap3A_205 = arith.constant 416 : index
    %swap3A_206 = tpu.vector_load %arg6[%swap3A_205] {strides = array<i32>} : memref<640xf32, #tpu.memory_space<vmem>>, vector<16xf32>,
    %swap3A_207 = vector.shape_cast %swap3A_206 : vector<16xf32> to vector<16xf32>
    %swap3A_208 = vector.shape_cast %broadcast_in_dim3A_204 : vector<16xf32> to vector<16xf32>
    tpu.vector_store %arg6[%swap3A_205], %swap3A_208 {strides = array<i32>} : memref<640xf32, #tpu.memory_space<vmem>>, vector<16xf32>,
    %broadcast_in_dim3A_209 = arith.constant 0.000000e+00 : f32
    %broadcast_in_dim3A_210 = vector.broadcast %broadcast_in_dim3A_209 : f32 to vector<16xf32>
    %swap3A_211 = arith.constant 432 : index
    %swap3A_212 = tpu.vector_load %arg6[%swap3A_211] {strides = array<i32>} : memref<640xf32, #tpu.memory_space<vmem>>, vector<16xf32>,
    %swap3A_213 = vector.shape_cast %swap3A_212 : vector<16xf32> to vector<16xf32>
    %swap3A_214 = vector.shape_cast %broadcast_in_dim3A_210 : vector<16xf32> to vector<16xf32>
    tpu.vector_store %arg6[%swap3A_211], %swap3A_214 {strides = array<i32>} : memref<640xf32, #tpu.memory_space<vmem>>, vector<16xf32>,
    %broadcast_in_dim3A_215 = arith.constant 0.000000e+00 : f32
    %broadcast_in_dim3A_216 = vector.broadcast %broadcast_in_dim3A_215 : f32 to vector<16xf32>
    %swap3A_217 = arith.constant 448 : index
    %swap3A_218 = tpu.vector_load %arg6[%swap3A_217] {strides = array<i32>} : memref<640xf32, #tpu.memory_space<vmem>>, vector<16xf32>,
    %swap3A_219 = vector.shape_cast %swap3A_218 : vector<16xf32> to vector<16xf32>
    %swap3A_220 = vector.shape_cast %broadcast_in_dim3A_216 : vector<16xf32> to vector<16xf32>
    tpu.vector_store %arg6[%swap3A_217], %swap3A_220 {strides = array<i32>} : memref<640xf32, #tpu.memory_space<vmem>>, vector<16xf32>,
    %broadcast_in_dim3A_221 = arith.constant 0.000000e+00 : f32
    %broadcast_in_dim3A_222 = vector.broadcast %broadcast_in_dim3A_221 : f32 to vector<16xf32>
    %swap3A_223 = arith.constant 464 : index
    %swap3A_224 = tpu.vector_load %arg6[%swap3A_223] {strides = array<i32>} : memref<640xf32, #tpu.memory_space<vmem>>, vector<16xf32>,
    %swap3A_225 = vector.shape_cast %swap3A_224 : vector<16xf32> to vector<16xf32>
    %swap3A_226 = vector.shape_cast %broadcast_in_dim3A_222 : vector<16xf32> to vector<16xf32>
    tpu.vector_store %arg6[%swap3A_223], %swap3A_226 {strides = array<i32>} : memref<640xf32, #tpu.memory_space<vmem>>, vector<16xf32>,
    %broadcast_in_dim3A_227 = arith.constant 0.000000e+00 : f32
    %broadcast_in_dim3A_228 = vector.broadcast %broadcast_in_dim3A_227 : f32 to vector<16xf32>
    %swap3A_229 = arith.constant 480 : index
    %swap3A_230 = tpu.vector_load %arg6[%swap3A_229] {strides = array<i32>} : memref<640xf32, #tpu.memory_space<vmem>>, vector<16xf32>,
    %swap3A_231 = vector.shape_cast %swap3A_230 : vector<16xf32> to vector<16xf32>
    %swap3A_232 = vector.shape_cast %broadcast_in_dim3A_228 : vector<16xf32> to vector<16xf32>
    tpu.vector_store %arg6[%swap3A_229], %swap3A_232 {strides = array<i32>} : memref<640xf32, #tpu.memory_space<vmem>>, vector<16xf32>,
    %broadcast_in_dim3A_233 = arith.constant 0.000000e+00 : f32
    %broadcast_in_dim3A_234 = vector.broadcast %broadcast_in_dim3A_233 : f32 to vector<16xf32>
    %swap3A_235 = arith.constant 496 : index
    %swap3A_236 = tpu.vector_load %arg6[%swap3A_235] {strides = array<i32>} : memref<640xf32, #tpu.memory_space<vmem>>, vector<16xf32>,
    %swap3A_237 = vector.shape_cast %swap3A_236 : vector<16xf32> to vector<16xf32>
    %swap3A_238 = vector.shape_cast %broadcast_in_dim3A_234 : vector<16xf32> to vector<16xf32>
    tpu.vector_store %arg6[%swap3A_235], %swap3A_238 {strides = array<i32>} : memref<640xf32, #tpu.memory_space<vmem>>, vector<16xf32>,
    %broadcast_in_dim3A_239 = arith.constant 0.000000e+00 : f32
    %broadcast_in_dim3A_240 = vector.broadcast %broadcast_in_dim3A_239 : f32 to vector<16xf32>
    %swap3A_241 = arith.constant 512 : index
    %swap3A_242 = tpu.vector_load %arg6[%swap3A_241] {strides = array<i32>} : memref<640xf32, #tpu.memory_space<vmem>>, vector<16xf32>,
    %swap3A_243 = vector.shape_cast %swap3A_242 : vector<16xf32> to vector<16xf32>
    %swap3A_244 = vector.shape_cast %broadcast_in_dim3A_240 : vector<16xf32> to vector<16xf32>
    tpu.vector_store %arg6[%swap3A_241], %swap3A_244 {strides = array<i32>} : memref<640xf32, #tpu.memory_space<vmem>>, vector<16xf32>,
    %broadcast_in_dim3A_245 = arith.constant 0.000000e+00 : f32
    %broadcast_in_dim3A_246 = vector.broadcast %broadcast_in_dim3A_245 : f32 to vector<16xf32>
    %swap3A_247 = arith.constant 528 : index
    %swap3A_248 = tpu.vector_load %arg6[%swap3A_247] {strides = array<i32>} : memref<640xf32, #tpu.memory_space<vmem>>, vector<16xf32>,
    %swap3A_249 = vector.shape_cast %swap3A_248 : vector<16xf32> to vector<16xf32>
    %swap3A_250 = vector.shape_cast %broadcast_in_dim3A_246 : vector<16xf32> to vector<16xf32>
    tpu.vector_store %arg6[%swap3A_247], %swap3A_250 {strides = array<i32>} : memref<640xf32, #tpu.memory_space<vmem>>, vector<16xf32>,
    %broadcast_in_dim3A_251 = arith.constant 0.000000e+00 : f32
    %broadcast_in_dim3A_252 = vector.broadcast %broadcast_in_dim3A_251 : f32 to vector<16xf32>
    %swap3A_253 = arith.constant 544 : index
    %swap3A_254 = tpu.vector_load %arg6[%swap3A_253] {strides = array<i32>} : memref<640xf32, #tpu.memory_space<vmem>>, vector<16xf32>,
    %swap3A_255 = vector.shape_cast %swap3A_254 : vector<16xf32> to vector<16xf32>
    %swap3A_256 = vector.shape_cast %broadcast_in_dim3A_252 : vector<16xf32> to vector<16xf32>
    tpu.vector_store %arg6[%swap3A_253], %swap3A_256 {strides = array<i32>} : memref<640xf32, #tpu.memory_space<vmem>>, vector<16xf32>,
    %broadcast_in_dim3A_257 = arith.constant 0.000000e+00 : f32
    %broadcast_in_dim3A_258 = vector.broadcast %broadcast_in_dim3A_257 : f32 to vector<16xf32>
    %swap3A_259 = arith.constant 560 : index
    %swap3A_260 = tpu.vector_load %arg6[%swap3A_259] {strides = array<i32>} : memref<640xf32, #tpu.memory_space<vmem>>, vector<16xf32>,
    %swap3A_261 = vector.shape_cast %swap3A_260 : vector<16xf32> to vector<16xf32>
    %swap3A_262 = vector.shape_cast %broadcast_in_dim3A_258 : vector<16xf32> to vector<16xf32>
    tpu.vector_store %arg6[%swap3A_259], %swap3A_262 {strides = array<i32>} : memref<640xf32, #tpu.memory_space<vmem>>, vector<16xf32>,
    %broadcast_in_dim3A_263 = arith.constant 0.000000e+00 : f32
    %broadcast_in_dim3A_264 = vector.broadcast %broadcast_in_dim3A_263 : f32 to vector<16xf32>
    %swap3A_265 = arith.constant 576 : index
    %swap3A_266 = tpu.vector_load %arg6[%swap3A_265] {strides = array<i32>} : memref<640xf32, #tpu.memory_space<vmem>>, vector<16xf32>,
    %swap3A_267 = vector.shape_cast %swap3A_266 : vector<16xf32> to vector<16xf32>
    %swap3A_268 = vector.shape_cast %broadcast_in_dim3A_264 : vector<16xf32> to vector<16xf32>
    tpu.vector_store %arg6[%swap3A_265], %swap3A_268 {strides = array<i32>} : memref<640xf32, #tpu.memory_space<vmem>>, vector<16xf32>,
    %broadcast_in_dim3A_269 = arith.constant 0.000000e+00 : f32
    %broadcast_in_dim3A_270 = vector.broadcast %broadcast_in_dim3A_269 : f32 to vector<16xf32>
    %swap3A_271 = arith.constant 592 : index
    %swap3A_272 = tpu.vector_load %arg6[%swap3A_271] {strides = array<i32>} : memref<640xf32, #tpu.memory_space<vmem>>, vector<16xf32>,
    %swap3A_273 = vector.shape_cast %swap3A_272 : vector<16xf32> to vector<16xf32>
    %swap3A_274 = vector.shape_cast %broadcast_in_dim3A_270 : vector<16xf32> to vector<16xf32>
    tpu.vector_store %arg6[%swap3A_271], %swap3A_274 {strides = array<i32>} : memref<640xf32, #tpu.memory_space<vmem>>, vector<16xf32>,
    %broadcast_in_dim3A_275 = arith.constant 0.000000e+00 : f32
    %broadcast_in_dim3A_276 = vector.broadcast %broadcast_in_dim3A_275 : f32 to vector<16xf32>
    %swap3A_277 = arith.constant 608 : index
    %swap3A_278 = tpu.vector_load %arg6[%swap3A_277] {strides = array<i32>} : memref<640xf32, #tpu.memory_space<vmem>>, vector<16xf32>,
    %swap3A_279 = vector.shape_cast %swap3A_278 : vector<16xf32> to vector<16xf32>
    %swap3A_280 = vector.shape_cast %broadcast_in_dim3A_276 : vector<16xf32> to vector<16xf32>
    tpu.vector_store %arg6[%swap3A_277], %swap3A_280 {strides = array<i32>} : memref<640xf32, #tpu.memory_space<vmem>>, vector<16xf32>,
    %broadcast_in_dim3A_281 = arith.constant 0.000000e+00 : f32
    %broadcast_in_dim3A_282 = vector.broadcast %broadcast_in_dim3A_281 : f32 to vector<16xf32>
    %swap3A_283 = arith.constant 624 : index
    %swap3A_284 = tpu.vector_load %arg6[%swap3A_283] {strides = array<i32>} : memref<640xf32, #tpu.memory_space<vmem>>, vector<16xf32>,
    %swap3A_285 = vector.shape_cast %swap3A_284 : vector<16xf32> to vector<16xf32>
    %swap3A_286 = vector.shape_cast %broadcast_in_dim3A_282 : vector<16xf32> to vector<16xf32>
    tpu.vector_store %arg6[%swap3A_283], %swap3A_286 {strides = array<i32>} : memref<640xf32, #tpu.memory_space<vmem>>, vector<16xf32>,
    %mul3A_287 = arith.constant 640 : i32
    %mul3A_288 = arith.muli %arg1, %mul3A_287 : i32
    "tpu.region"() ({
      %run_scoped3A = tpu.sem_alloc : memref<!tpu.dma_semaphore, #tpu.memory_space<semaphore_mem>>
      %dma_start3A = tpu.memref_slice %arg7[%mul3A_288] : memref<10240xf32, #tpu.memory_space<vmem_shared>> -> memref<640xf32, #tpu.memory_space<vmem_shared>>
      %dma_start3A_299 = tpu.memref_slice %arg7[%mul3A_288] : memref<10240xf32, #tpu.memory_space<vmem_shared>> -> memref<640xf32, #tpu.memory_space<vmem_shared>>
      tpu.enqueue_dma source(%arg6 : memref<640xf32, #tpu.memory_space<vmem>>) target(%dma_start3A_299 : memref<640xf32, #tpu.memory_space<vmem_shared>>) target_semaphore(%run_scoped3A : memref<!tpu.dma_semaphore, #tpu.memory_space<semaphore_mem>>)
      %dma_wait3A = tpu.memref_slice %arg7[%mul3A_288] : memref<10240xf32, #tpu.memory_space<vmem_shared>> -> memref<640xf32, #tpu.memory_space<vmem_shared>>
      %dma_wait3A_300 = tpu.memref_slice %arg7[%mul3A_288] : memref<10240xf32, #tpu.memory_space<vmem_shared>> -> memref<640xf32, #tpu.memory_space<vmem_shared>>
      tpu.wait_dma2 semaphore(%run_scoped3A : memref<!tpu.dma_semaphore, #tpu.memory_space<semaphore_mem>>) src(%arg6 : memref<640xf32, #tpu.memory_space<vmem>>) dst(%dma_wait3A_300 : memref<640xf32, #tpu.memory_space<vmem_shared>>)
      tpu.yield
    }) : () -> ()
    "tpu.region"() ({
      %run_scoped3A = tpu.sem_alloc : memref<!tpu.dma_semaphore, #tpu.memory_space<semaphore_mem>>
      %dma_start3A = arith.constant 0 : i32
      %dma_start3A_299 = arith.constant 0 : i32
      %dma_start3A_300 = tpu.memref_slice %arg2[%add3A, %dma_start3A, %dma_start3A_299] : memref<32x79x128xi32, #tpu.memory_space<hbm>> -> memref<1x79x128xi32, #tpu.memory_space<hbm>>
      %dma_start3A_301 = tpu.memref_squeeze %dma_start3A_300 : memref<1x79x128xi32, #tpu.memory_space<hbm>> -> memref<79x128xi32, #tpu.memory_space<hbm>>
      %dma_start3A_302 = arith.constant 0 : i32
      %dma_start3A_303 = arith.constant 0 : i32
      %dma_start3A_304 = tpu.memref_slice %arg2[%add3A, %dma_start3A_302, %dma_start3A_303] : memref<32x79x128xi32, #tpu.memory_space<hbm>> -> memref<1x79x128xi32, #tpu.memory_space<hbm>>
      %dma_start3A_305 = tpu.memref_squeeze %dma_start3A_304 : memref<1x79x128xi32, #tpu.memory_space<hbm>> -> memref<79x128xi32, #tpu.memory_space<hbm>>
      tpu.enqueue_dma source(%dma_start3A_305 : memref<79x128xi32, #tpu.memory_space<hbm>>) target(%arg4 : memref<79x128xi32, #tpu.memory_space<vmem>>) target_semaphore(%run_scoped3A : memref<!tpu.dma_semaphore, #tpu.memory_space<semaphore_mem>>)
      %dma_wait3A = arith.constant 0 : i32
      %dma_wait3A_306 = arith.constant 0 : i32
      %dma_wait3A_307 = tpu.memref_slice %arg2[%add3A, %dma_wait3A, %dma_wait3A_306] : memref<32x79x128xi32, #tpu.memory_space<hbm>> -> memref<1x79x128xi32, #tpu.memory_space<hbm>>
      %dma_wait3A_308 = tpu.memref_squeeze %dma_wait3A_307 : memref<1x79x128xi32, #tpu.memory_space<hbm>> -> memref<79x128xi32, #tpu.memory_space<hbm>>
      %dma_wait3A_309 = arith.constant 0 : i32
      %dma_wait3A_310 = arith.constant 0 : i32
      %dma_wait3A_311 = tpu.memref_slice %arg2[%add3A, %dma_wait3A_309, %dma_wait3A_310] : memref<32x79x128xi32, #tpu.memory_space<hbm>> -> memref<1x79x128xi32, #tpu.memory_space<hbm>>
      %dma_wait3A_312 = tpu.memref_squeeze %dma_wait3A_311 : memref<1x79x128xi32, #tpu.memory_space<hbm>> -> memref<79x128xi32, #tpu.memory_space<hbm>>
      tpu.wait_dma2 semaphore(%run_scoped3A : memref<!tpu.dma_semaphore, #tpu.memory_space<semaphore_mem>>) src(%dma_wait3A_312 : memref<79x128xi32, #tpu.memory_space<hbm>>) dst(%arg4 : memref<79x128xi32, #tpu.memory_space<vmem>>)
      tpu.yield
    }) : () -> ()
    %barrier3A = arith.constant 0 : index
    tpu.barrier barrier_id(%barrier3A)
    %scan3A = arith.constant 0 : i32
    %scan3A_289 = arith.constant 0 : i32
    %scan3A_290 = arith.constant 79 : i32
    %scan3A_291 = arith.addi %scan3A_289, %scan3A_290 : i32
    %scan3A_292 = arith.constant 1 : i32
    scf.for %scan3A_299 = %scan3A_289 to %scan3A_291 step %scan3A_292  : i32 {
      "tpu.region"() ({
        %run_scoped3A = tpu.sem_alloc : memref<!tpu.dma_semaphore, #tpu.memory_space<semaphore_mem>>
        %dma_start3A = arith.constant 0 : i32
        %dma_start3A_300 = tpu.memref_slice %arg4[%scan3A_299, %dma_start3A] : memref<79x128xi32, #tpu.memory_space<vmem>> -> memref<1x128xi32, #tpu.memory_space<vmem>>
        %dma_start3A_301 = tpu.memref_squeeze %dma_start3A_300 : memref<1x128xi32, #tpu.memory_space<vmem>> -> memref<128xi32, #tpu.memory_space<vmem>>
        %dma_start3A_302 = arith.constant 0 : i32
        %dma_start3A_303 = tpu.memref_slice %arg7[%dma_start3A_302] : memref<10240xf32, #tpu.memory_space<vmem_shared>> -> memref<10240xf32, #tpu.memory_space<vmem_shared>>
        tpu.enqueue_indirect_dma source(%arg5 : memref<128xf32, #tpu.memory_space<vmem>>) target(%dma_start3A_303 : memref<10240xf32, #tpu.memory_space<vmem_shared>>) offsets(%dma_start3A_301 : memref<128xi32, #tpu.memory_space<vmem>>) semaphore(%run_scoped3A : memref<!tpu.dma_semaphore, #tpu.memory_space<semaphore_mem>>) {add = true}
        %dma_wait3A = arith.constant 0 : i32
        %dma_wait3A_304 = tpu.memref_slice %arg4[%scan3A_299, %dma_wait3A] : memref<79x128xi32, #tpu.memory_space<vmem>> -> memref<1x128xi32, #tpu.memory_space<vmem>>
        %dma_wait3A_305 = tpu.memref_squeeze %dma_wait3A_304 : memref<1x128xi32, #tpu.memory_space<vmem>> -> memref<128xi32, #tpu.memory_space<vmem>>
        %dma_wait3A_306 = arith.constant 0 : i32
        %dma_wait3A_307 = tpu.memref_slice %arg7[%dma_wait3A_306] : memref<10240xf32, #tpu.memory_space<vmem_shared>> -> memref<10240xf32, #tpu.memory_space<vmem_shared>>
        tpu.wait_indirect_dma semaphore(%run_scoped3A : memref<!tpu.dma_semaphore, #tpu.memory_space<semaphore_mem>>) src(%arg5 : memref<128xf32, #tpu.memory_space<vmem>>) dst(%dma_wait3A_307 : memref<10240xf32, #tpu.memory_space<vmem_shared>>)
        tpu.yield
      }) : () -> ()
    }
    %scan3A_293 = arith.constant 79 : i32
    %barrier3A_294 = arith.constant 0 : index
    tpu.barrier barrier_id(%barrier3A_294)
    %mul3A_295 = arith.constant 640 : i32
    %mul3A_296 = arith.muli %arg1, %mul3A_295 : i32
    %mul3A_297 = arith.constant 640 : i32
    %mul3A_298 = arith.muli %arg1, %mul3A_297 : i32
    "tpu.region"() ({
      %run_scoped3A = tpu.sem_alloc : memref<!tpu.dma_semaphore, #tpu.memory_space<semaphore_mem>>
      %dma_start3A = tpu.memref_slice %arg3[%arg0, %mul3A_298] : memref<2x10240xf32, #tpu.memory_space<hbm>> -> memref<1x640xf32, #tpu.memory_space<hbm>>
      %dma_start3A_299 = tpu.memref_squeeze %dma_start3A : memref<1x640xf32, #tpu.memory_space<hbm>> -> memref<640xf32, #tpu.memory_space<hbm>>
      %dma_start3A_300 = tpu.memref_slice %arg7[%mul3A_296] : memref<10240xf32, #tpu.memory_space<vmem_shared>> -> memref<640xf32, #tpu.memory_space<vmem_shared>>
      tpu.enqueue_dma source(%dma_start3A_300 : memref<640xf32, #tpu.memory_space<vmem_shared>>) target(%dma_start3A_299 : memref<640xf32, #tpu.memory_space<hbm>>) target_semaphore(%run_scoped3A : memref<!tpu.dma_semaphore, #tpu.memory_space<semaphore_mem>>)
      %dma_wait3A = tpu.memref_slice %arg3[%arg0, %mul3A_298] : memref<2x10240xf32, #tpu.memory_space<hbm>> -> memref<1x640xf32, #tpu.memory_space<hbm>>
      %dma_wait3A_301 = tpu.memref_squeeze %dma_wait3A : memref<1x640xf32, #tpu.memory_space<hbm>> -> memref<640xf32, #tpu.memory_space<hbm>>
      %dma_wait3A_302 = tpu.memref_slice %arg7[%mul3A_296] : memref<10240xf32, #tpu.memory_space<vmem_shared>> -> memref<640xf32, #tpu.memory_space<vmem_shared>>
      tpu.wait_dma2 semaphore(%run_scoped3A : memref<!tpu.dma_semaphore, #tpu.memory_space<semaphore_mem>>) src(%dma_wait3A_302 : memref<640xf32, #tpu.memory_space<vmem_shared>>) dst(%dma_wait3A_301 : memref<640xf32, #tpu.memory_space<hbm>>)
      tpu.yield
    }) : () -> ()
    return
  }
}

#map = affine_map<(d0, d1) -> (0, 0)>
#map1 = affine_map<(d0, d1) -> (0, 0, 0)>
module attributes {stable_mosaic.version = 14 : i64} {
  func.func @_prop_body(%arg0: i32, %arg1: i32, %arg2: memref<40000x32xf32, #tpu.memory_space<hbm>>, %arg3: memref<16x160x128xi32, #tpu.memory_space<hbm>>, %arg4: memref<16x160x128xi32, #tpu.memory_space<hbm>>, %arg5: memref<40000x32xf32, #tpu.memory_space<hbm>>, %arg6: memref<160x128xi32, #tpu.memory_space<vmem>>, %arg7: memref<160x128xi32, #tpu.memory_space<vmem>>, %arg8: memref<4x128x32xf32, #tpu.memory_space<vmem>>, %arg9: memref<128x32xf32, #tpu.memory_space<vmem>>, %arg10: memref<4x!tpu.dma_semaphore, #tpu.memory_space<semaphore_mem>>, %arg11: memref<4x!tpu.dma_semaphore, #tpu.memory_space<semaphore_mem>>, %arg12: memref<10240x32xf32, #tpu.memory_space<vmem_shared>>, %arg13: memref<10240x32xf32, #tpu.memory_space<vmem_shared>>) attributes {dimension_semantics = [#tpu.dimension_semantics<core_parallel>, #tpu.dimension_semantics<subcore_parallel>], iteration_bounds = array<i64: 2, 16>, scalar_prefetch = 0 : i64, scratch_operands = 8 : i64, tpu.core_type = #tpu.core_type<sc_vector_subcore>, window_params = [{transform_indices = #map}, {transform_indices = #map1}, {transform_indices = #map1}, {transform_indices = #map}]} {
    %scan3A = arith.constant 0 : i32
    %scan3A_0 = arith.constant 0 : i32
    %scan3A_1 = arith.constant 128 : i32
    %scan3A_2 = arith.addi %scan3A_0, %scan3A_1 : i32
    %scan3A_3 = arith.constant 1 : i32
    scf.for %scan3A_254 = %scan3A_0 to %scan3A_2 step %scan3A_3  : i32 {
      %broadcast_in_dim3A = arith.constant 0.000000e+00 : f32
      %broadcast_in_dim3A_255 = vector.broadcast %broadcast_in_dim3A : f32 to vector<16xf32>
      %swap3A = arith.index_cast %scan3A_254 : i32 to index
      %swap3A_256 = arith.constant 0 : index
      %swap3A_257 = tpu.vector_load %arg9[%swap3A, %swap3A_256] {strides = array<i32>} : memref<128x32xf32, #tpu.memory_space<vmem>>, vector<1x16xf32>,
      %swap3A_258 = vector.shape_cast %swap3A_257 : vector<1x16xf32> to vector<16xf32>
      %swap3A_259 = vector.shape_cast %broadcast_in_dim3A_255 : vector<16xf32> to vector<1x16xf32>
      tpu.vector_store %arg9[%swap3A, %swap3A_256], %swap3A_259 {strides = array<i32>} : memref<128x32xf32, #tpu.memory_space<vmem>>, vector<1x16xf32>,
      %broadcast_in_dim3A_260 = arith.constant 0.000000e+00 : f32
      %broadcast_in_dim3A_261 = vector.broadcast %broadcast_in_dim3A_260 : f32 to vector<16xf32>
      %swap3A_262 = arith.index_cast %scan3A_254 : i32 to index
      %swap3A_263 = arith.constant 16 : index
      %swap3A_264 = tpu.vector_load %arg9[%swap3A_262, %swap3A_263] {strides = array<i32>} : memref<128x32xf32, #tpu.memory_space<vmem>>, vector<1x16xf32>,
      %swap3A_265 = vector.shape_cast %swap3A_264 : vector<1x16xf32> to vector<16xf32>
      %swap3A_266 = vector.shape_cast %broadcast_in_dim3A_261 : vector<16xf32> to vector<1x16xf32>
      tpu.vector_store %arg9[%swap3A_262, %swap3A_263], %swap3A_266 {strides = array<i32>} : memref<128x32xf32, #tpu.memory_space<vmem>>, vector<1x16xf32>,
    }
    %scan3A_4 = arith.constant 128 : i32
    "tpu.region"() ({
      %run_scoped3A = tpu.sem_alloc : memref<!tpu.dma_semaphore, #tpu.memory_space<semaphore_mem>>
      %dma_start3A_254 = arith.constant 0 : i32
      %dma_start3A_255 = arith.constant 0 : i32
      %dma_start3A_256 = tpu.memref_slice %arg3[%arg1, %dma_start3A_254, %dma_start3A_255] : memref<16x160x128xi32, #tpu.memory_space<hbm>> -> memref<1x160x128xi32, #tpu.memory_space<hbm>>
      %dma_start3A_257 = tpu.memref_squeeze %dma_start3A_256 : memref<1x160x128xi32, #tpu.memory_space<hbm>> -> memref<160x128xi32, #tpu.memory_space<hbm>>
      %dma_start3A_258 = arith.constant 0 : i32
      %dma_start3A_259 = arith.constant 0 : i32
      %dma_start3A_260 = tpu.memref_slice %arg3[%arg1, %dma_start3A_258, %dma_start3A_259] : memref<16x160x128xi32, #tpu.memory_space<hbm>> -> memref<1x160x128xi32, #tpu.memory_space<hbm>>
      %dma_start3A_261 = tpu.memref_squeeze %dma_start3A_260 : memref<1x160x128xi32, #tpu.memory_space<hbm>> -> memref<160x128xi32, #tpu.memory_space<hbm>>
      tpu.enqueue_dma source(%dma_start3A_261 : memref<160x128xi32, #tpu.memory_space<hbm>>) target(%arg6 : memref<160x128xi32, #tpu.memory_space<vmem>>) target_semaphore(%run_scoped3A : memref<!tpu.dma_semaphore, #tpu.memory_space<semaphore_mem>>)
      %dma_wait3A_262 = arith.constant 0 : i32
      %dma_wait3A_263 = arith.constant 0 : i32
      %dma_wait3A_264 = tpu.memref_slice %arg3[%arg1, %dma_wait3A_262, %dma_wait3A_263] : memref<16x160x128xi32, #tpu.memory_space<hbm>> -> memref<1x160x128xi32, #tpu.memory_space<hbm>>
      %dma_wait3A_265 = tpu.memref_squeeze %dma_wait3A_264 : memref<1x160x128xi32, #tpu.memory_space<hbm>> -> memref<160x128xi32, #tpu.memory_space<hbm>>
      %dma_wait3A_266 = arith.constant 0 : i32
      %dma_wait3A_267 = arith.constant 0 : i32
      %dma_wait3A_268 = tpu.memref_slice %arg3[%arg1, %dma_wait3A_266, %dma_wait3A_267] : memref<16x160x128xi32, #tpu.memory_space<hbm>> -> memref<1x160x128xi32, #tpu.memory_space<hbm>>
      %dma_wait3A_269 = tpu.memref_squeeze %dma_wait3A_268 : memref<1x160x128xi32, #tpu.memory_space<hbm>> -> memref<160x128xi32, #tpu.memory_space<hbm>>
      tpu.wait_dma2 semaphore(%run_scoped3A : memref<!tpu.dma_semaphore, #tpu.memory_space<semaphore_mem>>) src(%dma_wait3A_269 : memref<160x128xi32, #tpu.memory_space<hbm>>) dst(%arg6 : memref<160x128xi32, #tpu.memory_space<vmem>>)
      tpu.yield
    }) : () -> ()
    "tpu.region"() ({
      %run_scoped3A = tpu.sem_alloc : memref<!tpu.dma_semaphore, #tpu.memory_space<semaphore_mem>>
      %dma_start3A_254 = arith.constant 0 : i32
      %dma_start3A_255 = arith.constant 0 : i32
      %dma_start3A_256 = tpu.memref_slice %arg4[%arg1, %dma_start3A_254, %dma_start3A_255] : memref<16x160x128xi32, #tpu.memory_space<hbm>> -> memref<1x160x128xi32, #tpu.memory_space<hbm>>
      %dma_start3A_257 = tpu.memref_squeeze %dma_start3A_256 : memref<1x160x128xi32, #tpu.memory_space<hbm>> -> memref<160x128xi32, #tpu.memory_space<hbm>>
      %dma_start3A_258 = arith.constant 0 : i32
      %dma_start3A_259 = arith.constant 0 : i32
      %dma_start3A_260 = tpu.memref_slice %arg4[%arg1, %dma_start3A_258, %dma_start3A_259] : memref<16x160x128xi32, #tpu.memory_space<hbm>> -> memref<1x160x128xi32, #tpu.memory_space<hbm>>
      %dma_start3A_261 = tpu.memref_squeeze %dma_start3A_260 : memref<1x160x128xi32, #tpu.memory_space<hbm>> -> memref<160x128xi32, #tpu.memory_space<hbm>>
      tpu.enqueue_dma source(%dma_start3A_261 : memref<160x128xi32, #tpu.memory_space<hbm>>) target(%arg7 : memref<160x128xi32, #tpu.memory_space<vmem>>) target_semaphore(%run_scoped3A : memref<!tpu.dma_semaphore, #tpu.memory_space<semaphore_mem>>)
      %dma_wait3A_262 = arith.constant 0 : i32
      %dma_wait3A_263 = arith.constant 0 : i32
      %dma_wait3A_264 = tpu.memref_slice %arg4[%arg1, %dma_wait3A_262, %dma_wait3A_263] : memref<16x160x128xi32, #tpu.memory_space<hbm>> -> memref<1x160x128xi32, #tpu.memory_space<hbm>>
      %dma_wait3A_265 = tpu.memref_squeeze %dma_wait3A_264 : memref<1x160x128xi32, #tpu.memory_space<hbm>> -> memref<160x128xi32, #tpu.memory_space<hbm>>
      %dma_wait3A_266 = arith.constant 0 : i32
      %dma_wait3A_267 = arith.constant 0 : i32
      %dma_wait3A_268 = tpu.memref_slice %arg4[%arg1, %dma_wait3A_266, %dma_wait3A_267] : memref<16x160x128xi32, #tpu.memory_space<hbm>> -> memref<1x160x128xi32, #tpu.memory_space<hbm>>
      %dma_wait3A_269 = tpu.memref_squeeze %dma_wait3A_268 : memref<1x160x128xi32, #tpu.memory_space<hbm>> -> memref<160x128xi32, #tpu.memory_space<hbm>>
      tpu.wait_dma2 semaphore(%run_scoped3A : memref<!tpu.dma_semaphore, #tpu.memory_space<semaphore_mem>>) src(%dma_wait3A_269 : memref<160x128xi32, #tpu.memory_space<hbm>>) dst(%arg7 : memref<160x128xi32, #tpu.memory_space<vmem>>)
      tpu.yield
    }) : () -> ()
    %mul3A = arith.constant 2 : i32
    %mul3A_5 = arith.muli %mul3A, %arg0 : i32
    %add3A = arith.constant 0 : i32
    %add3A_6 = arith.addi %mul3A_5, %add3A : i32
    %mul3A_7 = arith.constant 10000 : i32
    %mul3A_8 = arith.muli %add3A_6, %mul3A_7 : i32
    %lt3A = arith.constant 15 : i32
    %lt3A_9 = arith.cmpi slt, %arg1, %lt3A : i32
    %convert_element_type3A = arith.extui %lt3A_9 : i1 to i32
    %cond3A = arith.constant 0 : i32
    %cond3A_10 = arith.cmpi ne, %convert_element_type3A, %cond3A : i32
    scf.if %cond3A_10 {
      %mul3A_254 = arith.constant 640 : i32
      %mul3A_255 = arith.muli %arg1, %mul3A_254 : i32
      %add3A_256 = arith.addi %mul3A_8, %mul3A_255 : i32
      %mul3A_257 = arith.constant 640 : i32
      %mul3A_258 = arith.muli %arg1, %mul3A_257 : i32
      "tpu.region"() ({
        %run_scoped3A = tpu.sem_alloc : memref<!tpu.dma_semaphore, #tpu.memory_space<semaphore_mem>>
        %dma_start3A_259 = arith.constant 0 : i32
        %dma_start3A_260 = tpu.memref_slice %arg12[%mul3A_258, %dma_start3A_259] : memref<10240x32xf32, #tpu.memory_space<vmem_shared>> -> memref<640x32xf32, #tpu.memory_space<vmem_shared>>
        %dma_start3A_261 = arith.constant 0 : i32
        %dma_start3A_262 = tpu.memref_slice %arg2[%add3A_256, %dma_start3A_261] : memref<40000x32xf32, #tpu.memory_space<hbm>> -> memref<640x32xf32, #tpu.memory_space<hbm>>
        tpu.enqueue_dma source(%dma_start3A_262 : memref<640x32xf32, #tpu.memory_space<hbm>>) target(%dma_start3A_260 : memref<640x32xf32, #tpu.memory_space<vmem_shared>>) target_semaphore(%run_scoped3A : memref<!tpu.dma_semaphore, #tpu.memory_space<semaphore_mem>>)
        %dma_wait3A_263 = arith.constant 0 : i32
        %dma_wait3A_264 = tpu.memref_slice %arg12[%mul3A_258, %dma_wait3A_263] : memref<10240x32xf32, #tpu.memory_space<vmem_shared>> -> memref<640x32xf32, #tpu.memory_space<vmem_shared>>
        %dma_wait3A_265 = arith.constant 0 : i32
        %dma_wait3A_266 = tpu.memref_slice %arg2[%add3A_256, %dma_wait3A_265] : memref<40000x32xf32, #tpu.memory_space<hbm>> -> memref<640x32xf32, #tpu.memory_space<hbm>>
        tpu.wait_dma2 semaphore(%run_scoped3A : memref<!tpu.dma_semaphore, #tpu.memory_space<semaphore_mem>>) src(%dma_wait3A_266 : memref<640x32xf32, #tpu.memory_space<hbm>>) dst(%dma_wait3A_264 : memref<640x32xf32, #tpu.memory_space<vmem_shared>>)
        tpu.yield
      }) : () -> ()
    } else {
    }
    %eq3A = arith.constant 15 : i32
    %eq3A_11 = arith.cmpi eq, %arg1, %eq3A : i32
    %convert_element_type3A_12 = arith.extui %eq3A_11 : i1 to i32
    %cond3A_13 = arith.constant 0 : i32
    %cond3A_14 = arith.cmpi ne, %convert_element_type3A_12, %cond3A_13 : i32
    scf.if %cond3A_14 {
      %add3A_254 = arith.constant 9600 : i32
      %add3A_255 = arith.addi %mul3A_8, %add3A_254 : i32
      "tpu.region"() ({
        %run_scoped3A = tpu.sem_alloc : memref<!tpu.dma_semaphore, #tpu.memory_space<semaphore_mem>>
        %dma_start3A_256 = arith.constant 9600 : i32
        %dma_start3A_257 = arith.constant 0 : i32
        %dma_start3A_258 = tpu.memref_slice %arg12[%dma_start3A_256, %dma_start3A_257] : memref<10240x32xf32, #tpu.memory_space<vmem_shared>> -> memref<400x32xf32, #tpu.memory_space<vmem_shared>>
        %dma_start3A_259 = arith.constant 0 : i32
        %dma_start3A_260 = tpu.memref_slice %arg2[%add3A_255, %dma_start3A_259] : memref<40000x32xf32, #tpu.memory_space<hbm>> -> memref<400x32xf32, #tpu.memory_space<hbm>>
        tpu.enqueue_dma source(%dma_start3A_260 : memref<400x32xf32, #tpu.memory_space<hbm>>) target(%dma_start3A_258 : memref<400x32xf32, #tpu.memory_space<vmem_shared>>) target_semaphore(%run_scoped3A : memref<!tpu.dma_semaphore, #tpu.memory_space<semaphore_mem>>)
        %dma_wait3A_261 = arith.constant 9600 : i32
        %dma_wait3A_262 = arith.constant 0 : i32
        %dma_wait3A_263 = tpu.memref_slice %arg12[%dma_wait3A_261, %dma_wait3A_262] : memref<10240x32xf32, #tpu.memory_space<vmem_shared>> -> memref<400x32xf32, #tpu.memory_space<vmem_shared>>
        %dma_wait3A_264 = arith.constant 0 : i32
        %dma_wait3A_265 = tpu.memref_slice %arg2[%add3A_255, %dma_wait3A_264] : memref<40000x32xf32, #tpu.memory_space<hbm>> -> memref<400x32xf32, #tpu.memory_space<hbm>>
        tpu.wait_dma2 semaphore(%run_scoped3A : memref<!tpu.dma_semaphore, #tpu.memory_space<semaphore_mem>>) src(%dma_wait3A_265 : memref<400x32xf32, #tpu.memory_space<hbm>>) dst(%dma_wait3A_263 : memref<400x32xf32, #tpu.memory_space<vmem_shared>>)
        tpu.yield
      }) : () -> ()
    } else {
    }
    %mul3A_15 = arith.constant 640 : i32
    %mul3A_16 = arith.muli %arg1, %mul3A_15 : i32
    %add3A_17 = arith.constant 0 : i32
    %add3A_18 = arith.addi %mul3A_16, %add3A_17 : i32
    "tpu.region"() ({
      %run_scoped3A = tpu.sem_alloc : memref<!tpu.dma_semaphore, #tpu.memory_space<semaphore_mem>>
      %dma_start3A_254 = arith.constant 0 : i32
      %dma_start3A_255 = tpu.memref_slice %arg13[%add3A_18, %dma_start3A_254] : memref<10240x32xf32, #tpu.memory_space<vmem_shared>> -> memref<128x32xf32, #tpu.memory_space<vmem_shared>>
      %dma_start3A_256 = arith.constant 0 : i32
      %dma_start3A_257 = tpu.memref_slice %arg13[%add3A_18, %dma_start3A_256] : memref<10240x32xf32, #tpu.memory_space<vmem_shared>> -> memref<128x32xf32, #tpu.memory_space<vmem_shared>>
      tpu.enqueue_dma source(%arg9 : memref<128x32xf32, #tpu.memory_space<vmem>>) target(%dma_start3A_257 : memref<128x32xf32, #tpu.memory_space<vmem_shared>>) target_semaphore(%run_scoped3A : memref<!tpu.dma_semaphore, #tpu.memory_space<semaphore_mem>>)
      %dma_wait3A_258 = arith.constant 0 : i32
      %dma_wait3A_259 = tpu.memref_slice %arg13[%add3A_18, %dma_wait3A_258] : memref<10240x32xf32, #tpu.memory_space<vmem_shared>> -> memref<128x32xf32, #tpu.memory_space<vmem_shared>>
      %dma_wait3A_260 = arith.constant 0 : i32
      %dma_wait3A_261 = tpu.memref_slice %arg13[%add3A_18, %dma_wait3A_260] : memref<10240x32xf32, #tpu.memory_space<vmem_shared>> -> memref<128x32xf32, #tpu.memory_space<vmem_shared>>
      tpu.wait_dma2 semaphore(%run_scoped3A : memref<!tpu.dma_semaphore, #tpu.memory_space<semaphore_mem>>) src(%arg9 : memref<128x32xf32, #tpu.memory_space<vmem>>) dst(%dma_wait3A_261 : memref<128x32xf32, #tpu.memory_space<vmem_shared>>)
      tpu.yield
    }) : () -> ()
    %mul3A_19 = arith.constant 640 : i32
    %mul3A_20 = arith.muli %arg1, %mul3A_19 : i32
    %add3A_21 = arith.constant 128 : i32
    %add3A_22 = arith.addi %mul3A_20, %add3A_21 : i32
    "tpu.region"() ({
      %run_scoped3A = tpu.sem_alloc : memref<!tpu.dma_semaphore, #tpu.memory_space<semaphore_mem>>
      %dma_start3A_254 = arith.constant 0 : i32
      %dma_start3A_255 = tpu.memref_slice %arg13[%add3A_22, %dma_start3A_254] : memref<10240x32xf32, #tpu.memory_space<vmem_shared>> -> memref<128x32xf32, #tpu.memory_space<vmem_shared>>
      %dma_start3A_256 = arith.constant 0 : i32
      %dma_start3A_257 = tpu.memref_slice %arg13[%add3A_22, %dma_start3A_256] : memref<10240x32xf32, #tpu.memory_space<vmem_shared>> -> memref<128x32xf32, #tpu.memory_space<vmem_shared>>
      tpu.enqueue_dma source(%arg9 : memref<128x32xf32, #tpu.memory_space<vmem>>) target(%dma_start3A_257 : memref<128x32xf32, #tpu.memory_space<vmem_shared>>) target_semaphore(%run_scoped3A : memref<!tpu.dma_semaphore, #tpu.memory_space<semaphore_mem>>)
      %dma_wait3A_258 = arith.constant 0 : i32
      %dma_wait3A_259 = tpu.memref_slice %arg13[%add3A_22, %dma_wait3A_258] : memref<10240x32xf32, #tpu.memory_space<vmem_shared>> -> memref<128x32xf32, #tpu.memory_space<vmem_shared>>
      %dma_wait3A_260 = arith.constant 0 : i32
      %dma_wait3A_261 = tpu.memref_slice %arg13[%add3A_22, %dma_wait3A_260] : memref<10240x32xf32, #tpu.memory_space<vmem_shared>> -> memref<128x32xf32, #tpu.memory_space<vmem_shared>>
      tpu.wait_dma2 semaphore(%run_scoped3A : memref<!tpu.dma_semaphore, #tpu.memory_space<semaphore_mem>>) src(%arg9 : memref<128x32xf32, #tpu.memory_space<vmem>>) dst(%dma_wait3A_261 : memref<128x32xf32, #tpu.memory_space<vmem_shared>>)
      tpu.yield
    }) : () -> ()
    %mul3A_23 = arith.constant 640 : i32
    %mul3A_24 = arith.muli %arg1, %mul3A_23 : i32
    %add3A_25 = arith.constant 256 : i32
    %add3A_26 = arith.addi %mul3A_24, %add3A_25 : i32
    "tpu.region"() ({
      %run_scoped3A = tpu.sem_alloc : memref<!tpu.dma_semaphore, #tpu.memory_space<semaphore_mem>>
      %dma_start3A_254 = arith.constant 0 : i32
      %dma_start3A_255 = tpu.memref_slice %arg13[%add3A_26, %dma_start3A_254] : memref<10240x32xf32, #tpu.memory_space<vmem_shared>> -> memref<128x32xf32, #tpu.memory_space<vmem_shared>>
      %dma_start3A_256 = arith.constant 0 : i32
      %dma_start3A_257 = tpu.memref_slice %arg13[%add3A_26, %dma_start3A_256] : memref<10240x32xf32, #tpu.memory_space<vmem_shared>> -> memref<128x32xf32, #tpu.memory_space<vmem_shared>>
      tpu.enqueue_dma source(%arg9 : memref<128x32xf32, #tpu.memory_space<vmem>>) target(%dma_start3A_257 : memref<128x32xf32, #tpu.memory_space<vmem_shared>>) target_semaphore(%run_scoped3A : memref<!tpu.dma_semaphore, #tpu.memory_space<semaphore_mem>>)
      %dma_wait3A_258 = arith.constant 0 : i32
      %dma_wait3A_259 = tpu.memref_slice %arg13[%add3A_26, %dma_wait3A_258] : memref<10240x32xf32, #tpu.memory_space<vmem_shared>> -> memref<128x32xf32, #tpu.memory_space<vmem_shared>>
      %dma_wait3A_260 = arith.constant 0 : i32
      %dma_wait3A_261 = tpu.memref_slice %arg13[%add3A_26, %dma_wait3A_260] : memref<10240x32xf32, #tpu.memory_space<vmem_shared>> -> memref<128x32xf32, #tpu.memory_space<vmem_shared>>
      tpu.wait_dma2 semaphore(%run_scoped3A : memref<!tpu.dma_semaphore, #tpu.memory_space<semaphore_mem>>) src(%arg9 : memref<128x32xf32, #tpu.memory_space<vmem>>) dst(%dma_wait3A_261 : memref<128x32xf32, #tpu.memory_space<vmem_shared>>)
      tpu.yield
    }) : () -> ()
    %mul3A_27 = arith.constant 640 : i32
    %mul3A_28 = arith.muli %arg1, %mul3A_27 : i32
    %add3A_29 = arith.constant 384 : i32
    %add3A_30 = arith.addi %mul3A_28, %add3A_29 : i32
    "tpu.region"() ({
      %run_scoped3A = tpu.sem_alloc : memref<!tpu.dma_semaphore, #tpu.memory_space<semaphore_mem>>
      %dma_start3A_254 = arith.constant 0 : i32
      %dma_start3A_255 = tpu.memref_slice %arg13[%add3A_30, %dma_start3A_254] : memref<10240x32xf32, #tpu.memory_space<vmem_shared>> -> memref<128x32xf32, #tpu.memory_space<vmem_shared>>
      %dma_start3A_256 = arith.constant 0 : i32
      %dma_start3A_257 = tpu.memref_slice %arg13[%add3A_30, %dma_start3A_256] : memref<10240x32xf32, #tpu.memory_space<vmem_shared>> -> memref<128x32xf32, #tpu.memory_space<vmem_shared>>
      tpu.enqueue_dma source(%arg9 : memref<128x32xf32, #tpu.memory_space<vmem>>) target(%dma_start3A_257 : memref<128x32xf32, #tpu.memory_space<vmem_shared>>) target_semaphore(%run_scoped3A : memref<!tpu.dma_semaphore, #tpu.memory_space<semaphore_mem>>)
      %dma_wait3A_258 = arith.constant 0 : i32
      %dma_wait3A_259 = tpu.memref_slice %arg13[%add3A_30, %dma_wait3A_258] : memref<10240x32xf32, #tpu.memory_space<vmem_shared>> -> memref<128x32xf32, #tpu.memory_space<vmem_shared>>
      %dma_wait3A_260 = arith.constant 0 : i32
      %dma_wait3A_261 = tpu.memref_slice %arg13[%add3A_30, %dma_wait3A_260] : memref<10240x32xf32, #tpu.memory_space<vmem_shared>> -> memref<128x32xf32, #tpu.memory_space<vmem_shared>>
      tpu.wait_dma2 semaphore(%run_scoped3A : memref<!tpu.dma_semaphore, #tpu.memory_space<semaphore_mem>>) src(%arg9 : memref<128x32xf32, #tpu.memory_space<vmem>>) dst(%dma_wait3A_261 : memref<128x32xf32, #tpu.memory_space<vmem_shared>>)
      tpu.yield
    }) : () -> ()
    %mul3A_31 = arith.constant 640 : i32
    %mul3A_32 = arith.muli %arg1, %mul3A_31 : i32
    %add3A_33 = arith.constant 512 : i32
    %add3A_34 = arith.addi %mul3A_32, %add3A_33 : i32
    "tpu.region"() ({
      %run_scoped3A = tpu.sem_alloc : memref<!tpu.dma_semaphore, #tpu.memory_space<semaphore_mem>>
      %dma_start3A_254 = arith.constant 0 : i32
      %dma_start3A_255 = tpu.memref_slice %arg13[%add3A_34, %dma_start3A_254] : memref<10240x32xf32, #tpu.memory_space<vmem_shared>> -> memref<128x32xf32, #tpu.memory_space<vmem_shared>>
      %dma_start3A_256 = arith.constant 0 : i32
      %dma_start3A_257 = tpu.memref_slice %arg13[%add3A_34, %dma_start3A_256] : memref<10240x32xf32, #tpu.memory_space<vmem_shared>> -> memref<128x32xf32, #tpu.memory_space<vmem_shared>>
      tpu.enqueue_dma source(%arg9 : memref<128x32xf32, #tpu.memory_space<vmem>>) target(%dma_start3A_257 : memref<128x32xf32, #tpu.memory_space<vmem_shared>>) target_semaphore(%run_scoped3A : memref<!tpu.dma_semaphore, #tpu.memory_space<semaphore_mem>>)
      %dma_wait3A_258 = arith.constant 0 : i32
      %dma_wait3A_259 = tpu.memref_slice %arg13[%add3A_34, %dma_wait3A_258] : memref<10240x32xf32, #tpu.memory_space<vmem_shared>> -> memref<128x32xf32, #tpu.memory_space<vmem_shared>>
      %dma_wait3A_260 = arith.constant 0 : i32
      %dma_wait3A_261 = tpu.memref_slice %arg13[%add3A_34, %dma_wait3A_260] : memref<10240x32xf32, #tpu.memory_space<vmem_shared>> -> memref<128x32xf32, #tpu.memory_space<vmem_shared>>
      tpu.wait_dma2 semaphore(%run_scoped3A : memref<!tpu.dma_semaphore, #tpu.memory_space<semaphore_mem>>) src(%arg9 : memref<128x32xf32, #tpu.memory_space<vmem>>) dst(%dma_wait3A_261 : memref<128x32xf32, #tpu.memory_space<vmem_shared>>)
      tpu.yield
    }) : () -> ()
    %barrier3A = arith.constant 0 : index
    tpu.barrier barrier_id(%barrier3A)
    %dma_start3A = arith.constant 0 : i32
    %dma_start3A_35 = arith.constant 0 : i32
    %dma_start3A_36 = arith.constant 0 : i32
    %dma_start3A_37 = arith.constant 0 : i32
    %dma_start3A_38 = arith.constant 0 : i32
    %dma_start3A_39 = tpu.memref_slice %arg8[%dma_start3A_35, %dma_start3A_37, %dma_start3A_38] : memref<4x128x32xf32, #tpu.memory_space<vmem>> -> memref<1x128x32xf32, #tpu.memory_space<vmem>>
    %dma_start3A_40 = tpu.memref_squeeze %dma_start3A_39 : memref<1x128x32xf32, #tpu.memory_space<vmem>> -> memref<128x32xf32, #tpu.memory_space<vmem>>
    %dma_start3A_41 = arith.constant 0 : i32
    %dma_start3A_42 = tpu.memref_slice %arg6[%dma_start3A, %dma_start3A_41] : memref<160x128xi32, #tpu.memory_space<vmem>> -> memref<1x128xi32, #tpu.memory_space<vmem>>
    %dma_start3A_43 = tpu.memref_squeeze %dma_start3A_42 : memref<1x128xi32, #tpu.memory_space<vmem>> -> memref<128xi32, #tpu.memory_space<vmem>>
    %dma_start3A_44 = arith.constant 0 : i32
    %dma_start3A_45 = arith.constant 0 : i32
    %dma_start3A_46 = tpu.memref_slice %arg12[%dma_start3A_44, %dma_start3A_45] : memref<10240x32xf32, #tpu.memory_space<vmem_shared>> -> memref<10240x32xf32, #tpu.memory_space<vmem_shared>>
    %dma_start3A_47 = tpu.memref_slice %arg10[%dma_start3A_36] : memref<4x!tpu.dma_semaphore, #tpu.memory_space<semaphore_mem>> -> memref<1x!tpu.dma_semaphore, #tpu.memory_space<semaphore_mem>>
    %dma_start3A_48 = tpu.memref_squeeze %dma_start3A_47 : memref<1x!tpu.dma_semaphore, #tpu.memory_space<semaphore_mem>> -> memref<!tpu.dma_semaphore, #tpu.memory_space<semaphore_mem>>
    tpu.enqueue_indirect_dma source(%dma_start3A_46 : memref<10240x32xf32, #tpu.memory_space<vmem_shared>>) target(%dma_start3A_40 : memref<128x32xf32, #tpu.memory_space<vmem>>) offsets(%dma_start3A_43 : memref<128xi32, #tpu.memory_space<vmem>>) semaphore(%dma_start3A_48 : memref<!tpu.dma_semaphore, #tpu.memory_space<semaphore_mem>>)
    %dma_start3A_49 = arith.constant 1 : i32
    %dma_start3A_50 = arith.constant 1 : i32
    %dma_start3A_51 = arith.constant 1 : i32
    %dma_start3A_52 = arith.constant 0 : i32
    %dma_start3A_53 = arith.constant 0 : i32
    %dma_start3A_54 = tpu.memref_slice %arg8[%dma_start3A_50, %dma_start3A_52, %dma_start3A_53] : memref<4x128x32xf32, #tpu.memory_space<vmem>> -> memref<1x128x32xf32, #tpu.memory_space<vmem>>
    %dma_start3A_55 = tpu.memref_squeeze %dma_start3A_54 : memref<1x128x32xf32, #tpu.memory_space<vmem>> -> memref<128x32xf32, #tpu.memory_space<vmem>>
    %dma_start3A_56 = arith.constant 0 : i32
    %dma_start3A_57 = tpu.memref_slice %arg6[%dma_start3A_49, %dma_start3A_56] : memref<160x128xi32, #tpu.memory_space<vmem>> -> memref<1x128xi32, #tpu.memory_space<vmem>>
    %dma_start3A_58 = tpu.memref_squeeze %dma_start3A_57 : memref<1x128xi32, #tpu.memory_space<vmem>> -> memref<128xi32, #tpu.memory_space<vmem>>
    %dma_start3A_59 = arith.constant 0 : i32
    %dma_start3A_60 = arith.constant 0 : i32
    %dma_start3A_61 = tpu.memref_slice %arg12[%dma_start3A_59, %dma_start3A_60] : memref<10240x32xf32, #tpu.memory_space<vmem_shared>> -> memref<10240x32xf32, #tpu.memory_space<vmem_shared>>
    %dma_start3A_62 = tpu.memref_slice %arg10[%dma_start3A_51] : memref<4x!tpu.dma_semaphore, #tpu.memory_space<semaphore_mem>> -> memref<1x!tpu.dma_semaphore, #tpu.memory_space<semaphore_mem>>
    %dma_start3A_63 = tpu.memref_squeeze %dma_start3A_62 : memref<1x!tpu.dma_semaphore, #tpu.memory_space<semaphore_mem>> -> memref<!tpu.dma_semaphore, #tpu.memory_space<semaphore_mem>>
    tpu.enqueue_indirect_dma source(%dma_start3A_61 : memref<10240x32xf32, #tpu.memory_space<vmem_shared>>) target(%dma_start3A_55 : memref<128x32xf32, #tpu.memory_space<vmem>>) offsets(%dma_start3A_58 : memref<128xi32, #tpu.memory_space<vmem>>) semaphore(%dma_start3A_63 : memref<!tpu.dma_semaphore, #tpu.memory_space<semaphore_mem>>)
    %dma_start3A_64 = arith.constant 2 : i32
    %dma_start3A_65 = arith.constant 2 : i32
    %dma_start3A_66 = arith.constant 2 : i32
    %dma_start3A_67 = arith.constant 0 : i32
    %dma_start3A_68 = arith.constant 0 : i32
    %dma_start3A_69 = tpu.memref_slice %arg8[%dma_start3A_65, %dma_start3A_67, %dma_start3A_68] : memref<4x128x32xf32, #tpu.memory_space<vmem>> -> memref<1x128x32xf32, #tpu.memory_space<vmem>>
    %dma_start3A_70 = tpu.memref_squeeze %dma_start3A_69 : memref<1x128x32xf32, #tpu.memory_space<vmem>> -> memref<128x32xf32, #tpu.memory_space<vmem>>
    %dma_start3A_71 = arith.constant 0 : i32
    %dma_start3A_72 = tpu.memref_slice %arg6[%dma_start3A_64, %dma_start3A_71] : memref<160x128xi32, #tpu.memory_space<vmem>> -> memref<1x128xi32, #tpu.memory_space<vmem>>
    %dma_start3A_73 = tpu.memref_squeeze %dma_start3A_72 : memref<1x128xi32, #tpu.memory_space<vmem>> -> memref<128xi32, #tpu.memory_space<vmem>>
    %dma_start3A_74 = arith.constant 0 : i32
    %dma_start3A_75 = arith.constant 0 : i32
    %dma_start3A_76 = tpu.memref_slice %arg12[%dma_start3A_74, %dma_start3A_75] : memref<10240x32xf32, #tpu.memory_space<vmem_shared>> -> memref<10240x32xf32, #tpu.memory_space<vmem_shared>>
    %dma_start3A_77 = tpu.memref_slice %arg10[%dma_start3A_66] : memref<4x!tpu.dma_semaphore, #tpu.memory_space<semaphore_mem>> -> memref<1x!tpu.dma_semaphore, #tpu.memory_space<semaphore_mem>>
    %dma_start3A_78 = tpu.memref_squeeze %dma_start3A_77 : memref<1x!tpu.dma_semaphore, #tpu.memory_space<semaphore_mem>> -> memref<!tpu.dma_semaphore, #tpu.memory_space<semaphore_mem>>
    tpu.enqueue_indirect_dma source(%dma_start3A_76 : memref<10240x32xf32, #tpu.memory_space<vmem_shared>>) target(%dma_start3A_70 : memref<128x32xf32, #tpu.memory_space<vmem>>) offsets(%dma_start3A_73 : memref<128xi32, #tpu.memory_space<vmem>>) semaphore(%dma_start3A_78 : memref<!tpu.dma_semaphore, #tpu.memory_space<semaphore_mem>>)
    %dma_start3A_79 = arith.constant 3 : i32
    %dma_start3A_80 = arith.constant 3 : i32
    %dma_start3A_81 = arith.constant 3 : i32
    %dma_start3A_82 = arith.constant 0 : i32
    %dma_start3A_83 = arith.constant 0 : i32
    %dma_start3A_84 = tpu.memref_slice %arg8[%dma_start3A_80, %dma_start3A_82, %dma_start3A_83] : memref<4x128x32xf32, #tpu.memory_space<vmem>> -> memref<1x128x32xf32, #tpu.memory_space<vmem>>
    %dma_start3A_85 = tpu.memref_squeeze %dma_start3A_84 : memref<1x128x32xf32, #tpu.memory_space<vmem>> -> memref<128x32xf32, #tpu.memory_space<vmem>>
    %dma_start3A_86 = arith.constant 0 : i32
    %dma_start3A_87 = tpu.memref_slice %arg6[%dma_start3A_79, %dma_start3A_86] : memref<160x128xi32, #tpu.memory_space<vmem>> -> memref<1x128xi32, #tpu.memory_space<vmem>>
    %dma_start3A_88 = tpu.memref_squeeze %dma_start3A_87 : memref<1x128xi32, #tpu.memory_space<vmem>> -> memref<128xi32, #tpu.memory_space<vmem>>
    %dma_start3A_89 = arith.constant 0 : i32
    %dma_start3A_90 = arith.constant 0 : i32
    %dma_start3A_91 = tpu.memref_slice %arg12[%dma_start3A_89, %dma_start3A_90] : memref<10240x32xf32, #tpu.memory_space<vmem_shared>> -> memref<10240x32xf32, #tpu.memory_space<vmem_shared>>
    %dma_start3A_92 = tpu.memref_slice %arg10[%dma_start3A_81] : memref<4x!tpu.dma_semaphore, #tpu.memory_space<semaphore_mem>> -> memref<1x!tpu.dma_semaphore, #tpu.memory_space<semaphore_mem>>
    %dma_start3A_93 = tpu.memref_squeeze %dma_start3A_92 : memref<1x!tpu.dma_semaphore, #tpu.memory_space<semaphore_mem>> -> memref<!tpu.dma_semaphore, #tpu.memory_space<semaphore_mem>>
    tpu.enqueue_indirect_dma source(%dma_start3A_91 : memref<10240x32xf32, #tpu.memory_space<vmem_shared>>) target(%dma_start3A_85 : memref<128x32xf32, #tpu.memory_space<vmem>>) offsets(%dma_start3A_88 : memref<128xi32, #tpu.memory_space<vmem>>) semaphore(%dma_start3A_93 : memref<!tpu.dma_semaphore, #tpu.memory_space<semaphore_mem>>)
    %scan3A_94 = arith.constant 0 : i32
    %scan3A_95 = arith.constant 0 : i32
    %scan3A_96 = arith.constant 40 : i32
    %scan3A_97 = arith.addi %scan3A_95, %scan3A_96 : i32
    %scan3A_98 = arith.constant 1 : i32
    scf.for %scan3A_254 = %scan3A_95 to %scan3A_97 step %scan3A_98  : i32 {
      %mul3A_255 = arith.constant 4 : i32
      %mul3A_256 = arith.muli %scan3A_254, %mul3A_255 : i32
      %add3A_257 = arith.constant 0 : i32
      %add3A_258 = arith.addi %mul3A_256, %add3A_257 : i32
      %dma_wait3A_259 = arith.constant 0 : i32
      %dma_wait3A_260 = arith.constant 0 : i32
      %dma_wait3A_261 = arith.constant 0 : i32
      %dma_wait3A_262 = arith.constant 0 : i32
      %dma_wait3A_263 = tpu.memref_slice %arg8[%dma_wait3A_259, %dma_wait3A_261, %dma_wait3A_262] : memref<4x128x32xf32, #tpu.memory_space<vmem>> -> memref<1x128x32xf32, #tpu.memory_space<vmem>>
      %dma_wait3A_264 = tpu.memref_squeeze %dma_wait3A_263 : memref<1x128x32xf32, #tpu.memory_space<vmem>> -> memref<128x32xf32, #tpu.memory_space<vmem>>
      %dma_wait3A_265 = arith.constant 0 : i32
      %dma_wait3A_266 = tpu.memref_slice %arg6[%add3A_258, %dma_wait3A_265] : memref<160x128xi32, #tpu.memory_space<vmem>> -> memref<1x128xi32, #tpu.memory_space<vmem>>
      %dma_wait3A_267 = tpu.memref_squeeze %dma_wait3A_266 : memref<1x128xi32, #tpu.memory_space<vmem>> -> memref<128xi32, #tpu.memory_space<vmem>>
      %dma_wait3A_268 = arith.constant 0 : i32
      %dma_wait3A_269 = arith.constant 0 : i32
      %dma_wait3A_270 = tpu.memref_slice %arg12[%dma_wait3A_268, %dma_wait3A_269] : memref<10240x32xf32, #tpu.memory_space<vmem_shared>> -> memref<10240x32xf32, #tpu.memory_space<vmem_shared>>
      %dma_wait3A_271 = tpu.memref_slice %arg10[%dma_wait3A_260] : memref<4x!tpu.dma_semaphore, #tpu.memory_space<semaphore_mem>> -> memref<1x!tpu.dma_semaphore, #tpu.memory_space<semaphore_mem>>
      %dma_wait3A_272 = tpu.memref_squeeze %dma_wait3A_271 : memref<1x!tpu.dma_semaphore, #tpu.memory_space<semaphore_mem>> -> memref<!tpu.dma_semaphore, #tpu.memory_space<semaphore_mem>>
      tpu.wait_indirect_dma semaphore(%dma_wait3A_272 : memref<!tpu.dma_semaphore, #tpu.memory_space<semaphore_mem>>) src(%dma_wait3A_270 : memref<10240x32xf32, #tpu.memory_space<vmem_shared>>) dst(%dma_wait3A_264 : memref<128x32xf32, #tpu.memory_space<vmem>>)
      %dma_start3A_273 = arith.constant 0 : i32
      %dma_start3A_274 = arith.constant 0 : i32
      %dma_start3A_275 = arith.constant 0 : i32
      %dma_start3A_276 = arith.constant 0 : i32
      %dma_start3A_277 = tpu.memref_slice %arg8[%dma_start3A_273, %dma_start3A_275, %dma_start3A_276] : memref<4x128x32xf32, #tpu.memory_space<vmem>> -> memref<1x128x32xf32, #tpu.memory_space<vmem>>
      %dma_start3A_278 = tpu.memref_squeeze %dma_start3A_277 : memref<1x128x32xf32, #tpu.memory_space<vmem>> -> memref<128x32xf32, #tpu.memory_space<vmem>>
      %dma_start3A_279 = arith.constant 0 : i32
      %dma_start3A_280 = tpu.memref_slice %arg7[%add3A_258, %dma_start3A_279] : memref<160x128xi32, #tpu.memory_space<vmem>> -> memref<1x128xi32, #tpu.memory_space<vmem>>
      %dma_start3A_281 = tpu.memref_squeeze %dma_start3A_280 : memref<1x128xi32, #tpu.memory_space<vmem>> -> memref<128xi32, #tpu.memory_space<vmem>>
      %dma_start3A_282 = arith.constant 0 : i32
      %dma_start3A_283 = arith.constant 0 : i32
      %dma_start3A_284 = tpu.memref_slice %arg13[%dma_start3A_282, %dma_start3A_283] : memref<10240x32xf32, #tpu.memory_space<vmem_shared>> -> memref<10240x32xf32, #tpu.memory_space<vmem_shared>>
      %dma_start3A_285 = tpu.memref_slice %arg11[%dma_start3A_274] : memref<4x!tpu.dma_semaphore, #tpu.memory_space<semaphore_mem>> -> memref<1x!tpu.dma_semaphore, #tpu.memory_space<semaphore_mem>>
      %dma_start3A_286 = tpu.memref_squeeze %dma_start3A_285 : memref<1x!tpu.dma_semaphore, #tpu.memory_space<semaphore_mem>> -> memref<!tpu.dma_semaphore, #tpu.memory_space<semaphore_mem>>
      tpu.enqueue_indirect_dma source(%dma_start3A_278 : memref<128x32xf32, #tpu.memory_space<vmem>>) target(%dma_start3A_284 : memref<10240x32xf32, #tpu.memory_space<vmem_shared>>) offsets(%dma_start3A_281 : memref<128xi32, #tpu.memory_space<vmem>>) semaphore(%dma_start3A_286 : memref<!tpu.dma_semaphore, #tpu.memory_space<semaphore_mem>>) {add = true}
      %gt3A = arith.constant 0 : i32
      %gt3A_287 = arith.cmpi sgt, %scan3A_254, %gt3A : i32
      %convert_element_type3A_288 = arith.extui %gt3A_287 : i1 to i32
      %cond3A_289 = arith.constant 0 : i32
      %cond3A_290 = arith.cmpi ne, %convert_element_type3A_288, %cond3A_289 : i32
      scf.if %cond3A_290 {
        %sub3A_449 = arith.constant 1 : i32
        %sub3A_450 = arith.subi %add3A_258, %sub3A_449 : i32
        %dma_wait3A_451 = arith.constant 3 : i32
        %dma_wait3A_452 = arith.constant 3 : i32
        %dma_wait3A_453 = arith.constant 0 : i32
        %dma_wait3A_454 = arith.constant 0 : i32
        %dma_wait3A_455 = tpu.memref_slice %arg8[%dma_wait3A_451, %dma_wait3A_453, %dma_wait3A_454] : memref<4x128x32xf32, #tpu.memory_space<vmem>> -> memref<1x128x32xf32, #tpu.memory_space<vmem>>
        %dma_wait3A_456 = tpu.memref_squeeze %dma_wait3A_455 : memref<1x128x32xf32, #tpu.memory_space<vmem>> -> memref<128x32xf32, #tpu.memory_space<vmem>>
        %dma_wait3A_457 = arith.constant 0 : i32
        %dma_wait3A_458 = tpu.memref_slice %arg7[%sub3A_450, %dma_wait3A_457] : memref<160x128xi32, #tpu.memory_space<vmem>> -> memref<1x128xi32, #tpu.memory_space<vmem>>
        %dma_wait3A_459 = tpu.memref_squeeze %dma_wait3A_458 : memref<1x128xi32, #tpu.memory_space<vmem>> -> memref<128xi32, #tpu.memory_space<vmem>>
        %dma_wait3A_460 = arith.constant 0 : i32
        %dma_wait3A_461 = arith.constant 0 : i32
        %dma_wait3A_462 = tpu.memref_slice %arg13[%dma_wait3A_460, %dma_wait3A_461] : memref<10240x32xf32, #tpu.memory_space<vmem_shared>> -> memref<10240x32xf32, #tpu.memory_space<vmem_shared>>
        %dma_wait3A_463 = tpu.memref_slice %arg11[%dma_wait3A_452] : memref<4x!tpu.dma_semaphore, #tpu.memory_space<semaphore_mem>> -> memref<1x!tpu.dma_semaphore, #tpu.memory_space<semaphore_mem>>
        %dma_wait3A_464 = tpu.memref_squeeze %dma_wait3A_463 : memref<1x!tpu.dma_semaphore, #tpu.memory_space<semaphore_mem>> -> memref<!tpu.dma_semaphore, #tpu.memory_space<semaphore_mem>>
        tpu.wait_indirect_dma semaphore(%dma_wait3A_464 : memref<!tpu.dma_semaphore, #tpu.memory_space<semaphore_mem>>) src(%dma_wait3A_456 : memref<128x32xf32, #tpu.memory_space<vmem>>) dst(%dma_wait3A_462 : memref<10240x32xf32, #tpu.memory_space<vmem_shared>>)
        %sub3A_465 = arith.constant 1 : i32
        %sub3A_466 = arith.subi %add3A_258, %sub3A_465 : i32
        %add3A_467 = arith.constant 4 : i32
        %add3A_468 = arith.addi %sub3A_466, %add3A_467 : i32
        %dma_start3A_469 = arith.constant 3 : i32
        %dma_start3A_470 = arith.constant 3 : i32
        %dma_start3A_471 = arith.constant 0 : i32
        %dma_start3A_472 = arith.constant 0 : i32
        %dma_start3A_473 = tpu.memref_slice %arg8[%dma_start3A_469, %dma_start3A_471, %dma_start3A_472] : memref<4x128x32xf32, #tpu.memory_space<vmem>> -> memref<1x128x32xf32, #tpu.memory_space<vmem>>
        %dma_start3A_474 = tpu.memref_squeeze %dma_start3A_473 : memref<1x128x32xf32, #tpu.memory_space<vmem>> -> memref<128x32xf32, #tpu.memory_space<vmem>>
        %dma_start3A_475 = arith.constant 0 : i32
        %dma_start3A_476 = tpu.memref_slice %arg6[%add3A_468, %dma_start3A_475] : memref<160x128xi32, #tpu.memory_space<vmem>> -> memref<1x128xi32, #tpu.memory_space<vmem>>
        %dma_start3A_477 = tpu.memref_squeeze %dma_start3A_476 : memref<1x128xi32, #tpu.memory_space<vmem>> -> memref<128xi32, #tpu.memory_space<vmem>>
        %dma_start3A_478 = arith.constant 0 : i32
        %dma_start3A_479 = arith.constant 0 : i32
        %dma_start3A_480 = tpu.memref_slice %arg12[%dma_start3A_478, %dma_start3A_479] : memref<10240x32xf32, #tpu.memory_space<vmem_shared>> -> memref<10240x32xf32, #tpu.memory_space<vmem_shared>>
        %dma_start3A_481 = tpu.memref_slice %arg10[%dma_start3A_470] : memref<4x!tpu.dma_semaphore, #tpu.memory_space<semaphore_mem>> -> memref<1x!tpu.dma_semaphore, #tpu.memory_space<semaphore_mem>>
        %dma_start3A_482 = tpu.memref_squeeze %dma_start3A_481 : memref<1x!tpu.dma_semaphore, #tpu.memory_space<semaphore_mem>> -> memref<!tpu.dma_semaphore, #tpu.memory_space<semaphore_mem>>
        tpu.enqueue_indirect_dma source(%dma_start3A_480 : memref<10240x32xf32, #tpu.memory_space<vmem_shared>>) target(%dma_start3A_474 : memref<128x32xf32, #tpu.memory_space<vmem>>) offsets(%dma_start3A_477 : memref<128xi32, #tpu.memory_space<vmem>>) semaphore(%dma_start3A_482 : memref<!tpu.dma_semaphore, #tpu.memory_space<semaphore_mem>>)
      } else {
      }
      %mul3A_291 = arith.constant 4 : i32
      %mul3A_292 = arith.muli %scan3A_254, %mul3A_291 : i32
      %add3A_293 = arith.constant 1 : i32
      %add3A_294 = arith.addi %mul3A_292, %add3A_293 : i32
      %dma_wait3A_295 = arith.constant 1 : i32
      %dma_wait3A_296 = arith.constant 1 : i32
      %dma_wait3A_297 = arith.constant 0 : i32
      %dma_wait3A_298 = arith.constant 0 : i32
      %dma_wait3A_299 = tpu.memref_slice %arg8[%dma_wait3A_295, %dma_wait3A_297, %dma_wait3A_298] : memref<4x128x32xf32, #tpu.memory_space<vmem>> -> memref<1x128x32xf32, #tpu.memory_space<vmem>>
      %dma_wait3A_300 = tpu.memref_squeeze %dma_wait3A_299 : memref<1x128x32xf32, #tpu.memory_space<vmem>> -> memref<128x32xf32, #tpu.memory_space<vmem>>
      %dma_wait3A_301 = arith.constant 0 : i32
      %dma_wait3A_302 = tpu.memref_slice %arg6[%add3A_294, %dma_wait3A_301] : memref<160x128xi32, #tpu.memory_space<vmem>> -> memref<1x128xi32, #tpu.memory_space<vmem>>
      %dma_wait3A_303 = tpu.memref_squeeze %dma_wait3A_302 : memref<1x128xi32, #tpu.memory_space<vmem>> -> memref<128xi32, #tpu.memory_space<vmem>>
      %dma_wait3A_304 = arith.constant 0 : i32
      %dma_wait3A_305 = arith.constant 0 : i32
      %dma_wait3A_306 = tpu.memref_slice %arg12[%dma_wait3A_304, %dma_wait3A_305] : memref<10240x32xf32, #tpu.memory_space<vmem_shared>> -> memref<10240x32xf32, #tpu.memory_space<vmem_shared>>
      %dma_wait3A_307 = tpu.memref_slice %arg10[%dma_wait3A_296] : memref<4x!tpu.dma_semaphore, #tpu.memory_space<semaphore_mem>> -> memref<1x!tpu.dma_semaphore, #tpu.memory_space<semaphore_mem>>
      %dma_wait3A_308 = tpu.memref_squeeze %dma_wait3A_307 : memref<1x!tpu.dma_semaphore, #tpu.memory_space<semaphore_mem>> -> memref<!tpu.dma_semaphore, #tpu.memory_space<semaphore_mem>>
      tpu.wait_indirect_dma semaphore(%dma_wait3A_308 : memref<!tpu.dma_semaphore, #tpu.memory_space<semaphore_mem>>) src(%dma_wait3A_306 : memref<10240x32xf32, #tpu.memory_space<vmem_shared>>) dst(%dma_wait3A_300 : memref<128x32xf32, #tpu.memory_space<vmem>>)
      %dma_start3A_309 = arith.constant 1 : i32
      %dma_start3A_310 = arith.constant 1 : i32
      %dma_start3A_311 = arith.constant 0 : i32
      %dma_start3A_312 = arith.constant 0 : i32
      %dma_start3A_313 = tpu.memref_slice %arg8[%dma_start3A_309, %dma_start3A_311, %dma_start3A_312] : memref<4x128x32xf32, #tpu.memory_space<vmem>> -> memref<1x128x32xf32, #tpu.memory_space<vmem>>
      %dma_start3A_314 = tpu.memref_squeeze %dma_start3A_313 : memref<1x128x32xf32, #tpu.memory_space<vmem>> -> memref<128x32xf32, #tpu.memory_space<vmem>>
      %dma_start3A_315 = arith.constant 0 : i32
      %dma_start3A_316 = tpu.memref_slice %arg7[%add3A_294, %dma_start3A_315] : memref<160x128xi32, #tpu.memory_space<vmem>> -> memref<1x128xi32, #tpu.memory_space<vmem>>
      %dma_start3A_317 = tpu.memref_squeeze %dma_start3A_316 : memref<1x128xi32, #tpu.memory_space<vmem>> -> memref<128xi32, #tpu.memory_space<vmem>>
      %dma_start3A_318 = arith.constant 0 : i32
      %dma_start3A_319 = arith.constant 0 : i32
      %dma_start3A_320 = tpu.memref_slice %arg13[%dma_start3A_318, %dma_start3A_319] : memref<10240x32xf32, #tpu.memory_space<vmem_shared>> -> memref<10240x32xf32, #tpu.memory_space<vmem_shared>>
      %dma_start3A_321 = tpu.memref_slice %arg11[%dma_start3A_310] : memref<4x!tpu.dma_semaphore, #tpu.memory_space<semaphore_mem>> -> memref<1x!tpu.dma_semaphore, #tpu.memory_space<semaphore_mem>>
      %dma_start3A_322 = tpu.memref_squeeze %dma_start3A_321 : memref<1x!tpu.dma_semaphore, #tpu.memory_space<semaphore_mem>> -> memref<!tpu.dma_semaphore, #tpu.memory_space<semaphore_mem>>
      tpu.enqueue_indirect_dma source(%dma_start3A_314 : memref<128x32xf32, #tpu.memory_space<vmem>>) target(%dma_start3A_320 : memref<10240x32xf32, #tpu.memory_space<vmem_shared>>) offsets(%dma_start3A_317 : memref<128xi32, #tpu.memory_space<vmem>>) semaphore(%dma_start3A_322 : memref<!tpu.dma_semaphore, #tpu.memory_space<semaphore_mem>>) {add = true}
      %sub3A = arith.constant 1 : i32
      %sub3A_323 = arith.subi %add3A_294, %sub3A : i32
      %dma_wait3A_324 = arith.constant 0 : i32
      %dma_wait3A_325 = arith.constant 0 : i32
      %dma_wait3A_326 = arith.constant 0 : i32
      %dma_wait3A_327 = arith.constant 0 : i32
      %dma_wait3A_328 = tpu.memref_slice %arg8[%dma_wait3A_324, %dma_wait3A_326, %dma_wait3A_327] : memref<4x128x32xf32, #tpu.memory_space<vmem>> -> memref<1x128x32xf32, #tpu.memory_space<vmem>>
      %dma_wait3A_329 = tpu.memref_squeeze %dma_wait3A_328 : memref<1x128x32xf32, #tpu.memory_space<vmem>> -> memref<128x32xf32, #tpu.memory_space<vmem>>
      %dma_wait3A_330 = arith.constant 0 : i32
      %dma_wait3A_331 = tpu.memref_slice %arg7[%sub3A_323, %dma_wait3A_330] : memref<160x128xi32, #tpu.memory_space<vmem>> -> memref<1x128xi32, #tpu.memory_space<vmem>>
      %dma_wait3A_332 = tpu.memref_squeeze %dma_wait3A_331 : memref<1x128xi32, #tpu.memory_space<vmem>> -> memref<128xi32, #tpu.memory_space<vmem>>
      %dma_wait3A_333 = arith.constant 0 : i32
      %dma_wait3A_334 = arith.constant 0 : i32
      %dma_wait3A_335 = tpu.memref_slice %arg13[%dma_wait3A_333, %dma_wait3A_334] : memref<10240x32xf32, #tpu.memory_space<vmem_shared>> -> memref<10240x32xf32, #tpu.memory_space<vmem_shared>>
      %dma_wait3A_336 = tpu.memref_slice %arg11[%dma_wait3A_325] : memref<4x!tpu.dma_semaphore, #tpu.memory_space<semaphore_mem>> -> memref<1x!tpu.dma_semaphore, #tpu.memory_space<semaphore_mem>>
      %dma_wait3A_337 = tpu.memref_squeeze %dma_wait3A_336 : memref<1x!tpu.dma_semaphore, #tpu.memory_space<semaphore_mem>> -> memref<!tpu.dma_semaphore, #tpu.memory_space<semaphore_mem>>
      tpu.wait_indirect_dma semaphore(%dma_wait3A_337 : memref<!tpu.dma_semaphore, #tpu.memory_space<semaphore_mem>>) src(%dma_wait3A_329 : memref<128x32xf32, #tpu.memory_space<vmem>>) dst(%dma_wait3A_335 : memref<10240x32xf32, #tpu.memory_space<vmem_shared>>)
      %lt3A_338 = arith.constant 39 : i32
      %lt3A_339 = arith.cmpi slt, %scan3A_254, %lt3A_338 : i32
      %convert_element_type3A_340 = arith.extui %lt3A_339 : i1 to i32
      %cond3A_341 = arith.constant 0 : i32
      %cond3A_342 = arith.cmpi ne, %convert_element_type3A_340, %cond3A_341 : i32
      scf.if %cond3A_342 {
        %sub3A_449 = arith.constant 1 : i32
        %sub3A_450 = arith.subi %add3A_294, %sub3A_449 : i32
        %add3A_451 = arith.constant 4 : i32
        %add3A_452 = arith.addi %sub3A_450, %add3A_451 : i32
        %dma_start3A_453 = arith.constant 0 : i32
        %dma_start3A_454 = arith.constant 0 : i32
        %dma_start3A_455 = arith.constant 0 : i32
        %dma_start3A_456 = arith.constant 0 : i32
        %dma_start3A_457 = tpu.memref_slice %arg8[%dma_start3A_453, %dma_start3A_455, %dma_start3A_456] : memref<4x128x32xf32, #tpu.memory_space<vmem>> -> memref<1x128x32xf32, #tpu.memory_space<vmem>>
        %dma_start3A_458 = tpu.memref_squeeze %dma_start3A_457 : memref<1x128x32xf32, #tpu.memory_space<vmem>> -> memref<128x32xf32, #tpu.memory_space<vmem>>
        %dma_start3A_459 = arith.constant 0 : i32
        %dma_start3A_460 = tpu.memref_slice %arg6[%add3A_452, %dma_start3A_459] : memref<160x128xi32, #tpu.memory_space<vmem>> -> memref<1x128xi32, #tpu.memory_space<vmem>>
        %dma_start3A_461 = tpu.memref_squeeze %dma_start3A_460 : memref<1x128xi32, #tpu.memory_space<vmem>> -> memref<128xi32, #tpu.memory_space<vmem>>
        %dma_start3A_462 = arith.constant 0 : i32
        %dma_start3A_463 = arith.constant 0 : i32
        %dma_start3A_464 = tpu.memref_slice %arg12[%dma_start3A_462, %dma_start3A_463] : memref<10240x32xf32, #tpu.memory_space<vmem_shared>> -> memref<10240x32xf32, #tpu.memory_space<vmem_shared>>
        %dma_start3A_465 = tpu.memref_slice %arg10[%dma_start3A_454] : memref<4x!tpu.dma_semaphore, #tpu.memory_space<semaphore_mem>> -> memref<1x!tpu.dma_semaphore, #tpu.memory_space<semaphore_mem>>
        %dma_start3A_466 = tpu.memref_squeeze %dma_start3A_465 : memref<1x!tpu.dma_semaphore, #tpu.memory_space<semaphore_mem>> -> memref<!tpu.dma_semaphore, #tpu.memory_space<semaphore_mem>>
        tpu.enqueue_indirect_dma source(%dma_start3A_464 : memref<10240x32xf32, #tpu.memory_space<vmem_shared>>) target(%dma_start3A_458 : memref<128x32xf32, #tpu.memory_space<vmem>>) offsets(%dma_start3A_461 : memref<128xi32, #tpu.memory_space<vmem>>) semaphore(%dma_start3A_466 : memref<!tpu.dma_semaphore, #tpu.memory_space<semaphore_mem>>)
      } else {
      }
      %mul3A_343 = arith.constant 4 : i32
      %mul3A_344 = arith.muli %scan3A_254, %mul3A_343 : i32
      %add3A_345 = arith.constant 2 : i32
      %add3A_346 = arith.addi %mul3A_344, %add3A_345 : i32
      %dma_wait3A_347 = arith.constant 2 : i32
      %dma_wait3A_348 = arith.constant 2 : i32
      %dma_wait3A_349 = arith.constant 0 : i32
      %dma_wait3A_350 = arith.constant 0 : i32
      %dma_wait3A_351 = tpu.memref_slice %arg8[%dma_wait3A_347, %dma_wait3A_349, %dma_wait3A_350] : memref<4x128x32xf32, #tpu.memory_space<vmem>> -> memref<1x128x32xf32, #tpu.memory_space<vmem>>
      %dma_wait3A_352 = tpu.memref_squeeze %dma_wait3A_351 : memref<1x128x32xf32, #tpu.memory_space<vmem>> -> memref<128x32xf32, #tpu.memory_space<vmem>>
      %dma_wait3A_353 = arith.constant 0 : i32
      %dma_wait3A_354 = tpu.memref_slice %arg6[%add3A_346, %dma_wait3A_353] : memref<160x128xi32, #tpu.memory_space<vmem>> -> memref<1x128xi32, #tpu.memory_space<vmem>>
      %dma_wait3A_355 = tpu.memref_squeeze %dma_wait3A_354 : memref<1x128xi32, #tpu.memory_space<vmem>> -> memref<128xi32, #tpu.memory_space<vmem>>
      %dma_wait3A_356 = arith.constant 0 : i32
      %dma_wait3A_357 = arith.constant 0 : i32
      %dma_wait3A_358 = tpu.memref_slice %arg12[%dma_wait3A_356, %dma_wait3A_357] : memref<10240x32xf32, #tpu.memory_space<vmem_shared>> -> memref<10240x32xf32, #tpu.memory_space<vmem_shared>>
      %dma_wait3A_359 = tpu.memref_slice %arg10[%dma_wait3A_348] : memref<4x!tpu.dma_semaphore, #tpu.memory_space<semaphore_mem>> -> memref<1x!tpu.dma_semaphore, #tpu.memory_space<semaphore_mem>>
      %dma_wait3A_360 = tpu.memref_squeeze %dma_wait3A_359 : memref<1x!tpu.dma_semaphore, #tpu.memory_space<semaphore_mem>> -> memref<!tpu.dma_semaphore, #tpu.memory_space<semaphore_mem>>
      tpu.wait_indirect_dma semaphore(%dma_wait3A_360 : memref<!tpu.dma_semaphore, #tpu.memory_space<semaphore_mem>>) src(%dma_wait3A_358 : memref<10240x32xf32, #tpu.memory_space<vmem_shared>>) dst(%dma_wait3A_352 : memref<128x32xf32, #tpu.memory_space<vmem>>)
      %dma_start3A_361 = arith.constant 2 : i32
      %dma_start3A_362 = arith.constant 2 : i32
      %dma_start3A_363 = arith.constant 0 : i32
      %dma_start3A_364 = arith.constant 0 : i32
      %dma_start3A_365 = tpu.memref_slice %arg8[%dma_start3A_361, %dma_start3A_363, %dma_start3A_364] : memref<4x128x32xf32, #tpu.memory_space<vmem>> -> memref<1x128x32xf32, #tpu.memory_space<vmem>>
      %dma_start3A_366 = tpu.memref_squeeze %dma_start3A_365 : memref<1x128x32xf32, #tpu.memory_space<vmem>> -> memref<128x32xf32, #tpu.memory_space<vmem>>
      %dma_start3A_367 = arith.constant 0 : i32
      %dma_start3A_368 = tpu.memref_slice %arg7[%add3A_346, %dma_start3A_367] : memref<160x128xi32, #tpu.memory_space<vmem>> -> memref<1x128xi32, #tpu.memory_space<vmem>>
      %dma_start3A_369 = tpu.memref_squeeze %dma_start3A_368 : memref<1x128xi32, #tpu.memory_space<vmem>> -> memref<128xi32, #tpu.memory_space<vmem>>
      %dma_start3A_370 = arith.constant 0 : i32
      %dma_start3A_371 = arith.constant 0 : i32
      %dma_start3A_372 = tpu.memref_slice %arg13[%dma_start3A_370, %dma_start3A_371] : memref<10240x32xf32, #tpu.memory_space<vmem_shared>> -> memref<10240x32xf32, #tpu.memory_space<vmem_shared>>
      %dma_start3A_373 = tpu.memref_slice %arg11[%dma_start3A_362] : memref<4x!tpu.dma_semaphore, #tpu.memory_space<semaphore_mem>> -> memref<1x!tpu.dma_semaphore, #tpu.memory_space<semaphore_mem>>
      %dma_start3A_374 = tpu.memref_squeeze %dma_start3A_373 : memref<1x!tpu.dma_semaphore, #tpu.memory_space<semaphore_mem>> -> memref<!tpu.dma_semaphore, #tpu.memory_space<semaphore_mem>>
      tpu.enqueue_indirect_dma source(%dma_start3A_366 : memref<128x32xf32, #tpu.memory_space<vmem>>) target(%dma_start3A_372 : memref<10240x32xf32, #tpu.memory_space<vmem_shared>>) offsets(%dma_start3A_369 : memref<128xi32, #tpu.memory_space<vmem>>) semaphore(%dma_start3A_374 : memref<!tpu.dma_semaphore, #tpu.memory_space<semaphore_mem>>) {add = true}
      %sub3A_375 = arith.constant 1 : i32
      %sub3A_376 = arith.subi %add3A_346, %sub3A_375 : i32
      %dma_wait3A_377 = arith.constant 1 : i32
      %dma_wait3A_378 = arith.constant 1 : i32
      %dma_wait3A_379 = arith.constant 0 : i32
      %dma_wait3A_380 = arith.constant 0 : i32
      %dma_wait3A_381 = tpu.memref_slice %arg8[%dma_wait3A_377, %dma_wait3A_379, %dma_wait3A_380] : memref<4x128x32xf32, #tpu.memory_space<vmem>> -> memref<1x128x32xf32, #tpu.memory_space<vmem>>
      %dma_wait3A_382 = tpu.memref_squeeze %dma_wait3A_381 : memref<1x128x32xf32, #tpu.memory_space<vmem>> -> memref<128x32xf32, #tpu.memory_space<vmem>>
      %dma_wait3A_383 = arith.constant 0 : i32
      %dma_wait3A_384 = tpu.memref_slice %arg7[%sub3A_376, %dma_wait3A_383] : memref<160x128xi32, #tpu.memory_space<vmem>> -> memref<1x128xi32, #tpu.memory_space<vmem>>
      %dma_wait3A_385 = tpu.memref_squeeze %dma_wait3A_384 : memref<1x128xi32, #tpu.memory_space<vmem>> -> memref<128xi32, #tpu.memory_space<vmem>>
      %dma_wait3A_386 = arith.constant 0 : i32
      %dma_wait3A_387 = arith.constant 0 : i32
      %dma_wait3A_388 = tpu.memref_slice %arg13[%dma_wait3A_386, %dma_wait3A_387] : memref<10240x32xf32, #tpu.memory_space<vmem_shared>> -> memref<10240x32xf32, #tpu.memory_space<vmem_shared>>
      %dma_wait3A_389 = tpu.memref_slice %arg11[%dma_wait3A_378] : memref<4x!tpu.dma_semaphore, #tpu.memory_space<semaphore_mem>> -> memref<1x!tpu.dma_semaphore, #tpu.memory_space<semaphore_mem>>
      %dma_wait3A_390 = tpu.memref_squeeze %dma_wait3A_389 : memref<1x!tpu.dma_semaphore, #tpu.memory_space<semaphore_mem>> -> memref<!tpu.dma_semaphore, #tpu.memory_space<semaphore_mem>>
      tpu.wait_indirect_dma semaphore(%dma_wait3A_390 : memref<!tpu.dma_semaphore, #tpu.memory_space<semaphore_mem>>) src(%dma_wait3A_382 : memref<128x32xf32, #tpu.memory_space<vmem>>) dst(%dma_wait3A_388 : memref<10240x32xf32, #tpu.memory_space<vmem_shared>>)
      %lt3A_391 = arith.constant 39 : i32
      %lt3A_392 = arith.cmpi slt, %scan3A_254, %lt3A_391 : i32
      %convert_element_type3A_393 = arith.extui %lt3A_392 : i1 to i32
      %cond3A_394 = arith.constant 0 : i32
      %cond3A_395 = arith.cmpi ne, %convert_element_type3A_393, %cond3A_394 : i32
      scf.if %cond3A_395 {
        %sub3A_449 = arith.constant 1 : i32
        %sub3A_450 = arith.subi %add3A_346, %sub3A_449 : i32
        %add3A_451 = arith.constant 4 : i32
        %add3A_452 = arith.addi %sub3A_450, %add3A_451 : i32
        %dma_start3A_453 = arith.constant 1 : i32
        %dma_start3A_454 = arith.constant 1 : i32
        %dma_start3A_455 = arith.constant 0 : i32
        %dma_start3A_456 = arith.constant 0 : i32
        %dma_start3A_457 = tpu.memref_slice %arg8[%dma_start3A_453, %dma_start3A_455, %dma_start3A_456] : memref<4x128x32xf32, #tpu.memory_space<vmem>> -> memref<1x128x32xf32, #tpu.memory_space<vmem>>
        %dma_start3A_458 = tpu.memref_squeeze %dma_start3A_457 : memref<1x128x32xf32, #tpu.memory_space<vmem>> -> memref<128x32xf32, #tpu.memory_space<vmem>>
        %dma_start3A_459 = arith.constant 0 : i32
        %dma_start3A_460 = tpu.memref_slice %arg6[%add3A_452, %dma_start3A_459] : memref<160x128xi32, #tpu.memory_space<vmem>> -> memref<1x128xi32, #tpu.memory_space<vmem>>
        %dma_start3A_461 = tpu.memref_squeeze %dma_start3A_460 : memref<1x128xi32, #tpu.memory_space<vmem>> -> memref<128xi32, #tpu.memory_space<vmem>>
        %dma_start3A_462 = arith.constant 0 : i32
        %dma_start3A_463 = arith.constant 0 : i32
        %dma_start3A_464 = tpu.memref_slice %arg12[%dma_start3A_462, %dma_start3A_463] : memref<10240x32xf32, #tpu.memory_space<vmem_shared>> -> memref<10240x32xf32, #tpu.memory_space<vmem_shared>>
        %dma_start3A_465 = tpu.memref_slice %arg10[%dma_start3A_454] : memref<4x!tpu.dma_semaphore, #tpu.memory_space<semaphore_mem>> -> memref<1x!tpu.dma_semaphore, #tpu.memory_space<semaphore_mem>>
        %dma_start3A_466 = tpu.memref_squeeze %dma_start3A_465 : memref<1x!tpu.dma_semaphore, #tpu.memory_space<semaphore_mem>> -> memref<!tpu.dma_semaphore, #tpu.memory_space<semaphore_mem>>
        tpu.enqueue_indirect_dma source(%dma_start3A_464 : memref<10240x32xf32, #tpu.memory_space<vmem_shared>>) target(%dma_start3A_458 : memref<128x32xf32, #tpu.memory_space<vmem>>) offsets(%dma_start3A_461 : memref<128xi32, #tpu.memory_space<vmem>>) semaphore(%dma_start3A_466 : memref<!tpu.dma_semaphore, #tpu.memory_space<semaphore_mem>>)
      } else {
      }
      %mul3A_396 = arith.constant 4 : i32
      %mul3A_397 = arith.muli %scan3A_254, %mul3A_396 : i32
      %add3A_398 = arith.constant 3 : i32
      %add3A_399 = arith.addi %mul3A_397, %add3A_398 : i32
      %dma_wait3A_400 = arith.constant 3 : i32
      %dma_wait3A_401 = arith.constant 3 : i32
      %dma_wait3A_402 = arith.constant 0 : i32
      %dma_wait3A_403 = arith.constant 0 : i32
      %dma_wait3A_404 = tpu.memref_slice %arg8[%dma_wait3A_400, %dma_wait3A_402, %dma_wait3A_403] : memref<4x128x32xf32, #tpu.memory_space<vmem>> -> memref<1x128x32xf32, #tpu.memory_space<vmem>>
      %dma_wait3A_405 = tpu.memref_squeeze %dma_wait3A_404 : memref<1x128x32xf32, #tpu.memory_space<vmem>> -> memref<128x32xf32, #tpu.memory_space<vmem>>
      %dma_wait3A_406 = arith.constant 0 : i32
      %dma_wait3A_407 = tpu.memref_slice %arg6[%add3A_399, %dma_wait3A_406] : memref<160x128xi32, #tpu.memory_space<vmem>> -> memref<1x128xi32, #tpu.memory_space<vmem>>
      %dma_wait3A_408 = tpu.memref_squeeze %dma_wait3A_407 : memref<1x128xi32, #tpu.memory_space<vmem>> -> memref<128xi32, #tpu.memory_space<vmem>>
      %dma_wait3A_409 = arith.constant 0 : i32
      %dma_wait3A_410 = arith.constant 0 : i32
      %dma_wait3A_411 = tpu.memref_slice %arg12[%dma_wait3A_409, %dma_wait3A_410] : memref<10240x32xf32, #tpu.memory_space<vmem_shared>> -> memref<10240x32xf32, #tpu.memory_space<vmem_shared>>
      %dma_wait3A_412 = tpu.memref_slice %arg10[%dma_wait3A_401] : memref<4x!tpu.dma_semaphore, #tpu.memory_space<semaphore_mem>> -> memref<1x!tpu.dma_semaphore, #tpu.memory_space<semaphore_mem>>
      %dma_wait3A_413 = tpu.memref_squeeze %dma_wait3A_412 : memref<1x!tpu.dma_semaphore, #tpu.memory_space<semaphore_mem>> -> memref<!tpu.dma_semaphore, #tpu.memory_space<semaphore_mem>>
      tpu.wait_indirect_dma semaphore(%dma_wait3A_413 : memref<!tpu.dma_semaphore, #tpu.memory_space<semaphore_mem>>) src(%dma_wait3A_411 : memref<10240x32xf32, #tpu.memory_space<vmem_shared>>) dst(%dma_wait3A_405 : memref<128x32xf32, #tpu.memory_space<vmem>>)
      %dma_start3A_414 = arith.constant 3 : i32
      %dma_start3A_415 = arith.constant 3 : i32
      %dma_start3A_416 = arith.constant 0 : i32
      %dma_start3A_417 = arith.constant 0 : i32
      %dma_start3A_418 = tpu.memref_slice %arg8[%dma_start3A_414, %dma_start3A_416, %dma_start3A_417] : memref<4x128x32xf32, #tpu.memory_space<vmem>> -> memref<1x128x32xf32, #tpu.memory_space<vmem>>
      %dma_start3A_419 = tpu.memref_squeeze %dma_start3A_418 : memref<1x128x32xf32, #tpu.memory_space<vmem>> -> memref<128x32xf32, #tpu.memory_space<vmem>>
      %dma_start3A_420 = arith.constant 0 : i32
      %dma_start3A_421 = tpu.memref_slice %arg7[%add3A_399, %dma_start3A_420] : memref<160x128xi32, #tpu.memory_space<vmem>> -> memref<1x128xi32, #tpu.memory_space<vmem>>
      %dma_start3A_422 = tpu.memref_squeeze %dma_start3A_421 : memref<1x128xi32, #tpu.memory_space<vmem>> -> memref<128xi32, #tpu.memory_space<vmem>>
      %dma_start3A_423 = arith.constant 0 : i32
      %dma_start3A_424 = arith.constant 0 : i32
      %dma_start3A_425 = tpu.memref_slice %arg13[%dma_start3A_423, %dma_start3A_424] : memref<10240x32xf32, #tpu.memory_space<vmem_shared>> -> memref<10240x32xf32, #tpu.memory_space<vmem_shared>>
      %dma_start3A_426 = tpu.memref_slice %arg11[%dma_start3A_415] : memref<4x!tpu.dma_semaphore, #tpu.memory_space<semaphore_mem>> -> memref<1x!tpu.dma_semaphore, #tpu.memory_space<semaphore_mem>>
      %dma_start3A_427 = tpu.memref_squeeze %dma_start3A_426 : memref<1x!tpu.dma_semaphore, #tpu.memory_space<semaphore_mem>> -> memref<!tpu.dma_semaphore, #tpu.memory_space<semaphore_mem>>
      tpu.enqueue_indirect_dma source(%dma_start3A_419 : memref<128x32xf32, #tpu.memory_space<vmem>>) target(%dma_start3A_425 : memref<10240x32xf32, #tpu.memory_space<vmem_shared>>) offsets(%dma_start3A_422 : memref<128xi32, #tpu.memory_space<vmem>>) semaphore(%dma_start3A_427 : memref<!tpu.dma_semaphore, #tpu.memory_space<semaphore_mem>>) {add = true}
      %sub3A_428 = arith.constant 1 : i32
      %sub3A_429 = arith.subi %add3A_399, %sub3A_428 : i32
      %dma_wait3A_430 = arith.constant 2 : i32
      %dma_wait3A_431 = arith.constant 2 : i32
      %dma_wait3A_432 = arith.constant 0 : i32
      %dma_wait3A_433 = arith.constant 0 : i32
      %dma_wait3A_434 = tpu.memref_slice %arg8[%dma_wait3A_430, %dma_wait3A_432, %dma_wait3A_433] : memref<4x128x32xf32, #tpu.memory_space<vmem>> -> memref<1x128x32xf32, #tpu.memory_space<vmem>>
      %dma_wait3A_435 = tpu.memref_squeeze %dma_wait3A_434 : memref<1x128x32xf32, #tpu.memory_space<vmem>> -> memref<128x32xf32, #tpu.memory_space<vmem>>
      %dma_wait3A_436 = arith.constant 0 : i32
      %dma_wait3A_437 = tpu.memref_slice %arg7[%sub3A_429, %dma_wait3A_436] : memref<160x128xi32, #tpu.memory_space<vmem>> -> memref<1x128xi32, #tpu.memory_space<vmem>>
      %dma_wait3A_438 = tpu.memref_squeeze %dma_wait3A_437 : memref<1x128xi32, #tpu.memory_space<vmem>> -> memref<128xi32, #tpu.memory_space<vmem>>
      %dma_wait3A_439 = arith.constant 0 : i32
      %dma_wait3A_440 = arith.constant 0 : i32
      %dma_wait3A_441 = tpu.memref_slice %arg13[%dma_wait3A_439, %dma_wait3A_440] : memref<10240x32xf32, #tpu.memory_space<vmem_shared>> -> memref<10240x32xf32, #tpu.memory_space<vmem_shared>>
      %dma_wait3A_442 = tpu.memref_slice %arg11[%dma_wait3A_431] : memref<4x!tpu.dma_semaphore, #tpu.memory_space<semaphore_mem>> -> memref<1x!tpu.dma_semaphore, #tpu.memory_space<semaphore_mem>>
      %dma_wait3A_443 = tpu.memref_squeeze %dma_wait3A_442 : memref<1x!tpu.dma_semaphore, #tpu.memory_space<semaphore_mem>> -> memref<!tpu.dma_semaphore, #tpu.memory_space<semaphore_mem>>
      tpu.wait_indirect_dma semaphore(%dma_wait3A_443 : memref<!tpu.dma_semaphore, #tpu.memory_space<semaphore_mem>>) src(%dma_wait3A_435 : memref<128x32xf32, #tpu.memory_space<vmem>>) dst(%dma_wait3A_441 : memref<10240x32xf32, #tpu.memory_space<vmem_shared>>)
      %lt3A_444 = arith.constant 39 : i32
      %lt3A_445 = arith.cmpi slt, %scan3A_254, %lt3A_444 : i32
      %convert_element_type3A_446 = arith.extui %lt3A_445 : i1 to i32
      %cond3A_447 = arith.constant 0 : i32
      %cond3A_448 = arith.cmpi ne, %convert_element_type3A_446, %cond3A_447 : i32
      scf.if %cond3A_448 {
        %sub3A_449 = arith.constant 1 : i32
        %sub3A_450 = arith.subi %add3A_399, %sub3A_449 : i32
        %add3A_451 = arith.constant 4 : i32
        %add3A_452 = arith.addi %sub3A_450, %add3A_451 : i32
        %dma_start3A_453 = arith.constant 2 : i32
        %dma_start3A_454 = arith.constant 2 : i32
        %dma_start3A_455 = arith.constant 0 : i32
        %dma_start3A_456 = arith.constant 0 : i32
        %dma_start3A_457 = tpu.memref_slice %arg8[%dma_start3A_453, %dma_start3A_455, %dma_start3A_456] : memref<4x128x32xf32, #tpu.memory_space<vmem>> -> memref<1x128x32xf32, #tpu.memory_space<vmem>>
        %dma_start3A_458 = tpu.memref_squeeze %dma_start3A_457 : memref<1x128x32xf32, #tpu.memory_space<vmem>> -> memref<128x32xf32, #tpu.memory_space<vmem>>
        %dma_start3A_459 = arith.constant 0 : i32
        %dma_start3A_460 = tpu.memref_slice %arg6[%add3A_452, %dma_start3A_459] : memref<160x128xi32, #tpu.memory_space<vmem>> -> memref<1x128xi32, #tpu.memory_space<vmem>>
        %dma_start3A_461 = tpu.memref_squeeze %dma_start3A_460 : memref<1x128xi32, #tpu.memory_space<vmem>> -> memref<128xi32, #tpu.memory_space<vmem>>
        %dma_start3A_462 = arith.constant 0 : i32
        %dma_start3A_463 = arith.constant 0 : i32
        %dma_start3A_464 = tpu.memref_slice %arg12[%dma_start3A_462, %dma_start3A_463] : memref<10240x32xf32, #tpu.memory_space<vmem_shared>> -> memref<10240x32xf32, #tpu.memory_space<vmem_shared>>
        %dma_start3A_465 = tpu.memref_slice %arg10[%dma_start3A_454] : memref<4x!tpu.dma_semaphore, #tpu.memory_space<semaphore_mem>> -> memref<1x!tpu.dma_semaphore, #tpu.memory_space<semaphore_mem>>
        %dma_start3A_466 = tpu.memref_squeeze %dma_start3A_465 : memref<1x!tpu.dma_semaphore, #tpu.memory_space<semaphore_mem>> -> memref<!tpu.dma_semaphore, #tpu.memory_space<semaphore_mem>>
        tpu.enqueue_indirect_dma source(%dma_start3A_464 : memref<10240x32xf32, #tpu.memory_space<vmem_shared>>) target(%dma_start3A_458 : memref<128x32xf32, #tpu.memory_space<vmem>>) offsets(%dma_start3A_461 : memref<128xi32, #tpu.memory_space<vmem>>) semaphore(%dma_start3A_466 : memref<!tpu.dma_semaphore, #tpu.memory_space<semaphore_mem>>)
      } else {
      }
    }
    %scan3A_99 = arith.constant 40 : i32
    %dma_wait3A = arith.constant 3 : i32
    %dma_wait3A_100 = arith.constant 159 : i32
    %dma_wait3A_101 = arith.constant 3 : i32
    %dma_wait3A_102 = arith.constant 0 : i32
    %dma_wait3A_103 = arith.constant 0 : i32
    %dma_wait3A_104 = tpu.memref_slice %arg8[%dma_wait3A, %dma_wait3A_102, %dma_wait3A_103] : memref<4x128x32xf32, #tpu.memory_space<vmem>> -> memref<1x128x32xf32, #tpu.memory_space<vmem>>
    %dma_wait3A_105 = tpu.memref_squeeze %dma_wait3A_104 : memref<1x128x32xf32, #tpu.memory_space<vmem>> -> memref<128x32xf32, #tpu.memory_space<vmem>>
    %dma_wait3A_106 = arith.constant 0 : i32
    %dma_wait3A_107 = tpu.memref_slice %arg7[%dma_wait3A_100, %dma_wait3A_106] : memref<160x128xi32, #tpu.memory_space<vmem>> -> memref<1x128xi32, #tpu.memory_space<vmem>>
    %dma_wait3A_108 = tpu.memref_squeeze %dma_wait3A_107 : memref<1x128xi32, #tpu.memory_space<vmem>> -> memref<128xi32, #tpu.memory_space<vmem>>
    %dma_wait3A_109 = arith.constant 0 : i32
    %dma_wait3A_110 = arith.constant 0 : i32
    %dma_wait3A_111 = tpu.memref_slice %arg13[%dma_wait3A_109, %dma_wait3A_110] : memref<10240x32xf32, #tpu.memory_space<vmem_shared>> -> memref<10240x32xf32, #tpu.memory_space<vmem_shared>>
    %dma_wait3A_112 = tpu.memref_slice %arg11[%dma_wait3A_101] : memref<4x!tpu.dma_semaphore, #tpu.memory_space<semaphore_mem>> -> memref<1x!tpu.dma_semaphore, #tpu.memory_space<semaphore_mem>>
    %dma_wait3A_113 = tpu.memref_squeeze %dma_wait3A_112 : memref<1x!tpu.dma_semaphore, #tpu.memory_space<semaphore_mem>> -> memref<!tpu.dma_semaphore, #tpu.memory_space<semaphore_mem>>
    tpu.wait_indirect_dma semaphore(%dma_wait3A_113 : memref<!tpu.dma_semaphore, #tpu.memory_space<semaphore_mem>>) src(%dma_wait3A_105 : memref<128x32xf32, #tpu.memory_space<vmem>>) dst(%dma_wait3A_111 : memref<10240x32xf32, #tpu.memory_space<vmem_shared>>)
    %barrier3A_114 = arith.constant 0 : index
    tpu.barrier barrier_id(%barrier3A_114)
    %lt3A_115 = arith.constant 15 : i32
    %lt3A_116 = arith.cmpi slt, %arg1, %lt3A_115 : i32
    %convert_element_type3A_117 = arith.extui %lt3A_116 : i1 to i32
    %cond3A_118 = arith.constant 0 : i32
    %cond3A_119 = arith.cmpi ne, %convert_element_type3A_117, %cond3A_118 : i32
    scf.if %cond3A_119 {
      %mul3A_254 = arith.constant 640 : i32
      %mul3A_255 = arith.muli %arg1, %mul3A_254 : i32
      %mul3A_256 = arith.constant 640 : i32
      %mul3A_257 = arith.muli %arg1, %mul3A_256 : i32
      %add3A_258 = arith.addi %mul3A_8, %mul3A_257 : i32
      "tpu.region"() ({
        %run_scoped3A = tpu.sem_alloc : memref<!tpu.dma_semaphore, #tpu.memory_space<semaphore_mem>>
        %dma_start3A_259 = arith.constant 0 : i32
        %dma_start3A_260 = tpu.memref_slice %arg5[%add3A_258, %dma_start3A_259] : memref<40000x32xf32, #tpu.memory_space<hbm>> -> memref<640x32xf32, #tpu.memory_space<hbm>>
        %dma_start3A_261 = arith.constant 0 : i32
        %dma_start3A_262 = tpu.memref_slice %arg13[%mul3A_255, %dma_start3A_261] : memref<10240x32xf32, #tpu.memory_space<vmem_shared>> -> memref<640x32xf32, #tpu.memory_space<vmem_shared>>
        tpu.enqueue_dma source(%dma_start3A_262 : memref<640x32xf32, #tpu.memory_space<vmem_shared>>) target(%dma_start3A_260 : memref<640x32xf32, #tpu.memory_space<hbm>>) target_semaphore(%run_scoped3A : memref<!tpu.dma_semaphore, #tpu.memory_space<semaphore_mem>>)
        %dma_wait3A_263 = arith.constant 0 : i32
        %dma_wait3A_264 = tpu.memref_slice %arg5[%add3A_258, %dma_wait3A_263] : memref<40000x32xf32, #tpu.memory_space<hbm>> -> memref<640x32xf32, #tpu.memory_space<hbm>>
        %dma_wait3A_265 = arith.constant 0 : i32
        %dma_wait3A_266 = tpu.memref_slice %arg13[%mul3A_255, %dma_wait3A_265] : memref<10240x32xf32, #tpu.memory_space<vmem_shared>> -> memref<640x32xf32, #tpu.memory_space<vmem_shared>>
        tpu.wait_dma2 semaphore(%run_scoped3A : memref<!tpu.dma_semaphore, #tpu.memory_space<semaphore_mem>>) src(%dma_wait3A_266 : memref<640x32xf32, #tpu.memory_space<vmem_shared>>) dst(%dma_wait3A_264 : memref<640x32xf32, #tpu.memory_space<hbm>>)
        tpu.yield
      }) : () -> ()
    } else {
    }
    %eq3A_120 = arith.constant 15 : i32
    %eq3A_121 = arith.cmpi eq, %arg1, %eq3A_120 : i32
    %convert_element_type3A_122 = arith.extui %eq3A_121 : i1 to i32
    %cond3A_123 = arith.constant 0 : i32
    %cond3A_124 = arith.cmpi ne, %convert_element_type3A_122, %cond3A_123 : i32
    scf.if %cond3A_124 {
      %add3A_254 = arith.constant 9600 : i32
      %add3A_255 = arith.addi %mul3A_8, %add3A_254 : i32
      "tpu.region"() ({
        %run_scoped3A = tpu.sem_alloc : memref<!tpu.dma_semaphore, #tpu.memory_space<semaphore_mem>>
        %dma_start3A_256 = arith.constant 0 : i32
        %dma_start3A_257 = tpu.memref_slice %arg5[%add3A_255, %dma_start3A_256] : memref<40000x32xf32, #tpu.memory_space<hbm>> -> memref<400x32xf32, #tpu.memory_space<hbm>>
        %dma_start3A_258 = arith.constant 9600 : i32
        %dma_start3A_259 = arith.constant 0 : i32
        %dma_start3A_260 = tpu.memref_slice %arg13[%dma_start3A_258, %dma_start3A_259] : memref<10240x32xf32, #tpu.memory_space<vmem_shared>> -> memref<400x32xf32, #tpu.memory_space<vmem_shared>>
        tpu.enqueue_dma source(%dma_start3A_260 : memref<400x32xf32, #tpu.memory_space<vmem_shared>>) target(%dma_start3A_257 : memref<400x32xf32, #tpu.memory_space<hbm>>) target_semaphore(%run_scoped3A : memref<!tpu.dma_semaphore, #tpu.memory_space<semaphore_mem>>)
        %dma_wait3A_261 = arith.constant 0 : i32
        %dma_wait3A_262 = tpu.memref_slice %arg5[%add3A_255, %dma_wait3A_261] : memref<40000x32xf32, #tpu.memory_space<hbm>> -> memref<400x32xf32, #tpu.memory_space<hbm>>
        %dma_wait3A_263 = arith.constant 9600 : i32
        %dma_wait3A_264 = arith.constant 0 : i32
        %dma_wait3A_265 = tpu.memref_slice %arg13[%dma_wait3A_263, %dma_wait3A_264] : memref<10240x32xf32, #tpu.memory_space<vmem_shared>> -> memref<400x32xf32, #tpu.memory_space<vmem_shared>>
        tpu.wait_dma2 semaphore(%run_scoped3A : memref<!tpu.dma_semaphore, #tpu.memory_space<semaphore_mem>>) src(%dma_wait3A_265 : memref<400x32xf32, #tpu.memory_space<vmem_shared>>) dst(%dma_wait3A_262 : memref<400x32xf32, #tpu.memory_space<hbm>>)
        tpu.yield
      }) : () -> ()
    } else {
    }
    %mul3A_125 = arith.constant 2 : i32
    %mul3A_126 = arith.muli %mul3A_125, %arg0 : i32
    %add3A_127 = arith.constant 1 : i32
    %add3A_128 = arith.addi %mul3A_126, %add3A_127 : i32
    %mul3A_129 = arith.constant 10000 : i32
    %mul3A_130 = arith.muli %add3A_128, %mul3A_129 : i32
    %lt3A_131 = arith.constant 15 : i32
    %lt3A_132 = arith.cmpi slt, %arg1, %lt3A_131 : i32
    %convert_element_type3A_133 = arith.extui %lt3A_132 : i1 to i32
    %cond3A_134 = arith.constant 0 : i32
    %cond3A_135 = arith.cmpi ne, %convert_element_type3A_133, %cond3A_134 : i32
    scf.if %cond3A_135 {
      %mul3A_254 = arith.constant 640 : i32
      %mul3A_255 = arith.muli %arg1, %mul3A_254 : i32
      %add3A_256 = arith.addi %mul3A_130, %mul3A_255 : i32
      %mul3A_257 = arith.constant 640 : i32
      %mul3A_258 = arith.muli %arg1, %mul3A_257 : i32
      "tpu.region"() ({
        %run_scoped3A = tpu.sem_alloc : memref<!tpu.dma_semaphore, #tpu.memory_space<semaphore_mem>>
        %dma_start3A_259 = arith.constant 0 : i32
        %dma_start3A_260 = tpu.memref_slice %arg12[%mul3A_258, %dma_start3A_259] : memref<10240x32xf32, #tpu.memory_space<vmem_shared>> -> memref<640x32xf32, #tpu.memory_space<vmem_shared>>
        %dma_start3A_261 = arith.constant 0 : i32
        %dma_start3A_262 = tpu.memref_slice %arg2[%add3A_256, %dma_start3A_261] : memref<40000x32xf32, #tpu.memory_space<hbm>> -> memref<640x32xf32, #tpu.memory_space<hbm>>
        tpu.enqueue_dma source(%dma_start3A_262 : memref<640x32xf32, #tpu.memory_space<hbm>>) target(%dma_start3A_260 : memref<640x32xf32, #tpu.memory_space<vmem_shared>>) target_semaphore(%run_scoped3A : memref<!tpu.dma_semaphore, #tpu.memory_space<semaphore_mem>>)
        %dma_wait3A_263 = arith.constant 0 : i32
        %dma_wait3A_264 = tpu.memref_slice %arg12[%mul3A_258, %dma_wait3A_263] : memref<10240x32xf32, #tpu.memory_space<vmem_shared>> -> memref<640x32xf32, #tpu.memory_space<vmem_shared>>
        %dma_wait3A_265 = arith.constant 0 : i32
        %dma_wait3A_266 = tpu.memref_slice %arg2[%add3A_256, %dma_wait3A_265] : memref<40000x32xf32, #tpu.memory_space<hbm>> -> memref<640x32xf32, #tpu.memory_space<hbm>>
        tpu.wait_dma2 semaphore(%run_scoped3A : memref<!tpu.dma_semaphore, #tpu.memory_space<semaphore_mem>>) src(%dma_wait3A_266 : memref<640x32xf32, #tpu.memory_space<hbm>>) dst(%dma_wait3A_264 : memref<640x32xf32, #tpu.memory_space<vmem_shared>>)
        tpu.yield
      }) : () -> ()
    } else {
    }
    %eq3A_136 = arith.constant 15 : i32
    %eq3A_137 = arith.cmpi eq, %arg1, %eq3A_136 : i32
    %convert_element_type3A_138 = arith.extui %eq3A_137 : i1 to i32
    %cond3A_139 = arith.constant 0 : i32
    %cond3A_140 = arith.cmpi ne, %convert_element_type3A_138, %cond3A_139 : i32
    scf.if %cond3A_140 {
      %add3A_254 = arith.constant 9600 : i32
      %add3A_255 = arith.addi %mul3A_130, %add3A_254 : i32
      "tpu.region"() ({
        %run_scoped3A = tpu.sem_alloc : memref<!tpu.dma_semaphore, #tpu.memory_space<semaphore_mem>>
        %dma_start3A_256 = arith.constant 9600 : i32
        %dma_start3A_257 = arith.constant 0 : i32
        %dma_start3A_258 = tpu.memref_slice %arg12[%dma_start3A_256, %dma_start3A_257] : memref<10240x32xf32, #tpu.memory_space<vmem_shared>> -> memref<400x32xf32, #tpu.memory_space<vmem_shared>>
        %dma_start3A_259 = arith.constant 0 : i32
        %dma_start3A_260 = tpu.memref_slice %arg2[%add3A_255, %dma_start3A_259] : memref<40000x32xf32, #tpu.memory_space<hbm>> -> memref<400x32xf32, #tpu.memory_space<hbm>>
        tpu.enqueue_dma source(%dma_start3A_260 : memref<400x32xf32, #tpu.memory_space<hbm>>) target(%dma_start3A_258 : memref<400x32xf32, #tpu.memory_space<vmem_shared>>) target_semaphore(%run_scoped3A : memref<!tpu.dma_semaphore, #tpu.memory_space<semaphore_mem>>)
        %dma_wait3A_261 = arith.constant 9600 : i32
        %dma_wait3A_262 = arith.constant 0 : i32
        %dma_wait3A_263 = tpu.memref_slice %arg12[%dma_wait3A_261, %dma_wait3A_262] : memref<10240x32xf32, #tpu.memory_space<vmem_shared>> -> memref<400x32xf32, #tpu.memory_space<vmem_shared>>
        %dma_wait3A_264 = arith.constant 0 : i32
        %dma_wait3A_265 = tpu.memref_slice %arg2[%add3A_255, %dma_wait3A_264] : memref<40000x32xf32, #tpu.memory_space<hbm>> -> memref<400x32xf32, #tpu.memory_space<hbm>>
        tpu.wait_dma2 semaphore(%run_scoped3A : memref<!tpu.dma_semaphore, #tpu.memory_space<semaphore_mem>>) src(%dma_wait3A_265 : memref<400x32xf32, #tpu.memory_space<hbm>>) dst(%dma_wait3A_263 : memref<400x32xf32, #tpu.memory_space<vmem_shared>>)
        tpu.yield
      }) : () -> ()
    } else {
    }
    %mul3A_141 = arith.constant 640 : i32
    %mul3A_142 = arith.muli %arg1, %mul3A_141 : i32
    %add3A_143 = arith.constant 0 : i32
    %add3A_144 = arith.addi %mul3A_142, %add3A_143 : i32
    "tpu.region"() ({
      %run_scoped3A = tpu.sem_alloc : memref<!tpu.dma_semaphore, #tpu.memory_space<semaphore_mem>>
      %dma_start3A_254 = arith.constant 0 : i32
      %dma_start3A_255 = tpu.memref_slice %arg13[%add3A_144, %dma_start3A_254] : memref<10240x32xf32, #tpu.memory_space<vmem_shared>> -> memref<128x32xf32, #tpu.memory_space<vmem_shared>>
      %dma_start3A_256 = arith.constant 0 : i32
      %dma_start3A_257 = tpu.memref_slice %arg13[%add3A_144, %dma_start3A_256] : memref<10240x32xf32, #tpu.memory_space<vmem_shared>> -> memref<128x32xf32, #tpu.memory_space<vmem_shared>>
      tpu.enqueue_dma source(%arg9 : memref<128x32xf32, #tpu.memory_space<vmem>>) target(%dma_start3A_257 : memref<128x32xf32, #tpu.memory_space<vmem_shared>>) target_semaphore(%run_scoped3A : memref<!tpu.dma_semaphore, #tpu.memory_space<semaphore_mem>>)
      %dma_wait3A_258 = arith.constant 0 : i32
      %dma_wait3A_259 = tpu.memref_slice %arg13[%add3A_144, %dma_wait3A_258] : memref<10240x32xf32, #tpu.memory_space<vmem_shared>> -> memref<128x32xf32, #tpu.memory_space<vmem_shared>>
      %dma_wait3A_260 = arith.constant 0 : i32
      %dma_wait3A_261 = tpu.memref_slice %arg13[%add3A_144, %dma_wait3A_260] : memref<10240x32xf32, #tpu.memory_space<vmem_shared>> -> memref<128x32xf32, #tpu.memory_space<vmem_shared>>
      tpu.wait_dma2 semaphore(%run_scoped3A : memref<!tpu.dma_semaphore, #tpu.memory_space<semaphore_mem>>) src(%arg9 : memref<128x32xf32, #tpu.memory_space<vmem>>) dst(%dma_wait3A_261 : memref<128x32xf32, #tpu.memory_space<vmem_shared>>)
      tpu.yield
    }) : () -> ()
    %mul3A_145 = arith.constant 640 : i32
    %mul3A_146 = arith.muli %arg1, %mul3A_145 : i32
    %add3A_147 = arith.constant 128 : i32
    %add3A_148 = arith.addi %mul3A_146, %add3A_147 : i32
    "tpu.region"() ({
      %run_scoped3A = tpu.sem_alloc : memref<!tpu.dma_semaphore, #tpu.memory_space<semaphore_mem>>
      %dma_start3A_254 = arith.constant 0 : i32
      %dma_start3A_255 = tpu.memref_slice %arg13[%add3A_148, %dma_start3A_254] : memref<10240x32xf32, #tpu.memory_space<vmem_shared>> -> memref<128x32xf32, #tpu.memory_space<vmem_shared>>
      %dma_start3A_256 = arith.constant 0 : i32
      %dma_start3A_257 = tpu.memref_slice %arg13[%add3A_148, %dma_start3A_256] : memref<10240x32xf32, #tpu.memory_space<vmem_shared>> -> memref<128x32xf32, #tpu.memory_space<vmem_shared>>
      tpu.enqueue_dma source(%arg9 : memref<128x32xf32, #tpu.memory_space<vmem>>) target(%dma_start3A_257 : memref<128x32xf32, #tpu.memory_space<vmem_shared>>) target_semaphore(%run_scoped3A : memref<!tpu.dma_semaphore, #tpu.memory_space<semaphore_mem>>)
      %dma_wait3A_258 = arith.constant 0 : i32
      %dma_wait3A_259 = tpu.memref_slice %arg13[%add3A_148, %dma_wait3A_258] : memref<10240x32xf32, #tpu.memory_space<vmem_shared>> -> memref<128x32xf32, #tpu.memory_space<vmem_shared>>
      %dma_wait3A_260 = arith.constant 0 : i32
      %dma_wait3A_261 = tpu.memref_slice %arg13[%add3A_148, %dma_wait3A_260] : memref<10240x32xf32, #tpu.memory_space<vmem_shared>> -> memref<128x32xf32, #tpu.memory_space<vmem_shared>>
      tpu.wait_dma2 semaphore(%run_scoped3A : memref<!tpu.dma_semaphore, #tpu.memory_space<semaphore_mem>>) src(%arg9 : memref<128x32xf32, #tpu.memory_space<vmem>>) dst(%dma_wait3A_261 : memref<128x32xf32, #tpu.memory_space<vmem_shared>>)
      tpu.yield
    }) : () -> ()
    %mul3A_149 = arith.constant 640 : i32
    %mul3A_150 = arith.muli %arg1, %mul3A_149 : i32
    %add3A_151 = arith.constant 256 : i32
    %add3A_152 = arith.addi %mul3A_150, %add3A_151 : i32
    "tpu.region"() ({
      %run_scoped3A = tpu.sem_alloc : memref<!tpu.dma_semaphore, #tpu.memory_space<semaphore_mem>>
      %dma_start3A_254 = arith.constant 0 : i32
      %dma_start3A_255 = tpu.memref_slice %arg13[%add3A_152, %dma_start3A_254] : memref<10240x32xf32, #tpu.memory_space<vmem_shared>> -> memref<128x32xf32, #tpu.memory_space<vmem_shared>>
      %dma_start3A_256 = arith.constant 0 : i32
      %dma_start3A_257 = tpu.memref_slice %arg13[%add3A_152, %dma_start3A_256] : memref<10240x32xf32, #tpu.memory_space<vmem_shared>> -> memref<128x32xf32, #tpu.memory_space<vmem_shared>>
      tpu.enqueue_dma source(%arg9 : memref<128x32xf32, #tpu.memory_space<vmem>>) target(%dma_start3A_257 : memref<128x32xf32, #tpu.memory_space<vmem_shared>>) target_semaphore(%run_scoped3A : memref<!tpu.dma_semaphore, #tpu.memory_space<semaphore_mem>>)
      %dma_wait3A_258 = arith.constant 0 : i32
      %dma_wait3A_259 = tpu.memref_slice %arg13[%add3A_152, %dma_wait3A_258] : memref<10240x32xf32, #tpu.memory_space<vmem_shared>> -> memref<128x32xf32, #tpu.memory_space<vmem_shared>>
      %dma_wait3A_260 = arith.constant 0 : i32
      %dma_wait3A_261 = tpu.memref_slice %arg13[%add3A_152, %dma_wait3A_260] : memref<10240x32xf32, #tpu.memory_space<vmem_shared>> -> memref<128x32xf32, #tpu.memory_space<vmem_shared>>
      tpu.wait_dma2 semaphore(%run_scoped3A : memref<!tpu.dma_semaphore, #tpu.memory_space<semaphore_mem>>) src(%arg9 : memref<128x32xf32, #tpu.memory_space<vmem>>) dst(%dma_wait3A_261 : memref<128x32xf32, #tpu.memory_space<vmem_shared>>)
      tpu.yield
    }) : () -> ()
    %mul3A_153 = arith.constant 640 : i32
    %mul3A_154 = arith.muli %arg1, %mul3A_153 : i32
    %add3A_155 = arith.constant 384 : i32
    %add3A_156 = arith.addi %mul3A_154, %add3A_155 : i32
    "tpu.region"() ({
      %run_scoped3A = tpu.sem_alloc : memref<!tpu.dma_semaphore, #tpu.memory_space<semaphore_mem>>
      %dma_start3A_254 = arith.constant 0 : i32
      %dma_start3A_255 = tpu.memref_slice %arg13[%add3A_156, %dma_start3A_254] : memref<10240x32xf32, #tpu.memory_space<vmem_shared>> -> memref<128x32xf32, #tpu.memory_space<vmem_shared>>
      %dma_start3A_256 = arith.constant 0 : i32
      %dma_start3A_257 = tpu.memref_slice %arg13[%add3A_156, %dma_start3A_256] : memref<10240x32xf32, #tpu.memory_space<vmem_shared>> -> memref<128x32xf32, #tpu.memory_space<vmem_shared>>
      tpu.enqueue_dma source(%arg9 : memref<128x32xf32, #tpu.memory_space<vmem>>) target(%dma_start3A_257 : memref<128x32xf32, #tpu.memory_space<vmem_shared>>) target_semaphore(%run_scoped3A : memref<!tpu.dma_semaphore, #tpu.memory_space<semaphore_mem>>)
      %dma_wait3A_258 = arith.constant 0 : i32
      %dma_wait3A_259 = tpu.memref_slice %arg13[%add3A_156, %dma_wait3A_258] : memref<10240x32xf32, #tpu.memory_space<vmem_shared>> -> memref<128x32xf32, #tpu.memory_space<vmem_shared>>
      %dma_wait3A_260 = arith.constant 0 : i32
      %dma_wait3A_261 = tpu.memref_slice %arg13[%add3A_156, %dma_wait3A_260] : memref<10240x32xf32, #tpu.memory_space<vmem_shared>> -> memref<128x32xf32, #tpu.memory_space<vmem_shared>>
      tpu.wait_dma2 semaphore(%run_scoped3A : memref<!tpu.dma_semaphore, #tpu.memory_space<semaphore_mem>>) src(%arg9 : memref<128x32xf32, #tpu.memory_space<vmem>>) dst(%dma_wait3A_261 : memref<128x32xf32, #tpu.memory_space<vmem_shared>>)
      tpu.yield
    }) : () -> ()
    %mul3A_157 = arith.constant 640 : i32
    %mul3A_158 = arith.muli %arg1, %mul3A_157 : i32
    %add3A_159 = arith.constant 512 : i32
    %add3A_160 = arith.addi %mul3A_158, %add3A_159 : i32
    "tpu.region"() ({
      %run_scoped3A = tpu.sem_alloc : memref<!tpu.dma_semaphore, #tpu.memory_space<semaphore_mem>>
      %dma_start3A_254 = arith.constant 0 : i32
      %dma_start3A_255 = tpu.memref_slice %arg13[%add3A_160, %dma_start3A_254] : memref<10240x32xf32, #tpu.memory_space<vmem_shared>> -> memref<128x32xf32, #tpu.memory_space<vmem_shared>>
      %dma_start3A_256 = arith.constant 0 : i32
      %dma_start3A_257 = tpu.memref_slice %arg13[%add3A_160, %dma_start3A_256] : memref<10240x32xf32, #tpu.memory_space<vmem_shared>> -> memref<128x32xf32, #tpu.memory_space<vmem_shared>>
      tpu.enqueue_dma source(%arg9 : memref<128x32xf32, #tpu.memory_space<vmem>>) target(%dma_start3A_257 : memref<128x32xf32, #tpu.memory_space<vmem_shared>>) target_semaphore(%run_scoped3A : memref<!tpu.dma_semaphore, #tpu.memory_space<semaphore_mem>>)
      %dma_wait3A_258 = arith.constant 0 : i32
      %dma_wait3A_259 = tpu.memref_slice %arg13[%add3A_160, %dma_wait3A_258] : memref<10240x32xf32, #tpu.memory_space<vmem_shared>> -> memref<128x32xf32, #tpu.memory_space<vmem_shared>>
      %dma_wait3A_260 = arith.constant 0 : i32
      %dma_wait3A_261 = tpu.memref_slice %arg13[%add3A_160, %dma_wait3A_260] : memref<10240x32xf32, #tpu.memory_space<vmem_shared>> -> memref<128x32xf32, #tpu.memory_space<vmem_shared>>
      tpu.wait_dma2 semaphore(%run_scoped3A : memref<!tpu.dma_semaphore, #tpu.memory_space<semaphore_mem>>) src(%arg9 : memref<128x32xf32, #tpu.memory_space<vmem>>) dst(%dma_wait3A_261 : memref<128x32xf32, #tpu.memory_space<vmem_shared>>)
      tpu.yield
    }) : () -> ()
    %barrier3A_161 = arith.constant 0 : index
    tpu.barrier barrier_id(%barrier3A_161)
    %dma_start3A_162 = arith.constant 0 : i32
    %dma_start3A_163 = arith.constant 0 : i32
    %dma_start3A_164 = arith.constant 0 : i32
    %dma_start3A_165 = arith.constant 0 : i32
    %dma_start3A_166 = arith.constant 0 : i32
    %dma_start3A_167 = tpu.memref_slice %arg8[%dma_start3A_163, %dma_start3A_165, %dma_start3A_166] : memref<4x128x32xf32, #tpu.memory_space<vmem>> -> memref<1x128x32xf32, #tpu.memory_space<vmem>>
    %dma_start3A_168 = tpu.memref_squeeze %dma_start3A_167 : memref<1x128x32xf32, #tpu.memory_space<vmem>> -> memref<128x32xf32, #tpu.memory_space<vmem>>
    %dma_start3A_169 = arith.constant 0 : i32
    %dma_start3A_170 = tpu.memref_slice %arg6[%dma_start3A_162, %dma_start3A_169] : memref<160x128xi32, #tpu.memory_space<vmem>> -> memref<1x128xi32, #tpu.memory_space<vmem>>
    %dma_start3A_171 = tpu.memref_squeeze %dma_start3A_170 : memref<1x128xi32, #tpu.memory_space<vmem>> -> memref<128xi32, #tpu.memory_space<vmem>>
    %dma_start3A_172 = arith.constant 0 : i32
    %dma_start3A_173 = arith.constant 0 : i32
    %dma_start3A_174 = tpu.memref_slice %arg12[%dma_start3A_172, %dma_start3A_173] : memref<10240x32xf32, #tpu.memory_space<vmem_shared>> -> memref<10240x32xf32, #tpu.memory_space<vmem_shared>>
    %dma_start3A_175 = tpu.memref_slice %arg10[%dma_start3A_164] : memref<4x!tpu.dma_semaphore, #tpu.memory_space<semaphore_mem>> -> memref<1x!tpu.dma_semaphore, #tpu.memory_space<semaphore_mem>>
    %dma_start3A_176 = tpu.memref_squeeze %dma_start3A_175 : memref<1x!tpu.dma_semaphore, #tpu.memory_space<semaphore_mem>> -> memref<!tpu.dma_semaphore, #tpu.memory_space<semaphore_mem>>
    tpu.enqueue_indirect_dma source(%dma_start3A_174 : memref<10240x32xf32, #tpu.memory_space<vmem_shared>>) target(%dma_start3A_168 : memref<128x32xf32, #tpu.memory_space<vmem>>) offsets(%dma_start3A_171 : memref<128xi32, #tpu.memory_space<vmem>>) semaphore(%dma_start3A_176 : memref<!tpu.dma_semaphore, #tpu.memory_space<semaphore_mem>>)
    %dma_start3A_177 = arith.constant 1 : i32
    %dma_start3A_178 = arith.constant 1 : i32
    %dma_start3A_179 = arith.constant 1 : i32
    %dma_start3A_180 = arith.constant 0 : i32
    %dma_start3A_181 = arith.constant 0 : i32
    %dma_start3A_182 = tpu.memref_slice %arg8[%dma_start3A_178, %dma_start3A_180, %dma_start3A_181] : memref<4x128x32xf32, #tpu.memory_space<vmem>> -> memref<1x128x32xf32, #tpu.memory_space<vmem>>
    %dma_start3A_183 = tpu.memref_squeeze %dma_start3A_182 : memref<1x128x32xf32, #tpu.memory_space<vmem>> -> memref<128x32xf32, #tpu.memory_space<vmem>>
    %dma_start3A_184 = arith.constant 0 : i32
    %dma_start3A_185 = tpu.memref_slice %arg6[%dma_start3A_177, %dma_start3A_184] : memref<160x128xi32, #tpu.memory_space<vmem>> -> memref<1x128xi32, #tpu.memory_space<vmem>>
    %dma_start3A_186 = tpu.memref_squeeze %dma_start3A_185 : memref<1x128xi32, #tpu.memory_space<vmem>> -> memref<128xi32, #tpu.memory_space<vmem>>
    %dma_start3A_187 = arith.constant 0 : i32
    %dma_start3A_188 = arith.constant 0 : i32
    %dma_start3A_189 = tpu.memref_slice %arg12[%dma_start3A_187, %dma_start3A_188] : memref<10240x32xf32, #tpu.memory_space<vmem_shared>> -> memref<10240x32xf32, #tpu.memory_space<vmem_shared>>
    %dma_start3A_190 = tpu.memref_slice %arg10[%dma_start3A_179] : memref<4x!tpu.dma_semaphore, #tpu.memory_space<semaphore_mem>> -> memref<1x!tpu.dma_semaphore, #tpu.memory_space<semaphore_mem>>
    %dma_start3A_191 = tpu.memref_squeeze %dma_start3A_190 : memref<1x!tpu.dma_semaphore, #tpu.memory_space<semaphore_mem>> -> memref<!tpu.dma_semaphore, #tpu.memory_space<semaphore_mem>>
    tpu.enqueue_indirect_dma source(%dma_start3A_189 : memref<10240x32xf32, #tpu.memory_space<vmem_shared>>) target(%dma_start3A_183 : memref<128x32xf32, #tpu.memory_space<vmem>>) offsets(%dma_start3A_186 : memref<128xi32, #tpu.memory_space<vmem>>) semaphore(%dma_start3A_191 : memref<!tpu.dma_semaphore, #tpu.memory_space<semaphore_mem>>)
    %dma_start3A_192 = arith.constant 2 : i32
    %dma_start3A_193 = arith.constant 2 : i32
    %dma_start3A_194 = arith.constant 2 : i32
    %dma_start3A_195 = arith.constant 0 : i32
    %dma_start3A_196 = arith.constant 0 : i32
    %dma_start3A_197 = tpu.memref_slice %arg8[%dma_start3A_193, %dma_start3A_195, %dma_start3A_196] : memref<4x128x32xf32, #tpu.memory_space<vmem>> -> memref<1x128x32xf32, #tpu.memory_space<vmem>>
    %dma_start3A_198 = tpu.memref_squeeze %dma_start3A_197 : memref<1x128x32xf32, #tpu.memory_space<vmem>> -> memref<128x32xf32, #tpu.memory_space<vmem>>
    %dma_start3A_199 = arith.constant 0 : i32
    %dma_start3A_200 = tpu.memref_slice %arg6[%dma_start3A_192, %dma_start3A_199] : memref<160x128xi32, #tpu.memory_space<vmem>> -> memref<1x128xi32, #tpu.memory_space<vmem>>
    %dma_start3A_201 = tpu.memref_squeeze %dma_start3A_200 : memref<1x128xi32, #tpu.memory_space<vmem>> -> memref<128xi32, #tpu.memory_space<vmem>>
    %dma_start3A_202 = arith.constant 0 : i32
    %dma_start3A_203 = arith.constant 0 : i32
    %dma_start3A_204 = tpu.memref_slice %arg12[%dma_start3A_202, %dma_start3A_203] : memref<10240x32xf32, #tpu.memory_space<vmem_shared>> -> memref<10240x32xf32, #tpu.memory_space<vmem_shared>>
    %dma_start3A_205 = tpu.memref_slice %arg10[%dma_start3A_194] : memref<4x!tpu.dma_semaphore, #tpu.memory_space<semaphore_mem>> -> memref<1x!tpu.dma_semaphore, #tpu.memory_space<semaphore_mem>>
    %dma_start3A_206 = tpu.memref_squeeze %dma_start3A_205 : memref<1x!tpu.dma_semaphore, #tpu.memory_space<semaphore_mem>> -> memref<!tpu.dma_semaphore, #tpu.memory_space<semaphore_mem>>
    tpu.enqueue_indirect_dma source(%dma_start3A_204 : memref<10240x32xf32, #tpu.memory_space<vmem_shared>>) target(%dma_start3A_198 : memref<128x32xf32, #tpu.memory_space<vmem>>) offsets(%dma_start3A_201 : memref<128xi32, #tpu.memory_space<vmem>>) semaphore(%dma_start3A_206 : memref<!tpu.dma_semaphore, #tpu.memory_space<semaphore_mem>>)
    %dma_start3A_207 = arith.constant 3 : i32
    %dma_start3A_208 = arith.constant 3 : i32
    %dma_start3A_209 = arith.constant 3 : i32
    %dma_start3A_210 = arith.constant 0 : i32
    %dma_start3A_211 = arith.constant 0 : i32
    %dma_start3A_212 = tpu.memref_slice %arg8[%dma_start3A_208, %dma_start3A_210, %dma_start3A_211] : memref<4x128x32xf32, #tpu.memory_space<vmem>> -> memref<1x128x32xf32, #tpu.memory_space<vmem>>
    %dma_start3A_213 = tpu.memref_squeeze %dma_start3A_212 : memref<1x128x32xf32, #tpu.memory_space<vmem>> -> memref<128x32xf32, #tpu.memory_space<vmem>>
    %dma_start3A_214 = arith.constant 0 : i32
    %dma_start3A_215 = tpu.memref_slice %arg6[%dma_start3A_207, %dma_start3A_214] : memref<160x128xi32, #tpu.memory_space<vmem>> -> memref<1x128xi32, #tpu.memory_space<vmem>>
    %dma_start3A_216 = tpu.memref_squeeze %dma_start3A_215 : memref<1x128xi32, #tpu.memory_space<vmem>> -> memref<128xi32, #tpu.memory_space<vmem>>
    %dma_start3A_217 = arith.constant 0 : i32
    %dma_start3A_218 = arith.constant 0 : i32
    %dma_start3A_219 = tpu.memref_slice %arg12[%dma_start3A_217, %dma_start3A_218] : memref<10240x32xf32, #tpu.memory_space<vmem_shared>> -> memref<10240x32xf32, #tpu.memory_space<vmem_shared>>
    %dma_start3A_220 = tpu.memref_slice %arg10[%dma_start3A_209] : memref<4x!tpu.dma_semaphore, #tpu.memory_space<semaphore_mem>> -> memref<1x!tpu.dma_semaphore, #tpu.memory_space<semaphore_mem>>
    %dma_start3A_221 = tpu.memref_squeeze %dma_start3A_220 : memref<1x!tpu.dma_semaphore, #tpu.memory_space<semaphore_mem>> -> memref<!tpu.dma_semaphore, #tpu.memory_space<semaphore_mem>>
    tpu.enqueue_indirect_dma source(%dma_start3A_219 : memref<10240x32xf32, #tpu.memory_space<vmem_shared>>) target(%dma_start3A_213 : memref<128x32xf32, #tpu.memory_space<vmem>>) offsets(%dma_start3A_216 : memref<128xi32, #tpu.memory_space<vmem>>) semaphore(%dma_start3A_221 : memref<!tpu.dma_semaphore, #tpu.memory_space<semaphore_mem>>)
    %scan3A_222 = arith.constant 0 : i32
    %scan3A_223 = arith.constant 0 : i32
    %scan3A_224 = arith.constant 40 : i32
    %scan3A_225 = arith.addi %scan3A_223, %scan3A_224 : i32
    %scan3A_226 = arith.constant 1 : i32
    scf.for %scan3A_254 = %scan3A_223 to %scan3A_225 step %scan3A_226  : i32 {
      %mul3A_255 = arith.constant 4 : i32
      %mul3A_256 = arith.muli %scan3A_254, %mul3A_255 : i32
      %add3A_257 = arith.constant 0 : i32
      %add3A_258 = arith.addi %mul3A_256, %add3A_257 : i32
      %dma_wait3A_259 = arith.constant 0 : i32
      %dma_wait3A_260 = arith.constant 0 : i32
      %dma_wait3A_261 = arith.constant 0 : i32
      %dma_wait3A_262 = arith.constant 0 : i32
      %dma_wait3A_263 = tpu.memref_slice %arg8[%dma_wait3A_259, %dma_wait3A_261, %dma_wait3A_262] : memref<4x128x32xf32, #tpu.memory_space<vmem>> -> memref<1x128x32xf32, #tpu.memory_space<vmem>>
      %dma_wait3A_264 = tpu.memref_squeeze %dma_wait3A_263 : memref<1x128x32xf32, #tpu.memory_space<vmem>> -> memref<128x32xf32, #tpu.memory_space<vmem>>
      %dma_wait3A_265 = arith.constant 0 : i32
      %dma_wait3A_266 = tpu.memref_slice %arg6[%add3A_258, %dma_wait3A_265] : memref<160x128xi32, #tpu.memory_space<vmem>> -> memref<1x128xi32, #tpu.memory_space<vmem>>
      %dma_wait3A_267 = tpu.memref_squeeze %dma_wait3A_266 : memref<1x128xi32, #tpu.memory_space<vmem>> -> memref<128xi32, #tpu.memory_space<vmem>>
      %dma_wait3A_268 = arith.constant 0 : i32
      %dma_wait3A_269 = arith.constant 0 : i32
      %dma_wait3A_270 = tpu.memref_slice %arg12[%dma_wait3A_268, %dma_wait3A_269] : memref<10240x32xf32, #tpu.memory_space<vmem_shared>> -> memref<10240x32xf32, #tpu.memory_space<vmem_shared>>
      %dma_wait3A_271 = tpu.memref_slice %arg10[%dma_wait3A_260] : memref<4x!tpu.dma_semaphore, #tpu.memory_space<semaphore_mem>> -> memref<1x!tpu.dma_semaphore, #tpu.memory_space<semaphore_mem>>
      %dma_wait3A_272 = tpu.memref_squeeze %dma_wait3A_271 : memref<1x!tpu.dma_semaphore, #tpu.memory_space<semaphore_mem>> -> memref<!tpu.dma_semaphore, #tpu.memory_space<semaphore_mem>>
      tpu.wait_indirect_dma semaphore(%dma_wait3A_272 : memref<!tpu.dma_semaphore, #tpu.memory_space<semaphore_mem>>) src(%dma_wait3A_270 : memref<10240x32xf32, #tpu.memory_space<vmem_shared>>) dst(%dma_wait3A_264 : memref<128x32xf32, #tpu.memory_space<vmem>>)
      %dma_start3A_273 = arith.constant 0 : i32
      %dma_start3A_274 = arith.constant 0 : i32
      %dma_start3A_275 = arith.constant 0 : i32
      %dma_start3A_276 = arith.constant 0 : i32
      %dma_start3A_277 = tpu.memref_slice %arg8[%dma_start3A_273, %dma_start3A_275, %dma_start3A_276] : memref<4x128x32xf32, #tpu.memory_space<vmem>> -> memref<1x128x32xf32, #tpu.memory_space<vmem>>
      %dma_start3A_278 = tpu.memref_squeeze %dma_start3A_277 : memref<1x128x32xf32, #tpu.memory_space<vmem>> -> memref<128x32xf32, #tpu.memory_space<vmem>>
      %dma_start3A_279 = arith.constant 0 : i32
      %dma_start3A_280 = tpu.memref_slice %arg7[%add3A_258, %dma_start3A_279] : memref<160x128xi32, #tpu.memory_space<vmem>> -> memref<1x128xi32, #tpu.memory_space<vmem>>
      %dma_start3A_281 = tpu.memref_squeeze %dma_start3A_280 : memref<1x128xi32, #tpu.memory_space<vmem>> -> memref<128xi32, #tpu.memory_space<vmem>>
      %dma_start3A_282 = arith.constant 0 : i32
      %dma_start3A_283 = arith.constant 0 : i32
      %dma_start3A_284 = tpu.memref_slice %arg13[%dma_start3A_282, %dma_start3A_283] : memref<10240x32xf32, #tpu.memory_space<vmem_shared>> -> memref<10240x32xf32, #tpu.memory_space<vmem_shared>>
      %dma_start3A_285 = tpu.memref_slice %arg11[%dma_start3A_274] : memref<4x!tpu.dma_semaphore, #tpu.memory_space<semaphore_mem>> -> memref<1x!tpu.dma_semaphore, #tpu.memory_space<semaphore_mem>>
      %dma_start3A_286 = tpu.memref_squeeze %dma_start3A_285 : memref<1x!tpu.dma_semaphore, #tpu.memory_space<semaphore_mem>> -> memref<!tpu.dma_semaphore, #tpu.memory_space<semaphore_mem>>
      tpu.enqueue_indirect_dma source(%dma_start3A_278 : memref<128x32xf32, #tpu.memory_space<vmem>>) target(%dma_start3A_284 : memref<10240x32xf32, #tpu.memory_space<vmem_shared>>) offsets(%dma_start3A_281 : memref<128xi32, #tpu.memory_space<vmem>>) semaphore(%dma_start3A_286 : memref<!tpu.dma_semaphore, #tpu.memory_space<semaphore_mem>>) {add = true}
      %gt3A = arith.constant 0 : i32
      %gt3A_287 = arith.cmpi sgt, %scan3A_254, %gt3A : i32
      %convert_element_type3A_288 = arith.extui %gt3A_287 : i1 to i32
      %cond3A_289 = arith.constant 0 : i32
      %cond3A_290 = arith.cmpi ne, %convert_element_type3A_288, %cond3A_289 : i32
      scf.if %cond3A_290 {
        %sub3A_449 = arith.constant 1 : i32
        %sub3A_450 = arith.subi %add3A_258, %sub3A_449 : i32
        %dma_wait3A_451 = arith.constant 3 : i32
        %dma_wait3A_452 = arith.constant 3 : i32
        %dma_wait3A_453 = arith.constant 0 : i32
        %dma_wait3A_454 = arith.constant 0 : i32
        %dma_wait3A_455 = tpu.memref_slice %arg8[%dma_wait3A_451, %dma_wait3A_453, %dma_wait3A_454] : memref<4x128x32xf32, #tpu.memory_space<vmem>> -> memref<1x128x32xf32, #tpu.memory_space<vmem>>
        %dma_wait3A_456 = tpu.memref_squeeze %dma_wait3A_455 : memref<1x128x32xf32, #tpu.memory_space<vmem>> -> memref<128x32xf32, #tpu.memory_space<vmem>>
        %dma_wait3A_457 = arith.constant 0 : i32
        %dma_wait3A_458 = tpu.memref_slice %arg7[%sub3A_450, %dma_wait3A_457] : memref<160x128xi32, #tpu.memory_space<vmem>> -> memref<1x128xi32, #tpu.memory_space<vmem>>
        %dma_wait3A_459 = tpu.memref_squeeze %dma_wait3A_458 : memref<1x128xi32, #tpu.memory_space<vmem>> -> memref<128xi32, #tpu.memory_space<vmem>>
        %dma_wait3A_460 = arith.constant 0 : i32
        %dma_wait3A_461 = arith.constant 0 : i32
        %dma_wait3A_462 = tpu.memref_slice %arg13[%dma_wait3A_460, %dma_wait3A_461] : memref<10240x32xf32, #tpu.memory_space<vmem_shared>> -> memref<10240x32xf32, #tpu.memory_space<vmem_shared>>
        %dma_wait3A_463 = tpu.memref_slice %arg11[%dma_wait3A_452] : memref<4x!tpu.dma_semaphore, #tpu.memory_space<semaphore_mem>> -> memref<1x!tpu.dma_semaphore, #tpu.memory_space<semaphore_mem>>
        %dma_wait3A_464 = tpu.memref_squeeze %dma_wait3A_463 : memref<1x!tpu.dma_semaphore, #tpu.memory_space<semaphore_mem>> -> memref<!tpu.dma_semaphore, #tpu.memory_space<semaphore_mem>>
        tpu.wait_indirect_dma semaphore(%dma_wait3A_464 : memref<!tpu.dma_semaphore, #tpu.memory_space<semaphore_mem>>) src(%dma_wait3A_456 : memref<128x32xf32, #tpu.memory_space<vmem>>) dst(%dma_wait3A_462 : memref<10240x32xf32, #tpu.memory_space<vmem_shared>>)
        %sub3A_465 = arith.constant 1 : i32
        %sub3A_466 = arith.subi %add3A_258, %sub3A_465 : i32
        %add3A_467 = arith.constant 4 : i32
        %add3A_468 = arith.addi %sub3A_466, %add3A_467 : i32
        %dma_start3A_469 = arith.constant 3 : i32
        %dma_start3A_470 = arith.constant 3 : i32
        %dma_start3A_471 = arith.constant 0 : i32
        %dma_start3A_472 = arith.constant 0 : i32
        %dma_start3A_473 = tpu.memref_slice %arg8[%dma_start3A_469, %dma_start3A_471, %dma_start3A_472] : memref<4x128x32xf32, #tpu.memory_space<vmem>> -> memref<1x128x32xf32, #tpu.memory_space<vmem>>
        %dma_start3A_474 = tpu.memref_squeeze %dma_start3A_473 : memref<1x128x32xf32, #tpu.memory_space<vmem>> -> memref<128x32xf32, #tpu.memory_space<vmem>>
        %dma_start3A_475 = arith.constant 0 : i32
        %dma_start3A_476 = tpu.memref_slice %arg6[%add3A_468, %dma_start3A_475] : memref<160x128xi32, #tpu.memory_space<vmem>> -> memref<1x128xi32, #tpu.memory_space<vmem>>
        %dma_start3A_477 = tpu.memref_squeeze %dma_start3A_476 : memref<1x128xi32, #tpu.memory_space<vmem>> -> memref<128xi32, #tpu.memory_space<vmem>>
        %dma_start3A_478 = arith.constant 0 : i32
        %dma_start3A_479 = arith.constant 0 : i32
        %dma_start3A_480 = tpu.memref_slice %arg12[%dma_start3A_478, %dma_start3A_479] : memref<10240x32xf32, #tpu.memory_space<vmem_shared>> -> memref<10240x32xf32, #tpu.memory_space<vmem_shared>>
        %dma_start3A_481 = tpu.memref_slice %arg10[%dma_start3A_470] : memref<4x!tpu.dma_semaphore, #tpu.memory_space<semaphore_mem>> -> memref<1x!tpu.dma_semaphore, #tpu.memory_space<semaphore_mem>>
        %dma_start3A_482 = tpu.memref_squeeze %dma_start3A_481 : memref<1x!tpu.dma_semaphore, #tpu.memory_space<semaphore_mem>> -> memref<!tpu.dma_semaphore, #tpu.memory_space<semaphore_mem>>
        tpu.enqueue_indirect_dma source(%dma_start3A_480 : memref<10240x32xf32, #tpu.memory_space<vmem_shared>>) target(%dma_start3A_474 : memref<128x32xf32, #tpu.memory_space<vmem>>) offsets(%dma_start3A_477 : memref<128xi32, #tpu.memory_space<vmem>>) semaphore(%dma_start3A_482 : memref<!tpu.dma_semaphore, #tpu.memory_space<semaphore_mem>>)
      } else {
      }
      %mul3A_291 = arith.constant 4 : i32
      %mul3A_292 = arith.muli %scan3A_254, %mul3A_291 : i32
      %add3A_293 = arith.constant 1 : i32
      %add3A_294 = arith.addi %mul3A_292, %add3A_293 : i32
      %dma_wait3A_295 = arith.constant 1 : i32
      %dma_wait3A_296 = arith.constant 1 : i32
      %dma_wait3A_297 = arith.constant 0 : i32
      %dma_wait3A_298 = arith.constant 0 : i32
      %dma_wait3A_299 = tpu.memref_slice %arg8[%dma_wait3A_295, %dma_wait3A_297, %dma_wait3A_298] : memref<4x128x32xf32, #tpu.memory_space<vmem>> -> memref<1x128x32xf32, #tpu.memory_space<vmem>>
      %dma_wait3A_300 = tpu.memref_squeeze %dma_wait3A_299 : memref<1x128x32xf32, #tpu.memory_space<vmem>> -> memref<128x32xf32, #tpu.memory_space<vmem>>
      %dma_wait3A_301 = arith.constant 0 : i32
      %dma_wait3A_302 = tpu.memref_slice %arg6[%add3A_294, %dma_wait3A_301] : memref<160x128xi32, #tpu.memory_space<vmem>> -> memref<1x128xi32, #tpu.memory_space<vmem>>
      %dma_wait3A_303 = tpu.memref_squeeze %dma_wait3A_302 : memref<1x128xi32, #tpu.memory_space<vmem>> -> memref<128xi32, #tpu.memory_space<vmem>>
      %dma_wait3A_304 = arith.constant 0 : i32
      %dma_wait3A_305 = arith.constant 0 : i32
      %dma_wait3A_306 = tpu.memref_slice %arg12[%dma_wait3A_304, %dma_wait3A_305] : memref<10240x32xf32, #tpu.memory_space<vmem_shared>> -> memref<10240x32xf32, #tpu.memory_space<vmem_shared>>
      %dma_wait3A_307 = tpu.memref_slice %arg10[%dma_wait3A_296] : memref<4x!tpu.dma_semaphore, #tpu.memory_space<semaphore_mem>> -> memref<1x!tpu.dma_semaphore, #tpu.memory_space<semaphore_mem>>
      %dma_wait3A_308 = tpu.memref_squeeze %dma_wait3A_307 : memref<1x!tpu.dma_semaphore, #tpu.memory_space<semaphore_mem>> -> memref<!tpu.dma_semaphore, #tpu.memory_space<semaphore_mem>>
      tpu.wait_indirect_dma semaphore(%dma_wait3A_308 : memref<!tpu.dma_semaphore, #tpu.memory_space<semaphore_mem>>) src(%dma_wait3A_306 : memref<10240x32xf32, #tpu.memory_space<vmem_shared>>) dst(%dma_wait3A_300 : memref<128x32xf32, #tpu.memory_space<vmem>>)
      %dma_start3A_309 = arith.constant 1 : i32
      %dma_start3A_310 = arith.constant 1 : i32
      %dma_start3A_311 = arith.constant 0 : i32
      %dma_start3A_312 = arith.constant 0 : i32
      %dma_start3A_313 = tpu.memref_slice %arg8[%dma_start3A_309, %dma_start3A_311, %dma_start3A_312] : memref<4x128x32xf32, #tpu.memory_space<vmem>> -> memref<1x128x32xf32, #tpu.memory_space<vmem>>
      %dma_start3A_314 = tpu.memref_squeeze %dma_start3A_313 : memref<1x128x32xf32, #tpu.memory_space<vmem>> -> memref<128x32xf32, #tpu.memory_space<vmem>>
      %dma_start3A_315 = arith.constant 0 : i32
      %dma_start3A_316 = tpu.memref_slice %arg7[%add3A_294, %dma_start3A_315] : memref<160x128xi32, #tpu.memory_space<vmem>> -> memref<1x128xi32, #tpu.memory_space<vmem>>
      %dma_start3A_317 = tpu.memref_squeeze %dma_start3A_316 : memref<1x128xi32, #tpu.memory_space<vmem>> -> memref<128xi32, #tpu.memory_space<vmem>>
      %dma_start3A_318 = arith.constant 0 : i32
      %dma_start3A_319 = arith.constant 0 : i32
      %dma_start3A_320 = tpu.memref_slice %arg13[%dma_start3A_318, %dma_start3A_319] : memref<10240x32xf32, #tpu.memory_space<vmem_shared>> -> memref<10240x32xf32, #tpu.memory_space<vmem_shared>>
      %dma_start3A_321 = tpu.memref_slice %arg11[%dma_start3A_310] : memref<4x!tpu.dma_semaphore, #tpu.memory_space<semaphore_mem>> -> memref<1x!tpu.dma_semaphore, #tpu.memory_space<semaphore_mem>>
      %dma_start3A_322 = tpu.memref_squeeze %dma_start3A_321 : memref<1x!tpu.dma_semaphore, #tpu.memory_space<semaphore_mem>> -> memref<!tpu.dma_semaphore, #tpu.memory_space<semaphore_mem>>
      tpu.enqueue_indirect_dma source(%dma_start3A_314 : memref<128x32xf32, #tpu.memory_space<vmem>>) target(%dma_start3A_320 : memref<10240x32xf32, #tpu.memory_space<vmem_shared>>) offsets(%dma_start3A_317 : memref<128xi32, #tpu.memory_space<vmem>>) semaphore(%dma_start3A_322 : memref<!tpu.dma_semaphore, #tpu.memory_space<semaphore_mem>>) {add = true}
      %sub3A = arith.constant 1 : i32
      %sub3A_323 = arith.subi %add3A_294, %sub3A : i32
      %dma_wait3A_324 = arith.constant 0 : i32
      %dma_wait3A_325 = arith.constant 0 : i32
      %dma_wait3A_326 = arith.constant 0 : i32
      %dma_wait3A_327 = arith.constant 0 : i32
      %dma_wait3A_328 = tpu.memref_slice %arg8[%dma_wait3A_324, %dma_wait3A_326, %dma_wait3A_327] : memref<4x128x32xf32, #tpu.memory_space<vmem>> -> memref<1x128x32xf32, #tpu.memory_space<vmem>>
      %dma_wait3A_329 = tpu.memref_squeeze %dma_wait3A_328 : memref<1x128x32xf32, #tpu.memory_space<vmem>> -> memref<128x32xf32, #tpu.memory_space<vmem>>
      %dma_wait3A_330 = arith.constant 0 : i32
      %dma_wait3A_331 = tpu.memref_slice %arg7[%sub3A_323, %dma_wait3A_330] : memref<160x128xi32, #tpu.memory_space<vmem>> -> memref<1x128xi32, #tpu.memory_space<vmem>>
      %dma_wait3A_332 = tpu.memref_squeeze %dma_wait3A_331 : memref<1x128xi32, #tpu.memory_space<vmem>> -> memref<128xi32, #tpu.memory_space<vmem>>
      %dma_wait3A_333 = arith.constant 0 : i32
      %dma_wait3A_334 = arith.constant 0 : i32
      %dma_wait3A_335 = tpu.memref_slice %arg13[%dma_wait3A_333, %dma_wait3A_334] : memref<10240x32xf32, #tpu.memory_space<vmem_shared>> -> memref<10240x32xf32, #tpu.memory_space<vmem_shared>>
      %dma_wait3A_336 = tpu.memref_slice %arg11[%dma_wait3A_325] : memref<4x!tpu.dma_semaphore, #tpu.memory_space<semaphore_mem>> -> memref<1x!tpu.dma_semaphore, #tpu.memory_space<semaphore_mem>>
      %dma_wait3A_337 = tpu.memref_squeeze %dma_wait3A_336 : memref<1x!tpu.dma_semaphore, #tpu.memory_space<semaphore_mem>> -> memref<!tpu.dma_semaphore, #tpu.memory_space<semaphore_mem>>
      tpu.wait_indirect_dma semaphore(%dma_wait3A_337 : memref<!tpu.dma_semaphore, #tpu.memory_space<semaphore_mem>>) src(%dma_wait3A_329 : memref<128x32xf32, #tpu.memory_space<vmem>>) dst(%dma_wait3A_335 : memref<10240x32xf32, #tpu.memory_space<vmem_shared>>)
      %lt3A_338 = arith.constant 39 : i32
      %lt3A_339 = arith.cmpi slt, %scan3A_254, %lt3A_338 : i32
      %convert_element_type3A_340 = arith.extui %lt3A_339 : i1 to i32
      %cond3A_341 = arith.constant 0 : i32
      %cond3A_342 = arith.cmpi ne, %convert_element_type3A_340, %cond3A_341 : i32
      scf.if %cond3A_342 {
        %sub3A_449 = arith.constant 1 : i32
        %sub3A_450 = arith.subi %add3A_294, %sub3A_449 : i32
        %add3A_451 = arith.constant 4 : i32
        %add3A_452 = arith.addi %sub3A_450, %add3A_451 : i32
        %dma_start3A_453 = arith.constant 0 : i32
        %dma_start3A_454 = arith.constant 0 : i32
        %dma_start3A_455 = arith.constant 0 : i32
        %dma_start3A_456 = arith.constant 0 : i32
        %dma_start3A_457 = tpu.memref_slice %arg8[%dma_start3A_453, %dma_start3A_455, %dma_start3A_456] : memref<4x128x32xf32, #tpu.memory_space<vmem>> -> memref<1x128x32xf32, #tpu.memory_space<vmem>>
        %dma_start3A_458 = tpu.memref_squeeze %dma_start3A_457 : memref<1x128x32xf32, #tpu.memory_space<vmem>> -> memref<128x32xf32, #tpu.memory_space<vmem>>
        %dma_start3A_459 = arith.constant 0 : i32
        %dma_start3A_460 = tpu.memref_slice %arg6[%add3A_452, %dma_start3A_459] : memref<160x128xi32, #tpu.memory_space<vmem>> -> memref<1x128xi32, #tpu.memory_space<vmem>>
        %dma_start3A_461 = tpu.memref_squeeze %dma_start3A_460 : memref<1x128xi32, #tpu.memory_space<vmem>> -> memref<128xi32, #tpu.memory_space<vmem>>
        %dma_start3A_462 = arith.constant 0 : i32
        %dma_start3A_463 = arith.constant 0 : i32
        %dma_start3A_464 = tpu.memref_slice %arg12[%dma_start3A_462, %dma_start3A_463] : memref<10240x32xf32, #tpu.memory_space<vmem_shared>> -> memref<10240x32xf32, #tpu.memory_space<vmem_shared>>
        %dma_start3A_465 = tpu.memref_slice %arg10[%dma_start3A_454] : memref<4x!tpu.dma_semaphore, #tpu.memory_space<semaphore_mem>> -> memref<1x!tpu.dma_semaphore, #tpu.memory_space<semaphore_mem>>
        %dma_start3A_466 = tpu.memref_squeeze %dma_start3A_465 : memref<1x!tpu.dma_semaphore, #tpu.memory_space<semaphore_mem>> -> memref<!tpu.dma_semaphore, #tpu.memory_space<semaphore_mem>>
        tpu.enqueue_indirect_dma source(%dma_start3A_464 : memref<10240x32xf32, #tpu.memory_space<vmem_shared>>) target(%dma_start3A_458 : memref<128x32xf32, #tpu.memory_space<vmem>>) offsets(%dma_start3A_461 : memref<128xi32, #tpu.memory_space<vmem>>) semaphore(%dma_start3A_466 : memref<!tpu.dma_semaphore, #tpu.memory_space<semaphore_mem>>)
      } else {
      }
      %mul3A_343 = arith.constant 4 : i32
      %mul3A_344 = arith.muli %scan3A_254, %mul3A_343 : i32
      %add3A_345 = arith.constant 2 : i32
      %add3A_346 = arith.addi %mul3A_344, %add3A_345 : i32
      %dma_wait3A_347 = arith.constant 2 : i32
      %dma_wait3A_348 = arith.constant 2 : i32
      %dma_wait3A_349 = arith.constant 0 : i32
      %dma_wait3A_350 = arith.constant 0 : i32
      %dma_wait3A_351 = tpu.memref_slice %arg8[%dma_wait3A_347, %dma_wait3A_349, %dma_wait3A_350] : memref<4x128x32xf32, #tpu.memory_space<vmem>> -> memref<1x128x32xf32, #tpu.memory_space<vmem>>
      %dma_wait3A_352 = tpu.memref_squeeze %dma_wait3A_351 : memref<1x128x32xf32, #tpu.memory_space<vmem>> -> memref<128x32xf32, #tpu.memory_space<vmem>>
      %dma_wait3A_353 = arith.constant 0 : i32
      %dma_wait3A_354 = tpu.memref_slice %arg6[%add3A_346, %dma_wait3A_353] : memref<160x128xi32, #tpu.memory_space<vmem>> -> memref<1x128xi32, #tpu.memory_space<vmem>>
      %dma_wait3A_355 = tpu.memref_squeeze %dma_wait3A_354 : memref<1x128xi32, #tpu.memory_space<vmem>> -> memref<128xi32, #tpu.memory_space<vmem>>
      %dma_wait3A_356 = arith.constant 0 : i32
      %dma_wait3A_357 = arith.constant 0 : i32
      %dma_wait3A_358 = tpu.memref_slice %arg12[%dma_wait3A_356, %dma_wait3A_357] : memref<10240x32xf32, #tpu.memory_space<vmem_shared>> -> memref<10240x32xf32, #tpu.memory_space<vmem_shared>>
      %dma_wait3A_359 = tpu.memref_slice %arg10[%dma_wait3A_348] : memref<4x!tpu.dma_semaphore, #tpu.memory_space<semaphore_mem>> -> memref<1x!tpu.dma_semaphore, #tpu.memory_space<semaphore_mem>>
      %dma_wait3A_360 = tpu.memref_squeeze %dma_wait3A_359 : memref<1x!tpu.dma_semaphore, #tpu.memory_space<semaphore_mem>> -> memref<!tpu.dma_semaphore, #tpu.memory_space<semaphore_mem>>
      tpu.wait_indirect_dma semaphore(%dma_wait3A_360 : memref<!tpu.dma_semaphore, #tpu.memory_space<semaphore_mem>>) src(%dma_wait3A_358 : memref<10240x32xf32, #tpu.memory_space<vmem_shared>>) dst(%dma_wait3A_352 : memref<128x32xf32, #tpu.memory_space<vmem>>)
      %dma_start3A_361 = arith.constant 2 : i32
      %dma_start3A_362 = arith.constant 2 : i32
      %dma_start3A_363 = arith.constant 0 : i32
      %dma_start3A_364 = arith.constant 0 : i32
      %dma_start3A_365 = tpu.memref_slice %arg8[%dma_start3A_361, %dma_start3A_363, %dma_start3A_364] : memref<4x128x32xf32, #tpu.memory_space<vmem>> -> memref<1x128x32xf32, #tpu.memory_space<vmem>>
      %dma_start3A_366 = tpu.memref_squeeze %dma_start3A_365 : memref<1x128x32xf32, #tpu.memory_space<vmem>> -> memref<128x32xf32, #tpu.memory_space<vmem>>
      %dma_start3A_367 = arith.constant 0 : i32
      %dma_start3A_368 = tpu.memref_slice %arg7[%add3A_346, %dma_start3A_367] : memref<160x128xi32, #tpu.memory_space<vmem>> -> memref<1x128xi32, #tpu.memory_space<vmem>>
      %dma_start3A_369 = tpu.memref_squeeze %dma_start3A_368 : memref<1x128xi32, #tpu.memory_space<vmem>> -> memref<128xi32, #tpu.memory_space<vmem>>
      %dma_start3A_370 = arith.constant 0 : i32
      %dma_start3A_371 = arith.constant 0 : i32
      %dma_start3A_372 = tpu.memref_slice %arg13[%dma_start3A_370, %dma_start3A_371] : memref<10240x32xf32, #tpu.memory_space<vmem_shared>> -> memref<10240x32xf32, #tpu.memory_space<vmem_shared>>
      %dma_start3A_373 = tpu.memref_slice %arg11[%dma_start3A_362] : memref<4x!tpu.dma_semaphore, #tpu.memory_space<semaphore_mem>> -> memref<1x!tpu.dma_semaphore, #tpu.memory_space<semaphore_mem>>
      %dma_start3A_374 = tpu.memref_squeeze %dma_start3A_373 : memref<1x!tpu.dma_semaphore, #tpu.memory_space<semaphore_mem>> -> memref<!tpu.dma_semaphore, #tpu.memory_space<semaphore_mem>>
      tpu.enqueue_indirect_dma source(%dma_start3A_366 : memref<128x32xf32, #tpu.memory_space<vmem>>) target(%dma_start3A_372 : memref<10240x32xf32, #tpu.memory_space<vmem_shared>>) offsets(%dma_start3A_369 : memref<128xi32, #tpu.memory_space<vmem>>) semaphore(%dma_start3A_374 : memref<!tpu.dma_semaphore, #tpu.memory_space<semaphore_mem>>) {add = true}
      %sub3A_375 = arith.constant 1 : i32
      %sub3A_376 = arith.subi %add3A_346, %sub3A_375 : i32
      %dma_wait3A_377 = arith.constant 1 : i32
      %dma_wait3A_378 = arith.constant 1 : i32
      %dma_wait3A_379 = arith.constant 0 : i32
      %dma_wait3A_380 = arith.constant 0 : i32
      %dma_wait3A_381 = tpu.memref_slice %arg8[%dma_wait3A_377, %dma_wait3A_379, %dma_wait3A_380] : memref<4x128x32xf32, #tpu.memory_space<vmem>> -> memref<1x128x32xf32, #tpu.memory_space<vmem>>
      %dma_wait3A_382 = tpu.memref_squeeze %dma_wait3A_381 : memref<1x128x32xf32, #tpu.memory_space<vmem>> -> memref<128x32xf32, #tpu.memory_space<vmem>>
      %dma_wait3A_383 = arith.constant 0 : i32
      %dma_wait3A_384 = tpu.memref_slice %arg7[%sub3A_376, %dma_wait3A_383] : memref<160x128xi32, #tpu.memory_space<vmem>> -> memref<1x128xi32, #tpu.memory_space<vmem>>
      %dma_wait3A_385 = tpu.memref_squeeze %dma_wait3A_384 : memref<1x128xi32, #tpu.memory_space<vmem>> -> memref<128xi32, #tpu.memory_space<vmem>>
      %dma_wait3A_386 = arith.constant 0 : i32
      %dma_wait3A_387 = arith.constant 0 : i32
      %dma_wait3A_388 = tpu.memref_slice %arg13[%dma_wait3A_386, %dma_wait3A_387] : memref<10240x32xf32, #tpu.memory_space<vmem_shared>> -> memref<10240x32xf32, #tpu.memory_space<vmem_shared>>
      %dma_wait3A_389 = tpu.memref_slice %arg11[%dma_wait3A_378] : memref<4x!tpu.dma_semaphore, #tpu.memory_space<semaphore_mem>> -> memref<1x!tpu.dma_semaphore, #tpu.memory_space<semaphore_mem>>
      %dma_wait3A_390 = tpu.memref_squeeze %dma_wait3A_389 : memref<1x!tpu.dma_semaphore, #tpu.memory_space<semaphore_mem>> -> memref<!tpu.dma_semaphore, #tpu.memory_space<semaphore_mem>>
      tpu.wait_indirect_dma semaphore(%dma_wait3A_390 : memref<!tpu.dma_semaphore, #tpu.memory_space<semaphore_mem>>) src(%dma_wait3A_382 : memref<128x32xf32, #tpu.memory_space<vmem>>) dst(%dma_wait3A_388 : memref<10240x32xf32, #tpu.memory_space<vmem_shared>>)
      %lt3A_391 = arith.constant 39 : i32
      %lt3A_392 = arith.cmpi slt, %scan3A_254, %lt3A_391 : i32
      %convert_element_type3A_393 = arith.extui %lt3A_392 : i1 to i32
      %cond3A_394 = arith.constant 0 : i32
      %cond3A_395 = arith.cmpi ne, %convert_element_type3A_393, %cond3A_394 : i32
      scf.if %cond3A_395 {
        %sub3A_449 = arith.constant 1 : i32
        %sub3A_450 = arith.subi %add3A_346, %sub3A_449 : i32
        %add3A_451 = arith.constant 4 : i32
        %add3A_452 = arith.addi %sub3A_450, %add3A_451 : i32
        %dma_start3A_453 = arith.constant 1 : i32
        %dma_start3A_454 = arith.constant 1 : i32
        %dma_start3A_455 = arith.constant 0 : i32
        %dma_start3A_456 = arith.constant 0 : i32
        %dma_start3A_457 = tpu.memref_slice %arg8[%dma_start3A_453, %dma_start3A_455, %dma_start3A_456] : memref<4x128x32xf32, #tpu.memory_space<vmem>> -> memref<1x128x32xf32, #tpu.memory_space<vmem>>
        %dma_start3A_458 = tpu.memref_squeeze %dma_start3A_457 : memref<1x128x32xf32, #tpu.memory_space<vmem>> -> memref<128x32xf32, #tpu.memory_space<vmem>>
        %dma_start3A_459 = arith.constant 0 : i32
        %dma_start3A_460 = tpu.memref_slice %arg6[%add3A_452, %dma_start3A_459] : memref<160x128xi32, #tpu.memory_space<vmem>> -> memref<1x128xi32, #tpu.memory_space<vmem>>
        %dma_start3A_461 = tpu.memref_squeeze %dma_start3A_460 : memref<1x128xi32, #tpu.memory_space<vmem>> -> memref<128xi32, #tpu.memory_space<vmem>>
        %dma_start3A_462 = arith.constant 0 : i32
        %dma_start3A_463 = arith.constant 0 : i32
        %dma_start3A_464 = tpu.memref_slice %arg12[%dma_start3A_462, %dma_start3A_463] : memref<10240x32xf32, #tpu.memory_space<vmem_shared>> -> memref<10240x32xf32, #tpu.memory_space<vmem_shared>>
        %dma_start3A_465 = tpu.memref_slice %arg10[%dma_start3A_454] : memref<4x!tpu.dma_semaphore, #tpu.memory_space<semaphore_mem>> -> memref<1x!tpu.dma_semaphore, #tpu.memory_space<semaphore_mem>>
        %dma_start3A_466 = tpu.memref_squeeze %dma_start3A_465 : memref<1x!tpu.dma_semaphore, #tpu.memory_space<semaphore_mem>> -> memref<!tpu.dma_semaphore, #tpu.memory_space<semaphore_mem>>
        tpu.enqueue_indirect_dma source(%dma_start3A_464 : memref<10240x32xf32, #tpu.memory_space<vmem_shared>>) target(%dma_start3A_458 : memref<128x32xf32, #tpu.memory_space<vmem>>) offsets(%dma_start3A_461 : memref<128xi32, #tpu.memory_space<vmem>>) semaphore(%dma_start3A_466 : memref<!tpu.dma_semaphore, #tpu.memory_space<semaphore_mem>>)
      } else {
      }
      %mul3A_396 = arith.constant 4 : i32
      %mul3A_397 = arith.muli %scan3A_254, %mul3A_396 : i32
      %add3A_398 = arith.constant 3 : i32
      %add3A_399 = arith.addi %mul3A_397, %add3A_398 : i32
      %dma_wait3A_400 = arith.constant 3 : i32
      %dma_wait3A_401 = arith.constant 3 : i32
      %dma_wait3A_402 = arith.constant 0 : i32
      %dma_wait3A_403 = arith.constant 0 : i32
      %dma_wait3A_404 = tpu.memref_slice %arg8[%dma_wait3A_400, %dma_wait3A_402, %dma_wait3A_403] : memref<4x128x32xf32, #tpu.memory_space<vmem>> -> memref<1x128x32xf32, #tpu.memory_space<vmem>>
      %dma_wait3A_405 = tpu.memref_squeeze %dma_wait3A_404 : memref<1x128x32xf32, #tpu.memory_space<vmem>> -> memref<128x32xf32, #tpu.memory_space<vmem>>
      %dma_wait3A_406 = arith.constant 0 : i32
      %dma_wait3A_407 = tpu.memref_slice %arg6[%add3A_399, %dma_wait3A_406] : memref<160x128xi32, #tpu.memory_space<vmem>> -> memref<1x128xi32, #tpu.memory_space<vmem>>
      %dma_wait3A_408 = tpu.memref_squeeze %dma_wait3A_407 : memref<1x128xi32, #tpu.memory_space<vmem>> -> memref<128xi32, #tpu.memory_space<vmem>>
      %dma_wait3A_409 = arith.constant 0 : i32
      %dma_wait3A_410 = arith.constant 0 : i32
      %dma_wait3A_411 = tpu.memref_slice %arg12[%dma_wait3A_409, %dma_wait3A_410] : memref<10240x32xf32, #tpu.memory_space<vmem_shared>> -> memref<10240x32xf32, #tpu.memory_space<vmem_shared>>
      %dma_wait3A_412 = tpu.memref_slice %arg10[%dma_wait3A_401] : memref<4x!tpu.dma_semaphore, #tpu.memory_space<semaphore_mem>> -> memref<1x!tpu.dma_semaphore, #tpu.memory_space<semaphore_mem>>
      %dma_wait3A_413 = tpu.memref_squeeze %dma_wait3A_412 : memref<1x!tpu.dma_semaphore, #tpu.memory_space<semaphore_mem>> -> memref<!tpu.dma_semaphore, #tpu.memory_space<semaphore_mem>>
      tpu.wait_indirect_dma semaphore(%dma_wait3A_413 : memref<!tpu.dma_semaphore, #tpu.memory_space<semaphore_mem>>) src(%dma_wait3A_411 : memref<10240x32xf32, #tpu.memory_space<vmem_shared>>) dst(%dma_wait3A_405 : memref<128x32xf32, #tpu.memory_space<vmem>>)
      %dma_start3A_414 = arith.constant 3 : i32
      %dma_start3A_415 = arith.constant 3 : i32
      %dma_start3A_416 = arith.constant 0 : i32
      %dma_start3A_417 = arith.constant 0 : i32
      %dma_start3A_418 = tpu.memref_slice %arg8[%dma_start3A_414, %dma_start3A_416, %dma_start3A_417] : memref<4x128x32xf32, #tpu.memory_space<vmem>> -> memref<1x128x32xf32, #tpu.memory_space<vmem>>
      %dma_start3A_419 = tpu.memref_squeeze %dma_start3A_418 : memref<1x128x32xf32, #tpu.memory_space<vmem>> -> memref<128x32xf32, #tpu.memory_space<vmem>>
      %dma_start3A_420 = arith.constant 0 : i32
      %dma_start3A_421 = tpu.memref_slice %arg7[%add3A_399, %dma_start3A_420] : memref<160x128xi32, #tpu.memory_space<vmem>> -> memref<1x128xi32, #tpu.memory_space<vmem>>
      %dma_start3A_422 = tpu.memref_squeeze %dma_start3A_421 : memref<1x128xi32, #tpu.memory_space<vmem>> -> memref<128xi32, #tpu.memory_space<vmem>>
      %dma_start3A_423 = arith.constant 0 : i32
      %dma_start3A_424 = arith.constant 0 : i32
      %dma_start3A_425 = tpu.memref_slice %arg13[%dma_start3A_423, %dma_start3A_424] : memref<10240x32xf32, #tpu.memory_space<vmem_shared>> -> memref<10240x32xf32, #tpu.memory_space<vmem_shared>>
      %dma_start3A_426 = tpu.memref_slice %arg11[%dma_start3A_415] : memref<4x!tpu.dma_semaphore, #tpu.memory_space<semaphore_mem>> -> memref<1x!tpu.dma_semaphore, #tpu.memory_space<semaphore_mem>>
      %dma_start3A_427 = tpu.memref_squeeze %dma_start3A_426 : memref<1x!tpu.dma_semaphore, #tpu.memory_space<semaphore_mem>> -> memref<!tpu.dma_semaphore, #tpu.memory_space<semaphore_mem>>
      tpu.enqueue_indirect_dma source(%dma_start3A_419 : memref<128x32xf32, #tpu.memory_space<vmem>>) target(%dma_start3A_425 : memref<10240x32xf32, #tpu.memory_space<vmem_shared>>) offsets(%dma_start3A_422 : memref<128xi32, #tpu.memory_space<vmem>>) semaphore(%dma_start3A_427 : memref<!tpu.dma_semaphore, #tpu.memory_space<semaphore_mem>>) {add = true}
      %sub3A_428 = arith.constant 1 : i32
      %sub3A_429 = arith.subi %add3A_399, %sub3A_428 : i32
      %dma_wait3A_430 = arith.constant 2 : i32
      %dma_wait3A_431 = arith.constant 2 : i32
      %dma_wait3A_432 = arith.constant 0 : i32
      %dma_wait3A_433 = arith.constant 0 : i32
      %dma_wait3A_434 = tpu.memref_slice %arg8[%dma_wait3A_430, %dma_wait3A_432, %dma_wait3A_433] : memref<4x128x32xf32, #tpu.memory_space<vmem>> -> memref<1x128x32xf32, #tpu.memory_space<vmem>>
      %dma_wait3A_435 = tpu.memref_squeeze %dma_wait3A_434 : memref<1x128x32xf32, #tpu.memory_space<vmem>> -> memref<128x32xf32, #tpu.memory_space<vmem>>
      %dma_wait3A_436 = arith.constant 0 : i32
      %dma_wait3A_437 = tpu.memref_slice %arg7[%sub3A_429, %dma_wait3A_436] : memref<160x128xi32, #tpu.memory_space<vmem>> -> memref<1x128xi32, #tpu.memory_space<vmem>>
      %dma_wait3A_438 = tpu.memref_squeeze %dma_wait3A_437 : memref<1x128xi32, #tpu.memory_space<vmem>> -> memref<128xi32, #tpu.memory_space<vmem>>
      %dma_wait3A_439 = arith.constant 0 : i32
      %dma_wait3A_440 = arith.constant 0 : i32
      %dma_wait3A_441 = tpu.memref_slice %arg13[%dma_wait3A_439, %dma_wait3A_440] : memref<10240x32xf32, #tpu.memory_space<vmem_shared>> -> memref<10240x32xf32, #tpu.memory_space<vmem_shared>>
      %dma_wait3A_442 = tpu.memref_slice %arg11[%dma_wait3A_431] : memref<4x!tpu.dma_semaphore, #tpu.memory_space<semaphore_mem>> -> memref<1x!tpu.dma_semaphore, #tpu.memory_space<semaphore_mem>>
      %dma_wait3A_443 = tpu.memref_squeeze %dma_wait3A_442 : memref<1x!tpu.dma_semaphore, #tpu.memory_space<semaphore_mem>> -> memref<!tpu.dma_semaphore, #tpu.memory_space<semaphore_mem>>
      tpu.wait_indirect_dma semaphore(%dma_wait3A_443 : memref<!tpu.dma_semaphore, #tpu.memory_space<semaphore_mem>>) src(%dma_wait3A_435 : memref<128x32xf32, #tpu.memory_space<vmem>>) dst(%dma_wait3A_441 : memref<10240x32xf32, #tpu.memory_space<vmem_shared>>)
      %lt3A_444 = arith.constant 39 : i32
      %lt3A_445 = arith.cmpi slt, %scan3A_254, %lt3A_444 : i32
      %convert_element_type3A_446 = arith.extui %lt3A_445 : i1 to i32
      %cond3A_447 = arith.constant 0 : i32
      %cond3A_448 = arith.cmpi ne, %convert_element_type3A_446, %cond3A_447 : i32
      scf.if %cond3A_448 {
        %sub3A_449 = arith.constant 1 : i32
        %sub3A_450 = arith.subi %add3A_399, %sub3A_449 : i32
        %add3A_451 = arith.constant 4 : i32
        %add3A_452 = arith.addi %sub3A_450, %add3A_451 : i32
        %dma_start3A_453 = arith.constant 2 : i32
        %dma_start3A_454 = arith.constant 2 : i32
        %dma_start3A_455 = arith.constant 0 : i32
        %dma_start3A_456 = arith.constant 0 : i32
        %dma_start3A_457 = tpu.memref_slice %arg8[%dma_start3A_453, %dma_start3A_455, %dma_start3A_456] : memref<4x128x32xf32, #tpu.memory_space<vmem>> -> memref<1x128x32xf32, #tpu.memory_space<vmem>>
        %dma_start3A_458 = tpu.memref_squeeze %dma_start3A_457 : memref<1x128x32xf32, #tpu.memory_space<vmem>> -> memref<128x32xf32, #tpu.memory_space<vmem>>
        %dma_start3A_459 = arith.constant 0 : i32
        %dma_start3A_460 = tpu.memref_slice %arg6[%add3A_452, %dma_start3A_459] : memref<160x128xi32, #tpu.memory_space<vmem>> -> memref<1x128xi32, #tpu.memory_space<vmem>>
        %dma_start3A_461 = tpu.memref_squeeze %dma_start3A_460 : memref<1x128xi32, #tpu.memory_space<vmem>> -> memref<128xi32, #tpu.memory_space<vmem>>
        %dma_start3A_462 = arith.constant 0 : i32
        %dma_start3A_463 = arith.constant 0 : i32
        %dma_start3A_464 = tpu.memref_slice %arg12[%dma_start3A_462, %dma_start3A_463] : memref<10240x32xf32, #tpu.memory_space<vmem_shared>> -> memref<10240x32xf32, #tpu.memory_space<vmem_shared>>
        %dma_start3A_465 = tpu.memref_slice %arg10[%dma_start3A_454] : memref<4x!tpu.dma_semaphore, #tpu.memory_space<semaphore_mem>> -> memref<1x!tpu.dma_semaphore, #tpu.memory_space<semaphore_mem>>
        %dma_start3A_466 = tpu.memref_squeeze %dma_start3A_465 : memref<1x!tpu.dma_semaphore, #tpu.memory_space<semaphore_mem>> -> memref<!tpu.dma_semaphore, #tpu.memory_space<semaphore_mem>>
        tpu.enqueue_indirect_dma source(%dma_start3A_464 : memref<10240x32xf32, #tpu.memory_space<vmem_shared>>) target(%dma_start3A_458 : memref<128x32xf32, #tpu.memory_space<vmem>>) offsets(%dma_start3A_461 : memref<128xi32, #tpu.memory_space<vmem>>) semaphore(%dma_start3A_466 : memref<!tpu.dma_semaphore, #tpu.memory_space<semaphore_mem>>)
      } else {
      }
    }
    %scan3A_227 = arith.constant 40 : i32
    %dma_wait3A_228 = arith.constant 3 : i32
    %dma_wait3A_229 = arith.constant 159 : i32
    %dma_wait3A_230 = arith.constant 3 : i32
    %dma_wait3A_231 = arith.constant 0 : i32
    %dma_wait3A_232 = arith.constant 0 : i32
    %dma_wait3A_233 = tpu.memref_slice %arg8[%dma_wait3A_228, %dma_wait3A_231, %dma_wait3A_232] : memref<4x128x32xf32, #tpu.memory_space<vmem>> -> memref<1x128x32xf32, #tpu.memory_space<vmem>>
    %dma_wait3A_234 = tpu.memref_squeeze %dma_wait3A_233 : memref<1x128x32xf32, #tpu.memory_space<vmem>> -> memref<128x32xf32, #tpu.memory_space<vmem>>
    %dma_wait3A_235 = arith.constant 0 : i32
    %dma_wait3A_236 = tpu.memref_slice %arg7[%dma_wait3A_229, %dma_wait3A_235] : memref<160x128xi32, #tpu.memory_space<vmem>> -> memref<1x128xi32, #tpu.memory_space<vmem>>
    %dma_wait3A_237 = tpu.memref_squeeze %dma_wait3A_236 : memref<1x128xi32, #tpu.memory_space<vmem>> -> memref<128xi32, #tpu.memory_space<vmem>>
    %dma_wait3A_238 = arith.constant 0 : i32
    %dma_wait3A_239 = arith.constant 0 : i32
    %dma_wait3A_240 = tpu.memref_slice %arg13[%dma_wait3A_238, %dma_wait3A_239] : memref<10240x32xf32, #tpu.memory_space<vmem_shared>> -> memref<10240x32xf32, #tpu.memory_space<vmem_shared>>
    %dma_wait3A_241 = tpu.memref_slice %arg11[%dma_wait3A_230] : memref<4x!tpu.dma_semaphore, #tpu.memory_space<semaphore_mem>> -> memref<1x!tpu.dma_semaphore, #tpu.memory_space<semaphore_mem>>
    %dma_wait3A_242 = tpu.memref_squeeze %dma_wait3A_241 : memref<1x!tpu.dma_semaphore, #tpu.memory_space<semaphore_mem>> -> memref<!tpu.dma_semaphore, #tpu.memory_space<semaphore_mem>>
    tpu.wait_indirect_dma semaphore(%dma_wait3A_242 : memref<!tpu.dma_semaphore, #tpu.memory_space<semaphore_mem>>) src(%dma_wait3A_234 : memref<128x32xf32, #tpu.memory_space<vmem>>) dst(%dma_wait3A_240 : memref<10240x32xf32, #tpu.memory_space<vmem_shared>>)
    %barrier3A_243 = arith.constant 0 : index
    tpu.barrier barrier_id(%barrier3A_243)
    %lt3A_244 = arith.constant 15 : i32
    %lt3A_245 = arith.cmpi slt, %arg1, %lt3A_244 : i32
    %convert_element_type3A_246 = arith.extui %lt3A_245 : i1 to i32
    %cond3A_247 = arith.constant 0 : i32
    %cond3A_248 = arith.cmpi ne, %convert_element_type3A_246, %cond3A_247 : i32
    scf.if %cond3A_248 {
      %mul3A_254 = arith.constant 640 : i32
      %mul3A_255 = arith.muli %arg1, %mul3A_254 : i32
      %mul3A_256 = arith.constant 640 : i32
      %mul3A_257 = arith.muli %arg1, %mul3A_256 : i32
      %add3A_258 = arith.addi %mul3A_130, %mul3A_257 : i32
      "tpu.region"() ({
        %run_scoped3A = tpu.sem_alloc : memref<!tpu.dma_semaphore, #tpu.memory_space<semaphore_mem>>
        %dma_start3A_259 = arith.constant 0 : i32
        %dma_start3A_260 = tpu.memref_slice %arg5[%add3A_258, %dma_start3A_259] : memref<40000x32xf32, #tpu.memory_space<hbm>> -> memref<640x32xf32, #tpu.memory_space<hbm>>
        %dma_start3A_261 = arith.constant 0 : i32
        %dma_start3A_262 = tpu.memref_slice %arg13[%mul3A_255, %dma_start3A_261] : memref<10240x32xf32, #tpu.memory_space<vmem_shared>> -> memref<640x32xf32, #tpu.memory_space<vmem_shared>>
        tpu.enqueue_dma source(%dma_start3A_262 : memref<640x32xf32, #tpu.memory_space<vmem_shared>>) target(%dma_start3A_260 : memref<640x32xf32, #tpu.memory_space<hbm>>) target_semaphore(%run_scoped3A : memref<!tpu.dma_semaphore, #tpu.memory_space<semaphore_mem>>)
        %dma_wait3A_263 = arith.constant 0 : i32
        %dma_wait3A_264 = tpu.memref_slice %arg5[%add3A_258, %dma_wait3A_263] : memref<40000x32xf32, #tpu.memory_space<hbm>> -> memref<640x32xf32, #tpu.memory_space<hbm>>
        %dma_wait3A_265 = arith.constant 0 : i32
        %dma_wait3A_266 = tpu.memref_slice %arg13[%mul3A_255, %dma_wait3A_265] : memref<10240x32xf32, #tpu.memory_space<vmem_shared>> -> memref<640x32xf32, #tpu.memory_space<vmem_shared>>
        tpu.wait_dma2 semaphore(%run_scoped3A : memref<!tpu.dma_semaphore, #tpu.memory_space<semaphore_mem>>) src(%dma_wait3A_266 : memref<640x32xf32, #tpu.memory_space<vmem_shared>>) dst(%dma_wait3A_264 : memref<640x32xf32, #tpu.memory_space<hbm>>)
        tpu.yield
      }) : () -> ()
    } else {
    }
    %eq3A_249 = arith.constant 15 : i32
    %eq3A_250 = arith.cmpi eq, %arg1, %eq3A_249 : i32
    %convert_element_type3A_251 = arith.extui %eq3A_250 : i1 to i32
    %cond3A_252 = arith.constant 0 : i32
    %cond3A_253 = arith.cmpi ne, %convert_element_type3A_251, %cond3A_252 : i32
    scf.if %cond3A_253 {
      %add3A_254 = arith.constant 9600 : i32
      %add3A_255 = arith.addi %mul3A_130, %add3A_254 : i32
      "tpu.region"() ({
        %run_scoped3A = tpu.sem_alloc : memref<!tpu.dma_semaphore, #tpu.memory_space<semaphore_mem>>
        %dma_start3A_256 = arith.constant 0 : i32
        %dma_start3A_257 = tpu.memref_slice %arg5[%add3A_255, %dma_start3A_256] : memref<40000x32xf32, #tpu.memory_space<hbm>> -> memref<400x32xf32, #tpu.memory_space<hbm>>
        %dma_start3A_258 = arith.constant 9600 : i32
        %dma_start3A_259 = arith.constant 0 : i32
        %dma_start3A_260 = tpu.memref_slice %arg13[%dma_start3A_258, %dma_start3A_259] : memref<10240x32xf32, #tpu.memory_space<vmem_shared>> -> memref<400x32xf32, #tpu.memory_space<vmem_shared>>
        tpu.enqueue_dma source(%dma_start3A_260 : memref<400x32xf32, #tpu.memory_space<vmem_shared>>) target(%dma_start3A_257 : memref<400x32xf32, #tpu.memory_space<hbm>>) target_semaphore(%run_scoped3A : memref<!tpu.dma_semaphore, #tpu.memory_space<semaphore_mem>>)
        %dma_wait3A_261 = arith.constant 0 : i32
        %dma_wait3A_262 = tpu.memref_slice %arg5[%add3A_255, %dma_wait3A_261] : memref<40000x32xf32, #tpu.memory_space<hbm>> -> memref<400x32xf32, #tpu.memory_space<hbm>>
        %dma_wait3A_263 = arith.constant 9600 : i32
        %dma_wait3A_264 = arith.constant 0 : i32
        %dma_wait3A_265 = tpu.memref_slice %arg13[%dma_wait3A_263, %dma_wait3A_264] : memref<10240x32xf32, #tpu.memory_space<vmem_shared>> -> memref<400x32xf32, #tpu.memory_space<vmem_shared>>
        tpu.wait_dma2 semaphore(%run_scoped3A : memref<!tpu.dma_semaphore, #tpu.memory_space<semaphore_mem>>) src(%dma_wait3A_265 : memref<400x32xf32, #tpu.memory_space<vmem_shared>>) dst(%dma_wait3A_262 : memref<400x32xf32, #tpu.memory_space<hbm>>)
        tpu.yield
      }) : () -> ()
    } else {
    }
    return
  }
}

module attributes {stable_mosaic.version = 14 : i64} {
  func.func @_scale_x_body(%arg0: i32, %arg1: memref<2000x128xf32, #tpu.memory_space<vmem>>, %arg2: memref<2x2000x1xf32, #tpu.memory_space<vmem>>, %arg3: memref<4x2000x32xf32, #tpu.memory_space<vmem>>, %arg4: memref<2000x1xf32, #tpu.memory_space<vmem>>) attributes {dimension_semantics = [#tpu.dimension_semantics<arbitrary>], iteration_bounds = array<i64: 5>, scalar_prefetch = 0 : i64, scratch_operands = 0 : i64, tpu.core_type = #tpu.core_type<tc>, window_params = [{transform_indices = @transform_0, window_bounds = array<i64: 2000, 128>}, {transform_indices = @transform_1, window_bounds = array<i64: 2, 2000, 1>}, {transform_indices = @transform_2, window_bounds = array<i64: 4, 2000, 32>}, {transform_indices = @transform_3, window_bounds = array<i64: 2000, 1>}]} {
    %get3A = arith.constant 0 : index
    %get3A_0 = arith.constant 0 : index
    %get3A_1 = arith.constant 0 : index
    %get3A_2 = vector.load %arg2[%get3A, %get3A_0, %get3A_1] : memref<2x2000x1xf32, #tpu.memory_space<vmem>>, vector<1x2000x1xf32>
    %get3A_3 = vector.shape_cast %get3A_2 : vector<1x2000x1xf32> to vector<2000x1xf32>
    %get3A_4 = arith.constant 1 : index
    %get3A_5 = arith.constant 0 : index
    %get3A_6 = arith.constant 0 : index
    %get3A_7 = vector.load %arg2[%get3A_4, %get3A_5, %get3A_6] : memref<2x2000x1xf32, #tpu.memory_space<vmem>>, vector<1x2000x1xf32>
    %get3A_8 = vector.shape_cast %get3A_7 : vector<1x2000x1xf32> to vector<2000x1xf32>
    %add3A = arith.addf %get3A_3, %get3A_8 : vector<2000x1xf32>
    %add3A_9 = arith.constant 1.000000e+00 : f32
    %add3A_10 = vector.broadcast %add3A_9 : f32 to vector<2000x1xf32>
    %add3A_11 = arith.addf %add3A, %add3A_10 : vector<2000x1xf32>
    %rsqrt3A = math.rsqrt %add3A_11 : vector<2000x1xf32>
    %swap3A = arith.constant 0 : index
    %swap3A_12 = arith.constant 0 : index
    %swap3A_13 = vector.load %arg4[%swap3A, %swap3A_12] : memref<2000x1xf32, #tpu.memory_space<vmem>>, vector<2000x1xf32>
    tpu.vector_store %arg4[%swap3A, %swap3A_12], %rsqrt3A {strides = array<i32>} : memref<2000x1xf32, #tpu.memory_space<vmem>>, vector<2000x1xf32>,
    %get3A_14 = arith.constant 0 : index
    %get3A_15 = arith.constant 0 : index
    %get3A_16 = vector.load %arg1[%get3A_14, %get3A_15] : memref<2000x128xf32, #tpu.memory_space<vmem>>, vector<2000x32xf32>
    %mul3A = vector.broadcast %rsqrt3A : vector<2000x1xf32> to vector<2000x32xf32>
    %mul3A_17 = arith.mulf %get3A_16, %mul3A : vector<2000x32xf32>
    %swap3A_18 = arith.constant 0 : index
    %swap3A_19 = arith.constant 0 : index
    %swap3A_20 = arith.constant 0 : index
    %swap3A_21 = vector.load %arg3[%swap3A_18, %swap3A_19, %swap3A_20] : memref<4x2000x32xf32, #tpu.memory_space<vmem>>, vector<1x2000x32xf32>
    %swap3A_22 = vector.shape_cast %swap3A_21 : vector<1x2000x32xf32> to vector<2000x32xf32>
    %swap3A_23 = vector.shape_cast %mul3A_17 : vector<2000x32xf32> to vector<1x2000x32xf32>
    tpu.vector_store %arg3[%swap3A_18, %swap3A_19, %swap3A_20], %swap3A_23 {strides = array<i32>} : memref<4x2000x32xf32, #tpu.memory_space<vmem>>, vector<1x2000x32xf32>,
    %get3A_24 = arith.constant 0 : index
    %get3A_25 = arith.constant 32 : index
    %get3A_26 = vector.load %arg1[%get3A_24, %get3A_25] : memref<2000x128xf32, #tpu.memory_space<vmem>>, vector<2000x32xf32>
    %mul3A_27 = vector.broadcast %rsqrt3A : vector<2000x1xf32> to vector<2000x32xf32>
    %mul3A_28 = arith.mulf %get3A_26, %mul3A_27 : vector<2000x32xf32>
    %swap3A_29 = arith.constant 1 : index
    %swap3A_30 = arith.constant 0 : index
    %swap3A_31 = arith.constant 0 : index
    %swap3A_32 = vector.load %arg3[%swap3A_29, %swap3A_30, %swap3A_31] : memref<4x2000x32xf32, #tpu.memory_space<vmem>>, vector<1x2000x32xf32>
    %swap3A_33 = vector.shape_cast %swap3A_32 : vector<1x2000x32xf32> to vector<2000x32xf32>
    %swap3A_34 = vector.shape_cast %mul3A_28 : vector<2000x32xf32> to vector<1x2000x32xf32>
    tpu.vector_store %arg3[%swap3A_29, %swap3A_30, %swap3A_31], %swap3A_34 {strides = array<i32>} : memref<4x2000x32xf32, #tpu.memory_space<vmem>>, vector<1x2000x32xf32>,
    %get3A_35 = arith.constant 0 : index
    %get3A_36 = arith.constant 64 : index
    %get3A_37 = vector.load %arg1[%get3A_35, %get3A_36] : memref<2000x128xf32, #tpu.memory_space<vmem>>, vector<2000x32xf32>
    %mul3A_38 = vector.broadcast %rsqrt3A : vector<2000x1xf32> to vector<2000x32xf32>
    %mul3A_39 = arith.mulf %get3A_37, %mul3A_38 : vector<2000x32xf32>
    %swap3A_40 = arith.constant 2 : index
    %swap3A_41 = arith.constant 0 : index
    %swap3A_42 = arith.constant 0 : index
    %swap3A_43 = vector.load %arg3[%swap3A_40, %swap3A_41, %swap3A_42] : memref<4x2000x32xf32, #tpu.memory_space<vmem>>, vector<1x2000x32xf32>
    %swap3A_44 = vector.shape_cast %swap3A_43 : vector<1x2000x32xf32> to vector<2000x32xf32>
    %swap3A_45 = vector.shape_cast %mul3A_39 : vector<2000x32xf32> to vector<1x2000x32xf32>
    tpu.vector_store %arg3[%swap3A_40, %swap3A_41, %swap3A_42], %swap3A_45 {strides = array<i32>} : memref<4x2000x32xf32, #tpu.memory_space<vmem>>, vector<1x2000x32xf32>,
    %get3A_46 = arith.constant 0 : index
    %get3A_47 = arith.constant 96 : index
    %get3A_48 = vector.load %arg1[%get3A_46, %get3A_47] : memref<2000x128xf32, #tpu.memory_space<vmem>>, vector<2000x32xf32>
    %mul3A_49 = vector.broadcast %rsqrt3A : vector<2000x1xf32> to vector<2000x32xf32>
    %mul3A_50 = arith.mulf %get3A_48, %mul3A_49 : vector<2000x32xf32>
    %swap3A_51 = arith.constant 3 : index
    %swap3A_52 = arith.constant 0 : index
    %swap3A_53 = arith.constant 0 : index
    %swap3A_54 = vector.load %arg3[%swap3A_51, %swap3A_52, %swap3A_53] : memref<4x2000x32xf32, #tpu.memory_space<vmem>>, vector<1x2000x32xf32>
    %swap3A_55 = vector.shape_cast %swap3A_54 : vector<1x2000x32xf32> to vector<2000x32xf32>
    %swap3A_56 = vector.shape_cast %mul3A_50 : vector<2000x32xf32> to vector<1x2000x32xf32>
    tpu.vector_store %arg3[%swap3A_51, %swap3A_52, %swap3A_53], %swap3A_56 {strides = array<i32>} : memref<4x2000x32xf32, #tpu.memory_space<vmem>>, vector<1x2000x32xf32>,
    return
  }
  func.func @transform_0(%arg0: i32) -> (i32, i32) {
    %c0_i32 = arith.constant 0 : i32
    %c0_i32_0 = arith.constant 0 : i32
    return %arg0, %c0_i32 : i32, i32
  }
  func.func @transform_1(%arg0: i32) -> (i32, i32, i32) {
    %c0_i32 = arith.constant 0 : i32
    %c0_i32_0 = arith.constant 0 : i32
    %c0_i32_1 = arith.constant 0 : i32
    return %c0_i32, %arg0, %c0_i32_0 : i32, i32, i32
  }
  func.func @transform_2(%arg0: i32) -> (i32, i32, i32) {
    %c0_i32 = arith.constant 0 : i32
    %c0_i32_0 = arith.constant 0 : i32
    %c0_i32_1 = arith.constant 0 : i32
    return %c0_i32, %arg0, %c0_i32_0 : i32, i32, i32
  }
  func.func @transform_3(%arg0: i32) -> (i32, i32) {
    %c0_i32 = arith.constant 0 : i32
    %c0_i32_0 = arith.constant 0 : i32
    return %arg0, %c0_i32 : i32, i32
  }
}

module attributes {stable_mosaic.version = 14 : i64} {
  func.func @_mid_body(%arg0: i32, %arg1: memref<4x2000x32xf32, #tpu.memory_space<vmem>>, %arg2: memref<4x2000x32xf32, #tpu.memory_space<vmem>>, %arg3: memref<2000x1xf32, #tpu.memory_space<vmem>>, %arg4: memref<4x2000x32xf32, #tpu.memory_space<vmem>>) attributes {dimension_semantics = [#tpu.dimension_semantics<arbitrary>], iteration_bounds = array<i64: 5>, scalar_prefetch = 0 : i64, scratch_operands = 0 : i64, tpu.core_type = #tpu.core_type<tc>, window_params = [{transform_indices = @transform_0, window_bounds = array<i64: 4, 2000, 32>}, {transform_indices = @transform_1, window_bounds = array<i64: 4, 2000, 32>}, {transform_indices = @transform_2, window_bounds = array<i64: 2000, 1>}, {transform_indices = @transform_3, window_bounds = array<i64: 4, 2000, 32>}]} {
    %get3A = arith.constant 0 : index
    %get3A_0 = arith.constant 0 : index
    %get3A_1 = vector.load %arg3[%get3A, %get3A_0] : memref<2000x1xf32, #tpu.memory_space<vmem>>, vector<2000x1xf32>
    %get3A_2 = arith.constant 0 : index
    %get3A_3 = arith.constant 0 : index
    %get3A_4 = arith.constant 0 : index
    %get3A_5 = vector.load %arg1[%get3A_2, %get3A_3, %get3A_4] : memref<4x2000x32xf32, #tpu.memory_space<vmem>>, vector<4x2000x32xf32>
    %get3A_6 = arith.constant 0 : index
    %get3A_7 = arith.constant 0 : index
    %get3A_8 = arith.constant 0 : index
    %get3A_9 = vector.load %arg2[%get3A_6, %get3A_7, %get3A_8] : memref<4x2000x32xf32, #tpu.memory_space<vmem>>, vector<4x2000x32xf32>
    %add3A = arith.addf %get3A_5, %get3A_9 : vector<4x2000x32xf32>
    %mul3A = arith.mulf %get3A_1, %get3A_1 : vector<2000x1xf32>
    %broadcast_in_dim3A = vector.shape_cast %mul3A : vector<2000x1xf32> to vector<1x2000x1xf32>
    %mul3A_10 = vector.broadcast %broadcast_in_dim3A : vector<1x2000x1xf32> to vector<4x2000x32xf32>
    %mul3A_11 = arith.mulf %add3A, %mul3A_10 : vector<4x2000x32xf32>
    %swap3A = arith.constant 0 : index
    %swap3A_12 = arith.constant 0 : index
    %swap3A_13 = arith.constant 0 : index
    %swap3A_14 = vector.load %arg4[%swap3A, %swap3A_12, %swap3A_13] : memref<4x2000x32xf32, #tpu.memory_space<vmem>>, vector<4x2000x32xf32>
    tpu.vector_store %arg4[%swap3A, %swap3A_12, %swap3A_13], %mul3A_11 {strides = array<i32>} : memref<4x2000x32xf32, #tpu.memory_space<vmem>>, vector<4x2000x32xf32>,
    return
  }
  func.func @transform_0(%arg0: i32) -> (i32, i32, i32) {
    %c0_i32 = arith.constant 0 : i32
    %c0_i32_0 = arith.constant 0 : i32
    %c0_i32_1 = arith.constant 0 : i32
    return %c0_i32, %arg0, %c0_i32_0 : i32, i32, i32
  }
  func.func @transform_1(%arg0: i32) -> (i32, i32, i32) {
    %c0_i32 = arith.constant 0 : i32
    %c0_i32_0 = arith.constant 0 : i32
    %c0_i32_1 = arith.constant 0 : i32
    return %c0_i32, %arg0, %c0_i32_0 : i32, i32, i32
  }
  func.func @transform_2(%arg0: i32) -> (i32, i32) {
    %c0_i32 = arith.constant 0 : i32
    %c0_i32_0 = arith.constant 0 : i32
    return %arg0, %c0_i32 : i32, i32
  }
  func.func @transform_3(%arg0: i32) -> (i32, i32, i32) {
    %c0_i32 = arith.constant 0 : i32
    %c0_i32_0 = arith.constant 0 : i32
    %c0_i32_1 = arith.constant 0 : i32
    return %c0_i32, %arg0, %c0_i32_0 : i32, i32, i32
  }
}

module attributes {stable_mosaic.version = 14 : i64} {
  func.func @_final_body(%arg0: i32, %arg1: memref<4x2000x32xf32, #tpu.memory_space<vmem>>, %arg2: memref<4x2000x32xf32, #tpu.memory_space<vmem>>, %arg3: memref<2000x1xf32, #tpu.memory_space<vmem>>, %arg4: memref<64x128xf32, #tpu.memory_space<vmem>>, %arg5: memref<1x64xf32, #tpu.memory_space<vmem>>, %arg6: memref<2000x64xf32, #tpu.memory_space<vmem>>) attributes {dimension_semantics = [#tpu.dimension_semantics<arbitrary>], iteration_bounds = array<i64: 5>, scalar_prefetch = 0 : i64, scratch_operands = 0 : i64, tpu.core_type = #tpu.core_type<tc>, window_params = [{transform_indices = @transform_0, window_bounds = array<i64: 4, 2000, 32>}, {transform_indices = @transform_1, window_bounds = array<i64: 4, 2000, 32>}, {transform_indices = @transform_2, window_bounds = array<i64: 2000, 1>}, {pipeline_mode = #tpu.pipeline_mode<synchronous>, transform_indices = @transform_3, window_bounds = array<i64: 64, 128>}, {pipeline_mode = #tpu.pipeline_mode<synchronous>, transform_indices = @transform_4, window_bounds = array<i64: 1, 64>}, {transform_indices = @transform_5, window_bounds = array<i64: 2000, 64>}]} {
    %get3A = arith.constant 0 : index
    %get3A_0 = arith.constant 0 : index
    %get3A_1 = vector.load %arg3[%get3A, %get3A_0] : memref<2000x1xf32, #tpu.memory_space<vmem>>, vector<2000x1xf32>
    %get3A_2 = arith.constant 0 : index
    %get3A_3 = arith.constant 0 : index
    %get3A_4 = arith.constant 0 : index
    %get3A_5 = vector.load %arg1[%get3A_2, %get3A_3, %get3A_4] : memref<4x2000x32xf32, #tpu.memory_space<vmem>>, vector<1x2000x32xf32>
    %get3A_6 = vector.shape_cast %get3A_5 : vector<1x2000x32xf32> to vector<2000x32xf32>
    %get3A_7 = arith.constant 0 : index
    %get3A_8 = arith.constant 0 : index
    %get3A_9 = arith.constant 0 : index
    %get3A_10 = vector.load %arg2[%get3A_7, %get3A_8, %get3A_9] : memref<4x2000x32xf32, #tpu.memory_space<vmem>>, vector<1x2000x32xf32>
    %get3A_11 = vector.shape_cast %get3A_10 : vector<1x2000x32xf32> to vector<2000x32xf32>
    %add3A = arith.addf %get3A_6, %get3A_11 : vector<2000x32xf32>
    %mul3A = vector.broadcast %get3A_1 : vector<2000x1xf32> to vector<2000x32xf32>
    %mul3A_12 = arith.mulf %add3A, %mul3A : vector<2000x32xf32>
    %get3A_13 = arith.constant 1 : index
    %get3A_14 = arith.constant 0 : index
    %get3A_15 = arith.constant 0 : index
    %get3A_16 = vector.load %arg1[%get3A_13, %get3A_14, %get3A_15] : memref<4x2000x32xf32, #tpu.memory_space<vmem>>, vector<1x2000x32xf32>
    %get3A_17 = vector.shape_cast %get3A_16 : vector<1x2000x32xf32> to vector<2000x32xf32>
    %get3A_18 = arith.constant 1 : index
    %get3A_19 = arith.constant 0 : index
    %get3A_20 = arith.constant 0 : index
    %get3A_21 = vector.load %arg2[%get3A_18, %get3A_19, %get3A_20] : memref<4x2000x32xf32, #tpu.memory_space<vmem>>, vector<1x2000x32xf32>
    %get3A_22 = vector.shape_cast %get3A_21 : vector<1x2000x32xf32> to vector<2000x32xf32>
    %add3A_23 = arith.addf %get3A_17, %get3A_22 : vector<2000x32xf32>
    %mul3A_24 = vector.broadcast %get3A_1 : vector<2000x1xf32> to vector<2000x32xf32>
    %mul3A_25 = arith.mulf %add3A_23, %mul3A_24 : vector<2000x32xf32>
    %get3A_26 = arith.constant 2 : index
    %get3A_27 = arith.constant 0 : index
    %get3A_28 = arith.constant 0 : index
    %get3A_29 = vector.load %arg1[%get3A_26, %get3A_27, %get3A_28] : memref<4x2000x32xf32, #tpu.memory_space<vmem>>, vector<1x2000x32xf32>
    %get3A_30 = vector.shape_cast %get3A_29 : vector<1x2000x32xf32> to vector<2000x32xf32>
    %get3A_31 = arith.constant 2 : index
    %get3A_32 = arith.constant 0 : index
    %get3A_33 = arith.constant 0 : index
    %get3A_34 = vector.load %arg2[%get3A_31, %get3A_32, %get3A_33] : memref<4x2000x32xf32, #tpu.memory_space<vmem>>, vector<1x2000x32xf32>
    %get3A_35 = vector.shape_cast %get3A_34 : vector<1x2000x32xf32> to vector<2000x32xf32>
    %add3A_36 = arith.addf %get3A_30, %get3A_35 : vector<2000x32xf32>
    %mul3A_37 = vector.broadcast %get3A_1 : vector<2000x1xf32> to vector<2000x32xf32>
    %mul3A_38 = arith.mulf %add3A_36, %mul3A_37 : vector<2000x32xf32>
    %get3A_39 = arith.constant 3 : index
    %get3A_40 = arith.constant 0 : index
    %get3A_41 = arith.constant 0 : index
    %get3A_42 = vector.load %arg1[%get3A_39, %get3A_40, %get3A_41] : memref<4x2000x32xf32, #tpu.memory_space<vmem>>, vector<1x2000x32xf32>
    %get3A_43 = vector.shape_cast %get3A_42 : vector<1x2000x32xf32> to vector<2000x32xf32>
    %get3A_44 = arith.constant 3 : index
    %get3A_45 = arith.constant 0 : index
    %get3A_46 = arith.constant 0 : index
    %get3A_47 = vector.load %arg2[%get3A_44, %get3A_45, %get3A_46] : memref<4x2000x32xf32, #tpu.memory_space<vmem>>, vector<1x2000x32xf32>
    %get3A_48 = vector.shape_cast %get3A_47 : vector<1x2000x32xf32> to vector<2000x32xf32>
    %add3A_49 = arith.addf %get3A_43, %get3A_48 : vector<2000x32xf32>
    %mul3A_50 = vector.broadcast %get3A_1 : vector<2000x1xf32> to vector<2000x32xf32>
    %mul3A_51 = arith.mulf %add3A_49, %mul3A_50 : vector<2000x32xf32>
    %concatenate3A = tpu.concatenate %mul3A_12, %mul3A_25, %mul3A_38, %mul3A_51 in 1 : vector<2000x32xf32>, vector<2000x32xf32>, vector<2000x32xf32>, vector<2000x32xf32> -> vector<2000x128xf32>
    %get3A_52 = arith.constant 0 : index
    %get3A_53 = arith.constant 0 : index
    %get3A_54 = vector.load %arg4[%get3A_52, %get3A_53] : memref<64x128xf32, #tpu.memory_space<vmem>>, vector<64x128xf32>
    %dot_general3A = arith.constant dense<0.000000e+00> : vector<2000x64xf32>
    %dot_general3A_55 = tpu.matmul %concatenate3A, %get3A_54, %dot_general3A {dimension_numbers = #tpu.dot_dimension_numbers<[1], [1], [0], [0], [0, 0, 1, 0], [], []>, precision = #tpu.contract_precision<fp32>, transpose_lhs_hint = false} : vector<2000x128xf32>, vector<64x128xf32>, vector<2000x64xf32> -> vector<2000x64xf32>
    %get3A_56 = arith.constant 0 : index
    %get3A_57 = arith.constant 0 : index
    %get3A_58 = vector.load %arg5[%get3A_56, %get3A_57] : memref<1x64xf32, #tpu.memory_space<vmem>>, vector<1x64xf32>
    %add3A_59 = vector.broadcast %get3A_58 : vector<1x64xf32> to vector<2000x64xf32>
    %add3A_60 = arith.addf %dot_general3A_55, %add3A_59 : vector<2000x64xf32>
    %reduce_max3A = arith.constant dense<0xFF800000> : vector<2000xf32>
    %reduce_max3A_61 = vector.multi_reduction <maximumf>, %add3A_60, %reduce_max3A [1] : vector<2000x64xf32> to vector<2000xf32>
    %broadcast_in_dim3A = vector.shape_cast %reduce_max3A_61 : vector<2000xf32> to vector<2000x1xf32>
    %sub3A = vector.broadcast %broadcast_in_dim3A : vector<2000x1xf32> to vector<2000x64xf32>
    %sub3A_62 = arith.subf %add3A_60, %sub3A : vector<2000x64xf32>
    %exp3A = math.exp %sub3A_62 : vector<2000x64xf32>
    %reduce_sum3A = arith.constant dense<0.000000e+00> : vector<2000xf32>
    %reduce_sum3A_63 = vector.multi_reduction <add>, %exp3A, %reduce_sum3A [1] : vector<2000x64xf32> to vector<2000xf32>
    %broadcast_in_dim3A_64 = vector.shape_cast %reduce_sum3A_63 : vector<2000xf32> to vector<2000x1xf32>
    %log3A = math.log %broadcast_in_dim3A_64 : vector<2000x1xf32>
    %add3A_65 = arith.addf %log3A, %broadcast_in_dim3A : vector<2000x1xf32>
    %sub3A_66 = vector.broadcast %add3A_65 : vector<2000x1xf32> to vector<2000x64xf32>
    %sub3A_67 = arith.subf %add3A_60, %sub3A_66 : vector<2000x64xf32>
    %swap3A = arith.constant 0 : index
    %swap3A_68 = arith.constant 0 : index
    %swap3A_69 = vector.load %arg6[%swap3A, %swap3A_68] : memref<2000x64xf32, #tpu.memory_space<vmem>>, vector<2000x64xf32>
    tpu.vector_store %arg6[%swap3A, %swap3A_68], %sub3A_67 {strides = array<i32>} : memref<2000x64xf32, #tpu.memory_space<vmem>>, vector<2000x64xf32>,
    return
  }
  func.func @transform_0(%arg0: i32) -> (i32, i32, i32) {
    %c0_i32 = arith.constant 0 : i32
    %c0_i32_0 = arith.constant 0 : i32
    %c0_i32_1 = arith.constant 0 : i32
    return %c0_i32, %arg0, %c0_i32_0 : i32, i32, i32
  }
  func.func @transform_1(%arg0: i32) -> (i32, i32, i32) {
    %c0_i32 = arith.constant 0 : i32
    %c0_i32_0 = arith.constant 0 : i32
    %c0_i32_1 = arith.constant 0 : i32
    return %c0_i32, %arg0, %c0_i32_0 : i32, i32, i32
  }
  func.func @transform_2(%arg0: i32) -> (i32, i32) {
    %c0_i32 = arith.constant 0 : i32
    %c0_i32_0 = arith.constant 0 : i32
    return %arg0, %c0_i32 : i32, i32
  }
  func.func @transform_3(%arg0: i32) -> (i32, i32) {
    %c0_i32 = arith.constant 0 : i32
    %c0_i32_0 = arith.constant 0 : i32
    %c0_i32_1 = arith.constant 0 : i32
    return %c0_i32, %c0_i32_0 : i32, i32
  }
  func.func @transform_4(%arg0: i32) -> (i32, i32) {
    %c0_i32 = arith.constant 0 : i32
    %c0_i32_0 = arith.constant 0 : i32
    %c0_i32_1 = arith.constant 0 : i32
    return %c0_i32, %c0_i32_0 : i32, i32
  }
  func.func @transform_5(%arg0: i32) -> (i32, i32) {
    %c0_i32 = arith.constant 0 : i32
    %c0_i32_0 = arith.constant 0 : i32
    return %arg0, %c0_i32 : i32, i32
  }
}

</mosaic_0001>

<sc_bundles>
// kernel: kernel.11.cloned.1.call-start
scs
__scs_entry_jumppad:
0x0: {  	(pc) =	sbr.rel $0x88, $3  }
0x1: {  	(tag) =	ssettag $0x0;
	lr =	simm.s32 $0x1  }
0x2: {  	[smem:$0x3F9D] =	sst lr;
	_ =	strace $0xD0000000  }
0x3: {  	_ = 	snop  }
0x4: {  	_ = 	snop  }
0x5: {  	_ = 	snop  }
0x6: {  	_ = 	snop  }
0x7: {  	_ = 	snop  }
__scs_overlays_trampoline_lowered:
0x8: {  	[smem:$0x3FAC] =	sst s0  }
0x9: {  	[smem:$0x3FAD] =	sst s1  }
0xa: {  	[smem:$0x3FAE] =	sst s2  }
0xb: {  	[smem:$0x3FAF] =	sst s3  }
0xc: {  	[smem:$0x3FB0] =	sst s4  }
0xd: {  	[smem:$0x3FB1] =	sst s5  }
0xe: {  	[smem:$0x3FB2] =	sst s6  }
0xf: {  	[smem:$0x3FB3] =	sst s7  }
0x10: {  	[smem:$0x3FB4] =	sst s8  }
0x11: {  	[smem:$0x3FB5] =	sst s9;
	s0 =	simm.s32 @!p0 $0x0  }
0x12: {  	s1 =	sld [smem:$0x3F9B];
	s0 =	simm.s32 @p0 $0x1  }
0x13: {  	[smem:$0x3FB6] =	sst s0;
	s0 =	simm.s32 @!p1 $0x0  }
0x14: {  	s2 =	sld [smem:$0x3F9A];
	s0 =	simm.s32 @p1 $0x1  }
0x15: {  	[smem:$0x3FB7] =	sst s0;
	s0 =	simm.s32 @!p2 $0x0  }
0x16: {  	s3 =	sld [smem:$0x3FDB];
	s0 =	simm.s32 @p2 $0x1  }
0x17: {  	s4 =	simm.s32 $0x1BF5;
	[smem:$0x3FB9] =	sst s0  }
0x18: {  	s0 =	sld [smem:$0x3F9C];
	_ =	swait.ge [sflag:s4], $0x0  }
0x19: {  	s7 =	sld [smem:$0x3F9D]  }
0x1a: {  	s8 =	sadd.s32 $0xFFFFE003, lr  }
0x1b: {  	s9 =	sadd.s32 $0xFFFFFEF7, lr;
	s5 =	simm.s32 $0xFFFFFFFF;
	p2 =	slt.u32 s8, $0xFFFFF086  }
0x1c: {  	p1 =	slt.u32 s9, $0xF7A;
	s5 =	simm.s32 @!p2 $0x0  }
0x1d: {  	s5 =	simm.s32 @p1 $0x1;
	p0 =	seq.s32 s7, s2  }
0x1e: {  	s7 =	smul.u32 @!p0 $0xF7A, s2;
	p2 =	seq.s32 @!p0 s5, $0x0  }
0x1f: {  	s9 =	smul.u32 $0xF7A, s1;
	s8 =	simm.s32 @!p0 $0x1BF5;
	p2 =	por !p2, p0  }
0x20: {  	[sflag:s8] =	ssyncset.s32 @!p0 $0xFFFFF086;
	s6 =	sadd.s32 @!p0 s3, s7;
	s7 =	simm.s32 @!p0 $0x108  }
0x21: {  	s3 =	sadd.s32 s3, s9;
	s6 =	sadd.s32 @!p0 $0x88, s6;
	s7 =	simm.s32 @p2 $0x1082  }
0x22: {  	[simem:s7], [sflag:s8] =	dma.local @!p0 [hbm:s6], $0xF7A  }
0x23: {  	s9 =	sor.u32 $0xD0000000, s2;
	s6 =	simm.s32 $0x108;
	_ =	swait.ge @!p0 [sflag:s8], $0x0  }
0x24: {  	s3 =	sadd.s32 $0x88, s3;
	s6 =	simm.s32 @!p1 $0x1082;
	[sflag:s4] =	ssyncset.s32 $0xFFFFF086  }
0x25: {  	[simem:s6], [sflag:s4] =	dma.local [hbm:s3], $0xF7A  }
0x26: {  	[smem:$0x3F9D] =	sst s1;
	(tag) =	ssettag s2;
	_ =	strace s9  }
0x27: {  	s1 =	sld [smem:$0x3FAD]  }
0x28: {  	s2 =	sld [smem:$0x3FAE]  }
0x29: {  	s4 =	sld [smem:$0x3FB0]  }
0x2a: {  	p0 =	seq.s32 s5, $0x0;
	s5 =	sld [smem:$0x3FB1]  }
0x2b: {  	s6 =	sld [smem:$0x3FB2]  }
0x2c: {  	s7 =	sld [smem:$0x3FB3]  }
0x2d: {  	s3 =	simm.s32 $0x108;
	s8 =	sld [smem:$0x3FB4]  }
0x2e: {  	s3 =	simm.s32 @!p0 $0x1082;
	s9 =	sld [smem:$0x3FB5]  }
0x2f: {  	lr =	sadd.s32 s0, s3;
	s0 =	sld [smem:$0x3FAC]  }
0x30: {  	s3 =	sld [smem:$0x3FAF]  }
0x31: {  	[smem:$0x3FB8] =	sst s10  }
0x32: {  	s10 =	sld [smem:$0x3FB6];
	_ =	sdelay $0x3  }
0x33: {  	p0 =	seq.s32 s10, $0x1;
	s10 =	sld [smem:$0x3FB8];
	_ =	sdelay $0x3  }
0x34: {  	[smem:$0x3FB8] =	sst s10  }
0x35: {  	s10 =	sld [smem:$0x3FB7];
	_ =	sdelay $0x3  }
0x36: {  	p1 =	seq.s32 s10, $0x1;
	s10 =	sld [smem:$0x3FB8];
	_ =	sdelay $0x3  }
0x37: {  	[smem:$0x3FB8] =	sst s10  }
0x38: {  	s10 =	sld [smem:$0x3FB9]  }
0x39: {  	_ = 	snop;
	(pc) =	sbr.ind lr, $3  }
0x3a: {  	_ = 	snop  }
0x3b: {  	_ = 	snop  }
0x3c: {  	p2 =	seq.s32 s10, $0x1;
	s10 =	sld [smem:$0x3FB8]  }
0x3d: {  	_ =	shalt  }
0x3e: {  	_ =	shalt  }
0x3f: {  	_ =	shalt  }
0x40: {  	_ =	shalt  }
0x41: {  	_ =	shalt  }
0x42: {  	_ =	shalt  }
0x43: {  	_ =	shalt  }
0x44: {  	_ =	shalt  }
0x45: {  	_ =	shalt  }
0x46: {  	_ =	shalt  }
0x47: {  	_ =	shalt  }
0x48: {  	_ =	shalt  }
0x49: {  	_ =	shalt  }
0x4a: {  	_ =	shalt  }
0x4b: {  	_ =	shalt  }
0x4c: {  	_ =	shalt  }
0x4d: {  	_ =	shalt  }
0x4e: {  	_ =	shalt  }
0x4f: {  	_ =	shalt  }
0x50: {  	_ =	shalt  }
0x51: {  	_ =	shalt  }
0x52: {  	_ =	shalt  }
0x53: {  	_ =	shalt  }
0x54: {  	_ =	shalt  }
0x55: {  	_ =	shalt  }
0x56: {  	_ =	shalt  }
0x57: {  	_ =	shalt  }
0x58: {  	_ =	shalt  }
0x59: {  	_ =	shalt  }
0x5a: {  	_ =	shalt  }
0x5b: {  	_ =	shalt  }
0x5c: {  	_ =	shalt  }
0x5d: {  	_ =	shalt  }
0x5e: {  	_ =	shalt  }
0x5f: {  	_ =	shalt  }
0x60: {  	_ =	shalt  }
0x61: {  	_ =	shalt  }
0x62: {  	_ =	shalt  }
0x63: {  	_ =	shalt  }
0x64: {  	_ =	shalt  }
0x65: {  	_ =	shalt  }
0x66: {  	_ =	shalt  }
0x67: {  	_ =	shalt  }
0x68: {  	_ =	shalt  }
0x69: {  	_ =	shalt  }
0x6a: {  	_ =	shalt  }
0x6b: {  	_ =	shalt  }
0x6c: {  	_ =	shalt  }
0x6d: {  	_ =	shalt  }
0x6e: {  	_ =	shalt  }
0x6f: {  	_ =	shalt  }
0x70: {  	_ =	shalt  }
0x71: {  	_ =	shalt  }
0x72: {  	_ =	shalt  }
0x73: {  	_ =	shalt  }
0x74: {  	_ =	shalt  }
0x75: {  	_ =	shalt  }
0x76: {  	_ =	shalt  }
0x77: {  	_ =	shalt  }
0x78: {  	_ =	shalt  }
0x79: {  	_ =	shalt  }
0x7a: {  	_ =	shalt  }
0x7b: {  	_ =	shalt  }
0x7c: {  	_ =	shalt  }
0x7d: {  	_ =	shalt  }
0x7e: {  	_ =	shalt  }
0x7f: {  	_ =	shalt  }
0x80: {  	_ =	shalt  }
0x81: {  	_ =	shalt  }
0x82: {  	_ =	shalt  }
0x83: {  	_ =	shalt  }
0x84: {  	_ =	shalt  }
0x85: {  	_ =	shalt  }
0x86: {  	_ =	shalt  }
0x87: {  	_ =	shalt  }
.Lfunc_end0:
.L_simem_size_0:
called_computation.1_lowered:
.L_overlay_start_0:
0x88: {  	s2 =	sld [smem:$0x3FD9]  }
0x89: {  	s3 =	sld [smem:$0x3FFE];
	_ =	sdelay $0x1  }
0x8a: {  	s1 =	srdreg.scid  }
0x8b: {  	s0 =	sand.u32 $0x1, s1  }
0x8c: {  	s17 =	sshll.u32 s0, $0xA;
	s2 =	sadd.s32 s3, s2  }
0x8d: {  	s2 =	sadd.s32 s2, s17  }
0x8e: {  	[smem:$0x3FC4] =	sst s2  }
0x8f: {  	_ = 	snop  }
0x90: {  	s2 =	sld [smem:$0x3FD0];
	(tm) =	ssettm $0x1  }
0x91: {  	s18 =	sld [smem:$0x3FFB];
	_ =	sdelay $0x3  }
0x92: {  	_ =	strace s18  }
0x93: {  	s3 =	sld [smem:$0x3FFC];
	_ =	sdelay $0x3  }
0x94: {  	_ =	strace s3  }
0x95: {  	s3 =	sld [smem:$0x3FFD];
	_ =	sdelay $0x3  }
0x96: {  	_ =	strace s3  }
0x97: {  	_ =	strace $0x8FFFFFFF  }
0x98: {  	s19 =	sld [smem:$0x3FDB];
	_ =	sdelay $0x1  }
0x99: {  	s4 =	simm.s32 $_scs_section_size  }
0x9a: {  	s5 =	simm.s32 $_size__tile_overlayer_lowered;
	s6 =	simm.s32 $_tile_overlayer_lowered  }
0x9b: {  	s22 =	simm.s32 $0x1BFF;
	s21 =	sshll.u32 s6, $0x1;
	s3 =	sadd.s32 s4, s19  }
0x9c: {  	s7 =	simm.s32 $0x0;
	s20 =	sshll.u32 s5, $0x1;
	s5 =	sadd.s32 s21, s3  }
0x9d: {  	[timem:s7], [sflag:s22] =	dma.local [hbm:s5], s20  }
0x9e: {  	_ =	swait.ge [sflag:s22], s20  }
0x9f: {  	s4 =	ssub.s32 $0x0, s20;
	[sflag:s22] =	ssyncset.done $0x0  }
0xa0: {  	[sflag:s22] =	ssyncadd.s32 s4;
	_ =	sdelay $0x1  }
0xa1: {  	s23 =	simm.s32 $0x1B8B  }
0xa2: {  	_ =	swait.ge [sflag:s23], $0x1  }
0xa3: {  	[sflag:s23] =	ssyncset.done $0x0  }
0xa4: {  	s25 =	simm.s32 $0x1B8E;
	s24 =	sld [smem:$0x3FFE];
	[sflag:s23] =	ssyncadd.s32 $0xFFFFFFFF  }
0xa5: {  	s26 =	simm.s32 $execute0_lowered;
	[smem:$0x3FD2] =	sst s25  }
0xa6: {  	s5 =	sshll.u32 s26, $0x1;
	_ =	strace $0x80000049;
	[dreg:$0x1] =	wrdreg $0xFFFFFFFF  }
0xa7: {  	s28 =	simm.s32 $_size_execute0_lowered;
	s3 =	sadd.s32 s3, s5;
	[dreg:$0x0] =	wrdreg $0x0  }
0xa8: {  	s5 =	sshll.u32 s28, $0x1;
	[dreg:$0x2] =	wrdreg s3  }
0xa9: {  	[dreg:$0x3] =	wrdreg s5  }
0xaa: {  	[dreg:$0x4] =	wrdreg $0xC0  }
0xab: {  	_ =	task [dreg:s7], $0x5FFFF  }
0xac: {  	[dreg:$0x1] =	wrdreg $0xFFFFFFFF  }
0xad: {  	[dreg:$0x0] =	wrdreg $0x60  }
0xae: {  	[dreg:$0x2] =	wrdreg s24  }
0xaf: {  	[dreg:$0x3] =	wrdreg s2  }
0xb0: {  	[dreg:$0x4] =	wrdreg $0xF0000  }
0xb1: {  	[dreg:$0x5] =	wrdreg $0x140000  }
0xb2: {  	[dreg:$0x6] =	wrdreg $0x9  }
0xb3: {  	_ =	task.clear_ibuf [dreg:s7], $0x7FFFF;
	_ =	strace $0x90000049  }
0xb4: {  	s29 =	simm.s32 $0x9;
	_ =	strace $0x8000004B  }
0xb5: {  	_ =	swait.ge [sflag:s29], $0x1  }
0xb6: {  	[sflag:s29] =	ssyncadd.s32 $0xFFFFFFFF  }
0xb7: {  	_ =	strace $0x9000004B  }
0xb8: {  	_ =	sfence  }
0xb9: {  	s30 =	sld [smem:$0x0];
	_ =	sdelay $0x2  }
0xba: {  	s31 =	sshll.u32 s1, $0xD;
	s1 =	sshrl.u32 s1, $0x2  }
0xbb: {  	s3 =	sand.u32 $0x4000, s31;
	s1 =	sadd.s32 s1, s30  }
0xbc: {  	s0 =	sor.u32 s3, s0;
	s1 =	sshll.u32 s1, $0x11  }
0xbd: {  	s0 =	sor.u32 s1, s0  }
0xbe: {  	s0 =	sadd.s32 $0x8F2B, s0  }
0xbf: {  	[sflag:s0] =	ssyncadd.remote.s32 $0x1  }
0xc0: {  	_ =	sfence.sel $0xFFFF  }
0xc1: {  	[dreg:$0x0] =	wrdreg $0xFFFFFFFF;
	(pc) =	sbr.abs _section_cstart, $3  }
0xc2: {  	[dreg:$0x1] =	wrdreg $0xFFFFFFFF  }
0xc3: {  	_ =	task.clear_ibuf [dreg:s7], $0x2FFFF;
	_ =	strace $0x9FFFFFFF  }
0xc4: {  	(tm) =	ssettm $0x7FFFFFFF  }
0xc5: {  	_ =	shalt  }
tec
execute0_lowered:
.L_overlay_start_1:
0x0: {  	(tag) =	ssettag $0x1  }
0x1: {  	s0 =	rddreg [dreg:$0x0]  }
0x2: {  	s1 =	rddreg [dreg:$0x1]  }
0x3: {  	s2 =	rddreg [dreg:$0x2]  }
0x4: {  	s3 =	rddreg [dreg:$0x3];
	s5 =	simm.s32 $0x0  }
0x5: {  	s16 =	stileid.u32;
	s4 =	srdreg.scid;
	s28 =	simm.s32 $0xE000  }
0x6: {  	s29 =	simm.s32 $0x80;
	s30 =	simm.s32 $0xA000;
	s13 =	smul.u32 $0xA00, s16  }
0x7: {  	s31 =	simm.s32 $0xB000;
	[smem:$0x7FF] =	sst s5;
	s9 =	smul.u32 $0x14000, s16  }
0x8: {  	s4 =	sand.u32 $0x1, s4;
	s7 =	sadd.s32 $0xB1E00, s0;
	s12 =	smul.u32 $0x280, s16  }
0x9: {  	s19 =	smul.u32 $0x5000, s16;
	s20 =	sadd.s32 $0x4B000, s2;
	s25 =	sadd.s32 $0x4B000, s3  }
0xa: {  	p0 =	seq.s32 s16, $0xF;
	s16 =	simm.s32 $0x3;
	_ =	strace $0x8000004A  }
0xb: {  	s6 =	smul.u32 $0x4E20, s4;
	s8 =	ssub.s32 $0x2, s4;
	[dreg:$0x8] =	wrdreg s20  }
0xc: {  	s4 =	smul.u32 $0x9C400, s4;
	[dreg:$0xd] =	wrdreg s25;
	s20 =	simm.s32 $0x4  }
0xd: {  	s25 =	simm.s32 $0x8;
	s10 =	sadd.s32 s13, s0;
	s11 =	sshrl.u32 s8, $0x1  }
0xe: {  	s0 =	sadd.s32 $0xD9000, s0;
	s1 =	sadd.s32 s1, s13;
	s14 =	sshrl.u32 s9, $0x2  }
0xf: {  	s9 =	simm.s32 $0x5;
	s8 =	ssub.s32 s8, s11;
	[dreg:$0x5] =	wrdreg s1  }
0x10: {  	s15 =	sadd.s32 s12, s6;
	s17 =	sadd.s32 $0xBA00, s10;
	s6 =	sadd.s32 s14, s2  }
0x11: {  	s4 =	sshrl.u32 s4, $0x3;
	s1 =	sadd.s32 s14, s3;
	s10 =	sadd.s32 s19, s3  }
0x12: {  	[dreg:$0x6] =	wrdreg s17;
	s5 =	sshll.u32 s15, $0x2;
	s15 =	sadd.s32 $0x9600, s4  }
0x13: {  	s11 =	sadd.s32 $0x1000, s1;
	s12 =	sadd.s32 $0x2000, s1;
	s26 =	smax.u32 s8, $0x1  }
0x14: {  	s13 =	sadd.s32 $0x3000, s1;
	s18 =	sadd.s32 s7, s5;
	[dreg:$0x10] =	wrdreg s26  }
0x15: {  	s14 =	sadd.s32 $0x4000, s1;
	s21 =	sadd.s32 s7, s15;
	[dreg:$0x7] =	wrdreg s18  }
0x16: {  	s1 =	sadd.s32 s19, s2;
	s22 =	sadd.s32 s0, s5;
	[dreg:$0x9] =	wrdreg s21  }
0x17: {  	s5 =	sadd.s32 $0x9C40, s5;
	s24 =	sadd.s32 s0, s15;
	[dreg:$0xa] =	wrdreg s22  }
0x18: {  	s4 =	sadd.s32 $0x13240, s4;
	s23 =	sadd.s32 s7, s5;
	[dreg:$0xc] =	wrdreg s24  }
0x19: {  	s26 =	simm.s32 $0x5000;
	s7 =	sadd.s32 s7, s4;
	[dreg:$0xb] =	wrdreg s23  }
0x1a: {  	s4 =	sadd.s32 s0, s4;
	s0 =	sadd.s32 s0, s5;
	[dreg:$0xe] =	wrdreg s7  }
.Ltmp0:
0x1b: {  	s5 =	simm.s32 $0xD000;
	[dreg:$0xf] =	wrdreg s4;
	(pc) =	sbr.rel .LBB2_1-.Ltmp0, $4  }
0x1c: {  	s18 =	simm.s32 $0x6;
	s22 =	simm.s32 $0x7;
	[dreg:$0x11] =	wrdreg s0  }
0x1d: {  	s23 =	simm.s32 $0x9;
	s0 =	sshrl.u32 @!p0 s6, $0x3;
	s6 =	simm.s32 $0x1  }
0x1e: {  	s7 =	simm.s32 $0x2;
	[dreg:$0x12] =	wrdreg s0;
	s0 =	sshrl.u32 @!p0 s1, $0x3  }
0x1f: {  	v0 =	vimm.f32 $0.0e+00;
	s1 =	simm.s32 $0xC000;
	[dreg:$0x13] =	wrdreg s0;
	s0 =	simm.s32 $0x0  }
.LBB2_9:
0x20: {  	_ =	swait.ge [sflag:s16], $0x1000  }
0x21: {  	[sflag:s16] =	ssyncset.done $0x0  }
0x22: {  	[sflag:s16] =	ssyncadd.s32 $0xFFFFF000  }
0x23: {  	[spmem:s3] =	stream.indirect.scatter.add.f32 [tilespmem:s1], [sflag:$0x7], $0x20, s21, s29, $0xb8;
	[tilespmem:$0x19000] =	vst v63  }
0x24: {  	_ =	swait.ge [sflag:s18], $0x1000  }
0x25: {  	[sflag:s18] =	ssyncset.done $0x0  }
0x26: {  	[sflag:s18] =	ssyncadd.s32 $0xFFFFF000  }
0x27: {  	_ =	swait.ge [sflag:s20], $0x1000  }
0x28: {  	[sflag:s20] =	ssyncset.done $0x0  }
0x29: {  	s17 =	sadd.s32 $0x5380, s19;
	[sflag:s20] =	ssyncadd.s32 $0xFFFFF000  }
0x2a: {  	[spmem:s3] =	stream.indirect.scatter.add.f32 [tilespmem:s5], [sflag:$0x8], $0x20, s17, s29, $0xb8;
	[tilespmem:$0x19000] =	vst v63  }
0x2b: {  	_ =	swait.ge [sflag:s22], $0x1000  }
0x2c: {  	[sflag:s22] =	ssyncset.done $0x0  }
0x2d: {  	[sflag:s22] =	ssyncadd.s32 $0xFFFFF000  }
0x2e: {  	_ =	swait.ge [sflag:s25], $0x1000  }
0x2f: {  	[sflag:s25] =	ssyncset.done $0x0  }
0x30: {  	[sflag:s25] =	ssyncadd.s32 $0xFFFFF000  }
0x31: {  	[bflag:$0x0] =	sbarrier.arrive $0xFFFF  }
0x32: {  	s17 =	simm.s32 @p0 $0x1FC9;
	s19 =	rddreg [dreg:$0xf]  }
0x33: {  	[hbm:s19], [sflag:s17] =	dma.local @p0 [spmem:s8], $0x640  }
0x34: {  	s8 =	simm.s32 @p0 $0x9  }
0x35: {  	_ =	swait.ge @p0 [sflag:s8], $0x640  }
0x36: {  	[sflag:s8] =	ssyncset.done @p0 $0x0  }
0x37: {  	[sflag:s8] =	ssyncadd.s32 @p0 $0xFFFFF9C0;
	s8 =	rddreg [dreg:$0x11]  }
0x38: {  	[hbm:s8], [sflag:s4] =	dma.local @!p0 [spmem:s15], $0xA00  }
0x39: {  	s4 =	simm.s32 @!p0 $0x9  }
0x3a: {  	_ =	swait.ge @!p0 [sflag:s4], $0xA00  }
0x3b: {  	s0 =	sadd.s32 $0x1, s0;
	s24 =	rddreg [dreg:$0x10]  }
0x3c: {  	p1 =	sne.s32 s0, s24  }
.Ltmp1:
0x3d: {  	_ = 	snop;
	(pc) =	sbr.rel @!p1 .LBB2_10-.Ltmp1, $3  }
0x3e: {  	_ =	sdelay $0x1  }
0x3f: {  	[sflag:s4] =	ssyncset.done @!p0 $0x0  }
0x40: {  	[sflag:s4] =	ssyncadd.s32 @!p0 $0xFFFFF600  }
.LBB2_1:
0x41: {  	s4 =	simm.s32 $0x80;
	s8 =	simm.s32 $0x0  }
.LBB2_2:
0x42: {  	p1 =	sne.s32 s4, $0x3F80;
	[tilespmem:s8+$0xE000] =	vst v0;
	s15 =	smov.u32 s4;
	s4 =	sadd.s32 $0x80, s4  }
.Ltmp2:
0x43: {  	[tilespmem:s8+$0xE010] =	vst v0;
	(pc) =	sbr.rel @p1 .LBB2_2-.Ltmp2, $2  }
0x44: {  	_ =	sdelay $0x2  }
0x45: {  	s8 =	sshra.s32 s15, $0x2  }
0x46: {  	[tilespmem:s8+$0xE000] =	vst v0  }
0x47: {  	[tilespmem:s8+$0xE010] =	vst v0;
	s4 =	simm.s32 $0x0;
	s17 =	rddreg [dreg:$0x5]  }
0x48: {  	[tilespmem:s4], [sflag:$0x9] =	stream.linear.gather [hbm4b:s17+s4], $0x5000, $0x38;
	[tilespmem:$0x19000] =	vst v63  }
0x49: {  	_ =	swait.ge [sflag:s23], $0x5000  }
0x4a: {  	[sflag:s23] =	ssyncset.done $0x0  }
0x4b: {  	s19 =	rddreg [dreg:$0x6];
	[sflag:s23] =	ssyncadd.s32 $0xFFFFB000  }
0x4c: {  	[tilespmem:s26], [sflag:$0x9] =	stream.linear.gather [hbm4b:s19+s4], $0x5000, $0x38;
	[tilespmem:$0x19000] =	vst v63  }
0x4d: {  	_ =	swait.ge [sflag:s23], $0x5000  }
0x4e: {  	s4 =	rddreg [dreg:$0x8]  }
0x4f: {  	[sflag:s23] =	ssyncset.done $0x0;
	s8 =	rddreg [dreg:$0x9]  }
0x50: {  	[sflag:s23] =	ssyncadd.s32 $0xFFFFB000;
	s15 =	sshrl.u32 @p0 s4, $0x3;
	s4 =	simm.s32 @p0 $0x1FC9  }
0x51: {  	[spmem:s15], [sflag:s4] =	dma.local @p0 [hbm:s8], $0x640  }
0x52: {  	s4 =	simm.s32 @p0 $0x9  }
0x53: {  	s8 =	stileid.u32;
	_ =	swait.ge @p0 [sflag:s4], $0x640  }
0x54: {  	s8 =	sshll.u32 @!p0 s8, $0x6;
	[sflag:s4] =	ssyncset.done @p0 $0x0;
	s17 =	rddreg [dreg:$0x12]  }
0x55: {  	[sflag:s4] =	ssyncadd.s32 @p0 $0xFFFFF9C0;
	s4 =	sor.u32 @!p0 $0x1C09, s8;
	s8 =	rddreg [dreg:$0x7]  }
0x56: {  	[spmem:s17], [sflag:s4] =	dma.local @!p0 [hbm:s8], $0xA00  }
0x57: {  	s8 =	simm.s32 @!p0 $0x9  }
0x58: {  	_ =	swait.ge @!p0 [sflag:s8], $0xA00  }
0x59: {  	[sflag:s8] =	ssyncset.done @!p0 $0x0  }
0x5a: {  	[sflag:s8] =	ssyncadd.s32 @!p0 $0xFFFFF600  }
0x5b: {  	[spmem:s10] =	stream.linear.scatter [tilespmem:s28], [sflag:$0x9], $0x1000, $0x38;
	[tilespmem:$0x19000] =	vst v63  }
0x5c: {  	_ =	swait.ge [sflag:s23], $0x1000  }
0x5d: {  	[sflag:s23] =	ssyncset.done $0x0  }
0x5e: {  	[sflag:s23] =	ssyncadd.s32 $0xFFFFF000  }
0x5f: {  	[spmem:s11] =	stream.linear.scatter [tilespmem:s28], [sflag:$0x9], $0x1000, $0x38;
	[tilespmem:$0x19000] =	vst v63  }
0x60: {  	_ =	swait.ge [sflag:s23], $0x1000  }
0x61: {  	[sflag:s23] =	ssyncset.done $0x0  }
0x62: {  	[sflag:s23] =	ssyncadd.s32 $0xFFFFF000  }
0x63: {  	[spmem:s12] =	stream.linear.scatter [tilespmem:s28], [sflag:$0x9], $0x1000, $0x38;
	[tilespmem:$0x19000] =	vst v63  }
0x64: {  	_ =	swait.ge [sflag:s23], $0x1000  }
0x65: {  	[sflag:s23] =	ssyncset.done $0x0  }
0x66: {  	[sflag:s23] =	ssyncadd.s32 $0xFFFFF000  }
0x67: {  	[spmem:s13] =	stream.linear.scatter [tilespmem:s28], [sflag:$0x9], $0x1000, $0x38;
	[tilespmem:$0x19000] =	vst v63  }
0x68: {  	_ =	swait.ge [sflag:s23], $0x1000  }
0x69: {  	[sflag:s23] =	ssyncset.done $0x0  }
0x6a: {  	[sflag:s23] =	ssyncadd.s32 $0xFFFFF000  }
0x6b: {  	[spmem:s14] =	stream.linear.scatter [tilespmem:s28], [sflag:$0x9], $0x1000, $0x38;
	[tilespmem:$0x19000] =	vst v63  }
0x6c: {  	_ =	swait.ge [sflag:s23], $0x1000  }
0x6d: {  	[sflag:s23] =	ssyncset.done $0x0  }
0x6e: {  	[sflag:s23] =	ssyncadd.s32 $0xFFFFF000  }
0x6f: {  	s8 =	simm.s32 $0x0;
	[bflag:$0x0] =	sbarrier.arrive $0xFFFF  }
0x70: {  	[tilespmem:s30], [sflag:$0x1] =	stream.indirect.gather [spmem:s2], $0x20, s8, s29, $0xb8;
	[tilespmem:$0x19000] =	vst v63  }
0x71: {  	_ = 	snop  }
0x72: {  	[tilespmem:s31], [sflag:$0x2] =	stream.indirect.gather [spmem:s2], $0x20, s29, s29, $0xb8;
	[tilespmem:$0x19000] =	vst v63  }
0x73: {  	s21 =	simm.s32 $0x100  }
0x74: {  	[tilespmem:s1], [sflag:$0x3] =	stream.indirect.gather [spmem:s2], $0x20, s21, s29, $0xb8;
	[tilespmem:$0x19000] =	vst v63  }
0x75: {  	s24 =	simm.s32 $0x180  }
0x76: {  	[tilespmem:s5], [sflag:$0x4] =	stream.indirect.gather [spmem:s2], $0x20, s24, s29, $0xb8;
	[tilespmem:$0x19000] =	vst v63  }
0x77: {  	_ =	swait.ge [sflag:s6], $0x1000  }
0x78: {  	[sflag:s6] =	ssyncset.done $0x0  }
0x79: {  	[sflag:s6] =	ssyncadd.s32 $0xFFFFF000  }
0x7a: {  	[spmem:s3] =	stream.indirect.scatter.add.f32 [tilespmem:s30], [sflag:$0x5], $0x20, s26, s29, $0xb8;
	[tilespmem:$0x19000] =	vst v63  }
0x7b: {  	_ =	swait.ge [sflag:s7], $0x1000  }
0x7c: {  	[sflag:s7] =	ssyncset.done $0x0  }
0x7d: {  	s19 =	simm.s32 $0x5080;
	[sflag:s7] =	ssyncadd.s32 $0xFFFFF000  }
0x7e: {  	[spmem:s3] =	stream.indirect.scatter.add.f32 [tilespmem:s31], [sflag:$0x6], $0x20, s19, s29, $0xb8;
	[tilespmem:$0x19000] =	vst v63  }
0x7f: {  	_ =	swait.ge [sflag:s9], $0x1000  }
0x80: {  	[sflag:s9] =	ssyncset.done $0x0  }
0x81: {  	s21 =	simm.s32 $0x200;
	[sflag:s9] =	ssyncadd.s32 $0xFFFFF000  }
0x82: {  	[tilespmem:s30], [sflag:$0x1] =	stream.indirect.gather [spmem:s2], $0x20, s21, s29, $0xb8;
	[tilespmem:$0x19000] =	vst v63  }
0x83: {  	_ =	swait.ge [sflag:s16], $0x1000  }
0x84: {  	[sflag:s16] =	ssyncset.done $0x0  }
0x85: {  	s24 =	simm.s32 $0x5100;
	[sflag:s16] =	ssyncadd.s32 $0xFFFFF000  }
0x86: {  	[spmem:s3] =	stream.indirect.scatter.add.f32 [tilespmem:s1], [sflag:$0x7], $0x20, s24, s29, $0xb8;
	[tilespmem:$0x19000] =	vst v63  }
0x87: {  	_ =	swait.ge [sflag:s18], $0x1000  }
0x88: {  	[sflag:s18] =	ssyncset.done $0x0  }
0x89: {  	s19 =	simm.s32 $0x280;
	[sflag:s18] =	ssyncadd.s32 $0xFFFFF000  }
0x8a: {  	[tilespmem:s31], [sflag:$0x2] =	stream.indirect.gather [spmem:s2], $0x20, s19, s29, $0xb8;
	[tilespmem:$0x19000] =	vst v63  }
0x8b: {  	_ =	swait.ge [sflag:s20], $0x1000  }
0x8c: {  	[sflag:s20] =	ssyncset.done $0x0  }
0x8d: {  	s21 =	simm.s32 $0x5180;
	[sflag:s20] =	ssyncadd.s32 $0xFFFFF000  }
0x8e: {  	[spmem:s3] =	stream.indirect.scatter.add.f32 [tilespmem:s5], [sflag:$0x8], $0x20, s21, s29, $0xb8;
	[tilespmem:$0x19000] =	vst v63  }
0x8f: {  	_ =	swait.ge [sflag:s22], $0x1000  }
0x90: {  	[sflag:s22] =	ssyncset.done $0x0  }
0x91: {  	s24 =	simm.s32 $0x300;
	[sflag:s22] =	ssyncadd.s32 $0xFFFFF000  }
0x92: {  	[tilespmem:s1], [sflag:$0x3] =	stream.indirect.gather [spmem:s2], $0x20, s24, s29, $0xb8;
	[tilespmem:$0x19000] =	vst v63  }
.LBB2_4:
0x93: {  	_ =	swait.ge [sflag:s6], $0x1000  }
0x94: {  	s17 =	sshra.s32 s8, $0x2;
	[sflag:s6] =	ssyncset.done $0x0  }
0x95: {  	s19 =	sadd.s32 $0x5200, s17;
	[sflag:s6] =	ssyncadd.s32 $0xFFFFF000  }
0x96: {  	[spmem:s3] =	stream.indirect.scatter.add.f32 [tilespmem:s30], [sflag:$0x5], $0x20, s19, s29, $0xb8;
	[tilespmem:$0x19000] =	vst v63  }
0x97: {  	_ =	swait.ge [sflag:s25], $0x1000  }
0x98: {  	[sflag:s25] =	ssyncset.done $0x0  }
0x99: {  	s21 =	sadd.s32 $0x380, s17;
	[sflag:s25] =	ssyncadd.s32 $0xFFFFF000  }
0x9a: {  	[tilespmem:s5], [sflag:$0x4] =	stream.indirect.gather [spmem:s2], $0x20, s21, s29, $0xb8;
	[tilespmem:$0x19000] =	vst v63  }
0x9b: {  	_ =	swait.ge [sflag:s7], $0x1000  }
0x9c: {  	p1 =	seq.s32 s8, $0x13000;
	[sflag:s7] =	ssyncset.done $0x0  }
.Ltmp3:
0x9d: {  	s24 =	sadd.s32 $0x5280, s17;
	[sflag:s7] =	ssyncadd.s32 $0xFFFFF000;
	(pc) =	sbr.rel @p1 .LBB2_6-.Ltmp3, $4  }
0x9e: {  	[spmem:s3] =	stream.indirect.scatter.add.f32 [tilespmem:s31], [sflag:$0x6], $0x20, s24, s29, $0xb8;
	[tilespmem:$0x19000] =	vst v63  }
0x9f: {  	_ =	swait.ge [sflag:s9], $0x1000  }
0xa0: {  	[sflag:s9] =	ssyncset.done $0x0  }
0xa1: {  	s19 =	sadd.s32 $0x5300, s17;
	[sflag:s9] =	ssyncadd.s32 $0xFFFFF000  }
0xa2: {  	s21 =	sadd.s32 $0x400, s17  }
0xa3: {  	[tilespmem:s30], [sflag:$0x1] =	stream.indirect.gather [spmem:s2], $0x20, s21, s29, $0xb8;
	[tilespmem:$0x19000] =	vst v63  }
0xa4: {  	_ =	swait.ge [sflag:s16], $0x1000  }
0xa5: {  	[sflag:s16] =	ssyncset.done $0x0  }
0xa6: {  	[sflag:s16] =	ssyncadd.s32 $0xFFFFF000  }
0xa7: {  	[spmem:s3] =	stream.indirect.scatter.add.f32 [tilespmem:s1], [sflag:$0x7], $0x20, s19, s29, $0xb8;
	[tilespmem:$0x19000] =	vst v63  }
0xa8: {  	_ =	swait.ge [sflag:s18], $0x1000  }
0xa9: {  	[sflag:s18] =	ssyncset.done $0x0  }
0xaa: {  	s24 =	sadd.s32 $0x480, s17;
	[sflag:s18] =	ssyncadd.s32 $0xFFFFF000  }
0xab: {  	[tilespmem:s31], [sflag:$0x2] =	stream.indirect.gather [spmem:s2], $0x20, s24, s29, $0xb8;
	[tilespmem:$0x19000] =	vst v63  }
0xac: {  	_ =	swait.ge [sflag:s20], $0x1000  }
0xad: {  	[sflag:s20] =	ssyncset.done $0x0  }
0xae: {  	s21 =	sadd.s32 $0x5380, s17;
	[sflag:s20] =	ssyncadd.s32 $0xFFFFF000  }
0xaf: {  	[spmem:s3] =	stream.indirect.scatter.add.f32 [tilespmem:s5], [sflag:$0x8], $0x20, s21, s29, $0xb8;
	[tilespmem:$0x19000] =	vst v63  }
.Ltmp4:
0xb0: {  	_ = 	snop;
	(pc) =	sbr.rel .LBB2_4-.Ltmp4, $4  }
0xb1: {  	_ =	swait.ge [sflag:s22], $0x1000  }
0xb2: {  	[sflag:s22] =	ssyncset.done $0x0  }
0xb3: {  	s8 =	sadd.s32 $0x800, s8;
	s24 =	sadd.s32 $0x500, s17;
	[sflag:s22] =	ssyncadd.s32 $0xFFFFF000  }
0xb4: {  	[tilespmem:s1], [sflag:$0x3] =	stream.indirect.gather [spmem:s2], $0x20, s24, s29, $0xb8;
	[tilespmem:$0x19000] =	vst v63  }
.LBB2_6:
0xb5: {  	_ =	swait.ge [sflag:s16], $0x1000  }
0xb6: {  	[sflag:s16] =	ssyncset.done $0x0  }
0xb7: {  	[sflag:s16] =	ssyncadd.s32 $0xFFFFF000  }
0xb8: {  	[spmem:s3] =	stream.indirect.scatter.add.f32 [tilespmem:s1], [sflag:$0x7], $0x20, s19, s29, $0xb8;
	[tilespmem:$0x19000] =	vst v63  }
0xb9: {  	_ =	swait.ge [sflag:s18], $0x1000  }
0xba: {  	[sflag:s18] =	ssyncset.done $0x0  }
0xbb: {  	[sflag:s18] =	ssyncadd.s32 $0xFFFFF000  }
0xbc: {  	_ =	swait.ge [sflag:s20], $0x1000  }
0xbd: {  	[sflag:s20] =	ssyncset.done $0x0  }
0xbe: {  	s8 =	sadd.s32 $0x5380, s17;
	[sflag:s20] =	ssyncadd.s32 $0xFFFFF000  }
0xbf: {  	[spmem:s3] =	stream.indirect.scatter.add.f32 [tilespmem:s5], [sflag:$0x8], $0x20, s8, s29, $0xb8;
	[tilespmem:$0x19000] =	vst v63  }
0xc0: {  	_ =	swait.ge [sflag:s22], $0x1000  }
0xc1: {  	[sflag:s22] =	ssyncset.done $0x0  }
0xc2: {  	[sflag:s22] =	ssyncadd.s32 $0xFFFFF000  }
0xc3: {  	_ =	swait.ge [sflag:s25], $0x1000  }
0xc4: {  	[sflag:s25] =	ssyncset.done $0x0  }
0xc5: {  	[sflag:s25] =	ssyncadd.s32 $0xFFFFF000  }
0xc6: {  	[bflag:$0x0] =	sbarrier.arrive $0xFFFF  }
0xc7: {  	s8 =	rddreg [dreg:$0xd]  }
0xc8: {  	s17 =	simm.s32 @p0 $0x1FC9;
	s19 =	rddreg [dreg:$0xc];
	s8 =	sshrl.u32 @p0 s8, $0x3  }
0xc9: {  	[hbm:s19], [sflag:s17] =	dma.local @p0 [spmem:s8], $0x640  }
0xca: {  	s19 =	simm.s32 @p0 $0x9  }
0xcb: {  	_ =	swait.ge @p0 [sflag:s19], $0x640  }
0xcc: {  	[sflag:s19] =	ssyncset.done @p0 $0x0  }
0xcd: {  	s21 =	rddreg [dreg:$0xe];
	[sflag:s19] =	ssyncadd.s32 @p0 $0xFFFFF9C0  }
0xce: {  	[spmem:s15], [sflag:s17] =	dma.local @p0 [hbm:s21], $0x640  }
0xcf: {  	_ =	swait.ge @p0 [sflag:s19], $0x640  }
0xd0: {  	[sflag:s19] =	ssyncset.done @p0 $0x0  }
0xd1: {  	s15 =	sshrl.u32 @!p0 s10, $0x3;
	s17 =	rddreg [dreg:$0xa];
	[sflag:s19] =	ssyncadd.s32 @p0 $0xFFFFF9C0  }
0xd2: {  	[hbm:s17], [sflag:s4] =	dma.local @!p0 [spmem:s15], $0xA00  }
0xd3: {  	s17 =	simm.s32 @!p0 $0x9  }
0xd4: {  	_ =	swait.ge @!p0 [sflag:s17], $0xA00  }
0xd5: {  	[sflag:s17] =	ssyncset.done @!p0 $0x0;
	s19 =	rddreg [dreg:$0xb]  }
0xd6: {  	s21 =	rddreg [dreg:$0x13];
	[sflag:s17] =	ssyncadd.s32 @!p0 $0xFFFFF600  }
0xd7: {  	[spmem:s21], [sflag:s4] =	dma.local @!p0 [hbm:s19], $0xA00  }
0xd8: {  	_ =	swait.ge @!p0 [sflag:s17], $0xA00  }
0xd9: {  	[sflag:s17] =	ssyncset.done @!p0 $0x0  }
0xda: {  	[sflag:s17] =	ssyncadd.s32 @!p0 $0xFFFFF600  }
0xdb: {  	[spmem:s10] =	stream.linear.scatter [tilespmem:s28], [sflag:$0x9], $0x1000, $0x38;
	[tilespmem:$0x19000] =	vst v63  }
0xdc: {  	_ =	swait.ge [sflag:s23], $0x1000  }
0xdd: {  	[sflag:s23] =	ssyncset.done $0x0  }
0xde: {  	[sflag:s23] =	ssyncadd.s32 $0xFFFFF000  }
0xdf: {  	[spmem:s11] =	stream.linear.scatter [tilespmem:s28], [sflag:$0x9], $0x1000, $0x38;
	[tilespmem:$0x19000] =	vst v63  }
0xe0: {  	_ =	swait.ge [sflag:s23], $0x1000  }
0xe1: {  	[sflag:s23] =	ssyncset.done $0x0  }
0xe2: {  	[sflag:s23] =	ssyncadd.s32 $0xFFFFF000  }
0xe3: {  	[spmem:s12] =	stream.linear.scatter [tilespmem:s28], [sflag:$0x9], $0x1000, $0x38;
	[tilespmem:$0x19000] =	vst v63  }
0xe4: {  	_ =	swait.ge [sflag:s23], $0x1000  }
0xe5: {  	[sflag:s23] =	ssyncset.done $0x0  }
0xe6: {  	[sflag:s23] =	ssyncadd.s32 $0xFFFFF000  }
0xe7: {  	[spmem:s13] =	stream.linear.scatter [tilespmem:s28], [sflag:$0x9], $0x1000, $0x38;
	[tilespmem:$0x19000] =	vst v63  }
0xe8: {  	_ =	swait.ge [sflag:s23], $0x1000  }
0xe9: {  	[sflag:s23] =	ssyncset.done $0x0  }
0xea: {  	[sflag:s23] =	ssyncadd.s32 $0xFFFFF000  }
0xeb: {  	[spmem:s14] =	stream.linear.scatter [tilespmem:s28], [sflag:$0x9], $0x1000, $0x38;
	[tilespmem:$0x19000] =	vst v63  }
0xec: {  	_ =	swait.ge [sflag:s23], $0x1000  }
0xed: {  	[sflag:s23] =	ssyncset.done $0x0  }
0xee: {  	[sflag:s23] =	ssyncadd.s32 $0xFFFFF000  }
0xef: {  	s17 =	simm.s32 $0x0;
	[bflag:$0x0] =	sbarrier.arrive $0xFFFF  }
0xf0: {  	[tilespmem:s30], [sflag:$0x1] =	stream.indirect.gather [spmem:s2], $0x20, s17, s29, $0xb8;
	[tilespmem:$0x19000] =	vst v63  }
0xf1: {  	_ = 	snop  }
0xf2: {  	[tilespmem:s31], [sflag:$0x2] =	stream.indirect.gather [spmem:s2], $0x20, s29, s29, $0xb8;
	[tilespmem:$0x19000] =	vst v63  }
0xf3: {  	s21 =	simm.s32 $0x100  }
0xf4: {  	[tilespmem:s1], [sflag:$0x3] =	stream.indirect.gather [spmem:s2], $0x20, s21, s29, $0xb8;
	[tilespmem:$0x19000] =	vst v63  }
0xf5: {  	s24 =	simm.s32 $0x180  }
0xf6: {  	[tilespmem:s5], [sflag:$0x4] =	stream.indirect.gather [spmem:s2], $0x20, s24, s29, $0xb8;
	[tilespmem:$0x19000] =	vst v63  }
0xf7: {  	_ =	swait.ge [sflag:s6], $0x1000  }
0xf8: {  	[sflag:s6] =	ssyncset.done $0x0  }
0xf9: {  	[sflag:s6] =	ssyncadd.s32 $0xFFFFF000  }
0xfa: {  	[spmem:s3] =	stream.indirect.scatter.add.f32 [tilespmem:s30], [sflag:$0x5], $0x20, s26, s29, $0xb8;
	[tilespmem:$0x19000] =	vst v63  }
0xfb: {  	_ =	swait.ge [sflag:s7], $0x1000  }
0xfc: {  	[sflag:s7] =	ssyncset.done $0x0  }
0xfd: {  	s21 =	simm.s32 $0x5080;
	[sflag:s7] =	ssyncadd.s32 $0xFFFFF000  }
0xfe: {  	[spmem:s3] =	stream.indirect.scatter.add.f32 [tilespmem:s31], [sflag:$0x6], $0x20, s21, s29, $0xb8;
	[tilespmem:$0x19000] =	vst v63  }
0xff: {  	_ =	swait.ge [sflag:s9], $0x1000  }
0x100: {  	[sflag:s9] =	ssyncset.done $0x0  }
0x101: {  	s24 =	simm.s32 $0x200;
	[sflag:s9] =	ssyncadd.s32 $0xFFFFF000  }
0x102: {  	[tilespmem:s30], [sflag:$0x1] =	stream.indirect.gather [spmem:s2], $0x20, s24, s29, $0xb8;
	[tilespmem:$0x19000] =	vst v63  }
0x103: {  	_ =	swait.ge [sflag:s16], $0x1000  }
0x104: {  	[sflag:s16] =	ssyncset.done $0x0  }
0x105: {  	s21 =	simm.s32 $0x5100;
	[sflag:s16] =	ssyncadd.s32 $0xFFFFF000  }
0x106: {  	[spmem:s3] =	stream.indirect.scatter.add.f32 [tilespmem:s1], [sflag:$0x7], $0x20, s21, s29, $0xb8;
	[tilespmem:$0x19000] =	vst v63  }
0x107: {  	_ =	swait.ge [sflag:s18], $0x1000  }
0x108: {  	[sflag:s18] =	ssyncset.done $0x0  }
0x109: {  	s24 =	simm.s32 $0x280;
	[sflag:s18] =	ssyncadd.s32 $0xFFFFF000  }
0x10a: {  	[tilespmem:s31], [sflag:$0x2] =	stream.indirect.gather [spmem:s2], $0x20, s24, s29, $0xb8;
	[tilespmem:$0x19000] =	vst v63  }
0x10b: {  	_ =	swait.ge [sflag:s20], $0x1000  }
0x10c: {  	[sflag:s20] =	ssyncset.done $0x0  }
0x10d: {  	s21 =	simm.s32 $0x5180;
	[sflag:s20] =	ssyncadd.s32 $0xFFFFF000  }
0x10e: {  	[spmem:s3] =	stream.indirect.scatter.add.f32 [tilespmem:s5], [sflag:$0x8], $0x20, s21, s29, $0xb8;
	[tilespmem:$0x19000] =	vst v63  }
0x10f: {  	_ =	swait.ge [sflag:s22], $0x1000  }
0x110: {  	[sflag:s22] =	ssyncset.done $0x0  }
0x111: {  	s24 =	simm.s32 $0x300;
	[sflag:s22] =	ssyncadd.s32 $0xFFFFF000  }
0x112: {  	[tilespmem:s1], [sflag:$0x3] =	stream.indirect.gather [spmem:s2], $0x20, s24, s29, $0xb8;
	[tilespmem:$0x19000] =	vst v63  }
.LBB2_7:
0x113: {  	_ =	swait.ge [sflag:s6], $0x1000  }
0x114: {  	s19 =	sshra.s32 s17, $0x2;
	[sflag:s6] =	ssyncset.done $0x0  }
0x115: {  	s21 =	sadd.s32 $0x5200, s19;
	[sflag:s6] =	ssyncadd.s32 $0xFFFFF000  }
0x116: {  	[spmem:s3] =	stream.indirect.scatter.add.f32 [tilespmem:s30], [sflag:$0x5], $0x20, s21, s29, $0xb8;
	[tilespmem:$0x19000] =	vst v63  }
0x117: {  	_ =	swait.ge [sflag:s25], $0x1000  }
0x118: {  	[sflag:s25] =	ssyncset.done $0x0  }
0x119: {  	s24 =	sadd.s32 $0x380, s19;
	[sflag:s25] =	ssyncadd.s32 $0xFFFFF000  }
0x11a: {  	[tilespmem:s5], [sflag:$0x4] =	stream.indirect.gather [spmem:s2], $0x20, s24, s29, $0xb8;
	[tilespmem:$0x19000] =	vst v63  }
0x11b: {  	_ =	swait.ge [sflag:s7], $0x1000  }
0x11c: {  	p1 =	seq.s32 s17, $0x13000;
	[sflag:s7] =	ssyncset.done $0x0  }
.Ltmp5:
0x11d: {  	s24 =	sadd.s32 $0x5280, s19;
	[sflag:s7] =	ssyncadd.s32 $0xFFFFF000;
	(pc) =	sbr.rel @p1 .LBB2_9-.Ltmp5, $4  }
0x11e: {  	[spmem:s3] =	stream.indirect.scatter.add.f32 [tilespmem:s31], [sflag:$0x6], $0x20, s24, s29, $0xb8;
	[tilespmem:$0x19000] =	vst v63  }
0x11f: {  	_ =	swait.ge [sflag:s9], $0x1000  }
0x120: {  	[sflag:s9] =	ssyncset.done $0x0  }
0x121: {  	s21 =	sadd.s32 $0x5300, s19;
	[sflag:s9] =	ssyncadd.s32 $0xFFFFF000  }
0x122: {  	s24 =	sadd.s32 $0x400, s19  }
0x123: {  	[tilespmem:s30], [sflag:$0x1] =	stream.indirect.gather [spmem:s2], $0x20, s24, s29, $0xb8;
	[tilespmem:$0x19000] =	vst v63  }
0x124: {  	_ =	swait.ge [sflag:s16], $0x1000  }
0x125: {  	[sflag:s16] =	ssyncset.done $0x0  }
0x126: {  	[sflag:s16] =	ssyncadd.s32 $0xFFFFF000  }
0x127: {  	[spmem:s3] =	stream.indirect.scatter.add.f32 [tilespmem:s1], [sflag:$0x7], $0x20, s21, s29, $0xb8;
	[tilespmem:$0x19000] =	vst v63  }
0x128: {  	_ =	swait.ge [sflag:s18], $0x1000  }
0x129: {  	[sflag:s18] =	ssyncset.done $0x0  }
0x12a: {  	s24 =	sadd.s32 $0x480, s19;
	[sflag:s18] =	ssyncadd.s32 $0xFFFFF000  }
0x12b: {  	[tilespmem:s31], [sflag:$0x2] =	stream.indirect.gather [spmem:s2], $0x20, s24, s29, $0xb8;
	[tilespmem:$0x19000] =	vst v63  }
0x12c: {  	_ =	swait.ge [sflag:s20], $0x1000  }
0x12d: {  	[sflag:s20] =	ssyncset.done $0x0  }
0x12e: {  	s24 =	sadd.s32 $0x5380, s19;
	[sflag:s20] =	ssyncadd.s32 $0xFFFFF000  }
0x12f: {  	[spmem:s3] =	stream.indirect.scatter.add.f32 [tilespmem:s5], [sflag:$0x8], $0x20, s24, s29, $0xb8;
	[tilespmem:$0x19000] =	vst v63  }
.Ltmp6:
0x130: {  	_ = 	snop;
	(pc) =	sbr.rel .LBB2_7-.Ltmp6, $4  }
0x131: {  	_ =	swait.ge [sflag:s22], $0x1000  }
0x132: {  	[sflag:s22] =	ssyncset.done $0x0  }
0x133: {  	s17 =	sadd.s32 $0x800, s17;
	s24 =	sadd.s32 $0x500, s19;
	[sflag:s22] =	ssyncadd.s32 $0xFFFFF000  }
0x134: {  	[tilespmem:s1], [sflag:$0x3] =	stream.indirect.gather [spmem:s2], $0x20, s24, s29, $0xb8;
	[tilespmem:$0x19000] =	vst v63  }
.LBB2_10:
0x135: {  	_ =	sfence.sel $0x180000  }
0x136: {  	[bflag:$0x0] =	sbarrier.arrive $0xFFFF  }
0x137: {  	_ =	strace $0x9000004A  }
0x138: {  	s0 =	stileid.u32;
	[bflag:$0x2] =	sbarrier.arrive $0xFFFF  }
0x139: {  	p0 =	sne.s32 s0, $0x0;
	s0 =	rddreg [dreg:$0x4]  }
0x13a: {  	s0 =	sadd.s32 @!p0 $0x100000, s0  }
0x13b: {  	[sflag:s0] =	ssyncadd.tile.s32 @!p0 $0x1;
	_ =	shalt  }
.Lfunc_end2:
_tile_overlayer_lowered:
.L_overlay_start_2:
0x13c: {  	(tag) =	ssettag $0x2  }
0x13d: {  	s0 =	rddreg [dreg:$0x0];
	s2 =	stileid.u32  }
0x13e: {  	s1 =	rddreg [dreg:$0x1];
	p0 =	sne.s32 s2, $0x0  }
0x13f: {  	s3 =	rddreg [dreg:$0x2];
	[bflag:$0x3] =	sbarrier.arrive $0xFFFF;
	s2 =	simm.s32 @!p0 $0x1C09  }
0x140: {  	[timem:s3], [sflag:s2] =	dma.local @!p0 [hbm:s0], s1  }
0x141: {  	s0 =	simm.s32 @!p0 $0x9  }
0x142: {  	_ =	swait.ge @!p0 [sflag:s0], s1  }
0x143: {  	s1 =	ssub.s32 @!p0 $0x0, s1;
	[sflag:s0] =	ssyncset.done @!p0 $0x0  }
0x144: {  	[sflag:s0] =	ssyncadd.s32 @!p0 s1  }
0x145: {  	[bflag:$0x3] =	sbarrier.arrive $0xFFFF  }
0x146: {  	_ =	shalt  }

// kernel: kernel.14.cloned.1.call-start
scs
__scs_entry_jumppad:
0x0: {  	(pc) =	sbr.rel $0x88, $3  }
0x1: {  	(tag) =	ssettag $0x0;
	lr =	simm.s32 $0x1  }
0x2: {  	[smem:$0x3F9D] =	sst lr;
	_ =	strace $0xD0000000  }
0x3: {  	_ = 	snop  }
0x4: {  	_ = 	snop  }
0x5: {  	_ = 	snop  }
0x6: {  	_ = 	snop  }
0x7: {  	_ = 	snop  }
__scs_overlays_trampoline_lowered:
0x8: {  	[smem:$0x3FAC] =	sst s0  }
0x9: {  	[smem:$0x3FAD] =	sst s1  }
0xa: {  	[smem:$0x3FAE] =	sst s2  }
0xb: {  	[smem:$0x3FAF] =	sst s3  }
0xc: {  	[smem:$0x3FB0] =	sst s4  }
0xd: {  	[smem:$0x3FB1] =	sst s5  }
0xe: {  	[smem:$0x3FB2] =	sst s6  }
0xf: {  	[smem:$0x3FB3] =	sst s7  }
0x10: {  	[smem:$0x3FB4] =	sst s8  }
0x11: {  	[smem:$0x3FB5] =	sst s9;
	s0 =	simm.s32 @!p0 $0x0  }
0x12: {  	s1 =	sld [smem:$0x3F9B];
	s0 =	simm.s32 @p0 $0x1  }
0x13: {  	[smem:$0x3FB6] =	sst s0;
	s0 =	simm.s32 @!p1 $0x0  }
0x14: {  	s2 =	sld [smem:$0x3F9A];
	s0 =	simm.s32 @p1 $0x1  }
0x15: {  	[smem:$0x3FB7] =	sst s0;
	s0 =	simm.s32 @!p2 $0x0  }
0x16: {  	s3 =	sld [smem:$0x3FDB];
	s0 =	simm.s32 @p2 $0x1  }
0x17: {  	s4 =	simm.s32 $0x1BF5;
	[smem:$0x3FB9] =	sst s0  }
0x18: {  	s0 =	sld [smem:$0x3F9C];
	_ =	swait.ge [sflag:s4], $0x0  }
0x19: {  	s7 =	sld [smem:$0x3F9D]  }
0x1a: {  	s8 =	sadd.s32 $0xFFFFE003, lr  }
0x1b: {  	s9 =	sadd.s32 $0xFFFFFEF7, lr;
	s5 =	simm.s32 $0xFFFFFFFF;
	p2 =	slt.u32 s8, $0xFFFFF086  }
0x1c: {  	p1 =	slt.u32 s9, $0xF7A;
	s5 =	simm.s32 @!p2 $0x0  }
0x1d: {  	s5 =	simm.s32 @p1 $0x1;
	p0 =	seq.s32 s7, s2  }
0x1e: {  	s7 =	smul.u32 @!p0 $0xF7A, s2;
	p2 =	seq.s32 @!p0 s5, $0x0  }
0x1f: {  	s9 =	smul.u32 $0xF7A, s1;
	s8 =	simm.s32 @!p0 $0x1BF5;
	p2 =	por !p2, p0  }
0x20: {  	[sflag:s8] =	ssyncset.s32 @!p0 $0xFFFFF086;
	s6 =	sadd.s32 @!p0 s3, s7;
	s7 =	simm.s32 @!p0 $0x108  }
0x21: {  	s3 =	sadd.s32 s3, s9;
	s6 =	sadd.s32 @!p0 $0x88, s6;
	s7 =	simm.s32 @p2 $0x1082  }
0x22: {  	[simem:s7], [sflag:s8] =	dma.local @!p0 [hbm:s6], $0xF7A  }
0x23: {  	s9 =	sor.u32 $0xD0000000, s2;
	s6 =	simm.s32 $0x108;
	_ =	swait.ge @!p0 [sflag:s8], $0x0  }
0x24: {  	s3 =	sadd.s32 $0x88, s3;
	s6 =	simm.s32 @!p1 $0x1082;
	[sflag:s4] =	ssyncset.s32 $0xFFFFF086  }
0x25: {  	[simem:s6], [sflag:s4] =	dma.local [hbm:s3], $0xF7A  }
0x26: {  	[smem:$0x3F9D] =	sst s1;
	(tag) =	ssettag s2;
	_ =	strace s9  }
0x27: {  	s1 =	sld [smem:$0x3FAD]  }
0x28: {  	s2 =	sld [smem:$0x3FAE]  }
0x29: {  	s4 =	sld [smem:$0x3FB0]  }
0x2a: {  	p0 =	seq.s32 s5, $0x0;
	s5 =	sld [smem:$0x3FB1]  }
0x2b: {  	s6 =	sld [smem:$0x3FB2]  }
0x2c: {  	s7 =	sld [smem:$0x3FB3]  }
0x2d: {  	s3 =	simm.s32 $0x108;
	s8 =	sld [smem:$0x3FB4]  }
0x2e: {  	s3 =	simm.s32 @!p0 $0x1082;
	s9 =	sld [smem:$0x3FB5]  }
0x2f: {  	lr =	sadd.s32 s0, s3;
	s0 =	sld [smem:$0x3FAC]  }
0x30: {  	s3 =	sld [smem:$0x3FAF]  }
0x31: {  	[smem:$0x3FB8] =	sst s10  }
0x32: {  	s10 =	sld [smem:$0x3FB6];
	_ =	sdelay $0x3  }
0x33: {  	p0 =	seq.s32 s10, $0x1;
	s10 =	sld [smem:$0x3FB8];
	_ =	sdelay $0x3  }
0x34: {  	[smem:$0x3FB8] =	sst s10  }
0x35: {  	s10 =	sld [smem:$0x3FB7];
	_ =	sdelay $0x3  }
0x36: {  	p1 =	seq.s32 s10, $0x1;
	s10 =	sld [smem:$0x3FB8];
	_ =	sdelay $0x3  }
0x37: {  	[smem:$0x3FB8] =	sst s10  }
0x38: {  	s10 =	sld [smem:$0x3FB9]  }
0x39: {  	_ = 	snop;
	(pc) =	sbr.ind lr, $3  }
0x3a: {  	_ = 	snop  }
0x3b: {  	_ = 	snop  }
0x3c: {  	p2 =	seq.s32 s10, $0x1;
	s10 =	sld [smem:$0x3FB8]  }
0x3d: {  	_ =	shalt  }
0x3e: {  	_ =	shalt  }
0x3f: {  	_ =	shalt  }
0x40: {  	_ =	shalt  }
0x41: {  	_ =	shalt  }
0x42: {  	_ =	shalt  }
0x43: {  	_ =	shalt  }
0x44: {  	_ =	shalt  }
0x45: {  	_ =	shalt  }
0x46: {  	_ =	shalt  }
0x47: {  	_ =	shalt  }
0x48: {  	_ =	shalt  }
0x49: {  	_ =	shalt  }
0x4a: {  	_ =	shalt  }
0x4b: {  	_ =	shalt  }
0x4c: {  	_ =	shalt  }
0x4d: {  	_ =	shalt  }
0x4e: {  	_ =	shalt  }
0x4f: {  	_ =	shalt  }
0x50: {  	_ =	shalt  }
0x51: {  	_ =	shalt  }
0x52: {  	_ =	shalt  }
0x53: {  	_ =	shalt  }
0x54: {  	_ =	shalt  }
0x55: {  	_ =	shalt  }
0x56: {  	_ =	shalt  }
0x57: {  	_ =	shalt  }
0x58: {  	_ =	shalt  }
0x59: {  	_ =	shalt  }
0x5a: {  	_ =	shalt  }
0x5b: {  	_ =	shalt  }
0x5c: {  	_ =	shalt  }
0x5d: {  	_ =	shalt  }
0x5e: {  	_ =	shalt  }
0x5f: {  	_ =	shalt  }
0x60: {  	_ =	shalt  }
0x61: {  	_ =	shalt  }
0x62: {  	_ =	shalt  }
0x63: {  	_ =	shalt  }
0x64: {  	_ =	shalt  }
0x65: {  	_ =	shalt  }
0x66: {  	_ =	shalt  }
0x67: {  	_ =	shalt  }
0x68: {  	_ =	shalt  }
0x69: {  	_ =	shalt  }
0x6a: {  	_ =	shalt  }
0x6b: {  	_ =	shalt  }
0x6c: {  	_ =	shalt  }
0x6d: {  	_ =	shalt  }
0x6e: {  	_ =	shalt  }
0x6f: {  	_ =	shalt  }
0x70: {  	_ =	shalt  }
0x71: {  	_ =	shalt  }
0x72: {  	_ =	shalt  }
0x73: {  	_ =	shalt  }
0x74: {  	_ =	shalt  }
0x75: {  	_ =	shalt  }
0x76: {  	_ =	shalt  }
0x77: {  	_ =	shalt  }
0x78: {  	_ =	shalt  }
0x79: {  	_ =	shalt  }
0x7a: {  	_ =	shalt  }
0x7b: {  	_ =	shalt  }
0x7c: {  	_ =	shalt  }
0x7d: {  	_ =	shalt  }
0x7e: {  	_ =	shalt  }
0x7f: {  	_ =	shalt  }
0x80: {  	_ =	shalt  }
0x81: {  	_ =	shalt  }
0x82: {  	_ =	shalt  }
0x83: {  	_ =	shalt  }
0x84: {  	_ =	shalt  }
0x85: {  	_ =	shalt  }
0x86: {  	_ =	shalt  }
0x87: {  	_ =	shalt  }
.Lfunc_end0:
.L_simem_size_0:
called_computation.2_lowered:
.L_overlay_start_0:
0x88: {  	s2 =	sld [smem:$0x3FD9]  }
0x89: {  	s3 =	sld [smem:$0x3FFE];
	_ =	sdelay $0x1  }
0x8a: {  	s1 =	srdreg.scid  }
0x8b: {  	s0 =	sand.u32 $0x1, s1  }
0x8c: {  	s17 =	sshll.u32 s0, $0xA;
	s2 =	sadd.s32 s3, s2  }
0x8d: {  	s2 =	sadd.s32 s2, s17  }
0x8e: {  	[smem:$0x3FC4] =	sst s2  }
0x8f: {  	_ = 	snop  }
0x90: {  	s2 =	sld [smem:$0x3FD0];
	(tm) =	ssettm $0x1  }
0x91: {  	s18 =	sld [smem:$0x3FFB];
	_ =	sdelay $0x3  }
0x92: {  	_ =	strace s18  }
0x93: {  	s3 =	sld [smem:$0x3FFC];
	_ =	sdelay $0x3  }
0x94: {  	_ =	strace s3  }
0x95: {  	s3 =	sld [smem:$0x3FFD];
	_ =	sdelay $0x3  }
0x96: {  	_ =	strace s3  }
0x97: {  	_ =	strace $0x8FFFFFFF  }
0x98: {  	s19 =	sld [smem:$0x3FDB];
	_ =	sdelay $0x1  }
0x99: {  	s4 =	simm.s32 $_scs_section_size  }
0x9a: {  	s5 =	simm.s32 $_size__tile_overlayer_lowered;
	s6 =	simm.s32 $_tile_overlayer_lowered  }
0x9b: {  	s22 =	simm.s32 $0x1BFF;
	s21 =	sshll.u32 s6, $0x1;
	s3 =	sadd.s32 s4, s19  }
0x9c: {  	s7 =	simm.s32 $0x0;
	s20 =	sshll.u32 s5, $0x1;
	s5 =	sadd.s32 s21, s3  }
0x9d: {  	[timem:s7], [sflag:s22] =	dma.local [hbm:s5], s20  }
0x9e: {  	_ =	swait.ge [sflag:s22], s20  }
0x9f: {  	s4 =	ssub.s32 $0x0, s20;
	[sflag:s22] =	ssyncset.done $0x0  }
0xa0: {  	[sflag:s22] =	ssyncadd.s32 s4;
	_ =	sdelay $0x1  }
0xa1: {  	s23 =	simm.s32 $0x1B8B  }
0xa2: {  	_ =	swait.ge [sflag:s23], $0x1  }
0xa3: {  	[sflag:s23] =	ssyncset.done $0x0  }
0xa4: {  	s25 =	simm.s32 $0x1B8E;
	s24 =	sld [smem:$0x3FFE];
	[sflag:s23] =	ssyncadd.s32 $0xFFFFFFFF  }
0xa5: {  	s26 =	simm.s32 $execute0_lowered;
	[smem:$0x3FD2] =	sst s25  }
0xa6: {  	s5 =	sshll.u32 s26, $0x1;
	_ =	strace $0x8000004C;
	[dreg:$0x1] =	wrdreg $0xFFFFFFFF  }
0xa7: {  	s28 =	simm.s32 $_size_execute0_lowered;
	s3 =	sadd.s32 s3, s5;
	[dreg:$0x0] =	wrdreg $0x0  }
0xa8: {  	s5 =	sshll.u32 s28, $0x1;
	[dreg:$0x2] =	wrdreg s3  }
0xa9: {  	[dreg:$0x3] =	wrdreg s5  }
0xaa: {  	[dreg:$0x4] =	wrdreg $0xC0  }
0xab: {  	_ =	task [dreg:s7], $0x5FFFF  }
0xac: {  	[dreg:$0x1] =	wrdreg $0xFFFFFFFF  }
0xad: {  	[dreg:$0x0] =	wrdreg $0x60  }
0xae: {  	[dreg:$0x2] =	wrdreg s24  }
0xaf: {  	[dreg:$0x3] =	wrdreg s2  }
0xb0: {  	[dreg:$0x4] =	wrdreg $0xF0000  }
0xb1: {  	[dreg:$0x5] =	wrdreg $0x140000  }
0xb2: {  	[dreg:$0x6] =	wrdreg $0x9  }
0xb3: {  	_ =	task.clear_ibuf [dreg:s7], $0x7FFFF;
	_ =	strace $0x9000004C  }
0xb4: {  	s29 =	simm.s32 $0x9;
	_ =	strace $0x8000004E  }
0xb5: {  	_ =	swait.ge [sflag:s29], $0x1  }
0xb6: {  	[sflag:s29] =	ssyncadd.s32 $0xFFFFFFFF  }
0xb7: {  	_ =	strace $0x9000004E  }
0xb8: {  	_ =	sfence  }
0xb9: {  	s30 =	sld [smem:$0x0];
	_ =	sdelay $0x2  }
0xba: {  	s31 =	sshll.u32 s1, $0xD;
	s1 =	sshrl.u32 s1, $0x2  }
0xbb: {  	s3 =	sand.u32 $0x4000, s31;
	s1 =	sadd.s32 s1, s30  }
0xbc: {  	s0 =	sor.u32 s3, s0;
	s1 =	sshll.u32 s1, $0x11  }
0xbd: {  	s0 =	sor.u32 s1, s0  }
0xbe: {  	s0 =	sadd.s32 $0x8F2B, s0  }
0xbf: {  	[sflag:s0] =	ssyncadd.remote.s32 $0x1  }
0xc0: {  	_ =	sfence.sel $0xFFFF  }
0xc1: {  	[dreg:$0x0] =	wrdreg $0xFFFFFFFF;
	(pc) =	sbr.abs _section_cstart, $3  }
0xc2: {  	[dreg:$0x1] =	wrdreg $0xFFFFFFFF  }
0xc3: {  	_ =	task.clear_ibuf [dreg:s7], $0x2FFFF;
	_ =	strace $0x9FFFFFFF  }
0xc4: {  	(tm) =	ssettm $0x7FFFFFFF  }
0xc5: {  	_ =	shalt  }
tec
execute0_lowered:
.L_overlay_start_1:
0x0: {  	(tag) =	ssettag $0x1  }
0x1: {  	s0 =	rddreg [dreg:$0x0]  }
0x2: {  	s1 =	rddreg [dreg:$0x1]  }
0x3: {  	s2 =	rddreg [dreg:$0x2]  }
0x4: {  	s3 =	rddreg [dreg:$0x3];
	s5 =	simm.s32 $0x0  }
0x5: {  	s16 =	stileid.u32;
	s4 =	srdreg.scid;
	s28 =	simm.s32 $0xE000  }
0x6: {  	s29 =	simm.s32 $0x80;
	s30 =	simm.s32 $0xA000;
	s13 =	smul.u32 $0xA00, s16  }
0x7: {  	s31 =	simm.s32 $0xB000;
	[smem:$0x7FF] =	sst s5;
	s9 =	smul.u32 $0x14000, s16  }
0x8: {  	s4 =	sand.u32 $0x1, s4;
	s7 =	sadd.s32 $0x15A00, s0;
	s12 =	smul.u32 $0x280, s16  }
0x9: {  	s19 =	smul.u32 $0x5000, s16;
	s20 =	sadd.s32 $0x4B000, s2;
	s25 =	sadd.s32 $0x4B000, s3  }
0xa: {  	p0 =	seq.s32 s16, $0xF;
	s16 =	simm.s32 $0x3;
	_ =	strace $0x8000004D  }
0xb: {  	s6 =	smul.u32 $0x4E20, s4;
	s8 =	ssub.s32 $0x2, s4;
	[dreg:$0x8] =	wrdreg s20  }
0xc: {  	s4 =	smul.u32 $0x9C400, s4;
	[dreg:$0xd] =	wrdreg s25;
	s20 =	simm.s32 $0x4  }
0xd: {  	s25 =	simm.s32 $0x8;
	s10 =	sadd.s32 s13, s0;
	s11 =	sshrl.u32 s8, $0x1  }
0xe: {  	s0 =	sadd.s32 $0x3CC00, s0;
	s1 =	sadd.s32 s1, s13;
	s14 =	sshrl.u32 s9, $0x2  }
0xf: {  	s9 =	simm.s32 $0x5;
	s8 =	ssub.s32 s8, s11;
	[dreg:$0x5] =	wrdreg s1  }
0x10: {  	s15 =	sadd.s32 s12, s6;
	s17 =	sadd.s32 $0xBA00, s10;
	s6 =	sadd.s32 s14, s2  }
0x11: {  	s4 =	sshrl.u32 s4, $0x3;
	s1 =	sadd.s32 s14, s3;
	s10 =	sadd.s32 s19, s3  }
0x12: {  	[dreg:$0x6] =	wrdreg s17;
	s5 =	sshll.u32 s15, $0x2;
	s15 =	sadd.s32 $0x9600, s4  }
0x13: {  	s11 =	sadd.s32 $0x1000, s1;
	s12 =	sadd.s32 $0x2000, s1;
	s26 =	smax.u32 s8, $0x1  }
0x14: {  	s13 =	sadd.s32 $0x3000, s1;
	s18 =	sadd.s32 s7, s5;
	[dreg:$0x10] =	wrdreg s26  }
0x15: {  	s14 =	sadd.s32 $0x4000, s1;
	s21 =	sadd.s32 s7, s15;
	[dreg:$0x7] =	wrdreg s18  }
0x16: {  	s1 =	sadd.s32 s19, s2;
	s22 =	sadd.s32 s0, s5;
	[dreg:$0x9] =	wrdreg s21  }
0x17: {  	s5 =	sadd.s32 $0x9C40, s5;
	s24 =	sadd.s32 s0, s15;
	[dreg:$0xa] =	wrdreg s22  }
0x18: {  	s4 =	sadd.s32 $0x13240, s4;
	s23 =	sadd.s32 s7, s5;
	[dreg:$0xc] =	wrdreg s24  }
0x19: {  	s26 =	simm.s32 $0x5000;
	s7 =	sadd.s32 s7, s4;
	[dreg:$0xb] =	wrdreg s23  }
0x1a: {  	s4 =	sadd.s32 s0, s4;
	s0 =	sadd.s32 s0, s5;
	[dreg:$0xe] =	wrdreg s7  }
.Ltmp0:
0x1b: {  	s5 =	simm.s32 $0xD000;
	[dreg:$0xf] =	wrdreg s4;
	(pc) =	sbr.rel .LBB2_1-.Ltmp0, $4  }
0x1c: {  	s18 =	simm.s32 $0x6;
	s22 =	simm.s32 $0x7;
	[dreg:$0x11] =	wrdreg s0  }
0x1d: {  	s23 =	simm.s32 $0x9;
	s0 =	sshrl.u32 @!p0 s6, $0x3;
	s6 =	simm.s32 $0x1  }
0x1e: {  	s7 =	simm.s32 $0x2;
	[dreg:$0x12] =	wrdreg s0;
	s0 =	sshrl.u32 @!p0 s1, $0x3  }
0x1f: {  	v0 =	vimm.f32 $0.0e+00;
	s1 =	simm.s32 $0xC000;
	[dreg:$0x13] =	wrdreg s0;
	s0 =	simm.s32 $0x0  }
.LBB2_9:
0x20: {  	_ =	swait.ge [sflag:s16], $0x1000  }
0x21: {  	[sflag:s16] =	ssyncset.done $0x0  }
0x22: {  	[sflag:s16] =	ssyncadd.s32 $0xFFFFF000  }
0x23: {  	[spmem:s3] =	stream.indirect.scatter.add.f32 [tilespmem:s1], [sflag:$0x7], $0x20, s21, s29, $0xb8;
	[tilespmem:$0x19000] =	vst v63  }
0x24: {  	_ =	swait.ge [sflag:s18], $0x1000  }
0x25: {  	[sflag:s18] =	ssyncset.done $0x0  }
0x26: {  	[sflag:s18] =	ssyncadd.s32 $0xFFFFF000  }
0x27: {  	_ =	swait.ge [sflag:s20], $0x1000  }
0x28: {  	[sflag:s20] =	ssyncset.done $0x0  }
0x29: {  	s17 =	sadd.s32 $0x5380, s19;
	[sflag:s20] =	ssyncadd.s32 $0xFFFFF000  }
0x2a: {  	[spmem:s3] =	stream.indirect.scatter.add.f32 [tilespmem:s5], [sflag:$0x8], $0x20, s17, s29, $0xb8;
	[tilespmem:$0x19000] =	vst v63  }
0x2b: {  	_ =	swait.ge [sflag:s22], $0x1000  }
0x2c: {  	[sflag:s22] =	ssyncset.done $0x0  }
0x2d: {  	[sflag:s22] =	ssyncadd.s32 $0xFFFFF000  }
0x2e: {  	_ =	swait.ge [sflag:s25], $0x1000  }
0x2f: {  	[sflag:s25] =	ssyncset.done $0x0  }
0x30: {  	[sflag:s25] =	ssyncadd.s32 $0xFFFFF000  }
0x31: {  	[bflag:$0x0] =	sbarrier.arrive $0xFFFF  }
0x32: {  	s17 =	simm.s32 @p0 $0x1FC9;
	s19 =	rddreg [dreg:$0xf]  }
0x33: {  	[hbm:s19], [sflag:s17] =	dma.local @p0 [spmem:s8], $0x640  }
0x34: {  	s8 =	simm.s32 @p0 $0x9  }
0x35: {  	_ =	swait.ge @p0 [sflag:s8], $0x640  }
0x36: {  	[sflag:s8] =	ssyncset.done @p0 $0x0  }
0x37: {  	[sflag:s8] =	ssyncadd.s32 @p0 $0xFFFFF9C0;
	s8 =	rddreg [dreg:$0x11]  }
0x38: {  	[hbm:s8], [sflag:s4] =	dma.local @!p0 [spmem:s15], $0xA00  }
0x39: {  	s4 =	simm.s32 @!p0 $0x9  }
0x3a: {  	_ =	swait.ge @!p0 [sflag:s4], $0xA00  }
0x3b: {  	s0 =	sadd.s32 $0x1, s0;
	s24 =	rddreg [dreg:$0x10]  }
0x3c: {  	p1 =	sne.s32 s0, s24  }
.Ltmp1:
0x3d: {  	_ = 	snop;
	(pc) =	sbr.rel @!p1 .LBB2_10-.Ltmp1, $3  }
0x3e: {  	_ =	sdelay $0x1  }
0x3f: {  	[sflag:s4] =	ssyncset.done @!p0 $0x0  }
0x40: {  	[sflag:s4] =	ssyncadd.s32 @!p0 $0xFFFFF600  }
.LBB2_1:
0x41: {  	s4 =	simm.s32 $0x80;
	s8 =	simm.s32 $0x0  }
.LBB2_2:
0x42: {  	p1 =	sne.s32 s4, $0x3F80;
	[tilespmem:s8+$0xE000] =	vst v0;
	s15 =	smov.u32 s4;
	s4 =	sadd.s32 $0x80, s4  }
.Ltmp2:
0x43: {  	[tilespmem:s8+$0xE010] =	vst v0;
	(pc) =	sbr.rel @p1 .LBB2_2-.Ltmp2, $2  }
0x44: {  	_ =	sdelay $0x2  }
0x45: {  	s8 =	sshra.s32 s15, $0x2  }
0x46: {  	[tilespmem:s8+$0xE000] =	vst v0  }
0x47: {  	[tilespmem:s8+$0xE010] =	vst v0;
	s4 =	simm.s32 $0x0;
	s17 =	rddreg [dreg:$0x5]  }
0x48: {  	[tilespmem:s4], [sflag:$0x9] =	stream.linear.gather [hbm4b:s17+s4], $0x5000, $0x38;
	[tilespmem:$0x19000] =	vst v63  }
0x49: {  	_ =	swait.ge [sflag:s23], $0x5000  }
0x4a: {  	[sflag:s23] =	ssyncset.done $0x0  }
0x4b: {  	s19 =	rddreg [dreg:$0x6];
	[sflag:s23] =	ssyncadd.s32 $0xFFFFB000  }
0x4c: {  	[tilespmem:s26], [sflag:$0x9] =	stream.linear.gather [hbm4b:s19+s4], $0x5000, $0x38;
	[tilespmem:$0x19000] =	vst v63  }
0x4d: {  	_ =	swait.ge [sflag:s23], $0x5000  }
0x4e: {  	s4 =	rddreg [dreg:$0x8]  }
0x4f: {  	[sflag:s23] =	ssyncset.done $0x0;
	s8 =	rddreg [dreg:$0x9]  }
0x50: {  	[sflag:s23] =	ssyncadd.s32 $0xFFFFB000;
	s15 =	sshrl.u32 @p0 s4, $0x3;
	s4 =	simm.s32 @p0 $0x1FC9  }
0x51: {  	[spmem:s15], [sflag:s4] =	dma.local @p0 [hbm:s8], $0x640  }
0x52: {  	s4 =	simm.s32 @p0 $0x9  }
0x53: {  	s8 =	stileid.u32;
	_ =	swait.ge @p0 [sflag:s4], $0x640  }
0x54: {  	s8 =	sshll.u32 @!p0 s8, $0x6;
	[sflag:s4] =	ssyncset.done @p0 $0x0;
	s17 =	rddreg [dreg:$0x12]  }
0x55: {  	[sflag:s4] =	ssyncadd.s32 @p0 $0xFFFFF9C0;
	s4 =	sor.u32 @!p0 $0x1C09, s8;
	s8 =	rddreg [dreg:$0x7]  }
0x56: {  	[spmem:s17], [sflag:s4] =	dma.local @!p0 [hbm:s8], $0xA00  }
0x57: {  	s8 =	simm.s32 @!p0 $0x9  }
0x58: {  	_ =	swait.ge @!p0 [sflag:s8], $0xA00  }
0x59: {  	[sflag:s8] =	ssyncset.done @!p0 $0x0  }
0x5a: {  	[sflag:s8] =	ssyncadd.s32 @!p0 $0xFFFFF600  }
0x5b: {  	[spmem:s10] =	stream.linear.scatter [tilespmem:s28], [sflag:$0x9], $0x1000, $0x38;
	[tilespmem:$0x19000] =	vst v63  }
0x5c: {  	_ =	swait.ge [sflag:s23], $0x1000  }
0x5d: {  	[sflag:s23] =	ssyncset.done $0x0  }
0x5e: {  	[sflag:s23] =	ssyncadd.s32 $0xFFFFF000  }
0x5f: {  	[spmem:s11] =	stream.linear.scatter [tilespmem:s28], [sflag:$0x9], $0x1000, $0x38;
	[tilespmem:$0x19000] =	vst v63  }
0x60: {  	_ =	swait.ge [sflag:s23], $0x1000  }
0x61: {  	[sflag:s23] =	ssyncset.done $0x0  }
0x62: {  	[sflag:s23] =	ssyncadd.s32 $0xFFFFF000  }
0x63: {  	[spmem:s12] =	stream.linear.scatter [tilespmem:s28], [sflag:$0x9], $0x1000, $0x38;
	[tilespmem:$0x19000] =	vst v63  }
0x64: {  	_ =	swait.ge [sflag:s23], $0x1000  }
0x65: {  	[sflag:s23] =	ssyncset.done $0x0  }
0x66: {  	[sflag:s23] =	ssyncadd.s32 $0xFFFFF000  }
0x67: {  	[spmem:s13] =	stream.linear.scatter [tilespmem:s28], [sflag:$0x9], $0x1000, $0x38;
	[tilespmem:$0x19000] =	vst v63  }
0x68: {  	_ =	swait.ge [sflag:s23], $0x1000  }
0x69: {  	[sflag:s23] =	ssyncset.done $0x0  }
0x6a: {  	[sflag:s23] =	ssyncadd.s32 $0xFFFFF000  }
0x6b: {  	[spmem:s14] =	stream.linear.scatter [tilespmem:s28], [sflag:$0x9], $0x1000, $0x38;
	[tilespmem:$0x19000] =	vst v63  }
0x6c: {  	_ =	swait.ge [sflag:s23], $0x1000  }
0x6d: {  	[sflag:s23] =	ssyncset.done $0x0  }
0x6e: {  	[sflag:s23] =	ssyncadd.s32 $0xFFFFF000  }
0x6f: {  	s8 =	simm.s32 $0x0;
	[bflag:$0x0] =	sbarrier.arrive $0xFFFF  }
0x70: {  	[tilespmem:s30], [sflag:$0x1] =	stream.indirect.gather [spmem:s2], $0x20, s8, s29, $0xb8;
	[tilespmem:$0x19000] =	vst v63  }
0x71: {  	_ = 	snop  }
0x72: {  	[tilespmem:s31], [sflag:$0x2] =	stream.indirect.gather [spmem:s2], $0x20, s29, s29, $0xb8;
	[tilespmem:$0x19000] =	vst v63  }
0x73: {  	s21 =	simm.s32 $0x100  }
0x74: {  	[tilespmem:s1], [sflag:$0x3] =	stream.indirect.gather [spmem:s2], $0x20, s21, s29, $0xb8;
	[tilespmem:$0x19000] =	vst v63  }
0x75: {  	s24 =	simm.s32 $0x180  }
0x76: {  	[tilespmem:s5], [sflag:$0x4] =	stream.indirect.gather [spmem:s2], $0x20, s24, s29, $0xb8;
	[tilespmem:$0x19000] =	vst v63  }
0x77: {  	_ =	swait.ge [sflag:s6], $0x1000  }
0x78: {  	[sflag:s6] =	ssyncset.done $0x0  }
0x79: {  	[sflag:s6] =	ssyncadd.s32 $0xFFFFF000  }
0x7a: {  	[spmem:s3] =	stream.indirect.scatter.add.f32 [tilespmem:s30], [sflag:$0x5], $0x20, s26, s29, $0xb8;
	[tilespmem:$0x19000] =	vst v63  }
0x7b: {  	_ =	swait.ge [sflag:s7], $0x1000  }
0x7c: {  	[sflag:s7] =	ssyncset.done $0x0  }
0x7d: {  	s19 =	simm.s32 $0x5080;
	[sflag:s7] =	ssyncadd.s32 $0xFFFFF000  }
0x7e: {  	[spmem:s3] =	stream.indirect.scatter.add.f32 [tilespmem:s31], [sflag:$0x6], $0x20, s19, s29, $0xb8;
	[tilespmem:$0x19000] =	vst v63  }
0x7f: {  	_ =	swait.ge [sflag:s9], $0x1000  }
0x80: {  	[sflag:s9] =	ssyncset.done $0x0  }
0x81: {  	s21 =	simm.s32 $0x200;
	[sflag:s9] =	ssyncadd.s32 $0xFFFFF000  }
0x82: {  	[tilespmem:s30], [sflag:$0x1] =	stream.indirect.gather [spmem:s2], $0x20, s21, s29, $0xb8;
	[tilespmem:$0x19000] =	vst v63  }
0x83: {  	_ =	swait.ge [sflag:s16], $0x1000  }
0x84: {  	[sflag:s16] =	ssyncset.done $0x0  }
0x85: {  	s24 =	simm.s32 $0x5100;
	[sflag:s16] =	ssyncadd.s32 $0xFFFFF000  }
0x86: {  	[spmem:s3] =	stream.indirect.scatter.add.f32 [tilespmem:s1], [sflag:$0x7], $0x20, s24, s29, $0xb8;
	[tilespmem:$0x19000] =	vst v63  }
0x87: {  	_ =	swait.ge [sflag:s18], $0x1000  }
0x88: {  	[sflag:s18] =	ssyncset.done $0x0  }
0x89: {  	s19 =	simm.s32 $0x280;
	[sflag:s18] =	ssyncadd.s32 $0xFFFFF000  }
0x8a: {  	[tilespmem:s31], [sflag:$0x2] =	stream.indirect.gather [spmem:s2], $0x20, s19, s29, $0xb8;
	[tilespmem:$0x19000] =	vst v63  }
0x8b: {  	_ =	swait.ge [sflag:s20], $0x1000  }
0x8c: {  	[sflag:s20] =	ssyncset.done $0x0  }
0x8d: {  	s21 =	simm.s32 $0x5180;
	[sflag:s20] =	ssyncadd.s32 $0xFFFFF000  }
0x8e: {  	[spmem:s3] =	stream.indirect.scatter.add.f32 [tilespmem:s5], [sflag:$0x8], $0x20, s21, s29, $0xb8;
	[tilespmem:$0x19000] =	vst v63  }
0x8f: {  	_ =	swait.ge [sflag:s22], $0x1000  }
0x90: {  	[sflag:s22] =	ssyncset.done $0x0  }
0x91: {  	s24 =	simm.s32 $0x300;
	[sflag:s22] =	ssyncadd.s32 $0xFFFFF000  }
0x92: {  	[tilespmem:s1], [sflag:$0x3] =	stream.indirect.gather [spmem:s2], $0x20, s24, s29, $0xb8;
	[tilespmem:$0x19000] =	vst v63  }
.LBB2_4:
0x93: {  	_ =	swait.ge [sflag:s6], $0x1000  }
0x94: {  	s17 =	sshra.s32 s8, $0x2;
	[sflag:s6] =	ssyncset.done $0x0  }
0x95: {  	s19 =	sadd.s32 $0x5200, s17;
	[sflag:s6] =	ssyncadd.s32 $0xFFFFF000  }
0x96: {  	[spmem:s3] =	stream.indirect.scatter.add.f32 [tilespmem:s30], [sflag:$0x5], $0x20, s19, s29, $0xb8;
	[tilespmem:$0x19000] =	vst v63  }
0x97: {  	_ =	swait.ge [sflag:s25], $0x1000  }
0x98: {  	[sflag:s25] =	ssyncset.done $0x0  }
0x99: {  	s21 =	sadd.s32 $0x380, s17;
	[sflag:s25] =	ssyncadd.s32 $0xFFFFF000  }
0x9a: {  	[tilespmem:s5], [sflag:$0x4] =	stream.indirect.gather [spmem:s2], $0x20, s21, s29, $0xb8;
	[tilespmem:$0x19000] =	vst v63  }
0x9b: {  	_ =	swait.ge [sflag:s7], $0x1000  }
0x9c: {  	p1 =	seq.s32 s8, $0x13000;
	[sflag:s7] =	ssyncset.done $0x0  }
.Ltmp3:
0x9d: {  	s24 =	sadd.s32 $0x5280, s17;
	[sflag:s7] =	ssyncadd.s32 $0xFFFFF000;
	(pc) =	sbr.rel @p1 .LBB2_6-.Ltmp3, $4  }
0x9e: {  	[spmem:s3] =	stream.indirect.scatter.add.f32 [tilespmem:s31], [sflag:$0x6], $0x20, s24, s29, $0xb8;
	[tilespmem:$0x19000] =	vst v63  }
0x9f: {  	_ =	swait.ge [sflag:s9], $0x1000  }
0xa0: {  	[sflag:s9] =	ssyncset.done $0x0  }
0xa1: {  	s19 =	sadd.s32 $0x5300, s17;
	[sflag:s9] =	ssyncadd.s32 $0xFFFFF000  }
0xa2: {  	s21 =	sadd.s32 $0x400, s17  }
0xa3: {  	[tilespmem:s30], [sflag:$0x1] =	stream.indirect.gather [spmem:s2], $0x20, s21, s29, $0xb8;
	[tilespmem:$0x19000] =	vst v63  }
0xa4: {  	_ =	swait.ge [sflag:s16], $0x1000  }
0xa5: {  	[sflag:s16] =	ssyncset.done $0x0  }
0xa6: {  	[sflag:s16] =	ssyncadd.s32 $0xFFFFF000  }
0xa7: {  	[spmem:s3] =	stream.indirect.scatter.add.f32 [tilespmem:s1], [sflag:$0x7], $0x20, s19, s29, $0xb8;
	[tilespmem:$0x19000] =	vst v63  }
0xa8: {  	_ =	swait.ge [sflag:s18], $0x1000  }
0xa9: {  	[sflag:s18] =	ssyncset.done $0x0  }
0xaa: {  	s24 =	sadd.s32 $0x480, s17;
	[sflag:s18] =	ssyncadd.s32 $0xFFFFF000  }
0xab: {  	[tilespmem:s31], [sflag:$0x2] =	stream.indirect.gather [spmem:s2], $0x20, s24, s29, $0xb8;
	[tilespmem:$0x19000] =	vst v63  }
0xac: {  	_ =	swait.ge [sflag:s20], $0x1000  }
0xad: {  	[sflag:s20] =	ssyncset.done $0x0  }
0xae: {  	s21 =	sadd.s32 $0x5380, s17;
	[sflag:s20] =	ssyncadd.s32 $0xFFFFF000  }
0xaf: {  	[spmem:s3] =	stream.indirect.scatter.add.f32 [tilespmem:s5], [sflag:$0x8], $0x20, s21, s29, $0xb8;
	[tilespmem:$0x19000] =	vst v63  }
.Ltmp4:
0xb0: {  	_ = 	snop;
	(pc) =	sbr.rel .LBB2_4-.Ltmp4, $4  }
0xb1: {  	_ =	swait.ge [sflag:s22], $0x1000  }
0xb2: {  	[sflag:s22] =	ssyncset.done $0x0  }
0xb3: {  	s8 =	sadd.s32 $0x800, s8;
	s24 =	sadd.s32 $0x500, s17;
	[sflag:s22] =	ssyncadd.s32 $0xFFFFF000  }
0xb4: {  	[tilespmem:s1], [sflag:$0x3] =	stream.indirect.gather [spmem:s2], $0x20, s24, s29, $0xb8;
	[tilespmem:$0x19000] =	vst v63  }
.LBB2_6:
0xb5: {  	_ =	swait.ge [sflag:s16], $0x1000  }
0xb6: {  	[sflag:s16] =	ssyncset.done $0x0  }
0xb7: {  	[sflag:s16] =	ssyncadd.s32 $0xFFFFF000  }
0xb8: {  	[spmem:s3] =	stream.indirect.scatter.add.f32 [tilespmem:s1], [sflag:$0x7], $0x20, s19, s29, $0xb8;
	[tilespmem:$0x19000] =	vst v63  }
0xb9: {  	_ =	swait.ge [sflag:s18], $0x1000  }
0xba: {  	[sflag:s18] =	ssyncset.done $0x0  }
0xbb: {  	[sflag:s18] =	ssyncadd.s32 $0xFFFFF000  }
0xbc: {  	_ =	swait.ge [sflag:s20], $0x1000  }
0xbd: {  	[sflag:s20] =	ssyncset.done $0x0  }
0xbe: {  	s8 =	sadd.s32 $0x5380, s17;
	[sflag:s20] =	ssyncadd.s32 $0xFFFFF000  }
0xbf: {  	[spmem:s3] =	stream.indirect.scatter.add.f32 [tilespmem:s5], [sflag:$0x8], $0x20, s8, s29, $0xb8;
	[tilespmem:$0x19000] =	vst v63  }
0xc0: {  	_ =	swait.ge [sflag:s22], $0x1000  }
0xc1: {  	[sflag:s22] =	ssyncset.done $0x0  }
0xc2: {  	[sflag:s22] =	ssyncadd.s32 $0xFFFFF000  }
0xc3: {  	_ =	swait.ge [sflag:s25], $0x1000  }
0xc4: {  	[sflag:s25] =	ssyncset.done $0x0  }
0xc5: {  	[sflag:s25] =	ssyncadd.s32 $0xFFFFF000  }
0xc6: {  	[bflag:$0x0] =	sbarrier.arrive $0xFFFF  }
0xc7: {  	s8 =	rddreg [dreg:$0xd]  }
0xc8: {  	s17 =	simm.s32 @p0 $0x1FC9;
	s19 =	rddreg [dreg:$0xc];
	s8 =	sshrl.u32 @p0 s8, $0x3  }
0xc9: {  	[hbm:s19], [sflag:s17] =	dma.local @p0 [spmem:s8], $0x640  }
0xca: {  	s19 =	simm.s32 @p0 $0x9  }
0xcb: {  	_ =	swait.ge @p0 [sflag:s19], $0x640  }
0xcc: {  	[sflag:s19] =	ssyncset.done @p0 $0x0  }
0xcd: {  	s21 =	rddreg [dreg:$0xe];
	[sflag:s19] =	ssyncadd.s32 @p0 $0xFFFFF9C0  }
0xce: {  	[spmem:s15], [sflag:s17] =	dma.local @p0 [hbm:s21], $0x640  }
0xcf: {  	_ =	swait.ge @p0 [sflag:s19], $0x640  }
0xd0: {  	[sflag:s19] =	ssyncset.done @p0 $0x0  }
0xd1: {  	s15 =	sshrl.u32 @!p0 s10, $0x3;
	s17 =	rddreg [dreg:$0xa];
	[sflag:s19] =	ssyncadd.s32 @p0 $0xFFFFF9C0  }
0xd2: {  	[hbm:s17], [sflag:s4] =	dma.local @!p0 [spmem:s15], $0xA00  }
0xd3: {  	s17 =	simm.s32 @!p0 $0x9  }
0xd4: {  	_ =	swait.ge @!p0 [sflag:s17], $0xA00  }
0xd5: {  	[sflag:s17] =	ssyncset.done @!p0 $0x0;
	s19 =	rddreg [dreg:$0xb]  }
0xd6: {  	s21 =	rddreg [dreg:$0x13];
	[sflag:s17] =	ssyncadd.s32 @!p0 $0xFFFFF600  }
0xd7: {  	[spmem:s21], [sflag:s4] =	dma.local @!p0 [hbm:s19], $0xA00  }
0xd8: {  	_ =	swait.ge @!p0 [sflag:s17], $0xA00  }
0xd9: {  	[sflag:s17] =	ssyncset.done @!p0 $0x0  }
0xda: {  	[sflag:s17] =	ssyncadd.s32 @!p0 $0xFFFFF600  }
0xdb: {  	[spmem:s10] =	stream.linear.scatter [tilespmem:s28], [sflag:$0x9], $0x1000, $0x38;
	[tilespmem:$0x19000] =	vst v63  }
0xdc: {  	_ =	swait.ge [sflag:s23], $0x1000  }
0xdd: {  	[sflag:s23] =	ssyncset.done $0x0  }
0xde: {  	[sflag:s23] =	ssyncadd.s32 $0xFFFFF000  }
0xdf: {  	[spmem:s11] =	stream.linear.scatter [tilespmem:s28], [sflag:$0x9], $0x1000, $0x38;
	[tilespmem:$0x19000] =	vst v63  }
0xe0: {  	_ =	swait.ge [sflag:s23], $0x1000  }
0xe1: {  	[sflag:s23] =	ssyncset.done $0x0  }
0xe2: {  	[sflag:s23] =	ssyncadd.s32 $0xFFFFF000  }
0xe3: {  	[spmem:s12] =	stream.linear.scatter [tilespmem:s28], [sflag:$0x9], $0x1000, $0x38;
	[tilespmem:$0x19000] =	vst v63  }
0xe4: {  	_ =	swait.ge [sflag:s23], $0x1000  }
0xe5: {  	[sflag:s23] =	ssyncset.done $0x0  }
0xe6: {  	[sflag:s23] =	ssyncadd.s32 $0xFFFFF000  }
0xe7: {  	[spmem:s13] =	stream.linear.scatter [tilespmem:s28], [sflag:$0x9], $0x1000, $0x38;
	[tilespmem:$0x19000] =	vst v63  }
0xe8: {  	_ =	swait.ge [sflag:s23], $0x1000  }
0xe9: {  	[sflag:s23] =	ssyncset.done $0x0  }
0xea: {  	[sflag:s23] =	ssyncadd.s32 $0xFFFFF000  }
0xeb: {  	[spmem:s14] =	stream.linear.scatter [tilespmem:s28], [sflag:$0x9], $0x1000, $0x38;
	[tilespmem:$0x19000] =	vst v63  }
0xec: {  	_ =	swait.ge [sflag:s23], $0x1000  }
0xed: {  	[sflag:s23] =	ssyncset.done $0x0  }
0xee: {  	[sflag:s23] =	ssyncadd.s32 $0xFFFFF000  }
0xef: {  	s17 =	simm.s32 $0x0;
	[bflag:$0x0] =	sbarrier.arrive $0xFFFF  }
0xf0: {  	[tilespmem:s30], [sflag:$0x1] =	stream.indirect.gather [spmem:s2], $0x20, s17, s29, $0xb8;
	[tilespmem:$0x19000] =	vst v63  }
0xf1: {  	_ = 	snop  }
0xf2: {  	[tilespmem:s31], [sflag:$0x2] =	stream.indirect.gather [spmem:s2], $0x20, s29, s29, $0xb8;
	[tilespmem:$0x19000] =	vst v63  }
0xf3: {  	s21 =	simm.s32 $0x100  }
0xf4: {  	[tilespmem:s1], [sflag:$0x3] =	stream.indirect.gather [spmem:s2], $0x20, s21, s29, $0xb8;
	[tilespmem:$0x19000] =	vst v63  }
0xf5: {  	s24 =	simm.s32 $0x180  }
0xf6: {  	[tilespmem:s5], [sflag:$0x4] =	stream.indirect.gather [spmem:s2], $0x20, s24, s29, $0xb8;
	[tilespmem:$0x19000] =	vst v63  }
0xf7: {  	_ =	swait.ge [sflag:s6], $0x1000  }
0xf8: {  	[sflag:s6] =	ssyncset.done $0x0  }
0xf9: {  	[sflag:s6] =	ssyncadd.s32 $0xFFFFF000  }
0xfa: {  	[spmem:s3] =	stream.indirect.scatter.add.f32 [tilespmem:s30], [sflag:$0x5], $0x20, s26, s29, $0xb8;
	[tilespmem:$0x19000] =	vst v63  }
0xfb: {  	_ =	swait.ge [sflag:s7], $0x1000  }
0xfc: {  	[sflag:s7] =	ssyncset.done $0x0  }
0xfd: {  	s21 =	simm.s32 $0x5080;
	[sflag:s7] =	ssyncadd.s32 $0xFFFFF000  }
0xfe: {  	[spmem:s3] =	stream.indirect.scatter.add.f32 [tilespmem:s31], [sflag:$0x6], $0x20, s21, s29, $0xb8;
	[tilespmem:$0x19000] =	vst v63  }
0xff: {  	_ =	swait.ge [sflag:s9], $0x1000  }
0x100: {  	[sflag:s9] =	ssyncset.done $0x0  }
0x101: {  	s24 =	simm.s32 $0x200;
	[sflag:s9] =	ssyncadd.s32 $0xFFFFF000  }
0x102: {  	[tilespmem:s30], [sflag:$0x1] =	stream.indirect.gather [spmem:s2], $0x20, s24, s29, $0xb8;
	[tilespmem:$0x19000] =	vst v63  }
0x103: {  	_ =	swait.ge [sflag:s16], $0x1000  }
0x104: {  	[sflag:s16] =	ssyncset.done $0x0  }
0x105: {  	s21 =	simm.s32 $0x5100;
	[sflag:s16] =	ssyncadd.s32 $0xFFFFF000  }
0x106: {  	[spmem:s3] =	stream.indirect.scatter.add.f32 [tilespmem:s1], [sflag:$0x7], $0x20, s21, s29, $0xb8;
	[tilespmem:$0x19000] =	vst v63  }
0x107: {  	_ =	swait.ge [sflag:s18], $0x1000  }
0x108: {  	[sflag:s18] =	ssyncset.done $0x0  }
0x109: {  	s24 =	simm.s32 $0x280;
	[sflag:s18] =	ssyncadd.s32 $0xFFFFF000  }
0x10a: {  	[tilespmem:s31], [sflag:$0x2] =	stream.indirect.gather [spmem:s2], $0x20, s24, s29, $0xb8;
	[tilespmem:$0x19000] =	vst v63  }
0x10b: {  	_ =	swait.ge [sflag:s20], $0x1000  }
0x10c: {  	[sflag:s20] =	ssyncset.done $0x0  }
0x10d: {  	s21 =	simm.s32 $0x5180;
	[sflag:s20] =	ssyncadd.s32 $0xFFFFF000  }
0x10e: {  	[spmem:s3] =	stream.indirect.scatter.add.f32 [tilespmem:s5], [sflag:$0x8], $0x20, s21, s29, $0xb8;
	[tilespmem:$0x19000] =	vst v63  }
0x10f: {  	_ =	swait.ge [sflag:s22], $0x1000  }
0x110: {  	[sflag:s22] =	ssyncset.done $0x0  }
0x111: {  	s24 =	simm.s32 $0x300;
	[sflag:s22] =	ssyncadd.s32 $0xFFFFF000  }
0x112: {  	[tilespmem:s1], [sflag:$0x3] =	stream.indirect.gather [spmem:s2], $0x20, s24, s29, $0xb8;
	[tilespmem:$0x19000] =	vst v63  }
.LBB2_7:
0x113: {  	_ =	swait.ge [sflag:s6], $0x1000  }
0x114: {  	s19 =	sshra.s32 s17, $0x2;
	[sflag:s6] =	ssyncset.done $0x0  }
0x115: {  	s21 =	sadd.s32 $0x5200, s19;
	[sflag:s6] =	ssyncadd.s32 $0xFFFFF000  }
0x116: {  	[spmem:s3] =	stream.indirect.scatter.add.f32 [tilespmem:s30], [sflag:$0x5], $0x20, s21, s29, $0xb8;
	[tilespmem:$0x19000] =	vst v63  }
0x117: {  	_ =	swait.ge [sflag:s25], $0x1000  }
0x118: {  	[sflag:s25] =	ssyncset.done $0x0  }
0x119: {  	s24 =	sadd.s32 $0x380, s19;
	[sflag:s25] =	ssyncadd.s32 $0xFFFFF000  }
0x11a: {  	[tilespmem:s5], [sflag:$0x4] =	stream.indirect.gather [spmem:s2], $0x20, s24, s29, $0xb8;
	[tilespmem:$0x19000] =	vst v63  }
0x11b: {  	_ =	swait.ge [sflag:s7], $0x1000  }
0x11c: {  	p1 =	seq.s32 s17, $0x13000;
	[sflag:s7] =	ssyncset.done $0x0  }
.Ltmp5:
0x11d: {  	s24 =	sadd.s32 $0x5280, s19;
	[sflag:s7] =	ssyncadd.s32 $0xFFFFF000;
	(pc) =	sbr.rel @p1 .LBB2_9-.Ltmp5, $4  }
0x11e: {  	[spmem:s3] =	stream.indirect.scatter.add.f32 [tilespmem:s31], [sflag:$0x6], $0x20, s24, s29, $0xb8;
	[tilespmem:$0x19000] =	vst v63  }
0x11f: {  	_ =	swait.ge [sflag:s9], $0x1000  }
0x120: {  	[sflag:s9] =	ssyncset.done $0x0  }
0x121: {  	s21 =	sadd.s32 $0x5300, s19;
	[sflag:s9] =	ssyncadd.s32 $0xFFFFF000  }
0x122: {  	s24 =	sadd.s32 $0x400, s19  }
0x123: {  	[tilespmem:s30], [sflag:$0x1] =	stream.indirect.gather [spmem:s2], $0x20, s24, s29, $0xb8;
	[tilespmem:$0x19000] =	vst v63  }
0x124: {  	_ =	swait.ge [sflag:s16], $0x1000  }
0x125: {  	[sflag:s16] =	ssyncset.done $0x0  }
0x126: {  	[sflag:s16] =	ssyncadd.s32 $0xFFFFF000  }
0x127: {  	[spmem:s3] =	stream.indirect.scatter.add.f32 [tilespmem:s1], [sflag:$0x7], $0x20, s21, s29, $0xb8;
	[tilespmem:$0x19000] =	vst v63  }
0x128: {  	_ =	swait.ge [sflag:s18], $0x1000  }
0x129: {  	[sflag:s18] =	ssyncset.done $0x0  }
0x12a: {  	s24 =	sadd.s32 $0x480, s19;
	[sflag:s18] =	ssyncadd.s32 $0xFFFFF000  }
0x12b: {  	[tilespmem:s31], [sflag:$0x2] =	stream.indirect.gather [spmem:s2], $0x20, s24, s29, $0xb8;
	[tilespmem:$0x19000] =	vst v63  }
0x12c: {  	_ =	swait.ge [sflag:s20], $0x1000  }
0x12d: {  	[sflag:s20] =	ssyncset.done $0x0  }
0x12e: {  	s24 =	sadd.s32 $0x5380, s19;
	[sflag:s20] =	ssyncadd.s32 $0xFFFFF000  }
0x12f: {  	[spmem:s3] =	stream.indirect.scatter.add.f32 [tilespmem:s5], [sflag:$0x8], $0x20, s24, s29, $0xb8;
	[tilespmem:$0x19000] =	vst v63  }
.Ltmp6:
0x130: {  	_ = 	snop;
	(pc) =	sbr.rel .LBB2_7-.Ltmp6, $4  }
0x131: {  	_ =	swait.ge [sflag:s22], $0x1000  }
0x132: {  	[sflag:s22] =	ssyncset.done $0x0  }
0x133: {  	s17 =	sadd.s32 $0x800, s17;
	s24 =	sadd.s32 $0x500, s19;
	[sflag:s22] =	ssyncadd.s32 $0xFFFFF000  }
0x134: {  	[tilespmem:s1], [sflag:$0x3] =	stream.indirect.gather [spmem:s2], $0x20, s24, s29, $0xb8;
	[tilespmem:$0x19000] =	vst v63  }
.LBB2_10:
0x135: {  	_ =	sfence.sel $0x180000  }
0x136: {  	[bflag:$0x0] =	sbarrier.arrive $0xFFFF  }
0x137: {  	_ =	strace $0x9000004D  }
0x138: {  	s0 =	stileid.u32;
	[bflag:$0x2] =	sbarrier.arrive $0xFFFF  }
0x139: {  	p0 =	sne.s32 s0, $0x0;
	s0 =	rddreg [dreg:$0x4]  }
0x13a: {  	s0 =	sadd.s32 @!p0 $0x100000, s0  }
0x13b: {  	[sflag:s0] =	ssyncadd.tile.s32 @!p0 $0x1;
	_ =	shalt  }
.Lfunc_end2:
_tile_overlayer_lowered:
.L_overlay_start_2:
0x13c: {  	(tag) =	ssettag $0x2  }
0x13d: {  	s0 =	rddreg [dreg:$0x0];
	s2 =	stileid.u32  }
0x13e: {  	s1 =	rddreg [dreg:$0x1];
	p0 =	sne.s32 s2, $0x0  }
0x13f: {  	s3 =	rddreg [dreg:$0x2];
	[bflag:$0x3] =	sbarrier.arrive $0xFFFF;
	s2 =	simm.s32 @!p0 $0x1C09  }
0x140: {  	[timem:s3], [sflag:s2] =	dma.local @!p0 [hbm:s0], s1  }
0x141: {  	s0 =	simm.s32 @!p0 $0x9  }
0x142: {  	_ =	swait.ge @!p0 [sflag:s0], s1  }
0x143: {  	s1 =	ssub.s32 @!p0 $0x0, s1;
	[sflag:s0] =	ssyncset.done @!p0 $0x0  }
0x144: {  	[sflag:s0] =	ssyncadd.s32 @!p0 s1  }
0x145: {  	[bflag:$0x3] =	sbarrier.arrive $0xFFFF  }
0x146: {  	_ =	shalt  }

// kernel: kernel.8.cloned.1.call-start
scs
__scs_entry_jumppad:
0x0: {  	(pc) =	sbr.rel $0x88, $3  }
0x1: {  	(tag) =	ssettag $0x0;
	lr =	simm.s32 $0x1  }
0x2: {  	[smem:$0x3F9D] =	sst lr;
	_ =	strace $0xD0000000  }
0x3: {  	_ = 	snop  }
0x4: {  	_ = 	snop  }
0x5: {  	_ = 	snop  }
0x6: {  	_ = 	snop  }
0x7: {  	_ = 	snop  }
__scs_overlays_trampoline_lowered:
0x8: {  	[smem:$0x3FAC] =	sst s0  }
0x9: {  	[smem:$0x3FAD] =	sst s1  }
0xa: {  	[smem:$0x3FAE] =	sst s2  }
0xb: {  	[smem:$0x3FAF] =	sst s3  }
0xc: {  	[smem:$0x3FB0] =	sst s4  }
0xd: {  	[smem:$0x3FB1] =	sst s5  }
0xe: {  	[smem:$0x3FB2] =	sst s6  }
0xf: {  	[smem:$0x3FB3] =	sst s7  }
0x10: {  	[smem:$0x3FB4] =	sst s8  }
0x11: {  	[smem:$0x3FB5] =	sst s9;
	s0 =	simm.s32 @!p0 $0x0  }
0x12: {  	s1 =	sld [smem:$0x3F9B];
	s0 =	simm.s32 @p0 $0x1  }
0x13: {  	[smem:$0x3FB6] =	sst s0;
	s0 =	simm.s32 @!p1 $0x0  }
0x14: {  	s2 =	sld [smem:$0x3F9A];
	s0 =	simm.s32 @p1 $0x1  }
0x15: {  	[smem:$0x3FB7] =	sst s0;
	s0 =	simm.s32 @!p2 $0x0  }
0x16: {  	s3 =	sld [smem:$0x3FDB];
	s0 =	simm.s32 @p2 $0x1  }
0x17: {  	s4 =	simm.s32 $0x1BF5;
	[smem:$0x3FB9] =	sst s0  }
0x18: {  	s0 =	sld [smem:$0x3F9C];
	_ =	swait.ge [sflag:s4], $0x0  }
0x19: {  	s7 =	sld [smem:$0x3F9D]  }
0x1a: {  	s8 =	sadd.s32 $0xFFFFE003, lr  }
0x1b: {  	s9 =	sadd.s32 $0xFFFFFEF7, lr;
	s5 =	simm.s32 $0xFFFFFFFF;
	p2 =	slt.u32 s8, $0xFFFFF086  }
0x1c: {  	p1 =	slt.u32 s9, $0xF7A;
	s5 =	simm.s32 @!p2 $0x0  }
0x1d: {  	s5 =	simm.s32 @p1 $0x1;
	p0 =	seq.s32 s7, s2  }
0x1e: {  	s7 =	smul.u32 @!p0 $0xF7A, s2;
	p2 =	seq.s32 @!p0 s5, $0x0  }
0x1f: {  	s9 =	smul.u32 $0xF7A, s1;
	s8 =	simm.s32 @!p0 $0x1BF5;
	p2 =	por !p2, p0  }
0x20: {  	[sflag:s8] =	ssyncset.s32 @!p0 $0xFFFFF086;
	s6 =	sadd.s32 @!p0 s3, s7;
	s7 =	simm.s32 @!p0 $0x108  }
0x21: {  	s3 =	sadd.s32 s3, s9;
	s6 =	sadd.s32 @!p0 $0x88, s6;
	s7 =	simm.s32 @p2 $0x1082  }
0x22: {  	[simem:s7], [sflag:s8] =	dma.local @!p0 [hbm:s6], $0xF7A  }
0x23: {  	s9 =	sor.u32 $0xD0000000, s2;
	s6 =	simm.s32 $0x108;
	_ =	swait.ge @!p0 [sflag:s8], $0x0  }
0x24: {  	s3 =	sadd.s32 $0x88, s3;
	s6 =	simm.s32 @!p1 $0x1082;
	[sflag:s4] =	ssyncset.s32 $0xFFFFF086  }
0x25: {  	[simem:s6], [sflag:s4] =	dma.local [hbm:s3], $0xF7A  }
0x26: {  	[smem:$0x3F9D] =	sst s1;
	(tag) =	ssettag s2;
	_ =	strace s9  }
0x27: {  	s1 =	sld [smem:$0x3FAD]  }
0x28: {  	s2 =	sld [smem:$0x3FAE]  }
0x29: {  	s4 =	sld [smem:$0x3FB0]  }
0x2a: {  	p0 =	seq.s32 s5, $0x0;
	s5 =	sld [smem:$0x3FB1]  }
0x2b: {  	s6 =	sld [smem:$0x3FB2]  }
0x2c: {  	s7 =	sld [smem:$0x3FB3]  }
0x2d: {  	s3 =	simm.s32 $0x108;
	s8 =	sld [smem:$0x3FB4]  }
0x2e: {  	s3 =	simm.s32 @!p0 $0x1082;
	s9 =	sld [smem:$0x3FB5]  }
0x2f: {  	lr =	sadd.s32 s0, s3;
	s0 =	sld [smem:$0x3FAC]  }
0x30: {  	s3 =	sld [smem:$0x3FAF]  }
0x31: {  	[smem:$0x3FB8] =	sst s10  }
0x32: {  	s10 =	sld [smem:$0x3FB6];
	_ =	sdelay $0x3  }
0x33: {  	p0 =	seq.s32 s10, $0x1;
	s10 =	sld [smem:$0x3FB8];
	_ =	sdelay $0x3  }
0x34: {  	[smem:$0x3FB8] =	sst s10  }
0x35: {  	s10 =	sld [smem:$0x3FB7];
	_ =	sdelay $0x3  }
0x36: {  	p1 =	seq.s32 s10, $0x1;
	s10 =	sld [smem:$0x3FB8];
	_ =	sdelay $0x3  }
0x37: {  	[smem:$0x3FB8] =	sst s10  }
0x38: {  	s10 =	sld [smem:$0x3FB9]  }
0x39: {  	_ = 	snop;
	(pc) =	sbr.ind lr, $3  }
0x3a: {  	_ = 	snop  }
0x3b: {  	_ = 	snop  }
0x3c: {  	p2 =	seq.s32 s10, $0x1;
	s10 =	sld [smem:$0x3FB8]  }
0x3d: {  	_ =	shalt  }
0x3e: {  	_ =	shalt  }
0x3f: {  	_ =	shalt  }
0x40: {  	_ =	shalt  }
0x41: {  	_ =	shalt  }
0x42: {  	_ =	shalt  }
0x43: {  	_ =	shalt  }
0x44: {  	_ =	shalt  }
0x45: {  	_ =	shalt  }
0x46: {  	_ =	shalt  }
0x47: {  	_ =	shalt  }
0x48: {  	_ =	shalt  }
0x49: {  	_ =	shalt  }
0x4a: {  	_ =	shalt  }
0x4b: {  	_ =	shalt  }
0x4c: {  	_ =	shalt  }
0x4d: {  	_ =	shalt  }
0x4e: {  	_ =	shalt  }
0x4f: {  	_ =	shalt  }
0x50: {  	_ =	shalt  }
0x51: {  	_ =	shalt  }
0x52: {  	_ =	shalt  }
0x53: {  	_ =	shalt  }
0x54: {  	_ =	shalt  }
0x55: {  	_ =	shalt  }
0x56: {  	_ =	shalt  }
0x57: {  	_ =	shalt  }
0x58: {  	_ =	shalt  }
0x59: {  	_ =	shalt  }
0x5a: {  	_ =	shalt  }
0x5b: {  	_ =	shalt  }
0x5c: {  	_ =	shalt  }
0x5d: {  	_ =	shalt  }
0x5e: {  	_ =	shalt  }
0x5f: {  	_ =	shalt  }
0x60: {  	_ =	shalt  }
0x61: {  	_ =	shalt  }
0x62: {  	_ =	shalt  }
0x63: {  	_ =	shalt  }
0x64: {  	_ =	shalt  }
0x65: {  	_ =	shalt  }
0x66: {  	_ =	shalt  }
0x67: {  	_ =	shalt  }
0x68: {  	_ =	shalt  }
0x69: {  	_ =	shalt  }
0x6a: {  	_ =	shalt  }
0x6b: {  	_ =	shalt  }
0x6c: {  	_ =	shalt  }
0x6d: {  	_ =	shalt  }
0x6e: {  	_ =	shalt  }
0x6f: {  	_ =	shalt  }
0x70: {  	_ =	shalt  }
0x71: {  	_ =	shalt  }
0x72: {  	_ =	shalt  }
0x73: {  	_ =	shalt  }
0x74: {  	_ =	shalt  }
0x75: {  	_ =	shalt  }
0x76: {  	_ =	shalt  }
0x77: {  	_ =	shalt  }
0x78: {  	_ =	shalt  }
0x79: {  	_ =	shalt  }
0x7a: {  	_ =	shalt  }
0x7b: {  	_ =	shalt  }
0x7c: {  	_ =	shalt  }
0x7d: {  	_ =	shalt  }
0x7e: {  	_ =	shalt  }
0x7f: {  	_ =	shalt  }
0x80: {  	_ =	shalt  }
0x81: {  	_ =	shalt  }
0x82: {  	_ =	shalt  }
0x83: {  	_ =	shalt  }
0x84: {  	_ =	shalt  }
0x85: {  	_ =	shalt  }
0x86: {  	_ =	shalt  }
0x87: {  	_ =	shalt  }
.Lfunc_end0:
.L_simem_size_0:
called_computation_lowered:
.L_overlay_start_0:
0x88: {  	s2 =	sld [smem:$0x3FD9]  }
0x89: {  	s3 =	sld [smem:$0x3FFE];
	_ =	sdelay $0x1  }
0x8a: {  	s1 =	srdreg.scid  }
0x8b: {  	s0 =	sand.u32 $0x1, s1  }
0x8c: {  	s16 =	sshll.u32 s0, $0xA;
	s2 =	sadd.s32 s3, s2  }
0x8d: {  	s2 =	sadd.s32 s2, s16  }
0x8e: {  	[smem:$0x3FC4] =	sst s2  }
0x8f: {  	_ = 	snop  }
0x90: {  	(tm) =	ssettm $0x1  }
0x91: {  	s17 =	sld [smem:$0x3FFB];
	_ =	sdelay $0x3  }
0x92: {  	_ =	strace s17  }
0x93: {  	s2 =	sld [smem:$0x3FFC];
	_ =	sdelay $0x3  }
0x94: {  	_ =	strace s2  }
0x95: {  	s2 =	sld [smem:$0x3FFD];
	_ =	sdelay $0x3  }
0x96: {  	_ =	strace s2  }
0x97: {  	_ =	strace $0x8FFFFFFF  }
0x98: {  	s18 =	sld [smem:$0x3FDB];
	_ =	sdelay $0x1  }
0x99: {  	s19 =	simm.s32 $_scs_section_size  }
0x9a: {  	s4 =	simm.s32 $_size__tile_overlayer_lowered;
	s5 =	simm.s32 $_tile_overlayer_lowered  }
0x9b: {  	s22 =	simm.s32 $0x1BFF;
	s21 =	sshll.u32 s5, $0x1;
	s2 =	sadd.s32 s19, s18  }
0x9c: {  	s6 =	simm.s32 $0x0;
	s20 =	sshll.u32 s4, $0x1;
	s4 =	sadd.s32 s21, s2  }
0x9d: {  	[timem:s6], [sflag:s22] =	dma.local [hbm:s4], s20  }
0x9e: {  	_ =	swait.ge [sflag:s22], s20  }
0x9f: {  	s3 =	ssub.s32 $0x0, s20;
	[sflag:s22] =	ssyncset.done $0x0  }
0xa0: {  	[sflag:s22] =	ssyncadd.s32 s3;
	_ =	sdelay $0x1  }
0xa1: {  	s23 =	simm.s32 $0x1B8B  }
0xa2: {  	_ =	swait.ge [sflag:s23], $0x1  }
0xa3: {  	[sflag:s23] =	ssyncset.done $0x0  }
0xa4: {  	s25 =	simm.s32 $0x1B8E;
	s24 =	sld [smem:$0x3FFE];
	[sflag:s23] =	ssyncadd.s32 $0xFFFFFFFF  }
0xa5: {  	s26 =	simm.s32 $execute0_lowered;
	[smem:$0x3FD2] =	sst s25  }
0xa6: {  	s4 =	sshll.u32 s26, $0x1;
	_ =	strace $0x80000046;
	[dreg:$0x1] =	wrdreg $0xFFFFFFFF  }
0xa7: {  	s28 =	simm.s32 $_size_execute0_lowered;
	s2 =	sadd.s32 s2, s4;
	[dreg:$0x0] =	wrdreg $0x0  }
0xa8: {  	s4 =	sshll.u32 s28, $0x1;
	[dreg:$0x2] =	wrdreg s2  }
0xa9: {  	[dreg:$0x3] =	wrdreg s4  }
0xaa: {  	[dreg:$0x4] =	wrdreg $0xC0  }
0xab: {  	_ =	task [dreg:s6], $0x5FFFF  }
0xac: {  	[dreg:$0x1] =	wrdreg $0xFFFFFFFF  }
0xad: {  	[dreg:$0x0] =	wrdreg $0x60  }
0xae: {  	[dreg:$0x2] =	wrdreg s24  }
0xaf: {  	[dreg:$0x3] =	wrdreg $0x2A800  }
0xb0: {  	[dreg:$0x4] =	wrdreg $0x9  }
0xb1: {  	_ =	task.clear_ibuf [dreg:s6], $0x5FFFF;
	_ =	strace $0x90000046  }
0xb2: {  	s29 =	simm.s32 $0x9;
	_ =	strace $0x80000048  }
0xb3: {  	_ =	swait.ge [sflag:s29], $0x1  }
0xb4: {  	[sflag:s29] =	ssyncadd.s32 $0xFFFFFFFF  }
0xb5: {  	_ =	strace $0x90000048  }
0xb6: {  	_ =	sfence  }
0xb7: {  	s30 =	sld [smem:$0x0];
	_ =	sdelay $0x2  }
0xb8: {  	s31 =	sshll.u32 s1, $0xD;
	s1 =	sshrl.u32 s1, $0x2  }
0xb9: {  	s3 =	sand.u32 $0x4000, s31;
	s1 =	sadd.s32 s1, s30  }
0xba: {  	s0 =	sor.u32 s3, s0;
	s1 =	sshll.u32 s1, $0x11  }
0xbb: {  	s0 =	sor.u32 s1, s0  }
0xbc: {  	s0 =	sadd.s32 $0x8F2B, s0  }
0xbd: {  	[sflag:s0] =	ssyncadd.remote.s32 $0x1  }
0xbe: {  	_ =	sfence.sel $0xFFFF  }
0xbf: {  	[dreg:$0x0] =	wrdreg $0xFFFFFFFF;
	(pc) =	sbr.abs _section_cstart, $3  }
0xc0: {  	[dreg:$0x1] =	wrdreg $0xFFFFFFFF  }
0xc1: {  	_ =	task.clear_ibuf [dreg:s6], $0x2FFFF;
	_ =	strace $0x9FFFFFFF  }
0xc2: {  	(tm) =	ssettm $0x7FFFFFFF  }
0xc3: {  	_ =	shalt  }
tec
execute0_lowered:
.L_overlay_start_1:
0x0: {  	(tag) =	ssettag $0x1  }
0x1: {  	s4 =	rddreg [dreg:$0x0]  }
0x2: {  	s2 =	rddreg [dreg:$0x1];
	s3 =	srdreg.scid  }
0x3: {  	s1 =	stileid.u32;
	s0 =	rddreg [dreg:$0x2];
	s10 =	simm.s32 $0x80  }
0x4: {  	s11 =	simm.s32 $0x2780;
	s14 =	simm.s32 $0x0;
	s5 =	sand.u32 $0x1, s3  }
0x5: {  	s6 =	smul.u32 $0x280, s1;
	s3 =	simm.s32 $0x0;
	s12 =	sshll.u32 s1, $0x6  }
0x6: {  	s7 =	sshll.u32 s5, $0x4;
	s8 =	smul.u32 $0x2800, s5;
	[smem:$0x7FF] =	sst s3  }
0x7: {  	s5 =	ssub.s32 $0x2, s5;
	s12 =	sor.u32 $0x1C01, s12;
	s7 =	sor.u32 s1, s7  }
0x8: {  	s9 =	sshrl.u32 s5, $0x1;
	s7 =	smul.u32 $0x4F0, s7;
	s8 =	sadd.s32 s6, s8  }
0x9: {  	_ =	strace $0x80000047;
	s9 =	ssub.s32 s5, s9;
	s8 =	sshrl.u32 s8, $0x3  }
0xa: {  	s7 =	sadd.s32 s7, s4;
	s8 =	sadd.s32 s8, s4;
	s4 =	sadd.s32 s6, s2  }
0xb: {  	s5 =	sadd.s32 $0x1200, s7;
	s6 =	sadd.s32 $0xB000, s8;
	s7 =	smax.u32 s9, $0x1  }
0xc: {  	v0 =	vimm.f32 $1.000000000e+00;
	v1 =	vimm.f32 $0.0e+00;
	s8 =	simm.s32 $0x2800;
	s9 =	simm.s32 $0x1;
	s13 =	sshrl.u32 s4, $0x3  }
.LBB2_1:
0xd: {  	[tilespmem:$0x2780] =	vst v0  }
0xe: {  	[tilespmem:$0x2790] =	vst v0  }
0xf: {  	[tilespmem:$0x27A0] =	vst v0  }
0x10: {  	[tilespmem:$0x27B0] =	vst v0  }
0x11: {  	[tilespmem:$0x27C0] =	vst v0  }
0x12: {  	[tilespmem:$0x27D0] =	vst v0  }
0x13: {  	[tilespmem:$0x27E0] =	vst v0  }
0x14: {  	[tilespmem:$0x27F0] =	vst v0  }
0x15: {  	[tilespmem:$0x2800] =	vst v1  }
0x16: {  	[tilespmem:$0x2810] =	vst v1  }
0x17: {  	[tilespmem:$0x2820] =	vst v1  }
0x18: {  	[tilespmem:$0x2830] =	vst v1  }
0x19: {  	[tilespmem:$0x2840] =	vst v1  }
0x1a: {  	[tilespmem:$0x2850] =	vst v1  }
0x1b: {  	[tilespmem:$0x2860] =	vst v1  }
0x1c: {  	[tilespmem:$0x2870] =	vst v1  }
0x1d: {  	[tilespmem:$0x2880] =	vst v1  }
0x1e: {  	[tilespmem:$0x2890] =	vst v1  }
0x1f: {  	[tilespmem:$0x28A0] =	vst v1  }
0x20: {  	[tilespmem:$0x28B0] =	vst v1  }
0x21: {  	[tilespmem:$0x28C0] =	vst v1  }
0x22: {  	[tilespmem:$0x28D0] =	vst v1  }
0x23: {  	[tilespmem:$0x28E0] =	vst v1  }
0x24: {  	[tilespmem:$0x28F0] =	vst v1  }
0x25: {  	[tilespmem:$0x2900] =	vst v1  }
0x26: {  	[tilespmem:$0x2910] =	vst v1  }
0x27: {  	[tilespmem:$0x2920] =	vst v1  }
0x28: {  	[tilespmem:$0x2930] =	vst v1  }
0x29: {  	[tilespmem:$0x2940] =	vst v1  }
0x2a: {  	[tilespmem:$0x2950] =	vst v1  }
0x2b: {  	[tilespmem:$0x2960] =	vst v1  }
0x2c: {  	[tilespmem:$0x2970] =	vst v1  }
0x2d: {  	[tilespmem:$0x2980] =	vst v1  }
0x2e: {  	[tilespmem:$0x2990] =	vst v1  }
0x2f: {  	[tilespmem:$0x29A0] =	vst v1  }
0x30: {  	[tilespmem:$0x29B0] =	vst v1  }
0x31: {  	[tilespmem:$0x29C0] =	vst v1  }
0x32: {  	[tilespmem:$0x29D0] =	vst v1  }
0x33: {  	[tilespmem:$0x29E0] =	vst v1  }
0x34: {  	[tilespmem:$0x29F0] =	vst v1  }
0x35: {  	[tilespmem:$0x2A00] =	vst v1  }
0x36: {  	[tilespmem:$0x2A10] =	vst v1  }
0x37: {  	[tilespmem:$0x2A20] =	vst v1  }
0x38: {  	[tilespmem:$0x2A30] =	vst v1  }
0x39: {  	[tilespmem:$0x2A40] =	vst v1  }
0x3a: {  	[tilespmem:$0x2A50] =	vst v1  }
0x3b: {  	[tilespmem:$0x2A60] =	vst v1  }
0x3c: {  	[tilespmem:$0x2A70] =	vst v1  }
0x3d: {  	[spmem:s4] =	stream.linear.scatter [tilespmem:s8], [sflag:$0x1], $0x280, $0x38;
	[tilespmem:$0x2D00] =	vst v63  }
0x3e: {  	_ =	swait.ge [sflag:s9], $0x280  }
0x3f: {  	[sflag:s9] =	ssyncset.done $0x0  }
0x40: {  	[sflag:s9] =	ssyncadd.s32 $0xFFFFFD80  }
0x41: {  	[tilespmem:s3], [sflag:$0x1] =	stream.linear.gather [hbm4b:s5+s3], $0x2780, $0x38;
	[tilespmem:$0x2D00] =	vst v63  }
0x42: {  	_ =	swait.ge [sflag:s9], $0x2780  }
0x43: {  	[sflag:s9] =	ssyncset.done $0x0  }
0x44: {  	[sflag:s9] =	ssyncadd.s32 $0xFFFFD880  }
0x45: {  	s15 =	simm.s32 $0x0;
	[bflag:$0x0] =	sbarrier.arrive $0xFFFF  }
0x46: {  	[spmem:s2] =	stream.indirect.scatter.add.f32 [tilespmem:s11], [sflag:$0x1], $0x1, s15, s10, $0xb8;
	[tilespmem:$0x2D00] =	vst v63  }
0x47: {  	_ =	swait.ge [sflag:s9], $0x80  }
0x48: {  	s15 =	simm.s32 $0x200;
	[sflag:s9] =	ssyncset.done $0x0  }
.LBB2_2:
0x49: {  	s16 =	sshra.s32 s15, $0x2;
	[sflag:s9] =	ssyncadd.s32 $0xFFFFFF80;
	p0 =	sne.s32 s15, $0x9C00  }
0x4a: {  	[spmem:s2] =	stream.indirect.scatter.add.f32 [tilespmem:s11], [sflag:$0x1], $0x1, s16, s10, $0xb8;
	[tilespmem:$0x2D00] =	vst v63  }
.Ltmp0:
0x4b: {  	_ = 	snop;
	(pc) =	sbr.rel @p0 .LBB2_2-.Ltmp0, $4  }
0x4c: {  	_ = 	snop  }
0x4d: {  	s15 =	sadd.s32 $0x200, s15  }
0x4e: {  	_ =	swait.ge [sflag:s9], $0x80  }
0x4f: {  	[sflag:s9] =	ssyncset.done $0x0  }
0x50: {  	s14 =	sadd.s32 $0x1, s14  }
0x51: {  	[sflag:s9] =	ssyncadd.s32 $0xFFFFFF80;
	p0 =	sne.s32 s14, s7  }
.Ltmp1:
0x52: {  	[bflag:$0x0] =	sbarrier.arrive $0xFFFF;
	(pc) =	sbr.rel @p0 .LBB2_1-.Ltmp1, $4  }
0x53: {  	[hbm:s6], [sflag:s12] =	dma.local [spmem:s13], $0x50  }
0x54: {  	_ =	swait.ge [sflag:s9], $0x50  }
0x55: {  	[sflag:s9] =	ssyncset.done $0x0  }
0x56: {  	[sflag:s9] =	ssyncadd.s32 $0xFFFFFFB0  }
0x57: {  	_ =	sfence.sel $0x180000  }
0x58: {  	[bflag:$0x0] =	sbarrier.arrive $0xFFFF  }
0x59: {  	p0 =	sne.s32 s1, $0x0;
	_ =	strace $0x90000047  }
0x5a: {  	s0 =	sadd.s32 @!p0 $0x100000, s0;
	[bflag:$0x2] =	sbarrier.arrive $0xFFFF  }
0x5b: {  	[sflag:s0] =	ssyncadd.tile.s32 @!p0 $0x1;
	_ =	shalt  }
.Lfunc_end2:
_tile_overlayer_lowered:
.L_overlay_start_2:
0x5c: {  	(tag) =	ssettag $0x2  }
0x5d: {  	s0 =	rddreg [dreg:$0x0];
	s2 =	stileid.u32  }
0x5e: {  	s1 =	rddreg [dreg:$0x1];
	p0 =	sne.s32 s2, $0x0  }
0x5f: {  	s3 =	rddreg [dreg:$0x2];
	[bflag:$0x3] =	sbarrier.arrive $0xFFFF;
	s2 =	simm.s32 @!p0 $0x1C01  }
0x60: {  	[timem:s3], [sflag:s2] =	dma.local @!p0 [hbm:s0], s1  }
0x61: {  	s0 =	simm.s32 @!p0 $0x1  }
0x62: {  	_ =	swait.ge @!p0 [sflag:s0], s1  }
0x63: {  	s1 =	ssub.s32 @!p0 $0x0, s1;
	[sflag:s0] =	ssyncset.done @!p0 $0x0  }
0x64: {  	[sflag:s0] =	ssyncadd.s32 @!p0 s1  }
0x65: {  	[bflag:$0x3] =	sbarrier.arrive $0xFFFF  }
0x66: {  	_ =	shalt  }

</sc_bundles>
